<compile_context>
chip_gen: v7x
topology: tpu7x:2x2x1
jax: 0.10.2.dev20260603
libtpu: 0.0.44.dev20260713+nightly
codegen_flags: <defaults>
</compile_context>

<pallas_src>
import dataclasses
import functools

import jax
import jax.numpy as jnp
from jax import lax
from jax.experimental import pallas as pl
from jax.experimental.pallas import tpu as pltpu
from jax.experimental.pallas import tpu_sc as plsc

N = 10000
D_IN = 256
D_HID = 256
N_CLS = 64

NC = 2
NS = 16
CHUNK = 128
N_PAD = 10240
ROWS_PER_SUB = N_PAD // NS

_PREC = jax.lax.Precision.HIGHEST


def _tc_linear1(x, W1, b1):
    def body(x_ref, w_ref, b_ref, o_ref):
        acc = lax.dot_general(x_ref[...], w_ref[...], (((1,), (1,)), ((), ())),
                              preferred_element_type=jnp.float32,
                              precision=_PREC)
        acc = acc + b_ref[...]
        o_ref[0] = acc[:, :128]
        o_ref[1] = acc[:, 128:]

    return pl.pallas_call(
        body,
        grid=(10,),
        in_specs=[pl.BlockSpec((1000, D_IN), lambda i: (i, 0)),
                  pl.BlockSpec((D_HID, D_IN), lambda i: (0, 0)),
                  pl.BlockSpec((1, D_HID), lambda i: (0, 0))],
        out_specs=pl.BlockSpec((2, 1000, 128), lambda i: (0, i, 0)),
        out_shape=jax.ShapeDtypeStruct((2, N, 128), jnp.float32),
    )(x, W1, b1.reshape(1, -1))


def _tc_linear2(h3, W2, b2):
    def body(ha_ref, hb_ref, w_ref, b_ref, o_ref):
        ha = jnp.maximum(ha_ref[0], 0.0)
        hb = jnp.maximum(hb_ref[0], 0.0)
        acc = lax.dot_general(ha, w_ref[:, :128], (((1,), (1,)), ((), ())),
                              preferred_element_type=jnp.float32,
                              precision=_PREC)
        acc = acc + lax.dot_general(hb, w_ref[:, 128:], (((1,), (1,)), ((), ())),
                                    preferred_element_type=jnp.float32,
                                    precision=_PREC)
        acc = acc + b_ref[...]
        o_ref[...] = jnp.concatenate(
            [acc, jnp.zeros((acc.shape[0], 128 - N_CLS), jnp.float32)], axis=1)

    return pl.pallas_call(
        body,
        grid=(10,),
        in_specs=[pl.BlockSpec((1, 1024, 128), lambda i: (0, i, 0)),
                  pl.BlockSpec((1, 1024, 128), lambda i: (1, i, 0)),
                  pl.BlockSpec((N_CLS, D_HID), lambda i: (0, 0)),
                  pl.BlockSpec((1, N_CLS), lambda i: (0, 0))],
        out_specs=pl.BlockSpec((1024, 128), lambda i: (i, 0)),
        out_shape=jax.ShapeDtypeStruct((N_PAD, 128), jnp.float32),
    )(h3, h3, W2, b2.reshape(1, -1))


def _tc_combine(p3):
    def body(a_ref, b_ref, o_ref):
        o_ref[...] = a_ref[0][:, :N_CLS] + b_ref[0][:, :N_CLS]

    return pl.pallas_call(
        body,
        grid=(10,),
        in_specs=[pl.BlockSpec((1, 1024, 128), lambda i: (0, i, 0)),
                  pl.BlockSpec((1, 1024, 128), lambda i: (1, i, 0))],
        out_specs=pl.BlockSpec((1024, N_CLS), lambda i: (i, 0)),
        out_shape=jax.ShapeDtypeStruct((N_PAD, N_CLS), jnp.float32),
    )(p3, p3)


def _sc_spmm(sup3, rowp2, colp2, ewp2, zeros_hbm, nch, split_edges,
             scale_vregs):
    mesh = plsc.VectorSubcoreMesh(core_axis_name="c", subcore_axis_name="s")

    cp = pltpu.CompilerParams()
    if "needs_layout_passes" in pltpu.CompilerParams.__dataclass_fields__:
        cp = dataclasses.replace(cp, needs_layout_passes=False)

    @functools.partial(
        pl.kernel,
        out_type=jax.ShapeDtypeStruct((2, N_PAD, 128), jnp.float32),
        mesh=mesh,
        compiler_params=cp,
        scratch_types=[
            pltpu.VMEM((nch, CHUNK), jnp.int32),
            pltpu.VMEM((2, CHUNK), jnp.int32),
            pltpu.VMEM((2, CHUNK), jnp.float32),
            pltpu.VMEM((CHUNK, 128), jnp.float32),
            pltpu.VMEM((CHUNK, 128), jnp.float32),
            pltpu.VMEM_SHARED((N_PAD, 128), jnp.float32),
            pltpu.SemaphoreType.DMA,
            pltpu.SemaphoreType.DMA,
            pltpu.SemaphoreType.DMA,
            pltpu.SemaphoreType.DMA,
            pltpu.SemaphoreType.DMA,
            pltpu.SemaphoreType.DMA,
        ],
    )
    def k(sp, rp, cpx, ep, zz, o, col_all, row_b, ew_b, buf_a, buf_b,
          acc, gs_a, gs_b, is_a, is_b, ss_a, ss_b):
        c = lax.axis_index("c")
        s = lax.axis_index("s")
        if split_edges:
            base_chunk = (c * NS + s) * nch
            table = sp.at[0]
        else:
            base_chunk = s * nch
            table = sp.at[c]
        my_rows = pl.ds(s * ROWS_PER_SUB, ROWS_PER_SUB)

        pltpu.sync_copy(cpx.at[pl.ds(base_chunk, nch)], col_all)

        def gather2(i, buf, sem1, sem2):
            h = CHUNK // 2
            return (pltpu.make_async_copy(
                        table.at[col_all.at[i, pl.ds(0, h)]],
                        buf.at[pl.ds(0, h)], sem1),
                    pltpu.make_async_copy(
                        table.at[col_all.at[i, pl.ds(h, h)]],
                        buf.at[pl.ds(h, h)], sem2))

        def idx_copies(i, slot, sem):
            return (pltpu.make_async_copy(rp.at[base_chunk + i],
                                          row_b.at[slot], sem),
                    pltpu.make_async_copy(ep.at[base_chunk + i],
                                          ew_b.at[slot], sem))

        def prefetch(i, buf, slot, gsem, gsem2, isem):
            g1, g2 = gather2(i, buf, gsem, gsem2)
            g1.start()
            g2.start()
            r, e = idx_copies(i, slot, isem)
            r.start()
            e.start()

        def scale(buf, slot):
            dnums = lax.GatherDimensionNumbers(
                offset_dims=(), collapsed_slice_dims=(0,),
                start_index_map=(0,))

            @pl.loop(0, CHUNK // 16)
            def _(g):
                e0 = g * 16
                ew16 = ew_b[slot, pl.ds(e0, 16)]
                for u in range(16):
                    idx = jnp.full((16, 1), u, dtype=jnp.int32)
                    w = lax.gather(
                        ew16, idx, dnums, (1,),
                        mode=lax.GatherScatterMode.PROMISE_IN_BOUNDS)
                    e = e0 + u
                    for kk in range(scale_vregs):
                        sl = pl.ds(kk * 16, 16)
                        buf[e, sl] = buf[e, sl] * w

        def process(i, buf, slot, gsem, gsem2, isem):
            g1, g2 = gather2(i, buf, gsem, gsem2)
            g1.wait()
            g2.wait()
            r, e = idx_copies(i, slot, isem)
            r.wait()
            e.wait()
            scale(buf, slot)
            pltpu.sync_copy(buf, acc.at[row_b.at[slot]], add=True)

        nh = nch // 2
        prefetch(0, buf_a, 0, gs_a, ss_a, is_a)
        pltpu.sync_copy(zz, acc.at[my_rows])
        plsc.subcore_barrier()

        @pl.loop(0, nh)
        def _(j):
            i0 = j * 2
            i1 = i0 + 1
            prefetch(i1, buf_b, 1, gs_b, ss_b, is_b)
            process(i0, buf_a, 0, gs_a, ss_a, is_a)

            @pl.when(j < nh - 1)
            def _():
                prefetch(i0 + 2, buf_a, 0, gs_a, ss_a, is_a)

            process(i1, buf_b, 1, gs_b, ss_b, is_b)

        plsc.subcore_barrier()
        pltpu.sync_copy(acc.at[my_rows], o.at[c].at[my_rows])

    return k(sup3, rowp2, colp2, ewp2, zeros_hbm)


def _pad_edges(edge_index, edge_weight):
    E = edge_index.shape[1]
    per_32 = ((E + NS * NC - 1) // (NS * NC) + CHUNK - 1) // CHUNK * CHUNK
    pad = per_32 * NS * NC - E
    row = jnp.concatenate([edge_index[0], jnp.zeros((pad,), jnp.int32)])
    col = jnp.concatenate([edge_index[1], jnp.zeros((pad,), jnp.int32)])
    ew = jnp.concatenate([edge_weight, jnp.zeros((pad,), jnp.float32)])
    n32 = per_32 // CHUNK
    total = n32 * NS * NC
    return (row.reshape(total, CHUNK), col.reshape(total, CHUNK),
            ew.reshape(total, CHUNK), n32)


def kernel(x, edge_index, edge_weight, W1, b1, W2, b2):
    rowp2, colp2, ewp2, n32 = _pad_edges(edge_index, edge_weight)
    zeros_hid = jnp.zeros((ROWS_PER_SUB, 128), jnp.float32)

    sup1 = _tc_linear1(x, W1, b1)
    h3 = _sc_spmm(sup1, rowp2, colp2, ewp2, zeros_hid,
                  n32 * NC, split_edges=False, scale_vregs=8)
    sup2 = _tc_linear2(h3, W2, b2)
    p3 = _sc_spmm(sup2.reshape(1, N_PAD, 128), rowp2, colp2, ewp2, zeros_hid,
                  n32, split_edges=True, scale_vregs=N_CLS // 16)
    return _tc_combine(p3)[:N]

# --- scband reference (transcript-rebuilt; emitter-appended) ---
"""Pipeline reference for scband-gcn-16071767622286 (READ-ONLY COPY).

The authoritative reference and input builder live on the scoring server;
editing this copy changes nothing except your own understanding.
"""

import jax, jax.numpy as jnp
import numpy as np

N = 10000
E = 160000
D_IN = 256
D_HID = 256
N_CLS = 64


def setup_inputs(seed: int = 0) -> dict:
    key = jax.random.key(seed)
    ks = jax.random.split(key, 8)
    x = jax.random.normal(ks[0], (N, D_IN), dtype=jnp.float32)
    edge_index = jax.random.randint(ks[1], (2, E), 0, N, dtype=jnp.int32)
    edge_weight = jax.random.uniform(ks[2], (E,), dtype=jnp.float32) * (1.0 / 16.0)
    # Linear params (torch nn.Linear: y = x @ W.T + b), kaiming-uniform-ish init
    lim1 = 1.0 / np.sqrt(D_IN)
    W1 = jax.random.uniform(ks[3], (D_HID, D_IN), minval=-lim1, maxval=lim1, dtype=jnp.float32)
    b1 = jax.random.uniform(ks[4], (D_HID,), minval=-lim1, maxval=lim1, dtype=jnp.float32)
    lim2 = 1.0 / np.sqrt(D_HID)
    W2 = jax.random.uniform(ks[5], (N_CLS, D_HID), minval=-lim2, maxval=lim2, dtype=jnp.float32)
    b2 = jax.random.uniform(ks[6], (N_CLS,), minval=-lim2, maxval=lim2, dtype=jnp.float32)
    return {"x": x, "edge_index": edge_index, "edge_weight": edge_weight,
            "W1": W1, "b1": b1, "W2": W2, "b2": b2}


def _gc_layer(h, W, b, row, col, ew):
    # support = Linear(h); out = sparse_adj @ support
    support = h @ W.T + b
    # torch.sparse.mm: out[row] += ew * support[col]
    msgs = jnp.take(support, col, axis=0) * ew[:, None]
    return jnp.zeros((N, support.shape[1]), dtype=support.dtype).at[row].add(msgs)


def reference(x, edge_index, edge_weight, W1, b1, W2, b2):
    row = edge_index[0]
    col = edge_index[1]
    # dropout p=0 (eval) -> identity
    h = _gc_layer(x, W1, b1, row, col, edge_weight)
    h = jax.nn.relu(h)
    out = _gc_layer(h, W2, b2, row, col, edge_weight)
    return out

if __name__ == "__main__":
    import jax
    _d = setup_inputs()
    print(jax.jit(kernel)(*tuple(_d.values())))

</pallas_src>

<mosaic_0001>
#map = affine_map<(d0, d1) -> (0, 0, 0)>
#map1 = affine_map<(d0, d1) -> (0, 0)>
module attributes {stable_mosaic.version = 14 : i64} {
  func.func @k(%arg0: i32, %arg1: i32, %arg2: memref<2x10000x128xf32, #tpu.memory_space<hbm>>, %arg3: memref<1280x128xi32, #tpu.memory_space<hbm>>, %arg4: memref<1280x128xi32, #tpu.memory_space<hbm>>, %arg5: memref<1280x128xf32, #tpu.memory_space<hbm>>, %arg6: memref<640x128xf32, #tpu.memory_space<hbm>>, %arg7: memref<2x10240x128xf32, #tpu.memory_space<hbm>>, %arg8: memref<80x128xi32, #tpu.memory_space<vmem>>, %arg9: memref<2x128xi32, #tpu.memory_space<vmem>>, %arg10: memref<2x128xf32, #tpu.memory_space<vmem>>, %arg11: memref<128x128xf32, #tpu.memory_space<vmem>>, %arg12: memref<128x128xf32, #tpu.memory_space<vmem>>, %arg13: memref<10240x128xf32, #tpu.memory_space<vmem_shared>>, %arg14: memref<!tpu.dma_semaphore, #tpu.memory_space<semaphore_mem>>, %arg15: memref<!tpu.dma_semaphore, #tpu.memory_space<semaphore_mem>>, %arg16: memref<!tpu.dma_semaphore, #tpu.memory_space<semaphore_mem>>, %arg17: memref<!tpu.dma_semaphore, #tpu.memory_space<semaphore_mem>>, %arg18: memref<!tpu.dma_semaphore, #tpu.memory_space<semaphore_mem>>, %arg19: memref<!tpu.dma_semaphore, #tpu.memory_space<semaphore_mem>>) attributes {dimension_semantics = [#tpu.dimension_semantics<core_parallel>, #tpu.dimension_semantics<subcore_parallel>], iteration_bounds = array<i64: 2, 16>, scalar_prefetch = 0 : i64, scratch_operands = 12 : i64, tpu.core_type = #tpu.core_type<sc_vector_subcore>, window_params = [{transform_indices = #map}, {transform_indices = #map1}, {transform_indices = #map1}, {transform_indices = #map1}, {transform_indices = #map1}, {transform_indices = #map}]} {
    %mul3A = arith.constant 80 : i32
    %mul3A_0 = arith.muli %arg1, %mul3A : i32
    %mul3A_1 = arith.constant 640 : i32
    %mul3A_2 = arith.muli %arg1, %mul3A_1 : i32
    "tpu.region"() ({
      %run_scoped3A = tpu.sem_alloc : memref<!tpu.dma_semaphore, #tpu.memory_space<semaphore_mem>>
      %dma_start3A_64 = arith.constant 0 : i32
      %dma_start3A_65 = tpu.memref_slice %arg4[%mul3A_0, %dma_start3A_64] : memref<1280x128xi32, #tpu.memory_space<hbm>> -> memref<80x128xi32, #tpu.memory_space<hbm>>
      %dma_start3A_66 = arith.constant 0 : i32
      %dma_start3A_67 = tpu.memref_slice %arg4[%mul3A_0, %dma_start3A_66] : memref<1280x128xi32, #tpu.memory_space<hbm>> -> memref<80x128xi32, #tpu.memory_space<hbm>>
      tpu.enqueue_dma source(%dma_start3A_67 : memref<80x128xi32, #tpu.memory_space<hbm>>) target(%arg8 : memref<80x128xi32, #tpu.memory_space<vmem>>) target_semaphore(%run_scoped3A : memref<!tpu.dma_semaphore, #tpu.memory_space<semaphore_mem>>)
      %dma_wait3A = arith.constant 0 : i32
      %dma_wait3A_68 = tpu.memref_slice %arg4[%mul3A_0, %dma_wait3A] : memref<1280x128xi32, #tpu.memory_space<hbm>> -> memref<80x128xi32, #tpu.memory_space<hbm>>
      %dma_wait3A_69 = arith.constant 0 : i32
      %dma_wait3A_70 = tpu.memref_slice %arg4[%mul3A_0, %dma_wait3A_69] : memref<1280x128xi32, #tpu.memory_space<hbm>> -> memref<80x128xi32, #tpu.memory_space<hbm>>
      tpu.wait_dma2 semaphore(%run_scoped3A : memref<!tpu.dma_semaphore, #tpu.memory_space<semaphore_mem>>) src(%dma_wait3A_70 : memref<80x128xi32, #tpu.memory_space<hbm>>) dst(%arg8 : memref<80x128xi32, #tpu.memory_space<vmem>>)
      tpu.yield
    }) : () -> ()
    %dma_start3A = arith.constant 0 : i32
    %dma_start3A_3 = arith.constant 0 : i32
    %dma_start3A_4 = arith.constant 0 : i32
    %dma_start3A_5 = tpu.memref_slice %arg11[%dma_start3A_3, %dma_start3A_4] : memref<128x128xf32, #tpu.memory_space<vmem>> -> memref<64x128xf32, #tpu.memory_space<vmem>>
    %dma_start3A_6 = arith.constant 0 : i32
    %dma_start3A_7 = tpu.memref_slice %arg8[%dma_start3A, %dma_start3A_6] : memref<80x128xi32, #tpu.memory_space<vmem>> -> memref<1x64xi32, #tpu.memory_space<vmem>>
    %dma_start3A_8 = tpu.memref_squeeze %dma_start3A_7 : memref<1x64xi32, #tpu.memory_space<vmem>> -> memref<64xi32, #tpu.memory_space<vmem>>
    %dma_start3A_9 = arith.constant 0 : i32
    %dma_start3A_10 = arith.constant 0 : i32
    %dma_start3A_11 = tpu.memref_slice %arg2[%arg0, %dma_start3A_9, %dma_start3A_10] : memref<2x10000x128xf32, #tpu.memory_space<hbm>> -> memref<1x10000x128xf32, #tpu.memory_space<hbm>>
    %dma_start3A_12 = tpu.memref_squeeze %dma_start3A_11 : memref<1x10000x128xf32, #tpu.memory_space<hbm>> -> memref<10000x128xf32, #tpu.memory_space<hbm>>
    %dma_start3A_13 = arith.constant 0 : i32
    %dma_start3A_14 = arith.constant 0 : i32
    %dma_start3A_15 = tpu.memref_slice %dma_start3A_12[%dma_start3A_13, %dma_start3A_14] : memref<10000x128xf32, #tpu.memory_space<hbm>> -> memref<10000x128xf32, #tpu.memory_space<hbm>>
    tpu.enqueue_indirect_dma source(%dma_start3A_15 : memref<10000x128xf32, #tpu.memory_space<hbm>>) target(%dma_start3A_5 : memref<64x128xf32, #tpu.memory_space<vmem>>) offsets(%dma_start3A_8 : memref<64xi32, #tpu.memory_space<vmem>>) semaphore(%arg14 : memref<!tpu.dma_semaphore, #tpu.memory_space<semaphore_mem>>)
    %dma_start3A_16 = arith.constant 0 : i32
    %dma_start3A_17 = arith.constant 64 : i32
    %dma_start3A_18 = arith.constant 0 : i32
    %dma_start3A_19 = tpu.memref_slice %arg11[%dma_start3A_17, %dma_start3A_18] : memref<128x128xf32, #tpu.memory_space<vmem>> -> memref<64x128xf32, #tpu.memory_space<vmem>>
    %dma_start3A_20 = arith.constant 64 : i32
    %dma_start3A_21 = tpu.memref_slice %arg8[%dma_start3A_16, %dma_start3A_20] : memref<80x128xi32, #tpu.memory_space<vmem>> -> memref<1x64xi32, #tpu.memory_space<vmem>>
    %dma_start3A_22 = tpu.memref_squeeze %dma_start3A_21 : memref<1x64xi32, #tpu.memory_space<vmem>> -> memref<64xi32, #tpu.memory_space<vmem>>
    %dma_start3A_23 = arith.constant 0 : i32
    %dma_start3A_24 = arith.constant 0 : i32
    %dma_start3A_25 = tpu.memref_slice %arg2[%arg0, %dma_start3A_23, %dma_start3A_24] : memref<2x10000x128xf32, #tpu.memory_space<hbm>> -> memref<1x10000x128xf32, #tpu.memory_space<hbm>>
    %dma_start3A_26 = tpu.memref_squeeze %dma_start3A_25 : memref<1x10000x128xf32, #tpu.memory_space<hbm>> -> memref<10000x128xf32, #tpu.memory_space<hbm>>
    %dma_start3A_27 = arith.constant 0 : i32
    %dma_start3A_28 = arith.constant 0 : i32
    %dma_start3A_29 = tpu.memref_slice %dma_start3A_26[%dma_start3A_27, %dma_start3A_28] : memref<10000x128xf32, #tpu.memory_space<hbm>> -> memref<10000x128xf32, #tpu.memory_space<hbm>>
    tpu.enqueue_indirect_dma source(%dma_start3A_29 : memref<10000x128xf32, #tpu.memory_space<hbm>>) target(%dma_start3A_19 : memref<64x128xf32, #tpu.memory_space<vmem>>) offsets(%dma_start3A_22 : memref<64xi32, #tpu.memory_space<vmem>>) semaphore(%arg18 : memref<!tpu.dma_semaphore, #tpu.memory_space<semaphore_mem>>)
    %add3A = arith.constant 0 : i32
    %add3A_30 = arith.addi %mul3A_0, %add3A : i32
    %add3A_31 = arith.constant 0 : i32
    %add3A_32 = arith.addi %mul3A_0, %add3A_31 : i32
    %dma_start3A_33 = arith.constant 0 : i32
    %dma_start3A_34 = arith.constant 0 : i32
    %dma_start3A_35 = tpu.memref_slice %arg9[%dma_start3A_33, %dma_start3A_34] : memref<2x128xi32, #tpu.memory_space<vmem>> -> memref<1x128xi32, #tpu.memory_space<vmem>>
    %dma_start3A_36 = tpu.memref_squeeze %dma_start3A_35 : memref<1x128xi32, #tpu.memory_space<vmem>> -> memref<128xi32, #tpu.memory_space<vmem>>
    %dma_start3A_37 = arith.constant 0 : i32
    %dma_start3A_38 = tpu.memref_slice %arg3[%add3A_30, %dma_start3A_37] : memref<1280x128xi32, #tpu.memory_space<hbm>> -> memref<1x128xi32, #tpu.memory_space<hbm>>
    %dma_start3A_39 = tpu.memref_squeeze %dma_start3A_38 : memref<1x128xi32, #tpu.memory_space<hbm>> -> memref<128xi32, #tpu.memory_space<hbm>>
    %dma_start3A_40 = arith.constant 0 : i32
    %dma_start3A_41 = tpu.memref_slice %arg9[%dma_start3A_33, %dma_start3A_40] : memref<2x128xi32, #tpu.memory_space<vmem>> -> memref<1x128xi32, #tpu.memory_space<vmem>>
    %dma_start3A_42 = tpu.memref_squeeze %dma_start3A_41 : memref<1x128xi32, #tpu.memory_space<vmem>> -> memref<128xi32, #tpu.memory_space<vmem>>
    %dma_start3A_43 = arith.constant 0 : i32
    %dma_start3A_44 = tpu.memref_slice %arg3[%add3A_30, %dma_start3A_43] : memref<1280x128xi32, #tpu.memory_space<hbm>> -> memref<1x128xi32, #tpu.memory_space<hbm>>
    %dma_start3A_45 = tpu.memref_squeeze %dma_start3A_44 : memref<1x128xi32, #tpu.memory_space<hbm>> -> memref<128xi32, #tpu.memory_space<hbm>>
    tpu.enqueue_dma source(%dma_start3A_45 : memref<128xi32, #tpu.memory_space<hbm>>) target(%dma_start3A_42 : memref<128xi32, #tpu.memory_space<vmem>>) target_semaphore(%arg16 : memref<!tpu.dma_semaphore, #tpu.memory_space<semaphore_mem>>)
    %dma_start3A_46 = arith.constant 0 : i32
    %dma_start3A_47 = arith.constant 0 : i32
    %dma_start3A_48 = tpu.memref_slice %arg10[%dma_start3A_46, %dma_start3A_47] : memref<2x128xf32, #tpu.memory_space<vmem>> -> memref<1x128xf32, #tpu.memory_space<vmem>>
    %dma_start3A_49 = tpu.memref_squeeze %dma_start3A_48 : memref<1x128xf32, #tpu.memory_space<vmem>> -> memref<128xf32, #tpu.memory_space<vmem>>
    %dma_start3A_50 = arith.constant 0 : i32
    %dma_start3A_51 = tpu.memref_slice %arg5[%add3A_32, %dma_start3A_50] : memref<1280x128xf32, #tpu.memory_space<hbm>> -> memref<1x128xf32, #tpu.memory_space<hbm>>
    %dma_start3A_52 = tpu.memref_squeeze %dma_start3A_51 : memref<1x128xf32, #tpu.memory_space<hbm>> -> memref<128xf32, #tpu.memory_space<hbm>>
    %dma_start3A_53 = arith.constant 0 : i32
    %dma_start3A_54 = tpu.memref_slice %arg10[%dma_start3A_46, %dma_start3A_53] : memref<2x128xf32, #tpu.memory_space<vmem>> -> memref<1x128xf32, #tpu.memory_space<vmem>>
    %dma_start3A_55 = tpu.memref_squeeze %dma_start3A_54 : memref<1x128xf32, #tpu.memory_space<vmem>> -> memref<128xf32, #tpu.memory_space<vmem>>
    %dma_start3A_56 = arith.constant 0 : i32
    %dma_start3A_57 = tpu.memref_slice %arg5[%add3A_32, %dma_start3A_56] : memref<1280x128xf32, #tpu.memory_space<hbm>> -> memref<1x128xf32, #tpu.memory_space<hbm>>
    %dma_start3A_58 = tpu.memref_squeeze %dma_start3A_57 : memref<1x128xf32, #tpu.memory_space<hbm>> -> memref<128xf32, #tpu.memory_space<hbm>>
    tpu.enqueue_dma source(%dma_start3A_58 : memref<128xf32, #tpu.memory_space<hbm>>) target(%dma_start3A_55 : memref<128xf32, #tpu.memory_space<vmem>>) target_semaphore(%arg16 : memref<!tpu.dma_semaphore, #tpu.memory_space<semaphore_mem>>)
    "tpu.region"() ({
      %run_scoped3A = tpu.sem_alloc : memref<!tpu.dma_semaphore, #tpu.memory_space<semaphore_mem>>
      %dma_start3A_64 = arith.constant 0 : i32
      %dma_start3A_65 = tpu.memref_slice %arg13[%mul3A_2, %dma_start3A_64] : memref<10240x128xf32, #tpu.memory_space<vmem_shared>> -> memref<640x128xf32, #tpu.memory_space<vmem_shared>>
      tpu.enqueue_dma source(%arg6 : memref<640x128xf32, #tpu.memory_space<hbm>>) target(%dma_start3A_65 : memref<640x128xf32, #tpu.memory_space<vmem_shared>>) target_semaphore(%run_scoped3A : memref<!tpu.dma_semaphore, #tpu.memory_space<semaphore_mem>>)
      %dma_wait3A = arith.constant 0 : i32
      %dma_wait3A_66 = tpu.memref_slice %arg13[%mul3A_2, %dma_wait3A] : memref<10240x128xf32, #tpu.memory_space<vmem_shared>> -> memref<640x128xf32, #tpu.memory_space<vmem_shared>>
      tpu.wait_dma2 semaphore(%run_scoped3A : memref<!tpu.dma_semaphore, #tpu.memory_space<semaphore_mem>>) src(%arg6 : memref<640x128xf32, #tpu.memory_space<hbm>>) dst(%dma_wait3A_66 : memref<640x128xf32, #tpu.memory_space<vmem_shared>>)
      tpu.yield
    }) : () -> ()
    %barrier3A = arith.constant 0 : index
    tpu.barrier barrier_id(%barrier3A)
    %scan3A = arith.constant 0 : i32
    %scan3A_59 = arith.constant 40 : i32
    %scan3A_60 = arith.addi %scan3A, %scan3A_59 : i32
    %scan3A_61 = arith.constant 1 : i32
    scf.for %scan3A_64 = %scan3A to %scan3A_60 step %scan3A_61  : i32 {
      %mul3A_65 = arith.constant 1 : i32
      %mul3A_66 = arith.muli %scan3A_64, %mul3A_65 : i32
      %add3A_67 = arith.constant 0 : i32
      %add3A_68 = arith.addi %add3A_67, %mul3A_66 : i32
      %mul3A_69 = arith.constant 2 : i32
      %mul3A_70 = arith.muli %add3A_68, %mul3A_69 : i32
      %add3A_71 = arith.constant 1 : i32
      %add3A_72 = arith.addi %mul3A_70, %add3A_71 : i32
      %dma_start3A_73 = arith.constant 0 : i32
      %dma_start3A_74 = arith.constant 0 : i32
      %dma_start3A_75 = tpu.memref_slice %arg12[%dma_start3A_73, %dma_start3A_74] : memref<128x128xf32, #tpu.memory_space<vmem>> -> memref<64x128xf32, #tpu.memory_space<vmem>>
      %dma_start3A_76 = arith.constant 0 : i32
      %dma_start3A_77 = tpu.memref_slice %arg8[%add3A_72, %dma_start3A_76] : memref<80x128xi32, #tpu.memory_space<vmem>> -> memref<1x64xi32, #tpu.memory_space<vmem>>
      %dma_start3A_78 = tpu.memref_squeeze %dma_start3A_77 : memref<1x64xi32, #tpu.memory_space<vmem>> -> memref<64xi32, #tpu.memory_space<vmem>>
      %dma_start3A_79 = arith.constant 0 : i32
      %dma_start3A_80 = arith.constant 0 : i32
      %dma_start3A_81 = tpu.memref_slice %arg2[%arg0, %dma_start3A_79, %dma_start3A_80] : memref<2x10000x128xf32, #tpu.memory_space<hbm>> -> memref<1x10000x128xf32, #tpu.memory_space<hbm>>
      %dma_start3A_82 = tpu.memref_squeeze %dma_start3A_81 : memref<1x10000x128xf32, #tpu.memory_space<hbm>> -> memref<10000x128xf32, #tpu.memory_space<hbm>>
      %dma_start3A_83 = arith.constant 0 : i32
      %dma_start3A_84 = arith.constant 0 : i32
      %dma_start3A_85 = tpu.memref_slice %dma_start3A_82[%dma_start3A_83, %dma_start3A_84] : memref<10000x128xf32, #tpu.memory_space<hbm>> -> memref<10000x128xf32, #tpu.memory_space<hbm>>
      tpu.enqueue_indirect_dma source(%dma_start3A_85 : memref<10000x128xf32, #tpu.memory_space<hbm>>) target(%dma_start3A_75 : memref<64x128xf32, #tpu.memory_space<vmem>>) offsets(%dma_start3A_78 : memref<64xi32, #tpu.memory_space<vmem>>) semaphore(%arg15 : memref<!tpu.dma_semaphore, #tpu.memory_space<semaphore_mem>>)
      %dma_start3A_86 = arith.constant 64 : i32
      %dma_start3A_87 = arith.constant 0 : i32
      %dma_start3A_88 = tpu.memref_slice %arg12[%dma_start3A_86, %dma_start3A_87] : memref<128x128xf32, #tpu.memory_space<vmem>> -> memref<64x128xf32, #tpu.memory_space<vmem>>
      %dma_start3A_89 = arith.constant 64 : i32
      %dma_start3A_90 = tpu.memref_slice %arg8[%add3A_72, %dma_start3A_89] : memref<80x128xi32, #tpu.memory_space<vmem>> -> memref<1x64xi32, #tpu.memory_space<vmem>>
      %dma_start3A_91 = tpu.memref_squeeze %dma_start3A_90 : memref<1x64xi32, #tpu.memory_space<vmem>> -> memref<64xi32, #tpu.memory_space<vmem>>
      %dma_start3A_92 = arith.constant 0 : i32
      %dma_start3A_93 = arith.constant 0 : i32
      %dma_start3A_94 = tpu.memref_slice %arg2[%arg0, %dma_start3A_92, %dma_start3A_93] : memref<2x10000x128xf32, #tpu.memory_space<hbm>> -> memref<1x10000x128xf32, #tpu.memory_space<hbm>>
      %dma_start3A_95 = tpu.memref_squeeze %dma_start3A_94 : memref<1x10000x128xf32, #tpu.memory_space<hbm>> -> memref<10000x128xf32, #tpu.memory_space<hbm>>
      %dma_start3A_96 = arith.constant 0 : i32
      %dma_start3A_97 = arith.constant 0 : i32
      %dma_start3A_98 = tpu.memref_slice %dma_start3A_95[%dma_start3A_96, %dma_start3A_97] : memref<10000x128xf32, #tpu.memory_space<hbm>> -> memref<10000x128xf32, #tpu.memory_space<hbm>>
      tpu.enqueue_indirect_dma source(%dma_start3A_98 : memref<10000x128xf32, #tpu.memory_space<hbm>>) target(%dma_start3A_88 : memref<64x128xf32, #tpu.memory_space<vmem>>) offsets(%dma_start3A_91 : memref<64xi32, #tpu.memory_space<vmem>>) semaphore(%arg19 : memref<!tpu.dma_semaphore, #tpu.memory_space<semaphore_mem>>)
      %add3A_99 = arith.addi %mul3A_0, %add3A_72 : i32
      %add3A_100 = arith.addi %mul3A_0, %add3A_72 : i32
      %dma_start3A_101 = arith.constant 1 : i32
      %dma_start3A_102 = arith.constant 0 : i32
      %dma_start3A_103 = tpu.memref_slice %arg9[%dma_start3A_101, %dma_start3A_102] : memref<2x128xi32, #tpu.memory_space<vmem>> -> memref<1x128xi32, #tpu.memory_space<vmem>>
      %dma_start3A_104 = tpu.memref_squeeze %dma_start3A_103 : memref<1x128xi32, #tpu.memory_space<vmem>> -> memref<128xi32, #tpu.memory_space<vmem>>
      %dma_start3A_105 = arith.constant 0 : i32
      %dma_start3A_106 = tpu.memref_slice %arg3[%add3A_99, %dma_start3A_105] : memref<1280x128xi32, #tpu.memory_space<hbm>> -> memref<1x128xi32, #tpu.memory_space<hbm>>
      %dma_start3A_107 = tpu.memref_squeeze %dma_start3A_106 : memref<1x128xi32, #tpu.memory_space<hbm>> -> memref<128xi32, #tpu.memory_space<hbm>>
      %dma_start3A_108 = arith.constant 0 : i32
      %dma_start3A_109 = tpu.memref_slice %arg9[%dma_start3A_101, %dma_start3A_108] : memref<2x128xi32, #tpu.memory_space<vmem>> -> memref<1x128xi32, #tpu.memory_space<vmem>>
      %dma_start3A_110 = tpu.memref_squeeze %dma_start3A_109 : memref<1x128xi32, #tpu.memory_space<vmem>> -> memref<128xi32, #tpu.memory_space<vmem>>
      %dma_start3A_111 = arith.constant 0 : i32
      %dma_start3A_112 = tpu.memref_slice %arg3[%add3A_99, %dma_start3A_111] : memref<1280x128xi32, #tpu.memory_space<hbm>> -> memref<1x128xi32, #tpu.memory_space<hbm>>
      %dma_start3A_113 = tpu.memref_squeeze %dma_start3A_112 : memref<1x128xi32, #tpu.memory_space<hbm>> -> memref<128xi32, #tpu.memory_space<hbm>>
      tpu.enqueue_dma source(%dma_start3A_113 : memref<128xi32, #tpu.memory_space<hbm>>) target(%dma_start3A_110 : memref<128xi32, #tpu.memory_space<vmem>>) target_semaphore(%arg17 : memref<!tpu.dma_semaphore, #tpu.memory_space<semaphore_mem>>)
      %dma_start3A_114 = arith.constant 1 : i32
      %dma_start3A_115 = arith.constant 0 : i32
      %dma_start3A_116 = tpu.memref_slice %arg10[%dma_start3A_114, %dma_start3A_115] : memref<2x128xf32, #tpu.memory_space<vmem>> -> memref<1x128xf32, #tpu.memory_space<vmem>>
      %dma_start3A_117 = tpu.memref_squeeze %dma_start3A_116 : memref<1x128xf32, #tpu.memory_space<vmem>> -> memref<128xf32, #tpu.memory_space<vmem>>
      %dma_start3A_118 = arith.constant 0 : i32
      %dma_start3A_119 = tpu.memref_slice %arg5[%add3A_100, %dma_start3A_118] : memref<1280x128xf32, #tpu.memory_space<hbm>> -> memref<1x128xf32, #tpu.memory_space<hbm>>
      %dma_start3A_120 = tpu.memref_squeeze %dma_start3A_119 : memref<1x128xf32, #tpu.memory_space<hbm>> -> memref<128xf32, #tpu.memory_space<hbm>>
      %dma_start3A_121 = arith.constant 0 : i32
      %dma_start3A_122 = tpu.memref_slice %arg10[%dma_start3A_114, %dma_start3A_121] : memref<2x128xf32, #tpu.memory_space<vmem>> -> memref<1x128xf32, #tpu.memory_space<vmem>>
      %dma_start3A_123 = tpu.memref_squeeze %dma_start3A_122 : memref<1x128xf32, #tpu.memory_space<vmem>> -> memref<128xf32, #tpu.memory_space<vmem>>
      %dma_start3A_124 = arith.constant 0 : i32
      %dma_start3A_125 = tpu.memref_slice %arg5[%add3A_100, %dma_start3A_124] : memref<1280x128xf32, #tpu.memory_space<hbm>> -> memref<1x128xf32, #tpu.memory_space<hbm>>
      %dma_start3A_126 = tpu.memref_squeeze %dma_start3A_125 : memref<1x128xf32, #tpu.memory_space<hbm>> -> memref<128xf32, #tpu.memory_space<hbm>>
      tpu.enqueue_dma source(%dma_start3A_126 : memref<128xf32, #tpu.memory_space<hbm>>) target(%dma_start3A_123 : memref<128xf32, #tpu.memory_space<vmem>>) target_semaphore(%arg17 : memref<!tpu.dma_semaphore, #tpu.memory_space<semaphore_mem>>)
      %dma_wait3A = arith.constant 0 : i32
      %dma_wait3A_127 = arith.constant 0 : i32
      %dma_wait3A_128 = tpu.memref_slice %arg11[%dma_wait3A, %dma_wait3A_127] : memref<128x128xf32, #tpu.memory_space<vmem>> -> memref<64x128xf32, #tpu.memory_space<vmem>>
      %dma_wait3A_129 = arith.constant 0 : i32
      %dma_wait3A_130 = tpu.memref_slice %arg8[%mul3A_70, %dma_wait3A_129] : memref<80x128xi32, #tpu.memory_space<vmem>> -> memref<1x64xi32, #tpu.memory_space<vmem>>
      %dma_wait3A_131 = tpu.memref_squeeze %dma_wait3A_130 : memref<1x64xi32, #tpu.memory_space<vmem>> -> memref<64xi32, #tpu.memory_space<vmem>>
      %dma_wait3A_132 = arith.constant 0 : i32
      %dma_wait3A_133 = arith.constant 0 : i32
      %dma_wait3A_134 = tpu.memref_slice %arg2[%arg0, %dma_wait3A_132, %dma_wait3A_133] : memref<2x10000x128xf32, #tpu.memory_space<hbm>> -> memref<1x10000x128xf32, #tpu.memory_space<hbm>>
      %dma_wait3A_135 = tpu.memref_squeeze %dma_wait3A_134 : memref<1x10000x128xf32, #tpu.memory_space<hbm>> -> memref<10000x128xf32, #tpu.memory_space<hbm>>
      %dma_wait3A_136 = arith.constant 0 : i32
      %dma_wait3A_137 = arith.constant 0 : i32
      %dma_wait3A_138 = tpu.memref_slice %dma_wait3A_135[%dma_wait3A_136, %dma_wait3A_137] : memref<10000x128xf32, #tpu.memory_space<hbm>> -> memref<10000x128xf32, #tpu.memory_space<hbm>>
      tpu.wait_indirect_dma semaphore(%arg14 : memref<!tpu.dma_semaphore, #tpu.memory_space<semaphore_mem>>) src(%dma_wait3A_138 : memref<10000x128xf32, #tpu.memory_space<hbm>>) dst(%dma_wait3A_128 : memref<64x128xf32, #tpu.memory_space<vmem>>)
      %dma_wait3A_139 = arith.constant 64 : i32
      %dma_wait3A_140 = arith.constant 0 : i32
      %dma_wait3A_141 = tpu.memref_slice %arg11[%dma_wait3A_139, %dma_wait3A_140] : memref<128x128xf32, #tpu.memory_space<vmem>> -> memref<64x128xf32, #tpu.memory_space<vmem>>
      %dma_wait3A_142 = arith.constant 64 : i32
      %dma_wait3A_143 = tpu.memref_slice %arg8[%mul3A_70, %dma_wait3A_142] : memref<80x128xi32, #tpu.memory_space<vmem>> -> memref<1x64xi32, #tpu.memory_space<vmem>>
      %dma_wait3A_144 = tpu.memref_squeeze %dma_wait3A_143 : memref<1x64xi32, #tpu.memory_space<vmem>> -> memref<64xi32, #tpu.memory_space<vmem>>
      %dma_wait3A_145 = arith.constant 0 : i32
      %dma_wait3A_146 = arith.constant 0 : i32
      %dma_wait3A_147 = tpu.memref_slice %arg2[%arg0, %dma_wait3A_145, %dma_wait3A_146] : memref<2x10000x128xf32, #tpu.memory_space<hbm>> -> memref<1x10000x128xf32, #tpu.memory_space<hbm>>
      %dma_wait3A_148 = tpu.memref_squeeze %dma_wait3A_147 : memref<1x10000x128xf32, #tpu.memory_space<hbm>> -> memref<10000x128xf32, #tpu.memory_space<hbm>>
      %dma_wait3A_149 = arith.constant 0 : i32
      %dma_wait3A_150 = arith.constant 0 : i32
      %dma_wait3A_151 = tpu.memref_slice %dma_wait3A_148[%dma_wait3A_149, %dma_wait3A_150] : memref<10000x128xf32, #tpu.memory_space<hbm>> -> memref<10000x128xf32, #tpu.memory_space<hbm>>
      tpu.wait_indirect_dma semaphore(%arg18 : memref<!tpu.dma_semaphore, #tpu.memory_space<semaphore_mem>>) src(%dma_wait3A_151 : memref<10000x128xf32, #tpu.memory_space<hbm>>) dst(%dma_wait3A_141 : memref<64x128xf32, #tpu.memory_space<vmem>>)
      %add3A_152 = arith.addi %mul3A_0, %mul3A_70 : i32
      %add3A_153 = arith.addi %mul3A_0, %mul3A_70 : i32
      %dma_wait3A_154 = arith.constant 0 : i32
      %dma_wait3A_155 = arith.constant 0 : i32
      %dma_wait3A_156 = tpu.memref_slice %arg9[%dma_wait3A_154, %dma_wait3A_155] : memref<2x128xi32, #tpu.memory_space<vmem>> -> memref<1x128xi32, #tpu.memory_space<vmem>>
      %dma_wait3A_157 = tpu.memref_squeeze %dma_wait3A_156 : memref<1x128xi32, #tpu.memory_space<vmem>> -> memref<128xi32, #tpu.memory_space<vmem>>
      %dma_wait3A_158 = arith.constant 0 : i32
      %dma_wait3A_159 = tpu.memref_slice %arg3[%add3A_152, %dma_wait3A_158] : memref<1280x128xi32, #tpu.memory_space<hbm>> -> memref<1x128xi32, #tpu.memory_space<hbm>>
      %dma_wait3A_160 = tpu.memref_squeeze %dma_wait3A_159 : memref<1x128xi32, #tpu.memory_space<hbm>> -> memref<128xi32, #tpu.memory_space<hbm>>
      %dma_wait3A_161 = arith.constant 0 : i32
      %dma_wait3A_162 = tpu.memref_slice %arg9[%dma_wait3A_154, %dma_wait3A_161] : memref<2x128xi32, #tpu.memory_space<vmem>> -> memref<1x128xi32, #tpu.memory_space<vmem>>
      %dma_wait3A_163 = tpu.memref_squeeze %dma_wait3A_162 : memref<1x128xi32, #tpu.memory_space<vmem>> -> memref<128xi32, #tpu.memory_space<vmem>>
      %dma_wait3A_164 = arith.constant 0 : i32
      %dma_wait3A_165 = tpu.memref_slice %arg3[%add3A_152, %dma_wait3A_164] : memref<1280x128xi32, #tpu.memory_space<hbm>> -> memref<1x128xi32, #tpu.memory_space<hbm>>
      %dma_wait3A_166 = tpu.memref_squeeze %dma_wait3A_165 : memref<1x128xi32, #tpu.memory_space<hbm>> -> memref<128xi32, #tpu.memory_space<hbm>>
      tpu.wait_dma2 semaphore(%arg16 : memref<!tpu.dma_semaphore, #tpu.memory_space<semaphore_mem>>) src(%dma_wait3A_166 : memref<128xi32, #tpu.memory_space<hbm>>) dst(%dma_wait3A_163 : memref<128xi32, #tpu.memory_space<vmem>>)
      %dma_wait3A_167 = arith.constant 0 : i32
      %dma_wait3A_168 = arith.constant 0 : i32
      %dma_wait3A_169 = tpu.memref_slice %arg10[%dma_wait3A_167, %dma_wait3A_168] : memref<2x128xf32, #tpu.memory_space<vmem>> -> memref<1x128xf32, #tpu.memory_space<vmem>>
      %dma_wait3A_170 = tpu.memref_squeeze %dma_wait3A_169 : memref<1x128xf32, #tpu.memory_space<vmem>> -> memref<128xf32, #tpu.memory_space<vmem>>
      %dma_wait3A_171 = arith.constant 0 : i32
      %dma_wait3A_172 = tpu.memref_slice %arg5[%add3A_153, %dma_wait3A_171] : memref<1280x128xf32, #tpu.memory_space<hbm>> -> memref<1x128xf32, #tpu.memory_space<hbm>>
      %dma_wait3A_173 = tpu.memref_squeeze %dma_wait3A_172 : memref<1x128xf32, #tpu.memory_space<hbm>> -> memref<128xf32, #tpu.memory_space<hbm>>
      %dma_wait3A_174 = arith.constant 0 : i32
      %dma_wait3A_175 = tpu.memref_slice %arg10[%dma_wait3A_167, %dma_wait3A_174] : memref<2x128xf32, #tpu.memory_space<vmem>> -> memref<1x128xf32, #tpu.memory_space<vmem>>
      %dma_wait3A_176 = tpu.memref_squeeze %dma_wait3A_175 : memref<1x128xf32, #tpu.memory_space<vmem>> -> memref<128xf32, #tpu.memory_space<vmem>>
      %dma_wait3A_177 = arith.constant 0 : i32
      %dma_wait3A_178 = tpu.memref_slice %arg5[%add3A_153, %dma_wait3A_177] : memref<1280x128xf32, #tpu.memory_space<hbm>> -> memref<1x128xf32, #tpu.memory_space<hbm>>
      %dma_wait3A_179 = tpu.memref_squeeze %dma_wait3A_178 : memref<1x128xf32, #tpu.memory_space<hbm>> -> memref<128xf32, #tpu.memory_space<hbm>>
      tpu.wait_dma2 semaphore(%arg16 : memref<!tpu.dma_semaphore, #tpu.memory_space<semaphore_mem>>) src(%dma_wait3A_179 : memref<128xf32, #tpu.memory_space<hbm>>) dst(%dma_wait3A_176 : memref<128xf32, #tpu.memory_space<vmem>>)
      %scan3A_180 = arith.constant 0 : i32
      %scan3A_181 = arith.constant 8 : i32
      %scan3A_182 = arith.addi %scan3A_180, %scan3A_181 : i32
      %scan3A_183 = arith.constant 1 : i32
      scf.for %scan3A_247 = %scan3A_180 to %scan3A_182 step %scan3A_183  : i32 {
        %mul3A_248 = arith.constant 1 : i32
        %mul3A_249 = arith.muli %scan3A_247, %mul3A_248 : i32
        %add3A_250 = arith.constant 0 : i32
        %add3A_251 = arith.addi %add3A_250, %mul3A_249 : i32
        %mul3A_252 = arith.constant 16 : i32
        %mul3A_253 = arith.muli %add3A_251, %mul3A_252 : i32
        %get3A = arith.constant 0 : i32
        %get3A_254 = arith.index_cast %get3A : i32 to index
        %get3A_255 = arith.index_cast %mul3A_253 : i32 to index
        %get3A_256 = tpu.vector_load %arg10[%get3A_254, %get3A_255] {strides = array<i32>} : memref<2x128xf32, #tpu.memory_space<vmem>>, vector<16xf32>,
        %broadcast_in_dim3A = arith.constant 0 : i32
        %broadcast_in_dim3A_257 = vector.broadcast %broadcast_in_dim3A : i32 to vector<16x1xi32>
        %gather3A = vector.shape_cast %broadcast_in_dim3A_257 : vector<16x1xi32> to vector<16xi32>
        %gather3A_258 = tpu.dynamic_gather %get3A_256[%gather3A] in [0] : vector<16xf32>, vector<16xi32> -> vector<16xf32>
        %add3A_259 = arith.constant 0 : i32
        %add3A_260 = arith.addi %mul3A_253, %add3A_259 : i32
        %get3A_261 = arith.index_cast %add3A_260 : i32 to index
        %get3A_262 = arith.constant 0 : index
        %get3A_263 = tpu.vector_load %arg11[%get3A_261, %get3A_262] {strides = array<i32>} : memref<128x128xf32, #tpu.memory_space<vmem>>, vector<16xf32>,
        %mul3A_264 = arith.mulf %get3A_263, %gather3A_258 : vector<16xf32>
        %swap3A = arith.index_cast %add3A_260 : i32 to index
        %swap3A_265 = arith.constant 0 : index
        %swap3A_266 = tpu.vector_load %arg11[%swap3A, %swap3A_265] {strides = array<i32>} : memref<128x128xf32, #tpu.memory_space<vmem>>, vector<16xf32>,
        tpu.vector_store %arg11[%swap3A, %swap3A_265], %mul3A_264 {strides = array<i32>} : memref<128x128xf32, #tpu.memory_space<vmem>>, vector<16xf32>,
        %get3A_267 = arith.index_cast %add3A_260 : i32 to index
        %get3A_268 = arith.constant 16 : index
        %get3A_269 = tpu.vector_load %arg11[%get3A_267, %get3A_268] {strides = array<i32>} : memref<128x128xf32, #tpu.memory_space<vmem>>, vector<16xf32>,
        %mul3A_270 = arith.mulf %get3A_269, %gather3A_258 : vector<16xf32>
        %swap3A_271 = arith.index_cast %add3A_260 : i32 to index
        %swap3A_272 = arith.constant 16 : index
        %swap3A_273 = tpu.vector_load %arg11[%swap3A_271, %swap3A_272] {strides = array<i32>} : memref<128x128xf32, #tpu.memory_space<vmem>>, vector<16xf32>,
        tpu.vector_store %arg11[%swap3A_271, %swap3A_272], %mul3A_270 {strides = array<i32>} : memref<128x128xf32, #tpu.memory_space<vmem>>, vector<16xf32>,
        %get3A_274 = arith.index_cast %add3A_260 : i32 to index
        %get3A_275 = arith.constant 32 : index
        %get3A_276 = tpu.vector_load %arg11[%get3A_274, %get3A_275] {strides = array<i32>} : memref<128x128xf32, #tpu.memory_space<vmem>>, vector<16xf32>,
        %mul3A_277 = arith.mulf %get3A_276, %gather3A_258 : vector<16xf32>
        %swap3A_278 = arith.index_cast %add3A_260 : i32 to index
        %swap3A_279 = arith.constant 32 : index
        %swap3A_280 = tpu.vector_load %arg11[%swap3A_278, %swap3A_279] {strides = array<i32>} : memref<128x128xf32, #tpu.memory_space<vmem>>, vector<16xf32>,
        tpu.vector_store %arg11[%swap3A_278, %swap3A_279], %mul3A_277 {strides = array<i32>} : memref<128x128xf32, #tpu.memory_space<vmem>>, vector<16xf32>,
        %get3A_281 = arith.index_cast %add3A_260 : i32 to index
        %get3A_282 = arith.constant 48 : index
        %get3A_283 = tpu.vector_load %arg11[%get3A_281, %get3A_282] {strides = array<i32>} : memref<128x128xf32, #tpu.memory_space<vmem>>, vector<16xf32>,
        %mul3A_284 = arith.mulf %get3A_283, %gather3A_258 : vector<16xf32>
        %swap3A_285 = arith.index_cast %add3A_260 : i32 to index
        %swap3A_286 = arith.constant 48 : index
        %swap3A_287 = tpu.vector_load %arg11[%swap3A_285, %swap3A_286] {strides = array<i32>} : memref<128x128xf32, #tpu.memory_space<vmem>>, vector<16xf32>,
        tpu.vector_store %arg11[%swap3A_285, %swap3A_286], %mul3A_284 {strides = array<i32>} : memref<128x128xf32, #tpu.memory_space<vmem>>, vector<16xf32>,
        %get3A_288 = arith.index_cast %add3A_260 : i32 to index
        %get3A_289 = arith.constant 64 : index
        %get3A_290 = tpu.vector_load %arg11[%get3A_288, %get3A_289] {strides = array<i32>} : memref<128x128xf32, #tpu.memory_space<vmem>>, vector<16xf32>,
        %mul3A_291 = arith.mulf %get3A_290, %gather3A_258 : vector<16xf32>
        %swap3A_292 = arith.index_cast %add3A_260 : i32 to index
        %swap3A_293 = arith.constant 64 : index
        %swap3A_294 = tpu.vector_load %arg11[%swap3A_292, %swap3A_293] {strides = array<i32>} : memref<128x128xf32, #tpu.memory_space<vmem>>, vector<16xf32>,
        tpu.vector_store %arg11[%swap3A_292, %swap3A_293], %mul3A_291 {strides = array<i32>} : memref<128x128xf32, #tpu.memory_space<vmem>>, vector<16xf32>,
        %get3A_295 = arith.index_cast %add3A_260 : i32 to index
        %get3A_296 = arith.constant 80 : index
        %get3A_297 = tpu.vector_load %arg11[%get3A_295, %get3A_296] {strides = array<i32>} : memref<128x128xf32, #tpu.memory_space<vmem>>, vector<16xf32>,
        %mul3A_298 = arith.mulf %get3A_297, %gather3A_258 : vector<16xf32>
        %swap3A_299 = arith.index_cast %add3A_260 : i32 to index
        %swap3A_300 = arith.constant 80 : index
        %swap3A_301 = tpu.vector_load %arg11[%swap3A_299, %swap3A_300] {strides = array<i32>} : memref<128x128xf32, #tpu.memory_space<vmem>>, vector<16xf32>,
        tpu.vector_store %arg11[%swap3A_299, %swap3A_300], %mul3A_298 {strides = array<i32>} : memref<128x128xf32, #tpu.memory_space<vmem>>, vector<16xf32>,
        %get3A_302 = arith.index_cast %add3A_260 : i32 to index
        %get3A_303 = arith.constant 96 : index
        %get3A_304 = tpu.vector_load %arg11[%get3A_302, %get3A_303] {strides = array<i32>} : memref<128x128xf32, #tpu.memory_space<vmem>>, vector<16xf32>,
        %mul3A_305 = arith.mulf %get3A_304, %gather3A_258 : vector<16xf32>
        %swap3A_306 = arith.index_cast %add3A_260 : i32 to index
        %swap3A_307 = arith.constant 96 : index
        %swap3A_308 = tpu.vector_load %arg11[%swap3A_306, %swap3A_307] {strides = array<i32>} : memref<128x128xf32, #tpu.memory_space<vmem>>, vector<16xf32>,
        tpu.vector_store %arg11[%swap3A_306, %swap3A_307], %mul3A_305 {strides = array<i32>} : memref<128x128xf32, #tpu.memory_space<vmem>>, vector<16xf32>,
        %get3A_309 = arith.index_cast %add3A_260 : i32 to index
        %get3A_310 = arith.constant 112 : index
        %get3A_311 = tpu.vector_load %arg11[%get3A_309, %get3A_310] {strides = array<i32>} : memref<128x128xf32, #tpu.memory_space<vmem>>, vector<16xf32>,
        %mul3A_312 = arith.mulf %get3A_311, %gather3A_258 : vector<16xf32>
        %swap3A_313 = arith.index_cast %add3A_260 : i32 to index
        %swap3A_314 = arith.constant 112 : index
        %swap3A_315 = tpu.vector_load %arg11[%swap3A_313, %swap3A_314] {strides = array<i32>} : memref<128x128xf32, #tpu.memory_space<vmem>>, vector<16xf32>,
        tpu.vector_store %arg11[%swap3A_313, %swap3A_314], %mul3A_312 {strides = array<i32>} : memref<128x128xf32, #tpu.memory_space<vmem>>, vector<16xf32>,
        %broadcast_in_dim3A_316 = arith.constant 1 : i32
        %broadcast_in_dim3A_317 = vector.broadcast %broadcast_in_dim3A_316 : i32 to vector<16x1xi32>
        %gather3A_318 = vector.shape_cast %broadcast_in_dim3A_317 : vector<16x1xi32> to vector<16xi32>
        %gather3A_319 = tpu.dynamic_gather %get3A_256[%gather3A_318] in [0] : vector<16xf32>, vector<16xi32> -> vector<16xf32>
        %add3A_320 = arith.constant 1 : i32
        %add3A_321 = arith.addi %mul3A_253, %add3A_320 : i32
        %get3A_322 = arith.index_cast %add3A_321 : i32 to index
        %get3A_323 = arith.constant 0 : index
        %get3A_324 = tpu.vector_load %arg11[%get3A_322, %get3A_323] {strides = array<i32>} : memref<128x128xf32, #tpu.memory_space<vmem>>, vector<16xf32>,
        %mul3A_325 = arith.mulf %get3A_324, %gather3A_319 : vector<16xf32>
        %swap3A_326 = arith.index_cast %add3A_321 : i32 to index
        %swap3A_327 = arith.constant 0 : index
        %swap3A_328 = tpu.vector_load %arg11[%swap3A_326, %swap3A_327] {strides = array<i32>} : memref<128x128xf32, #tpu.memory_space<vmem>>, vector<16xf32>,
        tpu.vector_store %arg11[%swap3A_326, %swap3A_327], %mul3A_325 {strides = array<i32>} : memref<128x128xf32, #tpu.memory_space<vmem>>, vector<16xf32>,
        %get3A_329 = arith.index_cast %add3A_321 : i32 to index
        %get3A_330 = arith.constant 16 : index
        %get3A_331 = tpu.vector_load %arg11[%get3A_329, %get3A_330] {strides = array<i32>} : memref<128x128xf32, #tpu.memory_space<vmem>>, vector<16xf32>,
        %mul3A_332 = arith.mulf %get3A_331, %gather3A_319 : vector<16xf32>
        %swap3A_333 = arith.index_cast %add3A_321 : i32 to index
        %swap3A_334 = arith.constant 16 : index
        %swap3A_335 = tpu.vector_load %arg11[%swap3A_333, %swap3A_334] {strides = array<i32>} : memref<128x128xf32, #tpu.memory_space<vmem>>, vector<16xf32>,
        tpu.vector_store %arg11[%swap3A_333, %swap3A_334], %mul3A_332 {strides = array<i32>} : memref<128x128xf32, #tpu.memory_space<vmem>>, vector<16xf32>,
        %get3A_336 = arith.index_cast %add3A_321 : i32 to index
        %get3A_337 = arith.constant 32 : index
        %get3A_338 = tpu.vector_load %arg11[%get3A_336, %get3A_337] {strides = array<i32>} : memref<128x128xf32, #tpu.memory_space<vmem>>, vector<16xf32>,
        %mul3A_339 = arith.mulf %get3A_338, %gather3A_319 : vector<16xf32>
        %swap3A_340 = arith.index_cast %add3A_321 : i32 to index
        %swap3A_341 = arith.constant 32 : index
        %swap3A_342 = tpu.vector_load %arg11[%swap3A_340, %swap3A_341] {strides = array<i32>} : memref<128x128xf32, #tpu.memory_space<vmem>>, vector<16xf32>,
        tpu.vector_store %arg11[%swap3A_340, %swap3A_341], %mul3A_339 {strides = array<i32>} : memref<128x128xf32, #tpu.memory_space<vmem>>, vector<16xf32>,
        %get3A_343 = arith.index_cast %add3A_321 : i32 to index
        %get3A_344 = arith.constant 48 : index
        %get3A_345 = tpu.vector_load %arg11[%get3A_343, %get3A_344] {strides = array<i32>} : memref<128x128xf32, #tpu.memory_space<vmem>>, vector<16xf32>,
        %mul3A_346 = arith.mulf %get3A_345, %gather3A_319 : vector<16xf32>
        %swap3A_347 = arith.index_cast %add3A_321 : i32 to index
        %swap3A_348 = arith.constant 48 : index
        %swap3A_349 = tpu.vector_load %arg11[%swap3A_347, %swap3A_348] {strides = array<i32>} : memref<128x128xf32, #tpu.memory_space<vmem>>, vector<16xf32>,
        tpu.vector_store %arg11[%swap3A_347, %swap3A_348], %mul3A_346 {strides = array<i32>} : memref<128x128xf32, #tpu.memory_space<vmem>>, vector<16xf32>,
        %get3A_350 = arith.index_cast %add3A_321 : i32 to index
        %get3A_351 = arith.constant 64 : index
        %get3A_352 = tpu.vector_load %arg11[%get3A_350, %get3A_351] {strides = array<i32>} : memref<128x128xf32, #tpu.memory_space<vmem>>, vector<16xf32>,
        %mul3A_353 = arith.mulf %get3A_352, %gather3A_319 : vector<16xf32>
        %swap3A_354 = arith.index_cast %add3A_321 : i32 to index
        %swap3A_355 = arith.constant 64 : index
        %swap3A_356 = tpu.vector_load %arg11[%swap3A_354, %swap3A_355] {strides = array<i32>} : memref<128x128xf32, #tpu.memory_space<vmem>>, vector<16xf32>,
        tpu.vector_store %arg11[%swap3A_354, %swap3A_355], %mul3A_353 {strides = array<i32>} : memref<128x128xf32, #tpu.memory_space<vmem>>, vector<16xf32>,
        %get3A_357 = arith.index_cast %add3A_321 : i32 to index
        %get3A_358 = arith.constant 80 : index
        %get3A_359 = tpu.vector_load %arg11[%get3A_357, %get3A_358] {strides = array<i32>} : memref<128x128xf32, #tpu.memory_space<vmem>>, vector<16xf32>,
        %mul3A_360 = arith.mulf %get3A_359, %gather3A_319 : vector<16xf32>
        %swap3A_361 = arith.index_cast %add3A_321 : i32 to index
        %swap3A_362 = arith.constant 80 : index
        %swap3A_363 = tpu.vector_load %arg11[%swap3A_361, %swap3A_362] {strides = array<i32>} : memref<128x128xf32, #tpu.memory_space<vmem>>, vector<16xf32>,
        tpu.vector_store %arg11[%swap3A_361, %swap3A_362], %mul3A_360 {strides = array<i32>} : memref<128x128xf32, #tpu.memory_space<vmem>>, vector<16xf32>,
        %get3A_364 = arith.index_cast %add3A_321 : i32 to index
        %get3A_365 = arith.constant 96 : index
        %get3A_366 = tpu.vector_load %arg11[%get3A_364, %get3A_365] {strides = array<i32>} : memref<128x128xf32, #tpu.memory_space<vmem>>, vector<16xf32>,
        %mul3A_367 = arith.mulf %get3A_366, %gather3A_319 : vector<16xf32>
        %swap3A_368 = arith.index_cast %add3A_321 : i32 to index
        %swap3A_369 = arith.constant 96 : index
        %swap3A_370 = tpu.vector_load %arg11[%swap3A_368, %swap3A_369] {strides = array<i32>} : memref<128x128xf32, #tpu.memory_space<vmem>>, vector<16xf32>,
        tpu.vector_store %arg11[%swap3A_368, %swap3A_369], %mul3A_367 {strides = array<i32>} : memref<128x128xf32, #tpu.memory_space<vmem>>, vector<16xf32>,
        %get3A_371 = arith.index_cast %add3A_321 : i32 to index
        %get3A_372 = arith.constant 112 : index
        %get3A_373 = tpu.vector_load %arg11[%get3A_371, %get3A_372] {strides = array<i32>} : memref<128x128xf32, #tpu.memory_space<vmem>>, vector<16xf32>,
        %mul3A_374 = arith.mulf %get3A_373, %gather3A_319 : vector<16xf32>
        %swap3A_375 = arith.index_cast %add3A_321 : i32 to index
        %swap3A_376 = arith.constant 112 : index
        %swap3A_377 = tpu.vector_load %arg11[%swap3A_375, %swap3A_376] {strides = array<i32>} : memref<128x128xf32, #tpu.memory_space<vmem>>, vector<16xf32>,
        tpu.vector_store %arg11[%swap3A_375, %swap3A_376], %mul3A_374 {strides = array<i32>} : memref<128x128xf32, #tpu.memory_space<vmem>>, vector<16xf32>,
        %broadcast_in_dim3A_378 = arith.constant 2 : i32
        %broadcast_in_dim3A_379 = vector.broadcast %broadcast_in_dim3A_378 : i32 to vector<16x1xi32>
        %gather3A_380 = vector.shape_cast %broadcast_in_dim3A_379 : vector<16x1xi32> to vector<16xi32>
        %gather3A_381 = tpu.dynamic_gather %get3A_256[%gather3A_380] in [0] : vector<16xf32>, vector<16xi32> -> vector<16xf32>
        %add3A_382 = arith.constant 2 : i32
        %add3A_383 = arith.addi %mul3A_253, %add3A_382 : i32
        %get3A_384 = arith.index_cast %add3A_383 : i32 to index
        %get3A_385 = arith.constant 0 : index
        %get3A_386 = tpu.vector_load %arg11[%get3A_384, %get3A_385] {strides = array<i32>} : memref<128x128xf32, #tpu.memory_space<vmem>>, vector<16xf32>,
        %mul3A_387 = arith.mulf %get3A_386, %gather3A_381 : vector<16xf32>
        %swap3A_388 = arith.index_cast %add3A_383 : i32 to index
        %swap3A_389 = arith.constant 0 : index
        %swap3A_390 = tpu.vector_load %arg11[%swap3A_388, %swap3A_389] {strides = array<i32>} : memref<128x128xf32, #tpu.memory_space<vmem>>, vector<16xf32>,
        tpu.vector_store %arg11[%swap3A_388, %swap3A_389], %mul3A_387 {strides = array<i32>} : memref<128x128xf32, #tpu.memory_space<vmem>>, vector<16xf32>,
        %get3A_391 = arith.index_cast %add3A_383 : i32 to index
        %get3A_392 = arith.constant 16 : index
        %get3A_393 = tpu.vector_load %arg11[%get3A_391, %get3A_392] {strides = array<i32>} : memref<128x128xf32, #tpu.memory_space<vmem>>, vector<16xf32>,
        %mul3A_394 = arith.mulf %get3A_393, %gather3A_381 : vector<16xf32>
        %swap3A_395 = arith.index_cast %add3A_383 : i32 to index
        %swap3A_396 = arith.constant 16 : index
        %swap3A_397 = tpu.vector_load %arg11[%swap3A_395, %swap3A_396] {strides = array<i32>} : memref<128x128xf32, #tpu.memory_space<vmem>>, vector<16xf32>,
        tpu.vector_store %arg11[%swap3A_395, %swap3A_396], %mul3A_394 {strides = array<i32>} : memref<128x128xf32, #tpu.memory_space<vmem>>, vector<16xf32>,
        %get3A_398 = arith.index_cast %add3A_383 : i32 to index
        %get3A_399 = arith.constant 32 : index
        %get3A_400 = tpu.vector_load %arg11[%get3A_398, %get3A_399] {strides = array<i32>} : memref<128x128xf32, #tpu.memory_space<vmem>>, vector<16xf32>,
        %mul3A_401 = arith.mulf %get3A_400, %gather3A_381 : vector<16xf32>
        %swap3A_402 = arith.index_cast %add3A_383 : i32 to index
        %swap3A_403 = arith.constant 32 : index
        %swap3A_404 = tpu.vector_load %arg11[%swap3A_402, %swap3A_403] {strides = array<i32>} : memref<128x128xf32, #tpu.memory_space<vmem>>, vector<16xf32>,
        tpu.vector_store %arg11[%swap3A_402, %swap3A_403], %mul3A_401 {strides = array<i32>} : memref<128x128xf32, #tpu.memory_space<vmem>>, vector<16xf32>,
        %get3A_405 = arith.index_cast %add3A_383 : i32 to index
        %get3A_406 = arith.constant 48 : index
        %get3A_407 = tpu.vector_load %arg11[%get3A_405, %get3A_406] {strides = array<i32>} : memref<128x128xf32, #tpu.memory_space<vmem>>, vector<16xf32>,
        %mul3A_408 = arith.mulf %get3A_407, %gather3A_381 : vector<16xf32>
        %swap3A_409 = arith.index_cast %add3A_383 : i32 to index
        %swap3A_410 = arith.constant 48 : index
        %swap3A_411 = tpu.vector_load %arg11[%swap3A_409, %swap3A_410] {strides = array<i32>} : memref<128x128xf32, #tpu.memory_space<vmem>>, vector<16xf32>,
        tpu.vector_store %arg11[%swap3A_409, %swap3A_410], %mul3A_408 {strides = array<i32>} : memref<128x128xf32, #tpu.memory_space<vmem>>, vector<16xf32>,
        %get3A_412 = arith.index_cast %add3A_383 : i32 to index
        %get3A_413 = arith.constant 64 : index
        %get3A_414 = tpu.vector_load %arg11[%get3A_412, %get3A_413] {strides = array<i32>} : memref<128x128xf32, #tpu.memory_space<vmem>>, vector<16xf32>,
        %mul3A_415 = arith.mulf %get3A_414, %gather3A_381 : vector<16xf32>
        %swap3A_416 = arith.index_cast %add3A_383 : i32 to index
        %swap3A_417 = arith.constant 64 : index
        %swap3A_418 = tpu.vector_load %arg11[%swap3A_416, %swap3A_417] {strides = array<i32>} : memref<128x128xf32, #tpu.memory_space<vmem>>, vector<16xf32>,
        tpu.vector_store %arg11[%swap3A_416, %swap3A_417], %mul3A_415 {strides = array<i32>} : memref<128x128xf32, #tpu.memory_space<vmem>>, vector<16xf32>,
        %get3A_419 = arith.index_cast %add3A_383 : i32 to index
        %get3A_420 = arith.constant 80 : index
        %get3A_421 = tpu.vector_load %arg11[%get3A_419, %get3A_420] {strides = array<i32>} : memref<128x128xf32, #tpu.memory_space<vmem>>, vector<16xf32>,
        %mul3A_422 = arith.mulf %get3A_421, %gather3A_381 : vector<16xf32>
        %swap3A_423 = arith.index_cast %add3A_383 : i32 to index
        %swap3A_424 = arith.constant 80 : index
        %swap3A_425 = tpu.vector_load %arg11[%swap3A_423, %swap3A_424] {strides = array<i32>} : memref<128x128xf32, #tpu.memory_space<vmem>>, vector<16xf32>,
        tpu.vector_store %arg11[%swap3A_423, %swap3A_424], %mul3A_422 {strides = array<i32>} : memref<128x128xf32, #tpu.memory_space<vmem>>, vector<16xf32>,
        %get3A_426 = arith.index_cast %add3A_383 : i32 to index
        %get3A_427 = arith.constant 96 : index
        %get3A_428 = tpu.vector_load %arg11[%get3A_426, %get3A_427] {strides = array<i32>} : memref<128x128xf32, #tpu.memory_space<vmem>>, vector<16xf32>,
        %mul3A_429 = arith.mulf %get3A_428, %gather3A_381 : vector<16xf32>
        %swap3A_430 = arith.index_cast %add3A_383 : i32 to index
        %swap3A_431 = arith.constant 96 : index
        %swap3A_432 = tpu.vector_load %arg11[%swap3A_430, %swap3A_431] {strides = array<i32>} : memref<128x128xf32, #tpu.memory_space<vmem>>, vector<16xf32>,
        tpu.vector_store %arg11[%swap3A_430, %swap3A_431], %mul3A_429 {strides = array<i32>} : memref<128x128xf32, #tpu.memory_space<vmem>>, vector<16xf32>,
        %get3A_433 = arith.index_cast %add3A_383 : i32 to index
        %get3A_434 = arith.constant 112 : index
        %get3A_435 = tpu.vector_load %arg11[%get3A_433, %get3A_434] {strides = array<i32>} : memref<128x128xf32, #tpu.memory_space<vmem>>, vector<16xf32>,
        %mul3A_436 = arith.mulf %get3A_435, %gather3A_381 : vector<16xf32>
        %swap3A_437 = arith.index_cast %add3A_383 : i32 to index
        %swap3A_438 = arith.constant 112 : index
        %swap3A_439 = tpu.vector_load %arg11[%swap3A_437, %swap3A_438] {strides = array<i32>} : memref<128x128xf32, #tpu.memory_space<vmem>>, vector<16xf32>,
        tpu.vector_store %arg11[%swap3A_437, %swap3A_438], %mul3A_436 {strides = array<i32>} : memref<128x128xf32, #tpu.memory_space<vmem>>, vector<16xf32>,
        %broadcast_in_dim3A_440 = arith.constant 3 : i32
        %broadcast_in_dim3A_441 = vector.broadcast %broadcast_in_dim3A_440 : i32 to vector<16x1xi32>
        %gather3A_442 = vector.shape_cast %broadcast_in_dim3A_441 : vector<16x1xi32> to vector<16xi32>
        %gather3A_443 = tpu.dynamic_gather %get3A_256[%gather3A_442] in [0] : vector<16xf32>, vector<16xi32> -> vector<16xf32>
        %add3A_444 = arith.constant 3 : i32
        %add3A_445 = arith.addi %mul3A_253, %add3A_444 : i32
        %get3A_446 = arith.index_cast %add3A_445 : i32 to index
        %get3A_447 = arith.constant 0 : index
        %get3A_448 = tpu.vector_load %arg11[%get3A_446, %get3A_447] {strides = array<i32>} : memref<128x128xf32, #tpu.memory_space<vmem>>, vector<16xf32>,
        %mul3A_449 = arith.mulf %get3A_448, %gather3A_443 : vector<16xf32>
        %swap3A_450 = arith.index_cast %add3A_445 : i32 to index
        %swap3A_451 = arith.constant 0 : index
        %swap3A_452 = tpu.vector_load %arg11[%swap3A_450, %swap3A_451] {strides = array<i32>} : memref<128x128xf32, #tpu.memory_space<vmem>>, vector<16xf32>,
        tpu.vector_store %arg11[%swap3A_450, %swap3A_451], %mul3A_449 {strides = array<i32>} : memref<128x128xf32, #tpu.memory_space<vmem>>, vector<16xf32>,
        %get3A_453 = arith.index_cast %add3A_445 : i32 to index
        %get3A_454 = arith.constant 16 : index
        %get3A_455 = tpu.vector_load %arg11[%get3A_453, %get3A_454] {strides = array<i32>} : memref<128x128xf32, #tpu.memory_space<vmem>>, vector<16xf32>,
        %mul3A_456 = arith.mulf %get3A_455, %gather3A_443 : vector<16xf32>
        %swap3A_457 = arith.index_cast %add3A_445 : i32 to index
        %swap3A_458 = arith.constant 16 : index
        %swap3A_459 = tpu.vector_load %arg11[%swap3A_457, %swap3A_458] {strides = array<i32>} : memref<128x128xf32, #tpu.memory_space<vmem>>, vector<16xf32>,
        tpu.vector_store %arg11[%swap3A_457, %swap3A_458], %mul3A_456 {strides = array<i32>} : memref<128x128xf32, #tpu.memory_space<vmem>>, vector<16xf32>,
        %get3A_460 = arith.index_cast %add3A_445 : i32 to index
        %get3A_461 = arith.constant 32 : index
        %get3A_462 = tpu.vector_load %arg11[%get3A_460, %get3A_461] {strides = array<i32>} : memref<128x128xf32, #tpu.memory_space<vmem>>, vector<16xf32>,
        %mul3A_463 = arith.mulf %get3A_462, %gather3A_443 : vector<16xf32>
        %swap3A_464 = arith.index_cast %add3A_445 : i32 to index
        %swap3A_465 = arith.constant 32 : index
        %swap3A_466 = tpu.vector_load %arg11[%swap3A_464, %swap3A_465] {strides = array<i32>} : memref<128x128xf32, #tpu.memory_space<vmem>>, vector<16xf32>,
        tpu.vector_store %arg11[%swap3A_464, %swap3A_465], %mul3A_463 {strides = array<i32>} : memref<128x128xf32, #tpu.memory_space<vmem>>, vector<16xf32>,
        %get3A_467 = arith.index_cast %add3A_445 : i32 to index
        %get3A_468 = arith.constant 48 : index
        %get3A_469 = tpu.vector_load %arg11[%get3A_467, %get3A_468] {strides = array<i32>} : memref<128x128xf32, #tpu.memory_space<vmem>>, vector<16xf32>,
        %mul3A_470 = arith.mulf %get3A_469, %gather3A_443 : vector<16xf32>
        %swap3A_471 = arith.index_cast %add3A_445 : i32 to index
        %swap3A_472 = arith.constant 48 : index
        %swap3A_473 = tpu.vector_load %arg11[%swap3A_471, %swap3A_472] {strides = array<i32>} : memref<128x128xf32, #tpu.memory_space<vmem>>, vector<16xf32>,
        tpu.vector_store %arg11[%swap3A_471, %swap3A_472], %mul3A_470 {strides = array<i32>} : memref<128x128xf32, #tpu.memory_space<vmem>>, vector<16xf32>,
        %get3A_474 = arith.index_cast %add3A_445 : i32 to index
        %get3A_475 = arith.constant 64 : index
        %get3A_476 = tpu.vector_load %arg11[%get3A_474, %get3A_475] {strides = array<i32>} : memref<128x128xf32, #tpu.memory_space<vmem>>, vector<16xf32>,
        %mul3A_477 = arith.mulf %get3A_476, %gather3A_443 : vector<16xf32>
        %swap3A_478 = arith.index_cast %add3A_445 : i32 to index
        %swap3A_479 = arith.constant 64 : index
        %swap3A_480 = tpu.vector_load %arg11[%swap3A_478, %swap3A_479] {strides = array<i32>} : memref<128x128xf32, #tpu.memory_space<vmem>>, vector<16xf32>,
        tpu.vector_store %arg11[%swap3A_478, %swap3A_479], %mul3A_477 {strides = array<i32>} : memref<128x128xf32, #tpu.memory_space<vmem>>, vector<16xf32>,
        %get3A_481 = arith.index_cast %add3A_445 : i32 to index
        %get3A_482 = arith.constant 80 : index
        %get3A_483 = tpu.vector_load %arg11[%get3A_481, %get3A_482] {strides = array<i32>} : memref<128x128xf32, #tpu.memory_space<vmem>>, vector<16xf32>,
        %mul3A_484 = arith.mulf %get3A_483, %gather3A_443 : vector<16xf32>
        %swap3A_485 = arith.index_cast %add3A_445 : i32 to index
        %swap3A_486 = arith.constant 80 : index
        %swap3A_487 = tpu.vector_load %arg11[%swap3A_485, %swap3A_486] {strides = array<i32>} : memref<128x128xf32, #tpu.memory_space<vmem>>, vector<16xf32>,
        tpu.vector_store %arg11[%swap3A_485, %swap3A_486], %mul3A_484 {strides = array<i32>} : memref<128x128xf32, #tpu.memory_space<vmem>>, vector<16xf32>,
        %get3A_488 = arith.index_cast %add3A_445 : i32 to index
        %get3A_489 = arith.constant 96 : index
        %get3A_490 = tpu.vector_load %arg11[%get3A_488, %get3A_489] {strides = array<i32>} : memref<128x128xf32, #tpu.memory_space<vmem>>, vector<16xf32>,
        %mul3A_491 = arith.mulf %get3A_490, %gather3A_443 : vector<16xf32>
        %swap3A_492 = arith.index_cast %add3A_445 : i32 to index
        %swap3A_493 = arith.constant 96 : index
        %swap3A_494 = tpu.vector_load %arg11[%swap3A_492, %swap3A_493] {strides = array<i32>} : memref<128x128xf32, #tpu.memory_space<vmem>>, vector<16xf32>,
        tpu.vector_store %arg11[%swap3A_492, %swap3A_493], %mul3A_491 {strides = array<i32>} : memref<128x128xf32, #tpu.memory_space<vmem>>, vector<16xf32>,
        %get3A_495 = arith.index_cast %add3A_445 : i32 to index
        %get3A_496 = arith.constant 112 : index
        %get3A_497 = tpu.vector_load %arg11[%get3A_495, %get3A_496] {strides = array<i32>} : memref<128x128xf32, #tpu.memory_space<vmem>>, vector<16xf32>,
        %mul3A_498 = arith.mulf %get3A_497, %gather3A_443 : vector<16xf32>
        %swap3A_499 = arith.index_cast %add3A_445 : i32 to index
        %swap3A_500 = arith.constant 112 : index
        %swap3A_501 = tpu.vector_load %arg11[%swap3A_499, %swap3A_500] {strides = array<i32>} : memref<128x128xf32, #tpu.memory_space<vmem>>, vector<16xf32>,
        tpu.vector_store %arg11[%swap3A_499, %swap3A_500], %mul3A_498 {strides = array<i32>} : memref<128x128xf32, #tpu.memory_space<vmem>>, vector<16xf32>,
        %broadcast_in_dim3A_502 = arith.constant 4 : i32
        %broadcast_in_dim3A_503 = vector.broadcast %broadcast_in_dim3A_502 : i32 to vector<16x1xi32>
        %gather3A_504 = vector.shape_cast %broadcast_in_dim3A_503 : vector<16x1xi32> to vector<16xi32>
        %gather3A_505 = tpu.dynamic_gather %get3A_256[%gather3A_504] in [0] : vector<16xf32>, vector<16xi32> -> vector<16xf32>
        %add3A_506 = arith.constant 4 : i32
        %add3A_507 = arith.addi %mul3A_253, %add3A_506 : i32
        %get3A_508 = arith.index_cast %add3A_507 : i32 to index
        %get3A_509 = arith.constant 0 : index
        %get3A_510 = tpu.vector_load %arg11[%get3A_508, %get3A_509] {strides = array<i32>} : memref<128x128xf32, #tpu.memory_space<vmem>>, vector<16xf32>,
        %mul3A_511 = arith.mulf %get3A_510, %gather3A_505 : vector<16xf32>
        %swap3A_512 = arith.index_cast %add3A_507 : i32 to index
        %swap3A_513 = arith.constant 0 : index
        %swap3A_514 = tpu.vector_load %arg11[%swap3A_512, %swap3A_513] {strides = array<i32>} : memref<128x128xf32, #tpu.memory_space<vmem>>, vector<16xf32>,
        tpu.vector_store %arg11[%swap3A_512, %swap3A_513], %mul3A_511 {strides = array<i32>} : memref<128x128xf32, #tpu.memory_space<vmem>>, vector<16xf32>,
        %get3A_515 = arith.index_cast %add3A_507 : i32 to index
        %get3A_516 = arith.constant 16 : index
        %get3A_517 = tpu.vector_load %arg11[%get3A_515, %get3A_516] {strides = array<i32>} : memref<128x128xf32, #tpu.memory_space<vmem>>, vector<16xf32>,
        %mul3A_518 = arith.mulf %get3A_517, %gather3A_505 : vector<16xf32>
        %swap3A_519 = arith.index_cast %add3A_507 : i32 to index
        %swap3A_520 = arith.constant 16 : index
        %swap3A_521 = tpu.vector_load %arg11[%swap3A_519, %swap3A_520] {strides = array<i32>} : memref<128x128xf32, #tpu.memory_space<vmem>>, vector<16xf32>,
        tpu.vector_store %arg11[%swap3A_519, %swap3A_520], %mul3A_518 {strides = array<i32>} : memref<128x128xf32, #tpu.memory_space<vmem>>, vector<16xf32>,
        %get3A_522 = arith.index_cast %add3A_507 : i32 to index
        %get3A_523 = arith.constant 32 : index
        %get3A_524 = tpu.vector_load %arg11[%get3A_522, %get3A_523] {strides = array<i32>} : memref<128x128xf32, #tpu.memory_space<vmem>>, vector<16xf32>,
        %mul3A_525 = arith.mulf %get3A_524, %gather3A_505 : vector<16xf32>
        %swap3A_526 = arith.index_cast %add3A_507 : i32 to index
        %swap3A_527 = arith.constant 32 : index
        %swap3A_528 = tpu.vector_load %arg11[%swap3A_526, %swap3A_527] {strides = array<i32>} : memref<128x128xf32, #tpu.memory_space<vmem>>, vector<16xf32>,
        tpu.vector_store %arg11[%swap3A_526, %swap3A_527], %mul3A_525 {strides = array<i32>} : memref<128x128xf32, #tpu.memory_space<vmem>>, vector<16xf32>,
        %get3A_529 = arith.index_cast %add3A_507 : i32 to index
        %get3A_530 = arith.constant 48 : index
        %get3A_531 = tpu.vector_load %arg11[%get3A_529, %get3A_530] {strides = array<i32>} : memref<128x128xf32, #tpu.memory_space<vmem>>, vector<16xf32>,
        %mul3A_532 = arith.mulf %get3A_531, %gather3A_505 : vector<16xf32>
        %swap3A_533 = arith.index_cast %add3A_507 : i32 to index
        %swap3A_534 = arith.constant 48 : index
        %swap3A_535 = tpu.vector_load %arg11[%swap3A_533, %swap3A_534] {strides = array<i32>} : memref<128x128xf32, #tpu.memory_space<vmem>>, vector<16xf32>,
        tpu.vector_store %arg11[%swap3A_533, %swap3A_534], %mul3A_532 {strides = array<i32>} : memref<128x128xf32, #tpu.memory_space<vmem>>, vector<16xf32>,
        %get3A_536 = arith.index_cast %add3A_507 : i32 to index
        %get3A_537 = arith.constant 64 : index
        %get3A_538 = tpu.vector_load %arg11[%get3A_536, %get3A_537] {strides = array<i32>} : memref<128x128xf32, #tpu.memory_space<vmem>>, vector<16xf32>,
        %mul3A_539 = arith.mulf %get3A_538, %gather3A_505 : vector<16xf32>
        %swap3A_540 = arith.index_cast %add3A_507 : i32 to index
        %swap3A_541 = arith.constant 64 : index
        %swap3A_542 = tpu.vector_load %arg11[%swap3A_540, %swap3A_541] {strides = array<i32>} : memref<128x128xf32, #tpu.memory_space<vmem>>, vector<16xf32>,
        tpu.vector_store %arg11[%swap3A_540, %swap3A_541], %mul3A_539 {strides = array<i32>} : memref<128x128xf32, #tpu.memory_space<vmem>>, vector<16xf32>,
        %get3A_543 = arith.index_cast %add3A_507 : i32 to index
        %get3A_544 = arith.constant 80 : index
        %get3A_545 = tpu.vector_load %arg11[%get3A_543, %get3A_544] {strides = array<i32>} : memref<128x128xf32, #tpu.memory_space<vmem>>, vector<16xf32>,
        %mul3A_546 = arith.mulf %get3A_545, %gather3A_505 : vector<16xf32>
        %swap3A_547 = arith.index_cast %add3A_507 : i32 to index
        %swap3A_548 = arith.constant 80 : index
        %swap3A_549 = tpu.vector_load %arg11[%swap3A_547, %swap3A_548] {strides = array<i32>} : memref<128x128xf32, #tpu.memory_space<vmem>>, vector<16xf32>,
        tpu.vector_store %arg11[%swap3A_547, %swap3A_548], %mul3A_546 {strides = array<i32>} : memref<128x128xf32, #tpu.memory_space<vmem>>, vector<16xf32>,
        %get3A_550 = arith.index_cast %add3A_507 : i32 to index
        %get3A_551 = arith.constant 96 : index
        %get3A_552 = tpu.vector_load %arg11[%get3A_550, %get3A_551] {strides = array<i32>} : memref<128x128xf32, #tpu.memory_space<vmem>>, vector<16xf32>,
        %mul3A_553 = arith.mulf %get3A_552, %gather3A_505 : vector<16xf32>
        %swap3A_554 = arith.index_cast %add3A_507 : i32 to index
        %swap3A_555 = arith.constant 96 : index
        %swap3A_556 = tpu.vector_load %arg11[%swap3A_554, %swap3A_555] {strides = array<i32>} : memref<128x128xf32, #tpu.memory_space<vmem>>, vector<16xf32>,
        tpu.vector_store %arg11[%swap3A_554, %swap3A_555], %mul3A_553 {strides = array<i32>} : memref<128x128xf32, #tpu.memory_space<vmem>>, vector<16xf32>,
        %get3A_557 = arith.index_cast %add3A_507 : i32 to index
        %get3A_558 = arith.constant 112 : index
        %get3A_559 = tpu.vector_load %arg11[%get3A_557, %get3A_558] {strides = array<i32>} : memref<128x128xf32, #tpu.memory_space<vmem>>, vector<16xf32>,
        %mul3A_560 = arith.mulf %get3A_559, %gather3A_505 : vector<16xf32>
        %swap3A_561 = arith.index_cast %add3A_507 : i32 to index
        %swap3A_562 = arith.constant 112 : index
        %swap3A_563 = tpu.vector_load %arg11[%swap3A_561, %swap3A_562] {strides = array<i32>} : memref<128x128xf32, #tpu.memory_space<vmem>>, vector<16xf32>,
        tpu.vector_store %arg11[%swap3A_561, %swap3A_562], %mul3A_560 {strides = array<i32>} : memref<128x128xf32, #tpu.memory_space<vmem>>, vector<16xf32>,
        %broadcast_in_dim3A_564 = arith.constant 5 : i32
        %broadcast_in_dim3A_565 = vector.broadcast %broadcast_in_dim3A_564 : i32 to vector<16x1xi32>
        %gather3A_566 = vector.shape_cast %broadcast_in_dim3A_565 : vector<16x1xi32> to vector<16xi32>
        %gather3A_567 = tpu.dynamic_gather %get3A_256[%gather3A_566] in [0] : vector<16xf32>, vector<16xi32> -> vector<16xf32>
        %add3A_568 = arith.constant 5 : i32
        %add3A_569 = arith.addi %mul3A_253, %add3A_568 : i32
        %get3A_570 = arith.index_cast %add3A_569 : i32 to index
        %get3A_571 = arith.constant 0 : index
        %get3A_572 = tpu.vector_load %arg11[%get3A_570, %get3A_571] {strides = array<i32>} : memref<128x128xf32, #tpu.memory_space<vmem>>, vector<16xf32>,
        %mul3A_573 = arith.mulf %get3A_572, %gather3A_567 : vector<16xf32>
        %swap3A_574 = arith.index_cast %add3A_569 : i32 to index
        %swap3A_575 = arith.constant 0 : index
        %swap3A_576 = tpu.vector_load %arg11[%swap3A_574, %swap3A_575] {strides = array<i32>} : memref<128x128xf32, #tpu.memory_space<vmem>>, vector<16xf32>,
        tpu.vector_store %arg11[%swap3A_574, %swap3A_575], %mul3A_573 {strides = array<i32>} : memref<128x128xf32, #tpu.memory_space<vmem>>, vector<16xf32>,
        %get3A_577 = arith.index_cast %add3A_569 : i32 to index
        %get3A_578 = arith.constant 16 : index
        %get3A_579 = tpu.vector_load %arg11[%get3A_577, %get3A_578] {strides = array<i32>} : memref<128x128xf32, #tpu.memory_space<vmem>>, vector<16xf32>,
        %mul3A_580 = arith.mulf %get3A_579, %gather3A_567 : vector<16xf32>
        %swap3A_581 = arith.index_cast %add3A_569 : i32 to index
        %swap3A_582 = arith.constant 16 : index
        %swap3A_583 = tpu.vector_load %arg11[%swap3A_581, %swap3A_582] {strides = array<i32>} : memref<128x128xf32, #tpu.memory_space<vmem>>, vector<16xf32>,
        tpu.vector_store %arg11[%swap3A_581, %swap3A_582], %mul3A_580 {strides = array<i32>} : memref<128x128xf32, #tpu.memory_space<vmem>>, vector<16xf32>,
        %get3A_584 = arith.index_cast %add3A_569 : i32 to index
        %get3A_585 = arith.constant 32 : index
        %get3A_586 = tpu.vector_load %arg11[%get3A_584, %get3A_585] {strides = array<i32>} : memref<128x128xf32, #tpu.memory_space<vmem>>, vector<16xf32>,
        %mul3A_587 = arith.mulf %get3A_586, %gather3A_567 : vector<16xf32>
        %swap3A_588 = arith.index_cast %add3A_569 : i32 to index
        %swap3A_589 = arith.constant 32 : index
        %swap3A_590 = tpu.vector_load %arg11[%swap3A_588, %swap3A_589] {strides = array<i32>} : memref<128x128xf32, #tpu.memory_space<vmem>>, vector<16xf32>,
        tpu.vector_store %arg11[%swap3A_588, %swap3A_589], %mul3A_587 {strides = array<i32>} : memref<128x128xf32, #tpu.memory_space<vmem>>, vector<16xf32>,
        %get3A_591 = arith.index_cast %add3A_569 : i32 to index
        %get3A_592 = arith.constant 48 : index
        %get3A_593 = tpu.vector_load %arg11[%get3A_591, %get3A_592] {strides = array<i32>} : memref<128x128xf32, #tpu.memory_space<vmem>>, vector<16xf32>,
        %mul3A_594 = arith.mulf %get3A_593, %gather3A_567 : vector<16xf32>
        %swap3A_595 = arith.index_cast %add3A_569 : i32 to index
        %swap3A_596 = arith.constant 48 : index
        %swap3A_597 = tpu.vector_load %arg11[%swap3A_595, %swap3A_596] {strides = array<i32>} : memref<128x128xf32, #tpu.memory_space<vmem>>, vector<16xf32>,
        tpu.vector_store %arg11[%swap3A_595, %swap3A_596], %mul3A_594 {strides = array<i32>} : memref<128x128xf32, #tpu.memory_space<vmem>>, vector<16xf32>,
        %get3A_598 = arith.index_cast %add3A_569 : i32 to index
        %get3A_599 = arith.constant 64 : index
        %get3A_600 = tpu.vector_load %arg11[%get3A_598, %get3A_599] {strides = array<i32>} : memref<128x128xf32, #tpu.memory_space<vmem>>, vector<16xf32>,
        %mul3A_601 = arith.mulf %get3A_600, %gather3A_567 : vector<16xf32>
        %swap3A_602 = arith.index_cast %add3A_569 : i32 to index
        %swap3A_603 = arith.constant 64 : index
        %swap3A_604 = tpu.vector_load %arg11[%swap3A_602, %swap3A_603] {strides = array<i32>} : memref<128x128xf32, #tpu.memory_space<vmem>>, vector<16xf32>,
        tpu.vector_store %arg11[%swap3A_602, %swap3A_603], %mul3A_601 {strides = array<i32>} : memref<128x128xf32, #tpu.memory_space<vmem>>, vector<16xf32>,
        %get3A_605 = arith.index_cast %add3A_569 : i32 to index
        %get3A_606 = arith.constant 80 : index
        %get3A_607 = tpu.vector_load %arg11[%get3A_605, %get3A_606] {strides = array<i32>} : memref<128x128xf32, #tpu.memory_space<vmem>>, vector<16xf32>,
        %mul3A_608 = arith.mulf %get3A_607, %gather3A_567 : vector<16xf32>
        %swap3A_609 = arith.index_cast %add3A_569 : i32 to index
        %swap3A_610 = arith.constant 80 : index
        %swap3A_611 = tpu.vector_load %arg11[%swap3A_609, %swap3A_610] {strides = array<i32>} : memref<128x128xf32, #tpu.memory_space<vmem>>, vector<16xf32>,
        tpu.vector_store %arg11[%swap3A_609, %swap3A_610], %mul3A_608 {strides = array<i32>} : memref<128x128xf32, #tpu.memory_space<vmem>>, vector<16xf32>,
        %get3A_612 = arith.index_cast %add3A_569 : i32 to index
        %get3A_613 = arith.constant 96 : index
        %get3A_614 = tpu.vector_load %arg11[%get3A_612, %get3A_613] {strides = array<i32>} : memref<128x128xf32, #tpu.memory_space<vmem>>, vector<16xf32>,
        %mul3A_615 = arith.mulf %get3A_614, %gather3A_567 : vector<16xf32>
        %swap3A_616 = arith.index_cast %add3A_569 : i32 to index
        %swap3A_617 = arith.constant 96 : index
        %swap3A_618 = tpu.vector_load %arg11[%swap3A_616, %swap3A_617] {strides = array<i32>} : memref<128x128xf32, #tpu.memory_space<vmem>>, vector<16xf32>,
        tpu.vector_store %arg11[%swap3A_616, %swap3A_617], %mul3A_615 {strides = array<i32>} : memref<128x128xf32, #tpu.memory_space<vmem>>, vector<16xf32>,
        %get3A_619 = arith.index_cast %add3A_569 : i32 to index
        %get3A_620 = arith.constant 112 : index
        %get3A_621 = tpu.vector_load %arg11[%get3A_619, %get3A_620] {strides = array<i32>} : memref<128x128xf32, #tpu.memory_space<vmem>>, vector<16xf32>,
        %mul3A_622 = arith.mulf %get3A_621, %gather3A_567 : vector<16xf32>
        %swap3A_623 = arith.index_cast %add3A_569 : i32 to index
        %swap3A_624 = arith.constant 112 : index
        %swap3A_625 = tpu.vector_load %arg11[%swap3A_623, %swap3A_624] {strides = array<i32>} : memref<128x128xf32, #tpu.memory_space<vmem>>, vector<16xf32>,
        tpu.vector_store %arg11[%swap3A_623, %swap3A_624], %mul3A_622 {strides = array<i32>} : memref<128x128xf32, #tpu.memory_space<vmem>>, vector<16xf32>,
        %broadcast_in_dim3A_626 = arith.constant 6 : i32
        %broadcast_in_dim3A_627 = vector.broadcast %broadcast_in_dim3A_626 : i32 to vector<16x1xi32>
        %gather3A_628 = vector.shape_cast %broadcast_in_dim3A_627 : vector<16x1xi32> to vector<16xi32>
        %gather3A_629 = tpu.dynamic_gather %get3A_256[%gather3A_628] in [0] : vector<16xf32>, vector<16xi32> -> vector<16xf32>
        %add3A_630 = arith.constant 6 : i32
        %add3A_631 = arith.addi %mul3A_253, %add3A_630 : i32
        %get3A_632 = arith.index_cast %add3A_631 : i32 to index
        %get3A_633 = arith.constant 0 : index
        %get3A_634 = tpu.vector_load %arg11[%get3A_632, %get3A_633] {strides = array<i32>} : memref<128x128xf32, #tpu.memory_space<vmem>>, vector<16xf32>,
        %mul3A_635 = arith.mulf %get3A_634, %gather3A_629 : vector<16xf32>
        %swap3A_636 = arith.index_cast %add3A_631 : i32 to index
        %swap3A_637 = arith.constant 0 : index
        %swap3A_638 = tpu.vector_load %arg11[%swap3A_636, %swap3A_637] {strides = array<i32>} : memref<128x128xf32, #tpu.memory_space<vmem>>, vector<16xf32>,
        tpu.vector_store %arg11[%swap3A_636, %swap3A_637], %mul3A_635 {strides = array<i32>} : memref<128x128xf32, #tpu.memory_space<vmem>>, vector<16xf32>,
        %get3A_639 = arith.index_cast %add3A_631 : i32 to index
        %get3A_640 = arith.constant 16 : index
        %get3A_641 = tpu.vector_load %arg11[%get3A_639, %get3A_640] {strides = array<i32>} : memref<128x128xf32, #tpu.memory_space<vmem>>, vector<16xf32>,
        %mul3A_642 = arith.mulf %get3A_641, %gather3A_629 : vector<16xf32>
        %swap3A_643 = arith.index_cast %add3A_631 : i32 to index
        %swap3A_644 = arith.constant 16 : index
        %swap3A_645 = tpu.vector_load %arg11[%swap3A_643, %swap3A_644] {strides = array<i32>} : memref<128x128xf32, #tpu.memory_space<vmem>>, vector<16xf32>,
        tpu.vector_store %arg11[%swap3A_643, %swap3A_644], %mul3A_642 {strides = array<i32>} : memref<128x128xf32, #tpu.memory_space<vmem>>, vector<16xf32>,
        %get3A_646 = arith.index_cast %add3A_631 : i32 to index
        %get3A_647 = arith.constant 32 : index
        %get3A_648 = tpu.vector_load %arg11[%get3A_646, %get3A_647] {strides = array<i32>} : memref<128x128xf32, #tpu.memory_space<vmem>>, vector<16xf32>,
        %mul3A_649 = arith.mulf %get3A_648, %gather3A_629 : vector<16xf32>
        %swap3A_650 = arith.index_cast %add3A_631 : i32 to index
        %swap3A_651 = arith.constant 32 : index
        %swap3A_652 = tpu.vector_load %arg11[%swap3A_650, %swap3A_651] {strides = array<i32>} : memref<128x128xf32, #tpu.memory_space<vmem>>, vector<16xf32>,
        tpu.vector_store %arg11[%swap3A_650, %swap3A_651], %mul3A_649 {strides = array<i32>} : memref<128x128xf32, #tpu.memory_space<vmem>>, vector<16xf32>,
        %get3A_653 = arith.index_cast %add3A_631 : i32 to index
        %get3A_654 = arith.constant 48 : index
        %get3A_655 = tpu.vector_load %arg11[%get3A_653, %get3A_654] {strides = array<i32>} : memref<128x128xf32, #tpu.memory_space<vmem>>, vector<16xf32>,
        %mul3A_656 = arith.mulf %get3A_655, %gather3A_629 : vector<16xf32>
        %swap3A_657 = arith.index_cast %add3A_631 : i32 to index
        %swap3A_658 = arith.constant 48 : index
        %swap3A_659 = tpu.vector_load %arg11[%swap3A_657, %swap3A_658] {strides = array<i32>} : memref<128x128xf32, #tpu.memory_space<vmem>>, vector<16xf32>,
        tpu.vector_store %arg11[%swap3A_657, %swap3A_658], %mul3A_656 {strides = array<i32>} : memref<128x128xf32, #tpu.memory_space<vmem>>, vector<16xf32>,
        %get3A_660 = arith.index_cast %add3A_631 : i32 to index
        %get3A_661 = arith.constant 64 : index
        %get3A_662 = tpu.vector_load %arg11[%get3A_660, %get3A_661] {strides = array<i32>} : memref<128x128xf32, #tpu.memory_space<vmem>>, vector<16xf32>,
        %mul3A_663 = arith.mulf %get3A_662, %gather3A_629 : vector<16xf32>
        %swap3A_664 = arith.index_cast %add3A_631 : i32 to index
        %swap3A_665 = arith.constant 64 : index
        %swap3A_666 = tpu.vector_load %arg11[%swap3A_664, %swap3A_665] {strides = array<i32>} : memref<128x128xf32, #tpu.memory_space<vmem>>, vector<16xf32>,
        tpu.vector_store %arg11[%swap3A_664, %swap3A_665], %mul3A_663 {strides = array<i32>} : memref<128x128xf32, #tpu.memory_space<vmem>>, vector<16xf32>,
        %get3A_667 = arith.index_cast %add3A_631 : i32 to index
        %get3A_668 = arith.constant 80 : index
        %get3A_669 = tpu.vector_load %arg11[%get3A_667, %get3A_668] {strides = array<i32>} : memref<128x128xf32, #tpu.memory_space<vmem>>, vector<16xf32>,
        %mul3A_670 = arith.mulf %get3A_669, %gather3A_629 : vector<16xf32>
        %swap3A_671 = arith.index_cast %add3A_631 : i32 to index
        %swap3A_672 = arith.constant 80 : index
        %swap3A_673 = tpu.vector_load %arg11[%swap3A_671, %swap3A_672] {strides = array<i32>} : memref<128x128xf32, #tpu.memory_space<vmem>>, vector<16xf32>,
        tpu.vector_store %arg11[%swap3A_671, %swap3A_672], %mul3A_670 {strides = array<i32>} : memref<128x128xf32, #tpu.memory_space<vmem>>, vector<16xf32>,
        %get3A_674 = arith.index_cast %add3A_631 : i32 to index
        %get3A_675 = arith.constant 96 : index
        %get3A_676 = tpu.vector_load %arg11[%get3A_674, %get3A_675] {strides = array<i32>} : memref<128x128xf32, #tpu.memory_space<vmem>>, vector<16xf32>,
        %mul3A_677 = arith.mulf %get3A_676, %gather3A_629 : vector<16xf32>
        %swap3A_678 = arith.index_cast %add3A_631 : i32 to index
        %swap3A_679 = arith.constant 96 : index
        %swap3A_680 = tpu.vector_load %arg11[%swap3A_678, %swap3A_679] {strides = array<i32>} : memref<128x128xf32, #tpu.memory_space<vmem>>, vector<16xf32>,
        tpu.vector_store %arg11[%swap3A_678, %swap3A_679], %mul3A_677 {strides = array<i32>} : memref<128x128xf32, #tpu.memory_space<vmem>>, vector<16xf32>,
        %get3A_681 = arith.index_cast %add3A_631 : i32 to index
        %get3A_682 = arith.constant 112 : index
        %get3A_683 = tpu.vector_load %arg11[%get3A_681, %get3A_682] {strides = array<i32>} : memref<128x128xf32, #tpu.memory_space<vmem>>, vector<16xf32>,
        %mul3A_684 = arith.mulf %get3A_683, %gather3A_629 : vector<16xf32>
        %swap3A_685 = arith.index_cast %add3A_631 : i32 to index
        %swap3A_686 = arith.constant 112 : index
        %swap3A_687 = tpu.vector_load %arg11[%swap3A_685, %swap3A_686] {strides = array<i32>} : memref<128x128xf32, #tpu.memory_space<vmem>>, vector<16xf32>,
        tpu.vector_store %arg11[%swap3A_685, %swap3A_686], %mul3A_684 {strides = array<i32>} : memref<128x128xf32, #tpu.memory_space<vmem>>, vector<16xf32>,
        %broadcast_in_dim3A_688 = arith.constant 7 : i32
        %broadcast_in_dim3A_689 = vector.broadcast %broadcast_in_dim3A_688 : i32 to vector<16x1xi32>
        %gather3A_690 = vector.shape_cast %broadcast_in_dim3A_689 : vector<16x1xi32> to vector<16xi32>
        %gather3A_691 = tpu.dynamic_gather %get3A_256[%gather3A_690] in [0] : vector<16xf32>, vector<16xi32> -> vector<16xf32>
        %add3A_692 = arith.constant 7 : i32
        %add3A_693 = arith.addi %mul3A_253, %add3A_692 : i32
        %get3A_694 = arith.index_cast %add3A_693 : i32 to index
        %get3A_695 = arith.constant 0 : index
        %get3A_696 = tpu.vector_load %arg11[%get3A_694, %get3A_695] {strides = array<i32>} : memref<128x128xf32, #tpu.memory_space<vmem>>, vector<16xf32>,
        %mul3A_697 = arith.mulf %get3A_696, %gather3A_691 : vector<16xf32>
        %swap3A_698 = arith.index_cast %add3A_693 : i32 to index
        %swap3A_699 = arith.constant 0 : index
        %swap3A_700 = tpu.vector_load %arg11[%swap3A_698, %swap3A_699] {strides = array<i32>} : memref<128x128xf32, #tpu.memory_space<vmem>>, vector<16xf32>,
        tpu.vector_store %arg11[%swap3A_698, %swap3A_699], %mul3A_697 {strides = array<i32>} : memref<128x128xf32, #tpu.memory_space<vmem>>, vector<16xf32>,
        %get3A_701 = arith.index_cast %add3A_693 : i32 to index
        %get3A_702 = arith.constant 16 : index
        %get3A_703 = tpu.vector_load %arg11[%get3A_701, %get3A_702] {strides = array<i32>} : memref<128x128xf32, #tpu.memory_space<vmem>>, vector<16xf32>,
        %mul3A_704 = arith.mulf %get3A_703, %gather3A_691 : vector<16xf32>
        %swap3A_705 = arith.index_cast %add3A_693 : i32 to index
        %swap3A_706 = arith.constant 16 : index
        %swap3A_707 = tpu.vector_load %arg11[%swap3A_705, %swap3A_706] {strides = array<i32>} : memref<128x128xf32, #tpu.memory_space<vmem>>, vector<16xf32>,
        tpu.vector_store %arg11[%swap3A_705, %swap3A_706], %mul3A_704 {strides = array<i32>} : memref<128x128xf32, #tpu.memory_space<vmem>>, vector<16xf32>,
        %get3A_708 = arith.index_cast %add3A_693 : i32 to index
        %get3A_709 = arith.constant 32 : index
        %get3A_710 = tpu.vector_load %arg11[%get3A_708, %get3A_709] {strides = array<i32>} : memref<128x128xf32, #tpu.memory_space<vmem>>, vector<16xf32>,
        %mul3A_711 = arith.mulf %get3A_710, %gather3A_691 : vector<16xf32>
        %swap3A_712 = arith.index_cast %add3A_693 : i32 to index
        %swap3A_713 = arith.constant 32 : index
        %swap3A_714 = tpu.vector_load %arg11[%swap3A_712, %swap3A_713] {strides = array<i32>} : memref<128x128xf32, #tpu.memory_space<vmem>>, vector<16xf32>,
        tpu.vector_store %arg11[%swap3A_712, %swap3A_713], %mul3A_711 {strides = array<i32>} : memref<128x128xf32, #tpu.memory_space<vmem>>, vector<16xf32>,
        %get3A_715 = arith.index_cast %add3A_693 : i32 to index
        %get3A_716 = arith.constant 48 : index
        %get3A_717 = tpu.vector_load %arg11[%get3A_715, %get3A_716] {strides = array<i32>} : memref<128x128xf32, #tpu.memory_space<vmem>>, vector<16xf32>,
        %mul3A_718 = arith.mulf %get3A_717, %gather3A_691 : vector<16xf32>
        %swap3A_719 = arith.index_cast %add3A_693 : i32 to index
        %swap3A_720 = arith.constant 48 : index
        %swap3A_721 = tpu.vector_load %arg11[%swap3A_719, %swap3A_720] {strides = array<i32>} : memref<128x128xf32, #tpu.memory_space<vmem>>, vector<16xf32>,
        tpu.vector_store %arg11[%swap3A_719, %swap3A_720], %mul3A_718 {strides = array<i32>} : memref<128x128xf32, #tpu.memory_space<vmem>>, vector<16xf32>,
        %get3A_722 = arith.index_cast %add3A_693 : i32 to index
        %get3A_723 = arith.constant 64 : index
        %get3A_724 = tpu.vector_load %arg11[%get3A_722, %get3A_723] {strides = array<i32>} : memref<128x128xf32, #tpu.memory_space<vmem>>, vector<16xf32>,
        %mul3A_725 = arith.mulf %get3A_724, %gather3A_691 : vector<16xf32>
        %swap3A_726 = arith.index_cast %add3A_693 : i32 to index
        %swap3A_727 = arith.constant 64 : index
        %swap3A_728 = tpu.vector_load %arg11[%swap3A_726, %swap3A_727] {strides = array<i32>} : memref<128x128xf32, #tpu.memory_space<vmem>>, vector<16xf32>,
        tpu.vector_store %arg11[%swap3A_726, %swap3A_727], %mul3A_725 {strides = array<i32>} : memref<128x128xf32, #tpu.memory_space<vmem>>, vector<16xf32>,
        %get3A_729 = arith.index_cast %add3A_693 : i32 to index
        %get3A_730 = arith.constant 80 : index
        %get3A_731 = tpu.vector_load %arg11[%get3A_729, %get3A_730] {strides = array<i32>} : memref<128x128xf32, #tpu.memory_space<vmem>>, vector<16xf32>,
        %mul3A_732 = arith.mulf %get3A_731, %gather3A_691 : vector<16xf32>
        %swap3A_733 = arith.index_cast %add3A_693 : i32 to index
        %swap3A_734 = arith.constant 80 : index
        %swap3A_735 = tpu.vector_load %arg11[%swap3A_733, %swap3A_734] {strides = array<i32>} : memref<128x128xf32, #tpu.memory_space<vmem>>, vector<16xf32>,
        tpu.vector_store %arg11[%swap3A_733, %swap3A_734], %mul3A_732 {strides = array<i32>} : memref<128x128xf32, #tpu.memory_space<vmem>>, vector<16xf32>,
        %get3A_736 = arith.index_cast %add3A_693 : i32 to index
        %get3A_737 = arith.constant 96 : index
        %get3A_738 = tpu.vector_load %arg11[%get3A_736, %get3A_737] {strides = array<i32>} : memref<128x128xf32, #tpu.memory_space<vmem>>, vector<16xf32>,
        %mul3A_739 = arith.mulf %get3A_738, %gather3A_691 : vector<16xf32>
        %swap3A_740 = arith.index_cast %add3A_693 : i32 to index
        %swap3A_741 = arith.constant 96 : index
        %swap3A_742 = tpu.vector_load %arg11[%swap3A_740, %swap3A_741] {strides = array<i32>} : memref<128x128xf32, #tpu.memory_space<vmem>>, vector<16xf32>,
        tpu.vector_store %arg11[%swap3A_740, %swap3A_741], %mul3A_739 {strides = array<i32>} : memref<128x128xf32, #tpu.memory_space<vmem>>, vector<16xf32>,
        %get3A_743 = arith.index_cast %add3A_693 : i32 to index
        %get3A_744 = arith.constant 112 : index
        %get3A_745 = tpu.vector_load %arg11[%get3A_743, %get3A_744] {strides = array<i32>} : memref<128x128xf32, #tpu.memory_space<vmem>>, vector<16xf32>,
        %mul3A_746 = arith.mulf %get3A_745, %gather3A_691 : vector<16xf32>
        %swap3A_747 = arith.index_cast %add3A_693 : i32 to index
        %swap3A_748 = arith.constant 112 : index
        %swap3A_749 = tpu.vector_load %arg11[%swap3A_747, %swap3A_748] {strides = array<i32>} : memref<128x128xf32, #tpu.memory_space<vmem>>, vector<16xf32>,
        tpu.vector_store %arg11[%swap3A_747, %swap3A_748], %mul3A_746 {strides = array<i32>} : memref<128x128xf32, #tpu.memory_space<vmem>>, vector<16xf32>,
        %broadcast_in_dim3A_750 = arith.constant 8 : i32
        %broadcast_in_dim3A_751 = vector.broadcast %broadcast_in_dim3A_750 : i32 to vector<16x1xi32>
        %gather3A_752 = vector.shape_cast %broadcast_in_dim3A_751 : vector<16x1xi32> to vector<16xi32>
        %gather3A_753 = tpu.dynamic_gather %get3A_256[%gather3A_752] in [0] : vector<16xf32>, vector<16xi32> -> vector<16xf32>
        %add3A_754 = arith.constant 8 : i32
        %add3A_755 = arith.addi %mul3A_253, %add3A_754 : i32
        %get3A_756 = arith.index_cast %add3A_755 : i32 to index
        %get3A_757 = arith.constant 0 : index
        %get3A_758 = tpu.vector_load %arg11[%get3A_756, %get3A_757] {strides = array<i32>} : memref<128x128xf32, #tpu.memory_space<vmem>>, vector<16xf32>,
        %mul3A_759 = arith.mulf %get3A_758, %gather3A_753 : vector<16xf32>
        %swap3A_760 = arith.index_cast %add3A_755 : i32 to index
        %swap3A_761 = arith.constant 0 : index
        %swap3A_762 = tpu.vector_load %arg11[%swap3A_760, %swap3A_761] {strides = array<i32>} : memref<128x128xf32, #tpu.memory_space<vmem>>, vector<16xf32>,
        tpu.vector_store %arg11[%swap3A_760, %swap3A_761], %mul3A_759 {strides = array<i32>} : memref<128x128xf32, #tpu.memory_space<vmem>>, vector<16xf32>,
        %get3A_763 = arith.index_cast %add3A_755 : i32 to index
        %get3A_764 = arith.constant 16 : index
        %get3A_765 = tpu.vector_load %arg11[%get3A_763, %get3A_764] {strides = array<i32>} : memref<128x128xf32, #tpu.memory_space<vmem>>, vector<16xf32>,
        %mul3A_766 = arith.mulf %get3A_765, %gather3A_753 : vector<16xf32>
        %swap3A_767 = arith.index_cast %add3A_755 : i32 to index
        %swap3A_768 = arith.constant 16 : index
        %swap3A_769 = tpu.vector_load %arg11[%swap3A_767, %swap3A_768] {strides = array<i32>} : memref<128x128xf32, #tpu.memory_space<vmem>>, vector<16xf32>,
        tpu.vector_store %arg11[%swap3A_767, %swap3A_768], %mul3A_766 {strides = array<i32>} : memref<128x128xf32, #tpu.memory_space<vmem>>, vector<16xf32>,
        %get3A_770 = arith.index_cast %add3A_755 : i32 to index
        %get3A_771 = arith.constant 32 : index
        %get3A_772 = tpu.vector_load %arg11[%get3A_770, %get3A_771] {strides = array<i32>} : memref<128x128xf32, #tpu.memory_space<vmem>>, vector<16xf32>,
        %mul3A_773 = arith.mulf %get3A_772, %gather3A_753 : vector<16xf32>
        %swap3A_774 = arith.index_cast %add3A_755 : i32 to index
        %swap3A_775 = arith.constant 32 : index
        %swap3A_776 = tpu.vector_load %arg11[%swap3A_774, %swap3A_775] {strides = array<i32>} : memref<128x128xf32, #tpu.memory_space<vmem>>, vector<16xf32>,
        tpu.vector_store %arg11[%swap3A_774, %swap3A_775], %mul3A_773 {strides = array<i32>} : memref<128x128xf32, #tpu.memory_space<vmem>>, vector<16xf32>,
        %get3A_777 = arith.index_cast %add3A_755 : i32 to index
        %get3A_778 = arith.constant 48 : index
        %get3A_779 = tpu.vector_load %arg11[%get3A_777, %get3A_778] {strides = array<i32>} : memref<128x128xf32, #tpu.memory_space<vmem>>, vector<16xf32>,
        %mul3A_780 = arith.mulf %get3A_779, %gather3A_753 : vector<16xf32>
        %swap3A_781 = arith.index_cast %add3A_755 : i32 to index
        %swap3A_782 = arith.constant 48 : index
        %swap3A_783 = tpu.vector_load %arg11[%swap3A_781, %swap3A_782] {strides = array<i32>} : memref<128x128xf32, #tpu.memory_space<vmem>>, vector<16xf32>,
        tpu.vector_store %arg11[%swap3A_781, %swap3A_782], %mul3A_780 {strides = array<i32>} : memref<128x128xf32, #tpu.memory_space<vmem>>, vector<16xf32>,
        %get3A_784 = arith.index_cast %add3A_755 : i32 to index
        %get3A_785 = arith.constant 64 : index
        %get3A_786 = tpu.vector_load %arg11[%get3A_784, %get3A_785] {strides = array<i32>} : memref<128x128xf32, #tpu.memory_space<vmem>>, vector<16xf32>,
        %mul3A_787 = arith.mulf %get3A_786, %gather3A_753 : vector<16xf32>
        %swap3A_788 = arith.index_cast %add3A_755 : i32 to index
        %swap3A_789 = arith.constant 64 : index
        %swap3A_790 = tpu.vector_load %arg11[%swap3A_788, %swap3A_789] {strides = array<i32>} : memref<128x128xf32, #tpu.memory_space<vmem>>, vector<16xf32>,
        tpu.vector_store %arg11[%swap3A_788, %swap3A_789], %mul3A_787 {strides = array<i32>} : memref<128x128xf32, #tpu.memory_space<vmem>>, vector<16xf32>,
        %get3A_791 = arith.index_cast %add3A_755 : i32 to index
        %get3A_792 = arith.constant 80 : index
        %get3A_793 = tpu.vector_load %arg11[%get3A_791, %get3A_792] {strides = array<i32>} : memref<128x128xf32, #tpu.memory_space<vmem>>, vector<16xf32>,
        %mul3A_794 = arith.mulf %get3A_793, %gather3A_753 : vector<16xf32>
        %swap3A_795 = arith.index_cast %add3A_755 : i32 to index
        %swap3A_796 = arith.constant 80 : index
        %swap3A_797 = tpu.vector_load %arg11[%swap3A_795, %swap3A_796] {strides = array<i32>} : memref<128x128xf32, #tpu.memory_space<vmem>>, vector<16xf32>,
        tpu.vector_store %arg11[%swap3A_795, %swap3A_796], %mul3A_794 {strides = array<i32>} : memref<128x128xf32, #tpu.memory_space<vmem>>, vector<16xf32>,
        %get3A_798 = arith.index_cast %add3A_755 : i32 to index
        %get3A_799 = arith.constant 96 : index
        %get3A_800 = tpu.vector_load %arg11[%get3A_798, %get3A_799] {strides = array<i32>} : memref<128x128xf32, #tpu.memory_space<vmem>>, vector<16xf32>,
        %mul3A_801 = arith.mulf %get3A_800, %gather3A_753 : vector<16xf32>
        %swap3A_802 = arith.index_cast %add3A_755 : i32 to index
        %swap3A_803 = arith.constant 96 : index
        %swap3A_804 = tpu.vector_load %arg11[%swap3A_802, %swap3A_803] {strides = array<i32>} : memref<128x128xf32, #tpu.memory_space<vmem>>, vector<16xf32>,
        tpu.vector_store %arg11[%swap3A_802, %swap3A_803], %mul3A_801 {strides = array<i32>} : memref<128x128xf32, #tpu.memory_space<vmem>>, vector<16xf32>,
        %get3A_805 = arith.index_cast %add3A_755 : i32 to index
        %get3A_806 = arith.constant 112 : index
        %get3A_807 = tpu.vector_load %arg11[%get3A_805, %get3A_806] {strides = array<i32>} : memref<128x128xf32, #tpu.memory_space<vmem>>, vector<16xf32>,
        %mul3A_808 = arith.mulf %get3A_807, %gather3A_753 : vector<16xf32>
        %swap3A_809 = arith.index_cast %add3A_755 : i32 to index
        %swap3A_810 = arith.constant 112 : index
        %swap3A_811 = tpu.vector_load %arg11[%swap3A_809, %swap3A_810] {strides = array<i32>} : memref<128x128xf32, #tpu.memory_space<vmem>>, vector<16xf32>,
        tpu.vector_store %arg11[%swap3A_809, %swap3A_810], %mul3A_808 {strides = array<i32>} : memref<128x128xf32, #tpu.memory_space<vmem>>, vector<16xf32>,
        %broadcast_in_dim3A_812 = arith.constant 9 : i32
        %broadcast_in_dim3A_813 = vector.broadcast %broadcast_in_dim3A_812 : i32 to vector<16x1xi32>
        %gather3A_814 = vector.shape_cast %broadcast_in_dim3A_813 : vector<16x1xi32> to vector<16xi32>
        %gather3A_815 = tpu.dynamic_gather %get3A_256[%gather3A_814] in [0] : vector<16xf32>, vector<16xi32> -> vector<16xf32>
        %add3A_816 = arith.constant 9 : i32
        %add3A_817 = arith.addi %mul3A_253, %add3A_816 : i32
        %get3A_818 = arith.index_cast %add3A_817 : i32 to index
        %get3A_819 = arith.constant 0 : index
        %get3A_820 = tpu.vector_load %arg11[%get3A_818, %get3A_819] {strides = array<i32>} : memref<128x128xf32, #tpu.memory_space<vmem>>, vector<16xf32>,
        %mul3A_821 = arith.mulf %get3A_820, %gather3A_815 : vector<16xf32>
        %swap3A_822 = arith.index_cast %add3A_817 : i32 to index
        %swap3A_823 = arith.constant 0 : index
        %swap3A_824 = tpu.vector_load %arg11[%swap3A_822, %swap3A_823] {strides = array<i32>} : memref<128x128xf32, #tpu.memory_space<vmem>>, vector<16xf32>,
        tpu.vector_store %arg11[%swap3A_822, %swap3A_823], %mul3A_821 {strides = array<i32>} : memref<128x128xf32, #tpu.memory_space<vmem>>, vector<16xf32>,
        %get3A_825 = arith.index_cast %add3A_817 : i32 to index
        %get3A_826 = arith.constant 16 : index
        %get3A_827 = tpu.vector_load %arg11[%get3A_825, %get3A_826] {strides = array<i32>} : memref<128x128xf32, #tpu.memory_space<vmem>>, vector<16xf32>,
        %mul3A_828 = arith.mulf %get3A_827, %gather3A_815 : vector<16xf32>
        %swap3A_829 = arith.index_cast %add3A_817 : i32 to index
        %swap3A_830 = arith.constant 16 : index
        %swap3A_831 = tpu.vector_load %arg11[%swap3A_829, %swap3A_830] {strides = array<i32>} : memref<128x128xf32, #tpu.memory_space<vmem>>, vector<16xf32>,
        tpu.vector_store %arg11[%swap3A_829, %swap3A_830], %mul3A_828 {strides = array<i32>} : memref<128x128xf32, #tpu.memory_space<vmem>>, vector<16xf32>,
        %get3A_832 = arith.index_cast %add3A_817 : i32 to index
        %get3A_833 = arith.constant 32 : index
        %get3A_834 = tpu.vector_load %arg11[%get3A_832, %get3A_833] {strides = array<i32>} : memref<128x128xf32, #tpu.memory_space<vmem>>, vector<16xf32>,
        %mul3A_835 = arith.mulf %get3A_834, %gather3A_815 : vector<16xf32>
        %swap3A_836 = arith.index_cast %add3A_817 : i32 to index
        %swap3A_837 = arith.constant 32 : index
        %swap3A_838 = tpu.vector_load %arg11[%swap3A_836, %swap3A_837] {strides = array<i32>} : memref<128x128xf32, #tpu.memory_space<vmem>>, vector<16xf32>,
        tpu.vector_store %arg11[%swap3A_836, %swap3A_837], %mul3A_835 {strides = array<i32>} : memref<128x128xf32, #tpu.memory_space<vmem>>, vector<16xf32>,
        %get3A_839 = arith.index_cast %add3A_817 : i32 to index
        %get3A_840 = arith.constant 48 : index
        %get3A_841 = tpu.vector_load %arg11[%get3A_839, %get3A_840] {strides = array<i32>} : memref<128x128xf32, #tpu.memory_space<vmem>>, vector<16xf32>,
        %mul3A_842 = arith.mulf %get3A_841, %gather3A_815 : vector<16xf32>
        %swap3A_843 = arith.index_cast %add3A_817 : i32 to index
        %swap3A_844 = arith.constant 48 : index
        %swap3A_845 = tpu.vector_load %arg11[%swap3A_843, %swap3A_844] {strides = array<i32>} : memref<128x128xf32, #tpu.memory_space<vmem>>, vector<16xf32>,
        tpu.vector_store %arg11[%swap3A_843, %swap3A_844], %mul3A_842 {strides = array<i32>} : memref<128x128xf32, #tpu.memory_space<vmem>>, vector<16xf32>,
        %get3A_846 = arith.index_cast %add3A_817 : i32 to index
        %get3A_847 = arith.constant 64 : index
        %get3A_848 = tpu.vector_load %arg11[%get3A_846, %get3A_847] {strides = array<i32>} : memref<128x128xf32, #tpu.memory_space<vmem>>, vector<16xf32>,
        %mul3A_849 = arith.mulf %get3A_848, %gather3A_815 : vector<16xf32>
        %swap3A_850 = arith.index_cast %add3A_817 : i32 to index
        %swap3A_851 = arith.constant 64 : index
        %swap3A_852 = tpu.vector_load %arg11[%swap3A_850, %swap3A_851] {strides = array<i32>} : memref<128x128xf32, #tpu.memory_space<vmem>>, vector<16xf32>,
        tpu.vector_store %arg11[%swap3A_850, %swap3A_851], %mul3A_849 {strides = array<i32>} : memref<128x128xf32, #tpu.memory_space<vmem>>, vector<16xf32>,
        %get3A_853 = arith.index_cast %add3A_817 : i32 to index
        %get3A_854 = arith.constant 80 : index
        %get3A_855 = tpu.vector_load %arg11[%get3A_853, %get3A_854] {strides = array<i32>} : memref<128x128xf32, #tpu.memory_space<vmem>>, vector<16xf32>,
        %mul3A_856 = arith.mulf %get3A_855, %gather3A_815 : vector<16xf32>
        %swap3A_857 = arith.index_cast %add3A_817 : i32 to index
        %swap3A_858 = arith.constant 80 : index
        %swap3A_859 = tpu.vector_load %arg11[%swap3A_857, %swap3A_858] {strides = array<i32>} : memref<128x128xf32, #tpu.memory_space<vmem>>, vector<16xf32>,
        tpu.vector_store %arg11[%swap3A_857, %swap3A_858], %mul3A_856 {strides = array<i32>} : memref<128x128xf32, #tpu.memory_space<vmem>>, vector<16xf32>,
        %get3A_860 = arith.index_cast %add3A_817 : i32 to index
        %get3A_861 = arith.constant 96 : index
        %get3A_862 = tpu.vector_load %arg11[%get3A_860, %get3A_861] {strides = array<i32>} : memref<128x128xf32, #tpu.memory_space<vmem>>, vector<16xf32>,
        %mul3A_863 = arith.mulf %get3A_862, %gather3A_815 : vector<16xf32>
        %swap3A_864 = arith.index_cast %add3A_817 : i32 to index
        %swap3A_865 = arith.constant 96 : index
        %swap3A_866 = tpu.vector_load %arg11[%swap3A_864, %swap3A_865] {strides = array<i32>} : memref<128x128xf32, #tpu.memory_space<vmem>>, vector<16xf32>,
        tpu.vector_store %arg11[%swap3A_864, %swap3A_865], %mul3A_863 {strides = array<i32>} : memref<128x128xf32, #tpu.memory_space<vmem>>, vector<16xf32>,
        %get3A_867 = arith.index_cast %add3A_817 : i32 to index
        %get3A_868 = arith.constant 112 : index
        %get3A_869 = tpu.vector_load %arg11[%get3A_867, %get3A_868] {strides = array<i32>} : memref<128x128xf32, #tpu.memory_space<vmem>>, vector<16xf32>,
        %mul3A_870 = arith.mulf %get3A_869, %gather3A_815 : vector<16xf32>
        %swap3A_871 = arith.index_cast %add3A_817 : i32 to index
        %swap3A_872 = arith.constant 112 : index
        %swap3A_873 = tpu.vector_load %arg11[%swap3A_871, %swap3A_872] {strides = array<i32>} : memref<128x128xf32, #tpu.memory_space<vmem>>, vector<16xf32>,
        tpu.vector_store %arg11[%swap3A_871, %swap3A_872], %mul3A_870 {strides = array<i32>} : memref<128x128xf32, #tpu.memory_space<vmem>>, vector<16xf32>,
        %broadcast_in_dim3A_874 = arith.constant 10 : i32
        %broadcast_in_dim3A_875 = vector.broadcast %broadcast_in_dim3A_874 : i32 to vector<16x1xi32>
        %gather3A_876 = vector.shape_cast %broadcast_in_dim3A_875 : vector<16x1xi32> to vector<16xi32>
        %gather3A_877 = tpu.dynamic_gather %get3A_256[%gather3A_876] in [0] : vector<16xf32>, vector<16xi32> -> vector<16xf32>
        %add3A_878 = arith.constant 10 : i32
        %add3A_879 = arith.addi %mul3A_253, %add3A_878 : i32
        %get3A_880 = arith.index_cast %add3A_879 : i32 to index
        %get3A_881 = arith.constant 0 : index
        %get3A_882 = tpu.vector_load %arg11[%get3A_880, %get3A_881] {strides = array<i32>} : memref<128x128xf32, #tpu.memory_space<vmem>>, vector<16xf32>,
        %mul3A_883 = arith.mulf %get3A_882, %gather3A_877 : vector<16xf32>
        %swap3A_884 = arith.index_cast %add3A_879 : i32 to index
        %swap3A_885 = arith.constant 0 : index
        %swap3A_886 = tpu.vector_load %arg11[%swap3A_884, %swap3A_885] {strides = array<i32>} : memref<128x128xf32, #tpu.memory_space<vmem>>, vector<16xf32>,
        tpu.vector_store %arg11[%swap3A_884, %swap3A_885], %mul3A_883 {strides = array<i32>} : memref<128x128xf32, #tpu.memory_space<vmem>>, vector<16xf32>,
        %get3A_887 = arith.index_cast %add3A_879 : i32 to index
        %get3A_888 = arith.constant 16 : index
        %get3A_889 = tpu.vector_load %arg11[%get3A_887, %get3A_888] {strides = array<i32>} : memref<128x128xf32, #tpu.memory_space<vmem>>, vector<16xf32>,
        %mul3A_890 = arith.mulf %get3A_889, %gather3A_877 : vector<16xf32>
        %swap3A_891 = arith.index_cast %add3A_879 : i32 to index
        %swap3A_892 = arith.constant 16 : index
        %swap3A_893 = tpu.vector_load %arg11[%swap3A_891, %swap3A_892] {strides = array<i32>} : memref<128x128xf32, #tpu.memory_space<vmem>>, vector<16xf32>,
        tpu.vector_store %arg11[%swap3A_891, %swap3A_892], %mul3A_890 {strides = array<i32>} : memref<128x128xf32, #tpu.memory_space<vmem>>, vector<16xf32>,
        %get3A_894 = arith.index_cast %add3A_879 : i32 to index
        %get3A_895 = arith.constant 32 : index
        %get3A_896 = tpu.vector_load %arg11[%get3A_894, %get3A_895] {strides = array<i32>} : memref<128x128xf32, #tpu.memory_space<vmem>>, vector<16xf32>,
        %mul3A_897 = arith.mulf %get3A_896, %gather3A_877 : vector<16xf32>
        %swap3A_898 = arith.index_cast %add3A_879 : i32 to index
        %swap3A_899 = arith.constant 32 : index
        %swap3A_900 = tpu.vector_load %arg11[%swap3A_898, %swap3A_899] {strides = array<i32>} : memref<128x128xf32, #tpu.memory_space<vmem>>, vector<16xf32>,
        tpu.vector_store %arg11[%swap3A_898, %swap3A_899], %mul3A_897 {strides = array<i32>} : memref<128x128xf32, #tpu.memory_space<vmem>>, vector<16xf32>,
        %get3A_901 = arith.index_cast %add3A_879 : i32 to index
        %get3A_902 = arith.constant 48 : index
        %get3A_903 = tpu.vector_load %arg11[%get3A_901, %get3A_902] {strides = array<i32>} : memref<128x128xf32, #tpu.memory_space<vmem>>, vector<16xf32>,
        %mul3A_904 = arith.mulf %get3A_903, %gather3A_877 : vector<16xf32>
        %swap3A_905 = arith.index_cast %add3A_879 : i32 to index
        %swap3A_906 = arith.constant 48 : index
        %swap3A_907 = tpu.vector_load %arg11[%swap3A_905, %swap3A_906] {strides = array<i32>} : memref<128x128xf32, #tpu.memory_space<vmem>>, vector<16xf32>,
        tpu.vector_store %arg11[%swap3A_905, %swap3A_906], %mul3A_904 {strides = array<i32>} : memref<128x128xf32, #tpu.memory_space<vmem>>, vector<16xf32>,
        %get3A_908 = arith.index_cast %add3A_879 : i32 to index
        %get3A_909 = arith.constant 64 : index
        %get3A_910 = tpu.vector_load %arg11[%get3A_908, %get3A_909] {strides = array<i32>} : memref<128x128xf32, #tpu.memory_space<vmem>>, vector<16xf32>,
        %mul3A_911 = arith.mulf %get3A_910, %gather3A_877 : vector<16xf32>
        %swap3A_912 = arith.index_cast %add3A_879 : i32 to index
        %swap3A_913 = arith.constant 64 : index
        %swap3A_914 = tpu.vector_load %arg11[%swap3A_912, %swap3A_913] {strides = array<i32>} : memref<128x128xf32, #tpu.memory_space<vmem>>, vector<16xf32>,
        tpu.vector_store %arg11[%swap3A_912, %swap3A_913], %mul3A_911 {strides = array<i32>} : memref<128x128xf32, #tpu.memory_space<vmem>>, vector<16xf32>,
        %get3A_915 = arith.index_cast %add3A_879 : i32 to index
        %get3A_916 = arith.constant 80 : index
        %get3A_917 = tpu.vector_load %arg11[%get3A_915, %get3A_916] {strides = array<i32>} : memref<128x128xf32, #tpu.memory_space<vmem>>, vector<16xf32>,
        %mul3A_918 = arith.mulf %get3A_917, %gather3A_877 : vector<16xf32>
        %swap3A_919 = arith.index_cast %add3A_879 : i32 to index
        %swap3A_920 = arith.constant 80 : index
        %swap3A_921 = tpu.vector_load %arg11[%swap3A_919, %swap3A_920] {strides = array<i32>} : memref<128x128xf32, #tpu.memory_space<vmem>>, vector<16xf32>,
        tpu.vector_store %arg11[%swap3A_919, %swap3A_920], %mul3A_918 {strides = array<i32>} : memref<128x128xf32, #tpu.memory_space<vmem>>, vector<16xf32>,
        %get3A_922 = arith.index_cast %add3A_879 : i32 to index
        %get3A_923 = arith.constant 96 : index
        %get3A_924 = tpu.vector_load %arg11[%get3A_922, %get3A_923] {strides = array<i32>} : memref<128x128xf32, #tpu.memory_space<vmem>>, vector<16xf32>,
        %mul3A_925 = arith.mulf %get3A_924, %gather3A_877 : vector<16xf32>
        %swap3A_926 = arith.index_cast %add3A_879 : i32 to index
        %swap3A_927 = arith.constant 96 : index
        %swap3A_928 = tpu.vector_load %arg11[%swap3A_926, %swap3A_927] {strides = array<i32>} : memref<128x128xf32, #tpu.memory_space<vmem>>, vector<16xf32>,
        tpu.vector_store %arg11[%swap3A_926, %swap3A_927], %mul3A_925 {strides = array<i32>} : memref<128x128xf32, #tpu.memory_space<vmem>>, vector<16xf32>,
        %get3A_929 = arith.index_cast %add3A_879 : i32 to index
        %get3A_930 = arith.constant 112 : index
        %get3A_931 = tpu.vector_load %arg11[%get3A_929, %get3A_930] {strides = array<i32>} : memref<128x128xf32, #tpu.memory_space<vmem>>, vector<16xf32>,
        %mul3A_932 = arith.mulf %get3A_931, %gather3A_877 : vector<16xf32>
        %swap3A_933 = arith.index_cast %add3A_879 : i32 to index
        %swap3A_934 = arith.constant 112 : index
        %swap3A_935 = tpu.vector_load %arg11[%swap3A_933, %swap3A_934] {strides = array<i32>} : memref<128x128xf32, #tpu.memory_space<vmem>>, vector<16xf32>,
        tpu.vector_store %arg11[%swap3A_933, %swap3A_934], %mul3A_932 {strides = array<i32>} : memref<128x128xf32, #tpu.memory_space<vmem>>, vector<16xf32>,
        %broadcast_in_dim3A_936 = arith.constant 11 : i32
        %broadcast_in_dim3A_937 = vector.broadcast %broadcast_in_dim3A_936 : i32 to vector<16x1xi32>
        %gather3A_938 = vector.shape_cast %broadcast_in_dim3A_937 : vector<16x1xi32> to vector<16xi32>
        %gather3A_939 = tpu.dynamic_gather %get3A_256[%gather3A_938] in [0] : vector<16xf32>, vector<16xi32> -> vector<16xf32>
        %add3A_940 = arith.constant 11 : i32
        %add3A_941 = arith.addi %mul3A_253, %add3A_940 : i32
        %get3A_942 = arith.index_cast %add3A_941 : i32 to index
        %get3A_943 = arith.constant 0 : index
        %get3A_944 = tpu.vector_load %arg11[%get3A_942, %get3A_943] {strides = array<i32>} : memref<128x128xf32, #tpu.memory_space<vmem>>, vector<16xf32>,
        %mul3A_945 = arith.mulf %get3A_944, %gather3A_939 : vector<16xf32>
        %swap3A_946 = arith.index_cast %add3A_941 : i32 to index
        %swap3A_947 = arith.constant 0 : index
        %swap3A_948 = tpu.vector_load %arg11[%swap3A_946, %swap3A_947] {strides = array<i32>} : memref<128x128xf32, #tpu.memory_space<vmem>>, vector<16xf32>,
        tpu.vector_store %arg11[%swap3A_946, %swap3A_947], %mul3A_945 {strides = array<i32>} : memref<128x128xf32, #tpu.memory_space<vmem>>, vector<16xf32>,
        %get3A_949 = arith.index_cast %add3A_941 : i32 to index
        %get3A_950 = arith.constant 16 : index
        %get3A_951 = tpu.vector_load %arg11[%get3A_949, %get3A_950] {strides = array<i32>} : memref<128x128xf32, #tpu.memory_space<vmem>>, vector<16xf32>,
        %mul3A_952 = arith.mulf %get3A_951, %gather3A_939 : vector<16xf32>
        %swap3A_953 = arith.index_cast %add3A_941 : i32 to index
        %swap3A_954 = arith.constant 16 : index
        %swap3A_955 = tpu.vector_load %arg11[%swap3A_953, %swap3A_954] {strides = array<i32>} : memref<128x128xf32, #tpu.memory_space<vmem>>, vector<16xf32>,
        tpu.vector_store %arg11[%swap3A_953, %swap3A_954], %mul3A_952 {strides = array<i32>} : memref<128x128xf32, #tpu.memory_space<vmem>>, vector<16xf32>,
        %get3A_956 = arith.index_cast %add3A_941 : i32 to index
        %get3A_957 = arith.constant 32 : index
        %get3A_958 = tpu.vector_load %arg11[%get3A_956, %get3A_957] {strides = array<i32>} : memref<128x128xf32, #tpu.memory_space<vmem>>, vector<16xf32>,
        %mul3A_959 = arith.mulf %get3A_958, %gather3A_939 : vector<16xf32>
        %swap3A_960 = arith.index_cast %add3A_941 : i32 to index
        %swap3A_961 = arith.constant 32 : index
        %swap3A_962 = tpu.vector_load %arg11[%swap3A_960, %swap3A_961] {strides = array<i32>} : memref<128x128xf32, #tpu.memory_space<vmem>>, vector<16xf32>,
        tpu.vector_store %arg11[%swap3A_960, %swap3A_961], %mul3A_959 {strides = array<i32>} : memref<128x128xf32, #tpu.memory_space<vmem>>, vector<16xf32>,
        %get3A_963 = arith.index_cast %add3A_941 : i32 to index
        %get3A_964 = arith.constant 48 : index
        %get3A_965 = tpu.vector_load %arg11[%get3A_963, %get3A_964] {strides = array<i32>} : memref<128x128xf32, #tpu.memory_space<vmem>>, vector<16xf32>,
        %mul3A_966 = arith.mulf %get3A_965, %gather3A_939 : vector<16xf32>
        %swap3A_967 = arith.index_cast %add3A_941 : i32 to index
        %swap3A_968 = arith.constant 48 : index
        %swap3A_969 = tpu.vector_load %arg11[%swap3A_967, %swap3A_968] {strides = array<i32>} : memref<128x128xf32, #tpu.memory_space<vmem>>, vector<16xf32>,
        tpu.vector_store %arg11[%swap3A_967, %swap3A_968], %mul3A_966 {strides = array<i32>} : memref<128x128xf32, #tpu.memory_space<vmem>>, vector<16xf32>,
        %get3A_970 = arith.index_cast %add3A_941 : i32 to index
        %get3A_971 = arith.constant 64 : index
        %get3A_972 = tpu.vector_load %arg11[%get3A_970, %get3A_971] {strides = array<i32>} : memref<128x128xf32, #tpu.memory_space<vmem>>, vector<16xf32>,
        %mul3A_973 = arith.mulf %get3A_972, %gather3A_939 : vector<16xf32>
        %swap3A_974 = arith.index_cast %add3A_941 : i32 to index
        %swap3A_975 = arith.constant 64 : index
        %swap3A_976 = tpu.vector_load %arg11[%swap3A_974, %swap3A_975] {strides = array<i32>} : memref<128x128xf32, #tpu.memory_space<vmem>>, vector<16xf32>,
        tpu.vector_store %arg11[%swap3A_974, %swap3A_975], %mul3A_973 {strides = array<i32>} : memref<128x128xf32, #tpu.memory_space<vmem>>, vector<16xf32>,
        %get3A_977 = arith.index_cast %add3A_941 : i32 to index
        %get3A_978 = arith.constant 80 : index
        %get3A_979 = tpu.vector_load %arg11[%get3A_977, %get3A_978] {strides = array<i32>} : memref<128x128xf32, #tpu.memory_space<vmem>>, vector<16xf32>,
        %mul3A_980 = arith.mulf %get3A_979, %gather3A_939 : vector<16xf32>
        %swap3A_981 = arith.index_cast %add3A_941 : i32 to index
        %swap3A_982 = arith.constant 80 : index
        %swap3A_983 = tpu.vector_load %arg11[%swap3A_981, %swap3A_982] {strides = array<i32>} : memref<128x128xf32, #tpu.memory_space<vmem>>, vector<16xf32>,
        tpu.vector_store %arg11[%swap3A_981, %swap3A_982], %mul3A_980 {strides = array<i32>} : memref<128x128xf32, #tpu.memory_space<vmem>>, vector<16xf32>,
        %get3A_984 = arith.index_cast %add3A_941 : i32 to index
        %get3A_985 = arith.constant 96 : index
        %get3A_986 = tpu.vector_load %arg11[%get3A_984, %get3A_985] {strides = array<i32>} : memref<128x128xf32, #tpu.memory_space<vmem>>, vector<16xf32>,
        %mul3A_987 = arith.mulf %get3A_986, %gather3A_939 : vector<16xf32>
        %swap3A_988 = arith.index_cast %add3A_941 : i32 to index
        %swap3A_989 = arith.constant 96 : index
        %swap3A_990 = tpu.vector_load %arg11[%swap3A_988, %swap3A_989] {strides = array<i32>} : memref<128x128xf32, #tpu.memory_space<vmem>>, vector<16xf32>,
        tpu.vector_store %arg11[%swap3A_988, %swap3A_989], %mul3A_987 {strides = array<i32>} : memref<128x128xf32, #tpu.memory_space<vmem>>, vector<16xf32>,
        %get3A_991 = arith.index_cast %add3A_941 : i32 to index
        %get3A_992 = arith.constant 112 : index
        %get3A_993 = tpu.vector_load %arg11[%get3A_991, %get3A_992] {strides = array<i32>} : memref<128x128xf32, #tpu.memory_space<vmem>>, vector<16xf32>,
        %mul3A_994 = arith.mulf %get3A_993, %gather3A_939 : vector<16xf32>
        %swap3A_995 = arith.index_cast %add3A_941 : i32 to index
        %swap3A_996 = arith.constant 112 : index
        %swap3A_997 = tpu.vector_load %arg11[%swap3A_995, %swap3A_996] {strides = array<i32>} : memref<128x128xf32, #tpu.memory_space<vmem>>, vector<16xf32>,
        tpu.vector_store %arg11[%swap3A_995, %swap3A_996], %mul3A_994 {strides = array<i32>} : memref<128x128xf32, #tpu.memory_space<vmem>>, vector<16xf32>,
        %broadcast_in_dim3A_998 = arith.constant 12 : i32
        %broadcast_in_dim3A_999 = vector.broadcast %broadcast_in_dim3A_998 : i32 to vector<16x1xi32>
        %gather3A_1000 = vector.shape_cast %broadcast_in_dim3A_999 : vector<16x1xi32> to vector<16xi32>
        %gather3A_1001 = tpu.dynamic_gather %get3A_256[%gather3A_1000] in [0] : vector<16xf32>, vector<16xi32> -> vector<16xf32>
        %add3A_1002 = arith.constant 12 : i32
        %add3A_1003 = arith.addi %mul3A_253, %add3A_1002 : i32
        %get3A_1004 = arith.index_cast %add3A_1003 : i32 to index
        %get3A_1005 = arith.constant 0 : index
        %get3A_1006 = tpu.vector_load %arg11[%get3A_1004, %get3A_1005] {strides = array<i32>} : memref<128x128xf32, #tpu.memory_space<vmem>>, vector<16xf32>,
        %mul3A_1007 = arith.mulf %get3A_1006, %gather3A_1001 : vector<16xf32>
        %swap3A_1008 = arith.index_cast %add3A_1003 : i32 to index
        %swap3A_1009 = arith.constant 0 : index
        %swap3A_1010 = tpu.vector_load %arg11[%swap3A_1008, %swap3A_1009] {strides = array<i32>} : memref<128x128xf32, #tpu.memory_space<vmem>>, vector<16xf32>,
        tpu.vector_store %arg11[%swap3A_1008, %swap3A_1009], %mul3A_1007 {strides = array<i32>} : memref<128x128xf32, #tpu.memory_space<vmem>>, vector<16xf32>,
        %get3A_1011 = arith.index_cast %add3A_1003 : i32 to index
        %get3A_1012 = arith.constant 16 : index
        %get3A_1013 = tpu.vector_load %arg11[%get3A_1011, %get3A_1012] {strides = array<i32>} : memref<128x128xf32, #tpu.memory_space<vmem>>, vector<16xf32>,
        %mul3A_1014 = arith.mulf %get3A_1013, %gather3A_1001 : vector<16xf32>
        %swap3A_1015 = arith.index_cast %add3A_1003 : i32 to index
        %swap3A_1016 = arith.constant 16 : index
        %swap3A_1017 = tpu.vector_load %arg11[%swap3A_1015, %swap3A_1016] {strides = array<i32>} : memref<128x128xf32, #tpu.memory_space<vmem>>, vector<16xf32>,
        tpu.vector_store %arg11[%swap3A_1015, %swap3A_1016], %mul3A_1014 {strides = array<i32>} : memref<128x128xf32, #tpu.memory_space<vmem>>, vector<16xf32>,
        %get3A_1018 = arith.index_cast %add3A_1003 : i32 to index
        %get3A_1019 = arith.constant 32 : index
        %get3A_1020 = tpu.vector_load %arg11[%get3A_1018, %get3A_1019] {strides = array<i32>} : memref<128x128xf32, #tpu.memory_space<vmem>>, vector<16xf32>,
        %mul3A_1021 = arith.mulf %get3A_1020, %gather3A_1001 : vector<16xf32>
        %swap3A_1022 = arith.index_cast %add3A_1003 : i32 to index
        %swap3A_1023 = arith.constant 32 : index
        %swap3A_1024 = tpu.vector_load %arg11[%swap3A_1022, %swap3A_1023] {strides = array<i32>} : memref<128x128xf32, #tpu.memory_space<vmem>>, vector<16xf32>,
        tpu.vector_store %arg11[%swap3A_1022, %swap3A_1023], %mul3A_1021 {strides = array<i32>} : memref<128x128xf32, #tpu.memory_space<vmem>>, vector<16xf32>,
        %get3A_1025 = arith.index_cast %add3A_1003 : i32 to index
        %get3A_1026 = arith.constant 48 : index
        %get3A_1027 = tpu.vector_load %arg11[%get3A_1025, %get3A_1026] {strides = array<i32>} : memref<128x128xf32, #tpu.memory_space<vmem>>, vector<16xf32>,
        %mul3A_1028 = arith.mulf %get3A_1027, %gather3A_1001 : vector<16xf32>
        %swap3A_1029 = arith.index_cast %add3A_1003 : i32 to index
        %swap3A_1030 = arith.constant 48 : index
        %swap3A_1031 = tpu.vector_load %arg11[%swap3A_1029, %swap3A_1030] {strides = array<i32>} : memref<128x128xf32, #tpu.memory_space<vmem>>, vector<16xf32>,
        tpu.vector_store %arg11[%swap3A_1029, %swap3A_1030], %mul3A_1028 {strides = array<i32>} : memref<128x128xf32, #tpu.memory_space<vmem>>, vector<16xf32>,
        %get3A_1032 = arith.index_cast %add3A_1003 : i32 to index
        %get3A_1033 = arith.constant 64 : index
        %get3A_1034 = tpu.vector_load %arg11[%get3A_1032, %get3A_1033] {strides = array<i32>} : memref<128x128xf32, #tpu.memory_space<vmem>>, vector<16xf32>,
        %mul3A_1035 = arith.mulf %get3A_1034, %gather3A_1001 : vector<16xf32>
        %swap3A_1036 = arith.index_cast %add3A_1003 : i32 to index
        %swap3A_1037 = arith.constant 64 : index
        %swap3A_1038 = tpu.vector_load %arg11[%swap3A_1036, %swap3A_1037] {strides = array<i32>} : memref<128x128xf32, #tpu.memory_space<vmem>>, vector<16xf32>,
        tpu.vector_store %arg11[%swap3A_1036, %swap3A_1037], %mul3A_1035 {strides = array<i32>} : memref<128x128xf32, #tpu.memory_space<vmem>>, vector<16xf32>,
        %get3A_1039 = arith.index_cast %add3A_1003 : i32 to index
        %get3A_1040 = arith.constant 80 : index
        %get3A_1041 = tpu.vector_load %arg11[%get3A_1039, %get3A_1040] {strides = array<i32>} : memref<128x128xf32, #tpu.memory_space<vmem>>, vector<16xf32>,
        %mul3A_1042 = arith.mulf %get3A_1041, %gather3A_1001 : vector<16xf32>
        %swap3A_1043 = arith.index_cast %add3A_1003 : i32 to index
        %swap3A_1044 = arith.constant 80 : index
        %swap3A_1045 = tpu.vector_load %arg11[%swap3A_1043, %swap3A_1044] {strides = array<i32>} : memref<128x128xf32, #tpu.memory_space<vmem>>, vector<16xf32>,
        tpu.vector_store %arg11[%swap3A_1043, %swap3A_1044], %mul3A_1042 {strides = array<i32>} : memref<128x128xf32, #tpu.memory_space<vmem>>, vector<16xf32>,
        %get3A_1046 = arith.index_cast %add3A_1003 : i32 to index
        %get3A_1047 = arith.constant 96 : index
        %get3A_1048 = tpu.vector_load %arg11[%get3A_1046, %get3A_1047] {strides = array<i32>} : memref<128x128xf32, #tpu.memory_space<vmem>>, vector<16xf32>,
        %mul3A_1049 = arith.mulf %get3A_1048, %gather3A_1001 : vector<16xf32>
        %swap3A_1050 = arith.index_cast %add3A_1003 : i32 to index
        %swap3A_1051 = arith.constant 96 : index
        %swap3A_1052 = tpu.vector_load %arg11[%swap3A_1050, %swap3A_1051] {strides = array<i32>} : memref<128x128xf32, #tpu.memory_space<vmem>>, vector<16xf32>,
        tpu.vector_store %arg11[%swap3A_1050, %swap3A_1051], %mul3A_1049 {strides = array<i32>} : memref<128x128xf32, #tpu.memory_space<vmem>>, vector<16xf32>,
        %get3A_1053 = arith.index_cast %add3A_1003 : i32 to index
        %get3A_1054 = arith.constant 112 : index
        %get3A_1055 = tpu.vector_load %arg11[%get3A_1053, %get3A_1054] {strides = array<i32>} : memref<128x128xf32, #tpu.memory_space<vmem>>, vector<16xf32>,
        %mul3A_1056 = arith.mulf %get3A_1055, %gather3A_1001 : vector<16xf32>
        %swap3A_1057 = arith.index_cast %add3A_1003 : i32 to index
        %swap3A_1058 = arith.constant 112 : index
        %swap3A_1059 = tpu.vector_load %arg11[%swap3A_1057, %swap3A_1058] {strides = array<i32>} : memref<128x128xf32, #tpu.memory_space<vmem>>, vector<16xf32>,
        tpu.vector_store %arg11[%swap3A_1057, %swap3A_1058], %mul3A_1056 {strides = array<i32>} : memref<128x128xf32, #tpu.memory_space<vmem>>, vector<16xf32>,
        %broadcast_in_dim3A_1060 = arith.constant 13 : i32
        %broadcast_in_dim3A_1061 = vector.broadcast %broadcast_in_dim3A_1060 : i32 to vector<16x1xi32>
        %gather3A_1062 = vector.shape_cast %broadcast_in_dim3A_1061 : vector<16x1xi32> to vector<16xi32>
        %gather3A_1063 = tpu.dynamic_gather %get3A_256[%gather3A_1062] in [0] : vector<16xf32>, vector<16xi32> -> vector<16xf32>
        %add3A_1064 = arith.constant 13 : i32
        %add3A_1065 = arith.addi %mul3A_253, %add3A_1064 : i32
        %get3A_1066 = arith.index_cast %add3A_1065 : i32 to index
        %get3A_1067 = arith.constant 0 : index
        %get3A_1068 = tpu.vector_load %arg11[%get3A_1066, %get3A_1067] {strides = array<i32>} : memref<128x128xf32, #tpu.memory_space<vmem>>, vector<16xf32>,
        %mul3A_1069 = arith.mulf %get3A_1068, %gather3A_1063 : vector<16xf32>
        %swap3A_1070 = arith.index_cast %add3A_1065 : i32 to index
        %swap3A_1071 = arith.constant 0 : index
        %swap3A_1072 = tpu.vector_load %arg11[%swap3A_1070, %swap3A_1071] {strides = array<i32>} : memref<128x128xf32, #tpu.memory_space<vmem>>, vector<16xf32>,
        tpu.vector_store %arg11[%swap3A_1070, %swap3A_1071], %mul3A_1069 {strides = array<i32>} : memref<128x128xf32, #tpu.memory_space<vmem>>, vector<16xf32>,
        %get3A_1073 = arith.index_cast %add3A_1065 : i32 to index
        %get3A_1074 = arith.constant 16 : index
        %get3A_1075 = tpu.vector_load %arg11[%get3A_1073, %get3A_1074] {strides = array<i32>} : memref<128x128xf32, #tpu.memory_space<vmem>>, vector<16xf32>,
        %mul3A_1076 = arith.mulf %get3A_1075, %gather3A_1063 : vector<16xf32>
        %swap3A_1077 = arith.index_cast %add3A_1065 : i32 to index
        %swap3A_1078 = arith.constant 16 : index
        %swap3A_1079 = tpu.vector_load %arg11[%swap3A_1077, %swap3A_1078] {strides = array<i32>} : memref<128x128xf32, #tpu.memory_space<vmem>>, vector<16xf32>,
        tpu.vector_store %arg11[%swap3A_1077, %swap3A_1078], %mul3A_1076 {strides = array<i32>} : memref<128x128xf32, #tpu.memory_space<vmem>>, vector<16xf32>,
        %get3A_1080 = arith.index_cast %add3A_1065 : i32 to index
        %get3A_1081 = arith.constant 32 : index
        %get3A_1082 = tpu.vector_load %arg11[%get3A_1080, %get3A_1081] {strides = array<i32>} : memref<128x128xf32, #tpu.memory_space<vmem>>, vector<16xf32>,
        %mul3A_1083 = arith.mulf %get3A_1082, %gather3A_1063 : vector<16xf32>
        %swap3A_1084 = arith.index_cast %add3A_1065 : i32 to index
        %swap3A_1085 = arith.constant 32 : index
        %swap3A_1086 = tpu.vector_load %arg11[%swap3A_1084, %swap3A_1085] {strides = array<i32>} : memref<128x128xf32, #tpu.memory_space<vmem>>, vector<16xf32>,
        tpu.vector_store %arg11[%swap3A_1084, %swap3A_1085], %mul3A_1083 {strides = array<i32>} : memref<128x128xf32, #tpu.memory_space<vmem>>, vector<16xf32>,
        %get3A_1087 = arith.index_cast %add3A_1065 : i32 to index
        %get3A_1088 = arith.constant 48 : index
        %get3A_1089 = tpu.vector_load %arg11[%get3A_1087, %get3A_1088] {strides = array<i32>} : memref<128x128xf32, #tpu.memory_space<vmem>>, vector<16xf32>,
        %mul3A_1090 = arith.mulf %get3A_1089, %gather3A_1063 : vector<16xf32>
        %swap3A_1091 = arith.index_cast %add3A_1065 : i32 to index
        %swap3A_1092 = arith.constant 48 : index
        %swap3A_1093 = tpu.vector_load %arg11[%swap3A_1091, %swap3A_1092] {strides = array<i32>} : memref<128x128xf32, #tpu.memory_space<vmem>>, vector<16xf32>,
        tpu.vector_store %arg11[%swap3A_1091, %swap3A_1092], %mul3A_1090 {strides = array<i32>} : memref<128x128xf32, #tpu.memory_space<vmem>>, vector<16xf32>,
        %get3A_1094 = arith.index_cast %add3A_1065 : i32 to index
        %get3A_1095 = arith.constant 64 : index
        %get3A_1096 = tpu.vector_load %arg11[%get3A_1094, %get3A_1095] {strides = array<i32>} : memref<128x128xf32, #tpu.memory_space<vmem>>, vector<16xf32>,
        %mul3A_1097 = arith.mulf %get3A_1096, %gather3A_1063 : vector<16xf32>
        %swap3A_1098 = arith.index_cast %add3A_1065 : i32 to index
        %swap3A_1099 = arith.constant 64 : index
        %swap3A_1100 = tpu.vector_load %arg11[%swap3A_1098, %swap3A_1099] {strides = array<i32>} : memref<128x128xf32, #tpu.memory_space<vmem>>, vector<16xf32>,
        tpu.vector_store %arg11[%swap3A_1098, %swap3A_1099], %mul3A_1097 {strides = array<i32>} : memref<128x128xf32, #tpu.memory_space<vmem>>, vector<16xf32>,
        %get3A_1101 = arith.index_cast %add3A_1065 : i32 to index
        %get3A_1102 = arith.constant 80 : index
        %get3A_1103 = tpu.vector_load %arg11[%get3A_1101, %get3A_1102] {strides = array<i32>} : memref<128x128xf32, #tpu.memory_space<vmem>>, vector<16xf32>,
        %mul3A_1104 = arith.mulf %get3A_1103, %gather3A_1063 : vector<16xf32>
        %swap3A_1105 = arith.index_cast %add3A_1065 : i32 to index
        %swap3A_1106 = arith.constant 80 : index
        %swap3A_1107 = tpu.vector_load %arg11[%swap3A_1105, %swap3A_1106] {strides = array<i32>} : memref<128x128xf32, #tpu.memory_space<vmem>>, vector<16xf32>,
        tpu.vector_store %arg11[%swap3A_1105, %swap3A_1106], %mul3A_1104 {strides = array<i32>} : memref<128x128xf32, #tpu.memory_space<vmem>>, vector<16xf32>,
        %get3A_1108 = arith.index_cast %add3A_1065 : i32 to index
        %get3A_1109 = arith.constant 96 : index
        %get3A_1110 = tpu.vector_load %arg11[%get3A_1108, %get3A_1109] {strides = array<i32>} : memref<128x128xf32, #tpu.memory_space<vmem>>, vector<16xf32>,
        %mul3A_1111 = arith.mulf %get3A_1110, %gather3A_1063 : vector<16xf32>
        %swap3A_1112 = arith.index_cast %add3A_1065 : i32 to index
        %swap3A_1113 = arith.constant 96 : index
        %swap3A_1114 = tpu.vector_load %arg11[%swap3A_1112, %swap3A_1113] {strides = array<i32>} : memref<128x128xf32, #tpu.memory_space<vmem>>, vector<16xf32>,
        tpu.vector_store %arg11[%swap3A_1112, %swap3A_1113], %mul3A_1111 {strides = array<i32>} : memref<128x128xf32, #tpu.memory_space<vmem>>, vector<16xf32>,
        %get3A_1115 = arith.index_cast %add3A_1065 : i32 to index
        %get3A_1116 = arith.constant 112 : index
        %get3A_1117 = tpu.vector_load %arg11[%get3A_1115, %get3A_1116] {strides = array<i32>} : memref<128x128xf32, #tpu.memory_space<vmem>>, vector<16xf32>,
        %mul3A_1118 = arith.mulf %get3A_1117, %gather3A_1063 : vector<16xf32>
        %swap3A_1119 = arith.index_cast %add3A_1065 : i32 to index
        %swap3A_1120 = arith.constant 112 : index
        %swap3A_1121 = tpu.vector_load %arg11[%swap3A_1119, %swap3A_1120] {strides = array<i32>} : memref<128x128xf32, #tpu.memory_space<vmem>>, vector<16xf32>,
        tpu.vector_store %arg11[%swap3A_1119, %swap3A_1120], %mul3A_1118 {strides = array<i32>} : memref<128x128xf32, #tpu.memory_space<vmem>>, vector<16xf32>,
        %broadcast_in_dim3A_1122 = arith.constant 14 : i32
        %broadcast_in_dim3A_1123 = vector.broadcast %broadcast_in_dim3A_1122 : i32 to vector<16x1xi32>
        %gather3A_1124 = vector.shape_cast %broadcast_in_dim3A_1123 : vector<16x1xi32> to vector<16xi32>
        %gather3A_1125 = tpu.dynamic_gather %get3A_256[%gather3A_1124] in [0] : vector<16xf32>, vector<16xi32> -> vector<16xf32>
        %add3A_1126 = arith.constant 14 : i32
        %add3A_1127 = arith.addi %mul3A_253, %add3A_1126 : i32
        %get3A_1128 = arith.index_cast %add3A_1127 : i32 to index
        %get3A_1129 = arith.constant 0 : index
        %get3A_1130 = tpu.vector_load %arg11[%get3A_1128, %get3A_1129] {strides = array<i32>} : memref<128x128xf32, #tpu.memory_space<vmem>>, vector<16xf32>,
        %mul3A_1131 = arith.mulf %get3A_1130, %gather3A_1125 : vector<16xf32>
        %swap3A_1132 = arith.index_cast %add3A_1127 : i32 to index
        %swap3A_1133 = arith.constant 0 : index
        %swap3A_1134 = tpu.vector_load %arg11[%swap3A_1132, %swap3A_1133] {strides = array<i32>} : memref<128x128xf32, #tpu.memory_space<vmem>>, vector<16xf32>,
        tpu.vector_store %arg11[%swap3A_1132, %swap3A_1133], %mul3A_1131 {strides = array<i32>} : memref<128x128xf32, #tpu.memory_space<vmem>>, vector<16xf32>,
        %get3A_1135 = arith.index_cast %add3A_1127 : i32 to index
        %get3A_1136 = arith.constant 16 : index
        %get3A_1137 = tpu.vector_load %arg11[%get3A_1135, %get3A_1136] {strides = array<i32>} : memref<128x128xf32, #tpu.memory_space<vmem>>, vector<16xf32>,
        %mul3A_1138 = arith.mulf %get3A_1137, %gather3A_1125 : vector<16xf32>
        %swap3A_1139 = arith.index_cast %add3A_1127 : i32 to index
        %swap3A_1140 = arith.constant 16 : index
        %swap3A_1141 = tpu.vector_load %arg11[%swap3A_1139, %swap3A_1140] {strides = array<i32>} : memref<128x128xf32, #tpu.memory_space<vmem>>, vector<16xf32>,
        tpu.vector_store %arg11[%swap3A_1139, %swap3A_1140], %mul3A_1138 {strides = array<i32>} : memref<128x128xf32, #tpu.memory_space<vmem>>, vector<16xf32>,
        %get3A_1142 = arith.index_cast %add3A_1127 : i32 to index
        %get3A_1143 = arith.constant 32 : index
        %get3A_1144 = tpu.vector_load %arg11[%get3A_1142, %get3A_1143] {strides = array<i32>} : memref<128x128xf32, #tpu.memory_space<vmem>>, vector<16xf32>,
        %mul3A_1145 = arith.mulf %get3A_1144, %gather3A_1125 : vector<16xf32>
        %swap3A_1146 = arith.index_cast %add3A_1127 : i32 to index
        %swap3A_1147 = arith.constant 32 : index
        %swap3A_1148 = tpu.vector_load %arg11[%swap3A_1146, %swap3A_1147] {strides = array<i32>} : memref<128x128xf32, #tpu.memory_space<vmem>>, vector<16xf32>,
        tpu.vector_store %arg11[%swap3A_1146, %swap3A_1147], %mul3A_1145 {strides = array<i32>} : memref<128x128xf32, #tpu.memory_space<vmem>>, vector<16xf32>,
        %get3A_1149 = arith.index_cast %add3A_1127 : i32 to index
        %get3A_1150 = arith.constant 48 : index
        %get3A_1151 = tpu.vector_load %arg11[%get3A_1149, %get3A_1150] {strides = array<i32>} : memref<128x128xf32, #tpu.memory_space<vmem>>, vector<16xf32>,
        %mul3A_1152 = arith.mulf %get3A_1151, %gather3A_1125 : vector<16xf32>
        %swap3A_1153 = arith.index_cast %add3A_1127 : i32 to index
        %swap3A_1154 = arith.constant 48 : index
        %swap3A_1155 = tpu.vector_load %arg11[%swap3A_1153, %swap3A_1154] {strides = array<i32>} : memref<128x128xf32, #tpu.memory_space<vmem>>, vector<16xf32>,
        tpu.vector_store %arg11[%swap3A_1153, %swap3A_1154], %mul3A_1152 {strides = array<i32>} : memref<128x128xf32, #tpu.memory_space<vmem>>, vector<16xf32>,
        %get3A_1156 = arith.index_cast %add3A_1127 : i32 to index
        %get3A_1157 = arith.constant 64 : index
        %get3A_1158 = tpu.vector_load %arg11[%get3A_1156, %get3A_1157] {strides = array<i32>} : memref<128x128xf32, #tpu.memory_space<vmem>>, vector<16xf32>,
        %mul3A_1159 = arith.mulf %get3A_1158, %gather3A_1125 : vector<16xf32>
        %swap3A_1160 = arith.index_cast %add3A_1127 : i32 to index
        %swap3A_1161 = arith.constant 64 : index
        %swap3A_1162 = tpu.vector_load %arg11[%swap3A_1160, %swap3A_1161] {strides = array<i32>} : memref<128x128xf32, #tpu.memory_space<vmem>>, vector<16xf32>,
        tpu.vector_store %arg11[%swap3A_1160, %swap3A_1161], %mul3A_1159 {strides = array<i32>} : memref<128x128xf32, #tpu.memory_space<vmem>>, vector<16xf32>,
        %get3A_1163 = arith.index_cast %add3A_1127 : i32 to index
        %get3A_1164 = arith.constant 80 : index
        %get3A_1165 = tpu.vector_load %arg11[%get3A_1163, %get3A_1164] {strides = array<i32>} : memref<128x128xf32, #tpu.memory_space<vmem>>, vector<16xf32>,
        %mul3A_1166 = arith.mulf %get3A_1165, %gather3A_1125 : vector<16xf32>
        %swap3A_1167 = arith.index_cast %add3A_1127 : i32 to index
        %swap3A_1168 = arith.constant 80 : index
        %swap3A_1169 = tpu.vector_load %arg11[%swap3A_1167, %swap3A_1168] {strides = array<i32>} : memref<128x128xf32, #tpu.memory_space<vmem>>, vector<16xf32>,
        tpu.vector_store %arg11[%swap3A_1167, %swap3A_1168], %mul3A_1166 {strides = array<i32>} : memref<128x128xf32, #tpu.memory_space<vmem>>, vector<16xf32>,
        %get3A_1170 = arith.index_cast %add3A_1127 : i32 to index
        %get3A_1171 = arith.constant 96 : index
        %get3A_1172 = tpu.vector_load %arg11[%get3A_1170, %get3A_1171] {strides = array<i32>} : memref<128x128xf32, #tpu.memory_space<vmem>>, vector<16xf32>,
        %mul3A_1173 = arith.mulf %get3A_1172, %gather3A_1125 : vector<16xf32>
        %swap3A_1174 = arith.index_cast %add3A_1127 : i32 to index
        %swap3A_1175 = arith.constant 96 : index
        %swap3A_1176 = tpu.vector_load %arg11[%swap3A_1174, %swap3A_1175] {strides = array<i32>} : memref<128x128xf32, #tpu.memory_space<vmem>>, vector<16xf32>,
        tpu.vector_store %arg11[%swap3A_1174, %swap3A_1175], %mul3A_1173 {strides = array<i32>} : memref<128x128xf32, #tpu.memory_space<vmem>>, vector<16xf32>,
        %get3A_1177 = arith.index_cast %add3A_1127 : i32 to index
        %get3A_1178 = arith.constant 112 : index
        %get3A_1179 = tpu.vector_load %arg11[%get3A_1177, %get3A_1178] {strides = array<i32>} : memref<128x128xf32, #tpu.memory_space<vmem>>, vector<16xf32>,
        %mul3A_1180 = arith.mulf %get3A_1179, %gather3A_1125 : vector<16xf32>
        %swap3A_1181 = arith.index_cast %add3A_1127 : i32 to index
        %swap3A_1182 = arith.constant 112 : index
        %swap3A_1183 = tpu.vector_load %arg11[%swap3A_1181, %swap3A_1182] {strides = array<i32>} : memref<128x128xf32, #tpu.memory_space<vmem>>, vector<16xf32>,
        tpu.vector_store %arg11[%swap3A_1181, %swap3A_1182], %mul3A_1180 {strides = array<i32>} : memref<128x128xf32, #tpu.memory_space<vmem>>, vector<16xf32>,
        %broadcast_in_dim3A_1184 = arith.constant 15 : i32
        %broadcast_in_dim3A_1185 = vector.broadcast %broadcast_in_dim3A_1184 : i32 to vector<16x1xi32>
        %gather3A_1186 = vector.shape_cast %broadcast_in_dim3A_1185 : vector<16x1xi32> to vector<16xi32>
        %gather3A_1187 = tpu.dynamic_gather %get3A_256[%gather3A_1186] in [0] : vector<16xf32>, vector<16xi32> -> vector<16xf32>
        %add3A_1188 = arith.constant 15 : i32
        %add3A_1189 = arith.addi %mul3A_253, %add3A_1188 : i32
        %get3A_1190 = arith.index_cast %add3A_1189 : i32 to index
        %get3A_1191 = arith.constant 0 : index
        %get3A_1192 = tpu.vector_load %arg11[%get3A_1190, %get3A_1191] {strides = array<i32>} : memref<128x128xf32, #tpu.memory_space<vmem>>, vector<16xf32>,
        %mul3A_1193 = arith.mulf %get3A_1192, %gather3A_1187 : vector<16xf32>
        %swap3A_1194 = arith.index_cast %add3A_1189 : i32 to index
        %swap3A_1195 = arith.constant 0 : index
        %swap3A_1196 = tpu.vector_load %arg11[%swap3A_1194, %swap3A_1195] {strides = array<i32>} : memref<128x128xf32, #tpu.memory_space<vmem>>, vector<16xf32>,
        tpu.vector_store %arg11[%swap3A_1194, %swap3A_1195], %mul3A_1193 {strides = array<i32>} : memref<128x128xf32, #tpu.memory_space<vmem>>, vector<16xf32>,
        %get3A_1197 = arith.index_cast %add3A_1189 : i32 to index
        %get3A_1198 = arith.constant 16 : index
        %get3A_1199 = tpu.vector_load %arg11[%get3A_1197, %get3A_1198] {strides = array<i32>} : memref<128x128xf32, #tpu.memory_space<vmem>>, vector<16xf32>,
        %mul3A_1200 = arith.mulf %get3A_1199, %gather3A_1187 : vector<16xf32>
        %swap3A_1201 = arith.index_cast %add3A_1189 : i32 to index
        %swap3A_1202 = arith.constant 16 : index
        %swap3A_1203 = tpu.vector_load %arg11[%swap3A_1201, %swap3A_1202] {strides = array<i32>} : memref<128x128xf32, #tpu.memory_space<vmem>>, vector<16xf32>,
        tpu.vector_store %arg11[%swap3A_1201, %swap3A_1202], %mul3A_1200 {strides = array<i32>} : memref<128x128xf32, #tpu.memory_space<vmem>>, vector<16xf32>,
        %get3A_1204 = arith.index_cast %add3A_1189 : i32 to index
        %get3A_1205 = arith.constant 32 : index
        %get3A_1206 = tpu.vector_load %arg11[%get3A_1204, %get3A_1205] {strides = array<i32>} : memref<128x128xf32, #tpu.memory_space<vmem>>, vector<16xf32>,
        %mul3A_1207 = arith.mulf %get3A_1206, %gather3A_1187 : vector<16xf32>
        %swap3A_1208 = arith.index_cast %add3A_1189 : i32 to index
        %swap3A_1209 = arith.constant 32 : index
        %swap3A_1210 = tpu.vector_load %arg11[%swap3A_1208, %swap3A_1209] {strides = array<i32>} : memref<128x128xf32, #tpu.memory_space<vmem>>, vector<16xf32>,
        tpu.vector_store %arg11[%swap3A_1208, %swap3A_1209], %mul3A_1207 {strides = array<i32>} : memref<128x128xf32, #tpu.memory_space<vmem>>, vector<16xf32>,
        %get3A_1211 = arith.index_cast %add3A_1189 : i32 to index
        %get3A_1212 = arith.constant 48 : index
        %get3A_1213 = tpu.vector_load %arg11[%get3A_1211, %get3A_1212] {strides = array<i32>} : memref<128x128xf32, #tpu.memory_space<vmem>>, vector<16xf32>,
        %mul3A_1214 = arith.mulf %get3A_1213, %gather3A_1187 : vector<16xf32>
        %swap3A_1215 = arith.index_cast %add3A_1189 : i32 to index
        %swap3A_1216 = arith.constant 48 : index
        %swap3A_1217 = tpu.vector_load %arg11[%swap3A_1215, %swap3A_1216] {strides = array<i32>} : memref<128x128xf32, #tpu.memory_space<vmem>>, vector<16xf32>,
        tpu.vector_store %arg11[%swap3A_1215, %swap3A_1216], %mul3A_1214 {strides = array<i32>} : memref<128x128xf32, #tpu.memory_space<vmem>>, vector<16xf32>,
        %get3A_1218 = arith.index_cast %add3A_1189 : i32 to index
        %get3A_1219 = arith.constant 64 : index
        %get3A_1220 = tpu.vector_load %arg11[%get3A_1218, %get3A_1219] {strides = array<i32>} : memref<128x128xf32, #tpu.memory_space<vmem>>, vector<16xf32>,
        %mul3A_1221 = arith.mulf %get3A_1220, %gather3A_1187 : vector<16xf32>
        %swap3A_1222 = arith.index_cast %add3A_1189 : i32 to index
        %swap3A_1223 = arith.constant 64 : index
        %swap3A_1224 = tpu.vector_load %arg11[%swap3A_1222, %swap3A_1223] {strides = array<i32>} : memref<128x128xf32, #tpu.memory_space<vmem>>, vector<16xf32>,
        tpu.vector_store %arg11[%swap3A_1222, %swap3A_1223], %mul3A_1221 {strides = array<i32>} : memref<128x128xf32, #tpu.memory_space<vmem>>, vector<16xf32>,
        %get3A_1225 = arith.index_cast %add3A_1189 : i32 to index
        %get3A_1226 = arith.constant 80 : index
        %get3A_1227 = tpu.vector_load %arg11[%get3A_1225, %get3A_1226] {strides = array<i32>} : memref<128x128xf32, #tpu.memory_space<vmem>>, vector<16xf32>,
        %mul3A_1228 = arith.mulf %get3A_1227, %gather3A_1187 : vector<16xf32>
        %swap3A_1229 = arith.index_cast %add3A_1189 : i32 to index
        %swap3A_1230 = arith.constant 80 : index
        %swap3A_1231 = tpu.vector_load %arg11[%swap3A_1229, %swap3A_1230] {strides = array<i32>} : memref<128x128xf32, #tpu.memory_space<vmem>>, vector<16xf32>,
        tpu.vector_store %arg11[%swap3A_1229, %swap3A_1230], %mul3A_1228 {strides = array<i32>} : memref<128x128xf32, #tpu.memory_space<vmem>>, vector<16xf32>,
        %get3A_1232 = arith.index_cast %add3A_1189 : i32 to index
        %get3A_1233 = arith.constant 96 : index
        %get3A_1234 = tpu.vector_load %arg11[%get3A_1232, %get3A_1233] {strides = array<i32>} : memref<128x128xf32, #tpu.memory_space<vmem>>, vector<16xf32>,
        %mul3A_1235 = arith.mulf %get3A_1234, %gather3A_1187 : vector<16xf32>
        %swap3A_1236 = arith.index_cast %add3A_1189 : i32 to index
        %swap3A_1237 = arith.constant 96 : index
        %swap3A_1238 = tpu.vector_load %arg11[%swap3A_1236, %swap3A_1237] {strides = array<i32>} : memref<128x128xf32, #tpu.memory_space<vmem>>, vector<16xf32>,
        tpu.vector_store %arg11[%swap3A_1236, %swap3A_1237], %mul3A_1235 {strides = array<i32>} : memref<128x128xf32, #tpu.memory_space<vmem>>, vector<16xf32>,
        %get3A_1239 = arith.index_cast %add3A_1189 : i32 to index
        %get3A_1240 = arith.constant 112 : index
        %get3A_1241 = tpu.vector_load %arg11[%get3A_1239, %get3A_1240] {strides = array<i32>} : memref<128x128xf32, #tpu.memory_space<vmem>>, vector<16xf32>,
        %mul3A_1242 = arith.mulf %get3A_1241, %gather3A_1187 : vector<16xf32>
        %swap3A_1243 = arith.index_cast %add3A_1189 : i32 to index
        %swap3A_1244 = arith.constant 112 : index
        %swap3A_1245 = tpu.vector_load %arg11[%swap3A_1243, %swap3A_1244] {strides = array<i32>} : memref<128x128xf32, #tpu.memory_space<vmem>>, vector<16xf32>,
        tpu.vector_store %arg11[%swap3A_1243, %swap3A_1244], %mul3A_1242 {strides = array<i32>} : memref<128x128xf32, #tpu.memory_space<vmem>>, vector<16xf32>,
      }
      %scan3A_184 = arith.constant 8 : i32
      %run_scoped3A = arith.constant 0 : i32
      "tpu.region"() ({
        %run_scoped3A_247 = tpu.sem_alloc : memref<!tpu.dma_semaphore, #tpu.memory_space<semaphore_mem>>
        %dma_start3A_248 = arith.constant 0 : i32
        %dma_start3A_249 = tpu.memref_slice %arg9[%run_scoped3A, %dma_start3A_248] : memref<2x128xi32, #tpu.memory_space<vmem>> -> memref<1x128xi32, #tpu.memory_space<vmem>>
        %dma_start3A_250 = tpu.memref_squeeze %dma_start3A_249 : memref<1x128xi32, #tpu.memory_space<vmem>> -> memref<128xi32, #tpu.memory_space<vmem>>
        %dma_start3A_251 = arith.constant 0 : i32
        %dma_start3A_252 = arith.constant 0 : i32
        %dma_start3A_253 = tpu.memref_slice %arg13[%dma_start3A_251, %dma_start3A_252] : memref<10240x128xf32, #tpu.memory_space<vmem_shared>> -> memref<10240x128xf32, #tpu.memory_space<vmem_shared>>
        tpu.enqueue_indirect_dma source(%arg11 : memref<128x128xf32, #tpu.memory_space<vmem>>) target(%dma_start3A_253 : memref<10240x128xf32, #tpu.memory_space<vmem_shared>>) offsets(%dma_start3A_250 : memref<128xi32, #tpu.memory_space<vmem>>) semaphore(%run_scoped3A_247 : memref<!tpu.dma_semaphore, #tpu.memory_space<semaphore_mem>>) {add = true}
        %dma_wait3A_254 = arith.constant 0 : i32
        %dma_wait3A_255 = tpu.memref_slice %arg9[%run_scoped3A, %dma_wait3A_254] : memref<2x128xi32, #tpu.memory_space<vmem>> -> memref<1x128xi32, #tpu.memory_space<vmem>>
        %dma_wait3A_256 = tpu.memref_squeeze %dma_wait3A_255 : memref<1x128xi32, #tpu.memory_space<vmem>> -> memref<128xi32, #tpu.memory_space<vmem>>
        %dma_wait3A_257 = arith.constant 0 : i32
        %dma_wait3A_258 = arith.constant 0 : i32
        %dma_wait3A_259 = tpu.memref_slice %arg13[%dma_wait3A_257, %dma_wait3A_258] : memref<10240x128xf32, #tpu.memory_space<vmem_shared>> -> memref<10240x128xf32, #tpu.memory_space<vmem_shared>>
        tpu.wait_indirect_dma semaphore(%run_scoped3A_247 : memref<!tpu.dma_semaphore, #tpu.memory_space<semaphore_mem>>) src(%arg11 : memref<128x128xf32, #tpu.memory_space<vmem>>) dst(%dma_wait3A_259 : memref<10240x128xf32, #tpu.memory_space<vmem_shared>>)
        tpu.yield
      }) : () -> ()
      %lt3A = arith.constant 39 : i32
      %lt3A_185 = arith.cmpi slt, %add3A_68, %lt3A : i32
      %convert_element_type3A = arith.extui %lt3A_185 : i1 to i32
      %cond3A = arith.constant 0 : i32
      %cond3A_186 = arith.cmpi ne, %convert_element_type3A, %cond3A : i32
      scf.if %cond3A_186 {
        %add3A_247 = arith.constant 2 : i32
        %add3A_248 = arith.addi %mul3A_70, %add3A_247 : i32
        %dma_start3A_249 = arith.constant 0 : i32
        %dma_start3A_250 = arith.constant 0 : i32
        %dma_start3A_251 = tpu.memref_slice %arg11[%dma_start3A_249, %dma_start3A_250] : memref<128x128xf32, #tpu.memory_space<vmem>> -> memref<64x128xf32, #tpu.memory_space<vmem>>
        %dma_start3A_252 = arith.constant 0 : i32
        %dma_start3A_253 = tpu.memref_slice %arg8[%add3A_248, %dma_start3A_252] : memref<80x128xi32, #tpu.memory_space<vmem>> -> memref<1x64xi32, #tpu.memory_space<vmem>>
        %dma_start3A_254 = tpu.memref_squeeze %dma_start3A_253 : memref<1x64xi32, #tpu.memory_space<vmem>> -> memref<64xi32, #tpu.memory_space<vmem>>
        %dma_start3A_255 = arith.constant 0 : i32
        %dma_start3A_256 = arith.constant 0 : i32
        %dma_start3A_257 = tpu.memref_slice %arg2[%arg0, %dma_start3A_255, %dma_start3A_256] : memref<2x10000x128xf32, #tpu.memory_space<hbm>> -> memref<1x10000x128xf32, #tpu.memory_space<hbm>>
        %dma_start3A_258 = tpu.memref_squeeze %dma_start3A_257 : memref<1x10000x128xf32, #tpu.memory_space<hbm>> -> memref<10000x128xf32, #tpu.memory_space<hbm>>
        %dma_start3A_259 = arith.constant 0 : i32
        %dma_start3A_260 = arith.constant 0 : i32
        %dma_start3A_261 = tpu.memref_slice %dma_start3A_258[%dma_start3A_259, %dma_start3A_260] : memref<10000x128xf32, #tpu.memory_space<hbm>> -> memref<10000x128xf32, #tpu.memory_space<hbm>>
        tpu.enqueue_indirect_dma source(%dma_start3A_261 : memref<10000x128xf32, #tpu.memory_space<hbm>>) target(%dma_start3A_251 : memref<64x128xf32, #tpu.memory_space<vmem>>) offsets(%dma_start3A_254 : memref<64xi32, #tpu.memory_space<vmem>>) semaphore(%arg14 : memref<!tpu.dma_semaphore, #tpu.memory_space<semaphore_mem>>)
        %dma_start3A_262 = arith.constant 64 : i32
        %dma_start3A_263 = arith.constant 0 : i32
        %dma_start3A_264 = tpu.memref_slice %arg11[%dma_start3A_262, %dma_start3A_263] : memref<128x128xf32, #tpu.memory_space<vmem>> -> memref<64x128xf32, #tpu.memory_space<vmem>>
        %dma_start3A_265 = arith.constant 64 : i32
        %dma_start3A_266 = tpu.memref_slice %arg8[%add3A_248, %dma_start3A_265] : memref<80x128xi32, #tpu.memory_space<vmem>> -> memref<1x64xi32, #tpu.memory_space<vmem>>
        %dma_start3A_267 = tpu.memref_squeeze %dma_start3A_266 : memref<1x64xi32, #tpu.memory_space<vmem>> -> memref<64xi32, #tpu.memory_space<vmem>>
        %dma_start3A_268 = arith.constant 0 : i32
        %dma_start3A_269 = arith.constant 0 : i32
        %dma_start3A_270 = tpu.memref_slice %arg2[%arg0, %dma_start3A_268, %dma_start3A_269] : memref<2x10000x128xf32, #tpu.memory_space<hbm>> -> memref<1x10000x128xf32, #tpu.memory_space<hbm>>
        %dma_start3A_271 = tpu.memref_squeeze %dma_start3A_270 : memref<1x10000x128xf32, #tpu.memory_space<hbm>> -> memref<10000x128xf32, #tpu.memory_space<hbm>>
        %dma_start3A_272 = arith.constant 0 : i32
        %dma_start3A_273 = arith.constant 0 : i32
        %dma_start3A_274 = tpu.memref_slice %dma_start3A_271[%dma_start3A_272, %dma_start3A_273] : memref<10000x128xf32, #tpu.memory_space<hbm>> -> memref<10000x128xf32, #tpu.memory_space<hbm>>
        tpu.enqueue_indirect_dma source(%dma_start3A_274 : memref<10000x128xf32, #tpu.memory_space<hbm>>) target(%dma_start3A_264 : memref<64x128xf32, #tpu.memory_space<vmem>>) offsets(%dma_start3A_267 : memref<64xi32, #tpu.memory_space<vmem>>) semaphore(%arg18 : memref<!tpu.dma_semaphore, #tpu.memory_space<semaphore_mem>>)
        %add3A_275 = arith.addi %mul3A_0, %add3A_248 : i32
        %add3A_276 = arith.addi %mul3A_0, %add3A_248 : i32
        %dma_start3A_277 = arith.constant 0 : i32
        %dma_start3A_278 = arith.constant 0 : i32
        %dma_start3A_279 = tpu.memref_slice %arg9[%dma_start3A_277, %dma_start3A_278] : memref<2x128xi32, #tpu.memory_space<vmem>> -> memref<1x128xi32, #tpu.memory_space<vmem>>
        %dma_start3A_280 = tpu.memref_squeeze %dma_start3A_279 : memref<1x128xi32, #tpu.memory_space<vmem>> -> memref<128xi32, #tpu.memory_space<vmem>>
        %dma_start3A_281 = arith.constant 0 : i32
        %dma_start3A_282 = tpu.memref_slice %arg3[%add3A_275, %dma_start3A_281] : memref<1280x128xi32, #tpu.memory_space<hbm>> -> memref<1x128xi32, #tpu.memory_space<hbm>>
        %dma_start3A_283 = tpu.memref_squeeze %dma_start3A_282 : memref<1x128xi32, #tpu.memory_space<hbm>> -> memref<128xi32, #tpu.memory_space<hbm>>
        %dma_start3A_284 = arith.constant 0 : i32
        %dma_start3A_285 = tpu.memref_slice %arg9[%dma_start3A_277, %dma_start3A_284] : memref<2x128xi32, #tpu.memory_space<vmem>> -> memref<1x128xi32, #tpu.memory_space<vmem>>
        %dma_start3A_286 = tpu.memref_squeeze %dma_start3A_285 : memref<1x128xi32, #tpu.memory_space<vmem>> -> memref<128xi32, #tpu.memory_space<vmem>>
        %dma_start3A_287 = arith.constant 0 : i32
        %dma_start3A_288 = tpu.memref_slice %arg3[%add3A_275, %dma_start3A_287] : memref<1280x128xi32, #tpu.memory_space<hbm>> -> memref<1x128xi32, #tpu.memory_space<hbm>>
        %dma_start3A_289 = tpu.memref_squeeze %dma_start3A_288 : memref<1x128xi32, #tpu.memory_space<hbm>> -> memref<128xi32, #tpu.memory_space<hbm>>
        tpu.enqueue_dma source(%dma_start3A_289 : memref<128xi32, #tpu.memory_space<hbm>>) target(%dma_start3A_286 : memref<128xi32, #tpu.memory_space<vmem>>) target_semaphore(%arg16 : memref<!tpu.dma_semaphore, #tpu.memory_space<semaphore_mem>>)
        %dma_start3A_290 = arith.constant 0 : i32
        %dma_start3A_291 = arith.constant 0 : i32
        %dma_start3A_292 = tpu.memref_slice %arg10[%dma_start3A_290, %dma_start3A_291] : memref<2x128xf32, #tpu.memory_space<vmem>> -> memref<1x128xf32, #tpu.memory_space<vmem>>
        %dma_start3A_293 = tpu.memref_squeeze %dma_start3A_292 : memref<1x128xf32, #tpu.memory_space<vmem>> -> memref<128xf32, #tpu.memory_space<vmem>>
        %dma_start3A_294 = arith.constant 0 : i32
        %dma_start3A_295 = tpu.memref_slice %arg5[%add3A_276, %dma_start3A_294] : memref<1280x128xf32, #tpu.memory_space<hbm>> -> memref<1x128xf32, #tpu.memory_space<hbm>>
        %dma_start3A_296 = tpu.memref_squeeze %dma_start3A_295 : memref<1x128xf32, #tpu.memory_space<hbm>> -> memref<128xf32, #tpu.memory_space<hbm>>
        %dma_start3A_297 = arith.constant 0 : i32
        %dma_start3A_298 = tpu.memref_slice %arg10[%dma_start3A_290, %dma_start3A_297] : memref<2x128xf32, #tpu.memory_space<vmem>> -> memref<1x128xf32, #tpu.memory_space<vmem>>
        %dma_start3A_299 = tpu.memref_squeeze %dma_start3A_298 : memref<1x128xf32, #tpu.memory_space<vmem>> -> memref<128xf32, #tpu.memory_space<vmem>>
        %dma_start3A_300 = arith.constant 0 : i32
        %dma_start3A_301 = tpu.memref_slice %arg5[%add3A_276, %dma_start3A_300] : memref<1280x128xf32, #tpu.memory_space<hbm>> -> memref<1x128xf32, #tpu.memory_space<hbm>>
        %dma_start3A_302 = tpu.memref_squeeze %dma_start3A_301 : memref<1x128xf32, #tpu.memory_space<hbm>> -> memref<128xf32, #tpu.memory_space<hbm>>
        tpu.enqueue_dma source(%dma_start3A_302 : memref<128xf32, #tpu.memory_space<hbm>>) target(%dma_start3A_299 : memref<128xf32, #tpu.memory_space<vmem>>) target_semaphore(%arg16 : memref<!tpu.dma_semaphore, #tpu.memory_space<semaphore_mem>>)
      } else {
      }
      %dma_wait3A_187 = arith.constant 0 : i32
      %dma_wait3A_188 = arith.constant 0 : i32
      %dma_wait3A_189 = tpu.memref_slice %arg12[%dma_wait3A_187, %dma_wait3A_188] : memref<128x128xf32, #tpu.memory_space<vmem>> -> memref<64x128xf32, #tpu.memory_space<vmem>>
      %dma_wait3A_190 = arith.constant 0 : i32
      %dma_wait3A_191 = tpu.memref_slice %arg8[%add3A_72, %dma_wait3A_190] : memref<80x128xi32, #tpu.memory_space<vmem>> -> memref<1x64xi32, #tpu.memory_space<vmem>>
      %dma_wait3A_192 = tpu.memref_squeeze %dma_wait3A_191 : memref<1x64xi32, #tpu.memory_space<vmem>> -> memref<64xi32, #tpu.memory_space<vmem>>
      %dma_wait3A_193 = arith.constant 0 : i32
      %dma_wait3A_194 = arith.constant 0 : i32
      %dma_wait3A_195 = tpu.memref_slice %arg2[%arg0, %dma_wait3A_193, %dma_wait3A_194] : memref<2x10000x128xf32, #tpu.memory_space<hbm>> -> memref<1x10000x128xf32, #tpu.memory_space<hbm>>
      %dma_wait3A_196 = tpu.memref_squeeze %dma_wait3A_195 : memref<1x10000x128xf32, #tpu.memory_space<hbm>> -> memref<10000x128xf32, #tpu.memory_space<hbm>>
      %dma_wait3A_197 = arith.constant 0 : i32
      %dma_wait3A_198 = arith.constant 0 : i32
      %dma_wait3A_199 = tpu.memref_slice %dma_wait3A_196[%dma_wait3A_197, %dma_wait3A_198] : memref<10000x128xf32, #tpu.memory_space<hbm>> -> memref<10000x128xf32, #tpu.memory_space<hbm>>
      tpu.wait_indirect_dma semaphore(%arg15 : memref<!tpu.dma_semaphore, #tpu.memory_space<semaphore_mem>>) src(%dma_wait3A_199 : memref<10000x128xf32, #tpu.memory_space<hbm>>) dst(%dma_wait3A_189 : memref<64x128xf32, #tpu.memory_space<vmem>>)
      %dma_wait3A_200 = arith.constant 64 : i32
      %dma_wait3A_201 = arith.constant 0 : i32
      %dma_wait3A_202 = tpu.memref_slice %arg12[%dma_wait3A_200, %dma_wait3A_201] : memref<128x128xf32, #tpu.memory_space<vmem>> -> memref<64x128xf32, #tpu.memory_space<vmem>>
      %dma_wait3A_203 = arith.constant 64 : i32
      %dma_wait3A_204 = tpu.memref_slice %arg8[%add3A_72, %dma_wait3A_203] : memref<80x128xi32, #tpu.memory_space<vmem>> -> memref<1x64xi32, #tpu.memory_space<vmem>>
      %dma_wait3A_205 = tpu.memref_squeeze %dma_wait3A_204 : memref<1x64xi32, #tpu.memory_space<vmem>> -> memref<64xi32, #tpu.memory_space<vmem>>
      %dma_wait3A_206 = arith.constant 0 : i32
      %dma_wait3A_207 = arith.constant 0 : i32
      %dma_wait3A_208 = tpu.memref_slice %arg2[%arg0, %dma_wait3A_206, %dma_wait3A_207] : memref<2x10000x128xf32, #tpu.memory_space<hbm>> -> memref<1x10000x128xf32, #tpu.memory_space<hbm>>
      %dma_wait3A_209 = tpu.memref_squeeze %dma_wait3A_208 : memref<1x10000x128xf32, #tpu.memory_space<hbm>> -> memref<10000x128xf32, #tpu.memory_space<hbm>>
      %dma_wait3A_210 = arith.constant 0 : i32
      %dma_wait3A_211 = arith.constant 0 : i32
      %dma_wait3A_212 = tpu.memref_slice %dma_wait3A_209[%dma_wait3A_210, %dma_wait3A_211] : memref<10000x128xf32, #tpu.memory_space<hbm>> -> memref<10000x128xf32, #tpu.memory_space<hbm>>
      tpu.wait_indirect_dma semaphore(%arg19 : memref<!tpu.dma_semaphore, #tpu.memory_space<semaphore_mem>>) src(%dma_wait3A_212 : memref<10000x128xf32, #tpu.memory_space<hbm>>) dst(%dma_wait3A_202 : memref<64x128xf32, #tpu.memory_space<vmem>>)
      %add3A_213 = arith.addi %mul3A_0, %add3A_72 : i32
      %add3A_214 = arith.addi %mul3A_0, %add3A_72 : i32
      %dma_wait3A_215 = arith.constant 1 : i32
      %dma_wait3A_216 = arith.constant 0 : i32
      %dma_wait3A_217 = tpu.memref_slice %arg9[%dma_wait3A_215, %dma_wait3A_216] : memref<2x128xi32, #tpu.memory_space<vmem>> -> memref<1x128xi32, #tpu.memory_space<vmem>>
      %dma_wait3A_218 = tpu.memref_squeeze %dma_wait3A_217 : memref<1x128xi32, #tpu.memory_space<vmem>> -> memref<128xi32, #tpu.memory_space<vmem>>
      %dma_wait3A_219 = arith.constant 0 : i32
      %dma_wait3A_220 = tpu.memref_slice %arg3[%add3A_213, %dma_wait3A_219] : memref<1280x128xi32, #tpu.memory_space<hbm>> -> memref<1x128xi32, #tpu.memory_space<hbm>>
      %dma_wait3A_221 = tpu.memref_squeeze %dma_wait3A_220 : memref<1x128xi32, #tpu.memory_space<hbm>> -> memref<128xi32, #tpu.memory_space<hbm>>
      %dma_wait3A_222 = arith.constant 0 : i32
      %dma_wait3A_223 = tpu.memref_slice %arg9[%dma_wait3A_215, %dma_wait3A_222] : memref<2x128xi32, #tpu.memory_space<vmem>> -> memref<1x128xi32, #tpu.memory_space<vmem>>
      %dma_wait3A_224 = tpu.memref_squeeze %dma_wait3A_223 : memref<1x128xi32, #tpu.memory_space<vmem>> -> memref<128xi32, #tpu.memory_space<vmem>>
      %dma_wait3A_225 = arith.constant 0 : i32
      %dma_wait3A_226 = tpu.memref_slice %arg3[%add3A_213, %dma_wait3A_225] : memref<1280x128xi32, #tpu.memory_space<hbm>> -> memref<1x128xi32, #tpu.memory_space<hbm>>
      %dma_wait3A_227 = tpu.memref_squeeze %dma_wait3A_226 : memref<1x128xi32, #tpu.memory_space<hbm>> -> memref<128xi32, #tpu.memory_space<hbm>>
      tpu.wait_dma2 semaphore(%arg17 : memref<!tpu.dma_semaphore, #tpu.memory_space<semaphore_mem>>) src(%dma_wait3A_227 : memref<128xi32, #tpu.memory_space<hbm>>) dst(%dma_wait3A_224 : memref<128xi32, #tpu.memory_space<vmem>>)
      %dma_wait3A_228 = arith.constant 1 : i32
      %dma_wait3A_229 = arith.constant 0 : i32
      %dma_wait3A_230 = tpu.memref_slice %arg10[%dma_wait3A_228, %dma_wait3A_229] : memref<2x128xf32, #tpu.memory_space<vmem>> -> memref<1x128xf32, #tpu.memory_space<vmem>>
      %dma_wait3A_231 = tpu.memref_squeeze %dma_wait3A_230 : memref<1x128xf32, #tpu.memory_space<vmem>> -> memref<128xf32, #tpu.memory_space<vmem>>
      %dma_wait3A_232 = arith.constant 0 : i32
      %dma_wait3A_233 = tpu.memref_slice %arg5[%add3A_214, %dma_wait3A_232] : memref<1280x128xf32, #tpu.memory_space<hbm>> -> memref<1x128xf32, #tpu.memory_space<hbm>>
      %dma_wait3A_234 = tpu.memref_squeeze %dma_wait3A_233 : memref<1x128xf32, #tpu.memory_space<hbm>> -> memref<128xf32, #tpu.memory_space<hbm>>
      %dma_wait3A_235 = arith.constant 0 : i32
      %dma_wait3A_236 = tpu.memref_slice %arg10[%dma_wait3A_228, %dma_wait3A_235] : memref<2x128xf32, #tpu.memory_space<vmem>> -> memref<1x128xf32, #tpu.memory_space<vmem>>
      %dma_wait3A_237 = tpu.memref_squeeze %dma_wait3A_236 : memref<1x128xf32, #tpu.memory_space<vmem>> -> memref<128xf32, #tpu.memory_space<vmem>>
      %dma_wait3A_238 = arith.constant 0 : i32
      %dma_wait3A_239 = tpu.memref_slice %arg5[%add3A_214, %dma_wait3A_238] : memref<1280x128xf32, #tpu.memory_space<hbm>> -> memref<1x128xf32, #tpu.memory_space<hbm>>
      %dma_wait3A_240 = tpu.memref_squeeze %dma_wait3A_239 : memref<1x128xf32, #tpu.memory_space<hbm>> -> memref<128xf32, #tpu.memory_space<hbm>>
      tpu.wait_dma2 semaphore(%arg17 : memref<!tpu.dma_semaphore, #tpu.memory_space<semaphore_mem>>) src(%dma_wait3A_240 : memref<128xf32, #tpu.memory_space<hbm>>) dst(%dma_wait3A_237 : memref<128xf32, #tpu.memory_space<vmem>>)
      %scan3A_241 = arith.constant 0 : i32
      %scan3A_242 = arith.constant 8 : i32
      %scan3A_243 = arith.addi %scan3A_241, %scan3A_242 : i32
      %scan3A_244 = arith.constant 1 : i32
      scf.for %scan3A_247 = %scan3A_241 to %scan3A_243 step %scan3A_244  : i32 {
        %mul3A_248 = arith.constant 1 : i32
        %mul3A_249 = arith.muli %scan3A_247, %mul3A_248 : i32
        %add3A_250 = arith.constant 0 : i32
        %add3A_251 = arith.addi %add3A_250, %mul3A_249 : i32
        %mul3A_252 = arith.constant 16 : i32
        %mul3A_253 = arith.muli %add3A_251, %mul3A_252 : i32
        %get3A = arith.constant 1 : i32
        %get3A_254 = arith.index_cast %get3A : i32 to index
        %get3A_255 = arith.index_cast %mul3A_253 : i32 to index
        %get3A_256 = tpu.vector_load %arg10[%get3A_254, %get3A_255] {strides = array<i32>} : memref<2x128xf32, #tpu.memory_space<vmem>>, vector<16xf32>,
        %broadcast_in_dim3A = arith.constant 0 : i32
        %broadcast_in_dim3A_257 = vector.broadcast %broadcast_in_dim3A : i32 to vector<16x1xi32>
        %gather3A = vector.shape_cast %broadcast_in_dim3A_257 : vector<16x1xi32> to vector<16xi32>
        %gather3A_258 = tpu.dynamic_gather %get3A_256[%gather3A] in [0] : vector<16xf32>, vector<16xi32> -> vector<16xf32>
        %add3A_259 = arith.constant 0 : i32
        %add3A_260 = arith.addi %mul3A_253, %add3A_259 : i32
        %get3A_261 = arith.index_cast %add3A_260 : i32 to index
        %get3A_262 = arith.constant 0 : index
        %get3A_263 = tpu.vector_load %arg12[%get3A_261, %get3A_262] {strides = array<i32>} : memref<128x128xf32, #tpu.memory_space<vmem>>, vector<16xf32>,
        %mul3A_264 = arith.mulf %get3A_263, %gather3A_258 : vector<16xf32>
        %swap3A = arith.index_cast %add3A_260 : i32 to index
        %swap3A_265 = arith.constant 0 : index
        %swap3A_266 = tpu.vector_load %arg12[%swap3A, %swap3A_265] {strides = array<i32>} : memref<128x128xf32, #tpu.memory_space<vmem>>, vector<16xf32>,
        tpu.vector_store %arg12[%swap3A, %swap3A_265], %mul3A_264 {strides = array<i32>} : memref<128x128xf32, #tpu.memory_space<vmem>>, vector<16xf32>,
        %get3A_267 = arith.index_cast %add3A_260 : i32 to index
        %get3A_268 = arith.constant 16 : index
        %get3A_269 = tpu.vector_load %arg12[%get3A_267, %get3A_268] {strides = array<i32>} : memref<128x128xf32, #tpu.memory_space<vmem>>, vector<16xf32>,
        %mul3A_270 = arith.mulf %get3A_269, %gather3A_258 : vector<16xf32>
        %swap3A_271 = arith.index_cast %add3A_260 : i32 to index
        %swap3A_272 = arith.constant 16 : index
        %swap3A_273 = tpu.vector_load %arg12[%swap3A_271, %swap3A_272] {strides = array<i32>} : memref<128x128xf32, #tpu.memory_space<vmem>>, vector<16xf32>,
        tpu.vector_store %arg12[%swap3A_271, %swap3A_272], %mul3A_270 {strides = array<i32>} : memref<128x128xf32, #tpu.memory_space<vmem>>, vector<16xf32>,
        %get3A_274 = arith.index_cast %add3A_260 : i32 to index
        %get3A_275 = arith.constant 32 : index
        %get3A_276 = tpu.vector_load %arg12[%get3A_274, %get3A_275] {strides = array<i32>} : memref<128x128xf32, #tpu.memory_space<vmem>>, vector<16xf32>,
        %mul3A_277 = arith.mulf %get3A_276, %gather3A_258 : vector<16xf32>
        %swap3A_278 = arith.index_cast %add3A_260 : i32 to index
        %swap3A_279 = arith.constant 32 : index
        %swap3A_280 = tpu.vector_load %arg12[%swap3A_278, %swap3A_279] {strides = array<i32>} : memref<128x128xf32, #tpu.memory_space<vmem>>, vector<16xf32>,
        tpu.vector_store %arg12[%swap3A_278, %swap3A_279], %mul3A_277 {strides = array<i32>} : memref<128x128xf32, #tpu.memory_space<vmem>>, vector<16xf32>,
        %get3A_281 = arith.index_cast %add3A_260 : i32 to index
        %get3A_282 = arith.constant 48 : index
        %get3A_283 = tpu.vector_load %arg12[%get3A_281, %get3A_282] {strides = array<i32>} : memref<128x128xf32, #tpu.memory_space<vmem>>, vector<16xf32>,
        %mul3A_284 = arith.mulf %get3A_283, %gather3A_258 : vector<16xf32>
        %swap3A_285 = arith.index_cast %add3A_260 : i32 to index
        %swap3A_286 = arith.constant 48 : index
        %swap3A_287 = tpu.vector_load %arg12[%swap3A_285, %swap3A_286] {strides = array<i32>} : memref<128x128xf32, #tpu.memory_space<vmem>>, vector<16xf32>,
        tpu.vector_store %arg12[%swap3A_285, %swap3A_286], %mul3A_284 {strides = array<i32>} : memref<128x128xf32, #tpu.memory_space<vmem>>, vector<16xf32>,
        %get3A_288 = arith.index_cast %add3A_260 : i32 to index
        %get3A_289 = arith.constant 64 : index
        %get3A_290 = tpu.vector_load %arg12[%get3A_288, %get3A_289] {strides = array<i32>} : memref<128x128xf32, #tpu.memory_space<vmem>>, vector<16xf32>,
        %mul3A_291 = arith.mulf %get3A_290, %gather3A_258 : vector<16xf32>
        %swap3A_292 = arith.index_cast %add3A_260 : i32 to index
        %swap3A_293 = arith.constant 64 : index
        %swap3A_294 = tpu.vector_load %arg12[%swap3A_292, %swap3A_293] {strides = array<i32>} : memref<128x128xf32, #tpu.memory_space<vmem>>, vector<16xf32>,
        tpu.vector_store %arg12[%swap3A_292, %swap3A_293], %mul3A_291 {strides = array<i32>} : memref<128x128xf32, #tpu.memory_space<vmem>>, vector<16xf32>,
        %get3A_295 = arith.index_cast %add3A_260 : i32 to index
        %get3A_296 = arith.constant 80 : index
        %get3A_297 = tpu.vector_load %arg12[%get3A_295, %get3A_296] {strides = array<i32>} : memref<128x128xf32, #tpu.memory_space<vmem>>, vector<16xf32>,
        %mul3A_298 = arith.mulf %get3A_297, %gather3A_258 : vector<16xf32>
        %swap3A_299 = arith.index_cast %add3A_260 : i32 to index
        %swap3A_300 = arith.constant 80 : index
        %swap3A_301 = tpu.vector_load %arg12[%swap3A_299, %swap3A_300] {strides = array<i32>} : memref<128x128xf32, #tpu.memory_space<vmem>>, vector<16xf32>,
        tpu.vector_store %arg12[%swap3A_299, %swap3A_300], %mul3A_298 {strides = array<i32>} : memref<128x128xf32, #tpu.memory_space<vmem>>, vector<16xf32>,
        %get3A_302 = arith.index_cast %add3A_260 : i32 to index
        %get3A_303 = arith.constant 96 : index
        %get3A_304 = tpu.vector_load %arg12[%get3A_302, %get3A_303] {strides = array<i32>} : memref<128x128xf32, #tpu.memory_space<vmem>>, vector<16xf32>,
        %mul3A_305 = arith.mulf %get3A_304, %gather3A_258 : vector<16xf32>
        %swap3A_306 = arith.index_cast %add3A_260 : i32 to index
        %swap3A_307 = arith.constant 96 : index
        %swap3A_308 = tpu.vector_load %arg12[%swap3A_306, %swap3A_307] {strides = array<i32>} : memref<128x128xf32, #tpu.memory_space<vmem>>, vector<16xf32>,
        tpu.vector_store %arg12[%swap3A_306, %swap3A_307], %mul3A_305 {strides = array<i32>} : memref<128x128xf32, #tpu.memory_space<vmem>>, vector<16xf32>,
        %get3A_309 = arith.index_cast %add3A_260 : i32 to index
        %get3A_310 = arith.constant 112 : index
        %get3A_311 = tpu.vector_load %arg12[%get3A_309, %get3A_310] {strides = array<i32>} : memref<128x128xf32, #tpu.memory_space<vmem>>, vector<16xf32>,
        %mul3A_312 = arith.mulf %get3A_311, %gather3A_258 : vector<16xf32>
        %swap3A_313 = arith.index_cast %add3A_260 : i32 to index
        %swap3A_314 = arith.constant 112 : index
        %swap3A_315 = tpu.vector_load %arg12[%swap3A_313, %swap3A_314] {strides = array<i32>} : memref<128x128xf32, #tpu.memory_space<vmem>>, vector<16xf32>,
        tpu.vector_store %arg12[%swap3A_313, %swap3A_314], %mul3A_312 {strides = array<i32>} : memref<128x128xf32, #tpu.memory_space<vmem>>, vector<16xf32>,
        %broadcast_in_dim3A_316 = arith.constant 1 : i32
        %broadcast_in_dim3A_317 = vector.broadcast %broadcast_in_dim3A_316 : i32 to vector<16x1xi32>
        %gather3A_318 = vector.shape_cast %broadcast_in_dim3A_317 : vector<16x1xi32> to vector<16xi32>
        %gather3A_319 = tpu.dynamic_gather %get3A_256[%gather3A_318] in [0] : vector<16xf32>, vector<16xi32> -> vector<16xf32>
        %add3A_320 = arith.constant 1 : i32
        %add3A_321 = arith.addi %mul3A_253, %add3A_320 : i32
        %get3A_322 = arith.index_cast %add3A_321 : i32 to index
        %get3A_323 = arith.constant 0 : index
        %get3A_324 = tpu.vector_load %arg12[%get3A_322, %get3A_323] {strides = array<i32>} : memref<128x128xf32, #tpu.memory_space<vmem>>, vector<16xf32>,
        %mul3A_325 = arith.mulf %get3A_324, %gather3A_319 : vector<16xf32>
        %swap3A_326 = arith.index_cast %add3A_321 : i32 to index
        %swap3A_327 = arith.constant 0 : index
        %swap3A_328 = tpu.vector_load %arg12[%swap3A_326, %swap3A_327] {strides = array<i32>} : memref<128x128xf32, #tpu.memory_space<vmem>>, vector<16xf32>,
        tpu.vector_store %arg12[%swap3A_326, %swap3A_327], %mul3A_325 {strides = array<i32>} : memref<128x128xf32, #tpu.memory_space<vmem>>, vector<16xf32>,
        %get3A_329 = arith.index_cast %add3A_321 : i32 to index
        %get3A_330 = arith.constant 16 : index
        %get3A_331 = tpu.vector_load %arg12[%get3A_329, %get3A_330] {strides = array<i32>} : memref<128x128xf32, #tpu.memory_space<vmem>>, vector<16xf32>,
        %mul3A_332 = arith.mulf %get3A_331, %gather3A_319 : vector<16xf32>
        %swap3A_333 = arith.index_cast %add3A_321 : i32 to index
        %swap3A_334 = arith.constant 16 : index
        %swap3A_335 = tpu.vector_load %arg12[%swap3A_333, %swap3A_334] {strides = array<i32>} : memref<128x128xf32, #tpu.memory_space<vmem>>, vector<16xf32>,
        tpu.vector_store %arg12[%swap3A_333, %swap3A_334], %mul3A_332 {strides = array<i32>} : memref<128x128xf32, #tpu.memory_space<vmem>>, vector<16xf32>,
        %get3A_336 = arith.index_cast %add3A_321 : i32 to index
        %get3A_337 = arith.constant 32 : index
        %get3A_338 = tpu.vector_load %arg12[%get3A_336, %get3A_337] {strides = array<i32>} : memref<128x128xf32, #tpu.memory_space<vmem>>, vector<16xf32>,
        %mul3A_339 = arith.mulf %get3A_338, %gather3A_319 : vector<16xf32>
        %swap3A_340 = arith.index_cast %add3A_321 : i32 to index
        %swap3A_341 = arith.constant 32 : index
        %swap3A_342 = tpu.vector_load %arg12[%swap3A_340, %swap3A_341] {strides = array<i32>} : memref<128x128xf32, #tpu.memory_space<vmem>>, vector<16xf32>,
        tpu.vector_store %arg12[%swap3A_340, %swap3A_341], %mul3A_339 {strides = array<i32>} : memref<128x128xf32, #tpu.memory_space<vmem>>, vector<16xf32>,
        %get3A_343 = arith.index_cast %add3A_321 : i32 to index
        %get3A_344 = arith.constant 48 : index
        %get3A_345 = tpu.vector_load %arg12[%get3A_343, %get3A_344] {strides = array<i32>} : memref<128x128xf32, #tpu.memory_space<vmem>>, vector<16xf32>,
        %mul3A_346 = arith.mulf %get3A_345, %gather3A_319 : vector<16xf32>
        %swap3A_347 = arith.index_cast %add3A_321 : i32 to index
        %swap3A_348 = arith.constant 48 : index
        %swap3A_349 = tpu.vector_load %arg12[%swap3A_347, %swap3A_348] {strides = array<i32>} : memref<128x128xf32, #tpu.memory_space<vmem>>, vector<16xf32>,
        tpu.vector_store %arg12[%swap3A_347, %swap3A_348], %mul3A_346 {strides = array<i32>} : memref<128x128xf32, #tpu.memory_space<vmem>>, vector<16xf32>,
        %get3A_350 = arith.index_cast %add3A_321 : i32 to index
        %get3A_351 = arith.constant 64 : index
        %get3A_352 = tpu.vector_load %arg12[%get3A_350, %get3A_351] {strides = array<i32>} : memref<128x128xf32, #tpu.memory_space<vmem>>, vector<16xf32>,
        %mul3A_353 = arith.mulf %get3A_352, %gather3A_319 : vector<16xf32>
        %swap3A_354 = arith.index_cast %add3A_321 : i32 to index
        %swap3A_355 = arith.constant 64 : index
        %swap3A_356 = tpu.vector_load %arg12[%swap3A_354, %swap3A_355] {strides = array<i32>} : memref<128x128xf32, #tpu.memory_space<vmem>>, vector<16xf32>,
        tpu.vector_store %arg12[%swap3A_354, %swap3A_355], %mul3A_353 {strides = array<i32>} : memref<128x128xf32, #tpu.memory_space<vmem>>, vector<16xf32>,
        %get3A_357 = arith.index_cast %add3A_321 : i32 to index
        %get3A_358 = arith.constant 80 : index
        %get3A_359 = tpu.vector_load %arg12[%get3A_357, %get3A_358] {strides = array<i32>} : memref<128x128xf32, #tpu.memory_space<vmem>>, vector<16xf32>,
        %mul3A_360 = arith.mulf %get3A_359, %gather3A_319 : vector<16xf32>
        %swap3A_361 = arith.index_cast %add3A_321 : i32 to index
        %swap3A_362 = arith.constant 80 : index
        %swap3A_363 = tpu.vector_load %arg12[%swap3A_361, %swap3A_362] {strides = array<i32>} : memref<128x128xf32, #tpu.memory_space<vmem>>, vector<16xf32>,
        tpu.vector_store %arg12[%swap3A_361, %swap3A_362], %mul3A_360 {strides = array<i32>} : memref<128x128xf32, #tpu.memory_space<vmem>>, vector<16xf32>,
        %get3A_364 = arith.index_cast %add3A_321 : i32 to index
        %get3A_365 = arith.constant 96 : index
        %get3A_366 = tpu.vector_load %arg12[%get3A_364, %get3A_365] {strides = array<i32>} : memref<128x128xf32, #tpu.memory_space<vmem>>, vector<16xf32>,
        %mul3A_367 = arith.mulf %get3A_366, %gather3A_319 : vector<16xf32>
        %swap3A_368 = arith.index_cast %add3A_321 : i32 to index
        %swap3A_369 = arith.constant 96 : index
        %swap3A_370 = tpu.vector_load %arg12[%swap3A_368, %swap3A_369] {strides = array<i32>} : memref<128x128xf32, #tpu.memory_space<vmem>>, vector<16xf32>,
        tpu.vector_store %arg12[%swap3A_368, %swap3A_369], %mul3A_367 {strides = array<i32>} : memref<128x128xf32, #tpu.memory_space<vmem>>, vector<16xf32>,
        %get3A_371 = arith.index_cast %add3A_321 : i32 to index
        %get3A_372 = arith.constant 112 : index
        %get3A_373 = tpu.vector_load %arg12[%get3A_371, %get3A_372] {strides = array<i32>} : memref<128x128xf32, #tpu.memory_space<vmem>>, vector<16xf32>,
        %mul3A_374 = arith.mulf %get3A_373, %gather3A_319 : vector<16xf32>
        %swap3A_375 = arith.index_cast %add3A_321 : i32 to index
        %swap3A_376 = arith.constant 112 : index
        %swap3A_377 = tpu.vector_load %arg12[%swap3A_375, %swap3A_376] {strides = array<i32>} : memref<128x128xf32, #tpu.memory_space<vmem>>, vector<16xf32>,
        tpu.vector_store %arg12[%swap3A_375, %swap3A_376], %mul3A_374 {strides = array<i32>} : memref<128x128xf32, #tpu.memory_space<vmem>>, vector<16xf32>,
        %broadcast_in_dim3A_378 = arith.constant 2 : i32
        %broadcast_in_dim3A_379 = vector.broadcast %broadcast_in_dim3A_378 : i32 to vector<16x1xi32>
        %gather3A_380 = vector.shape_cast %broadcast_in_dim3A_379 : vector<16x1xi32> to vector<16xi32>
        %gather3A_381 = tpu.dynamic_gather %get3A_256[%gather3A_380] in [0] : vector<16xf32>, vector<16xi32> -> vector<16xf32>
        %add3A_382 = arith.constant 2 : i32
        %add3A_383 = arith.addi %mul3A_253, %add3A_382 : i32
        %get3A_384 = arith.index_cast %add3A_383 : i32 to index
        %get3A_385 = arith.constant 0 : index
        %get3A_386 = tpu.vector_load %arg12[%get3A_384, %get3A_385] {strides = array<i32>} : memref<128x128xf32, #tpu.memory_space<vmem>>, vector<16xf32>,
        %mul3A_387 = arith.mulf %get3A_386, %gather3A_381 : vector<16xf32>
        %swap3A_388 = arith.index_cast %add3A_383 : i32 to index
        %swap3A_389 = arith.constant 0 : index
        %swap3A_390 = tpu.vector_load %arg12[%swap3A_388, %swap3A_389] {strides = array<i32>} : memref<128x128xf32, #tpu.memory_space<vmem>>, vector<16xf32>,
        tpu.vector_store %arg12[%swap3A_388, %swap3A_389], %mul3A_387 {strides = array<i32>} : memref<128x128xf32, #tpu.memory_space<vmem>>, vector<16xf32>,
        %get3A_391 = arith.index_cast %add3A_383 : i32 to index
        %get3A_392 = arith.constant 16 : index
        %get3A_393 = tpu.vector_load %arg12[%get3A_391, %get3A_392] {strides = array<i32>} : memref<128x128xf32, #tpu.memory_space<vmem>>, vector<16xf32>,
        %mul3A_394 = arith.mulf %get3A_393, %gather3A_381 : vector<16xf32>
        %swap3A_395 = arith.index_cast %add3A_383 : i32 to index
        %swap3A_396 = arith.constant 16 : index
        %swap3A_397 = tpu.vector_load %arg12[%swap3A_395, %swap3A_396] {strides = array<i32>} : memref<128x128xf32, #tpu.memory_space<vmem>>, vector<16xf32>,
        tpu.vector_store %arg12[%swap3A_395, %swap3A_396], %mul3A_394 {strides = array<i32>} : memref<128x128xf32, #tpu.memory_space<vmem>>, vector<16xf32>,
        %get3A_398 = arith.index_cast %add3A_383 : i32 to index
        %get3A_399 = arith.constant 32 : index
        %get3A_400 = tpu.vector_load %arg12[%get3A_398, %get3A_399] {strides = array<i32>} : memref<128x128xf32, #tpu.memory_space<vmem>>, vector<16xf32>,
        %mul3A_401 = arith.mulf %get3A_400, %gather3A_381 : vector<16xf32>
        %swap3A_402 = arith.index_cast %add3A_383 : i32 to index
        %swap3A_403 = arith.constant 32 : index
        %swap3A_404 = tpu.vector_load %arg12[%swap3A_402, %swap3A_403] {strides = array<i32>} : memref<128x128xf32, #tpu.memory_space<vmem>>, vector<16xf32>,
        tpu.vector_store %arg12[%swap3A_402, %swap3A_403], %mul3A_401 {strides = array<i32>} : memref<128x128xf32, #tpu.memory_space<vmem>>, vector<16xf32>,
        %get3A_405 = arith.index_cast %add3A_383 : i32 to index
        %get3A_406 = arith.constant 48 : index
        %get3A_407 = tpu.vector_load %arg12[%get3A_405, %get3A_406] {strides = array<i32>} : memref<128x128xf32, #tpu.memory_space<vmem>>, vector<16xf32>,
        %mul3A_408 = arith.mulf %get3A_407, %gather3A_381 : vector<16xf32>
        %swap3A_409 = arith.index_cast %add3A_383 : i32 to index
        %swap3A_410 = arith.constant 48 : index
        %swap3A_411 = tpu.vector_load %arg12[%swap3A_409, %swap3A_410] {strides = array<i32>} : memref<128x128xf32, #tpu.memory_space<vmem>>, vector<16xf32>,
        tpu.vector_store %arg12[%swap3A_409, %swap3A_410], %mul3A_408 {strides = array<i32>} : memref<128x128xf32, #tpu.memory_space<vmem>>, vector<16xf32>,
        %get3A_412 = arith.index_cast %add3A_383 : i32 to index
        %get3A_413 = arith.constant 64 : index
        %get3A_414 = tpu.vector_load %arg12[%get3A_412, %get3A_413] {strides = array<i32>} : memref<128x128xf32, #tpu.memory_space<vmem>>, vector<16xf32>,
        %mul3A_415 = arith.mulf %get3A_414, %gather3A_381 : vector<16xf32>
        %swap3A_416 = arith.index_cast %add3A_383 : i32 to index
        %swap3A_417 = arith.constant 64 : index
        %swap3A_418 = tpu.vector_load %arg12[%swap3A_416, %swap3A_417] {strides = array<i32>} : memref<128x128xf32, #tpu.memory_space<vmem>>, vector<16xf32>,
        tpu.vector_store %arg12[%swap3A_416, %swap3A_417], %mul3A_415 {strides = array<i32>} : memref<128x128xf32, #tpu.memory_space<vmem>>, vector<16xf32>,
        %get3A_419 = arith.index_cast %add3A_383 : i32 to index
        %get3A_420 = arith.constant 80 : index
        %get3A_421 = tpu.vector_load %arg12[%get3A_419, %get3A_420] {strides = array<i32>} : memref<128x128xf32, #tpu.memory_space<vmem>>, vector<16xf32>,
        %mul3A_422 = arith.mulf %get3A_421, %gather3A_381 : vector<16xf32>
        %swap3A_423 = arith.index_cast %add3A_383 : i32 to index
        %swap3A_424 = arith.constant 80 : index
        %swap3A_425 = tpu.vector_load %arg12[%swap3A_423, %swap3A_424] {strides = array<i32>} : memref<128x128xf32, #tpu.memory_space<vmem>>, vector<16xf32>,
        tpu.vector_store %arg12[%swap3A_423, %swap3A_424], %mul3A_422 {strides = array<i32>} : memref<128x128xf32, #tpu.memory_space<vmem>>, vector<16xf32>,
        %get3A_426 = arith.index_cast %add3A_383 : i32 to index
        %get3A_427 = arith.constant 96 : index
        %get3A_428 = tpu.vector_load %arg12[%get3A_426, %get3A_427] {strides = array<i32>} : memref<128x128xf32, #tpu.memory_space<vmem>>, vector<16xf32>,
        %mul3A_429 = arith.mulf %get3A_428, %gather3A_381 : vector<16xf32>
        %swap3A_430 = arith.index_cast %add3A_383 : i32 to index
        %swap3A_431 = arith.constant 96 : index
        %swap3A_432 = tpu.vector_load %arg12[%swap3A_430, %swap3A_431] {strides = array<i32>} : memref<128x128xf32, #tpu.memory_space<vmem>>, vector<16xf32>,
        tpu.vector_store %arg12[%swap3A_430, %swap3A_431], %mul3A_429 {strides = array<i32>} : memref<128x128xf32, #tpu.memory_space<vmem>>, vector<16xf32>,
        %get3A_433 = arith.index_cast %add3A_383 : i32 to index
        %get3A_434 = arith.constant 112 : index
        %get3A_435 = tpu.vector_load %arg12[%get3A_433, %get3A_434] {strides = array<i32>} : memref<128x128xf32, #tpu.memory_space<vmem>>, vector<16xf32>,
        %mul3A_436 = arith.mulf %get3A_435, %gather3A_381 : vector<16xf32>
        %swap3A_437 = arith.index_cast %add3A_383 : i32 to index
        %swap3A_438 = arith.constant 112 : index
        %swap3A_439 = tpu.vector_load %arg12[%swap3A_437, %swap3A_438] {strides = array<i32>} : memref<128x128xf32, #tpu.memory_space<vmem>>, vector<16xf32>,
        tpu.vector_store %arg12[%swap3A_437, %swap3A_438], %mul3A_436 {strides = array<i32>} : memref<128x128xf32, #tpu.memory_space<vmem>>, vector<16xf32>,
        %broadcast_in_dim3A_440 = arith.constant 3 : i32
        %broadcast_in_dim3A_441 = vector.broadcast %broadcast_in_dim3A_440 : i32 to vector<16x1xi32>
        %gather3A_442 = vector.shape_cast %broadcast_in_dim3A_441 : vector<16x1xi32> to vector<16xi32>
        %gather3A_443 = tpu.dynamic_gather %get3A_256[%gather3A_442] in [0] : vector<16xf32>, vector<16xi32> -> vector<16xf32>
        %add3A_444 = arith.constant 3 : i32
        %add3A_445 = arith.addi %mul3A_253, %add3A_444 : i32
        %get3A_446 = arith.index_cast %add3A_445 : i32 to index
        %get3A_447 = arith.constant 0 : index
        %get3A_448 = tpu.vector_load %arg12[%get3A_446, %get3A_447] {strides = array<i32>} : memref<128x128xf32, #tpu.memory_space<vmem>>, vector<16xf32>,
        %mul3A_449 = arith.mulf %get3A_448, %gather3A_443 : vector<16xf32>
        %swap3A_450 = arith.index_cast %add3A_445 : i32 to index
        %swap3A_451 = arith.constant 0 : index
        %swap3A_452 = tpu.vector_load %arg12[%swap3A_450, %swap3A_451] {strides = array<i32>} : memref<128x128xf32, #tpu.memory_space<vmem>>, vector<16xf32>,
        tpu.vector_store %arg12[%swap3A_450, %swap3A_451], %mul3A_449 {strides = array<i32>} : memref<128x128xf32, #tpu.memory_space<vmem>>, vector<16xf32>,
        %get3A_453 = arith.index_cast %add3A_445 : i32 to index
        %get3A_454 = arith.constant 16 : index
        %get3A_455 = tpu.vector_load %arg12[%get3A_453, %get3A_454] {strides = array<i32>} : memref<128x128xf32, #tpu.memory_space<vmem>>, vector<16xf32>,
        %mul3A_456 = arith.mulf %get3A_455, %gather3A_443 : vector<16xf32>
        %swap3A_457 = arith.index_cast %add3A_445 : i32 to index
        %swap3A_458 = arith.constant 16 : index
        %swap3A_459 = tpu.vector_load %arg12[%swap3A_457, %swap3A_458] {strides = array<i32>} : memref<128x128xf32, #tpu.memory_space<vmem>>, vector<16xf32>,
        tpu.vector_store %arg12[%swap3A_457, %swap3A_458], %mul3A_456 {strides = array<i32>} : memref<128x128xf32, #tpu.memory_space<vmem>>, vector<16xf32>,
        %get3A_460 = arith.index_cast %add3A_445 : i32 to index
        %get3A_461 = arith.constant 32 : index
        %get3A_462 = tpu.vector_load %arg12[%get3A_460, %get3A_461] {strides = array<i32>} : memref<128x128xf32, #tpu.memory_space<vmem>>, vector<16xf32>,
        %mul3A_463 = arith.mulf %get3A_462, %gather3A_443 : vector<16xf32>
        %swap3A_464 = arith.index_cast %add3A_445 : i32 to index
        %swap3A_465 = arith.constant 32 : index
        %swap3A_466 = tpu.vector_load %arg12[%swap3A_464, %swap3A_465] {strides = array<i32>} : memref<128x128xf32, #tpu.memory_space<vmem>>, vector<16xf32>,
        tpu.vector_store %arg12[%swap3A_464, %swap3A_465], %mul3A_463 {strides = array<i32>} : memref<128x128xf32, #tpu.memory_space<vmem>>, vector<16xf32>,
        %get3A_467 = arith.index_cast %add3A_445 : i32 to index
        %get3A_468 = arith.constant 48 : index
        %get3A_469 = tpu.vector_load %arg12[%get3A_467, %get3A_468] {strides = array<i32>} : memref<128x128xf32, #tpu.memory_space<vmem>>, vector<16xf32>,
        %mul3A_470 = arith.mulf %get3A_469, %gather3A_443 : vector<16xf32>
        %swap3A_471 = arith.index_cast %add3A_445 : i32 to index
        %swap3A_472 = arith.constant 48 : index
        %swap3A_473 = tpu.vector_load %arg12[%swap3A_471, %swap3A_472] {strides = array<i32>} : memref<128x128xf32, #tpu.memory_space<vmem>>, vector<16xf32>,
        tpu.vector_store %arg12[%swap3A_471, %swap3A_472], %mul3A_470 {strides = array<i32>} : memref<128x128xf32, #tpu.memory_space<vmem>>, vector<16xf32>,
        %get3A_474 = arith.index_cast %add3A_445 : i32 to index
        %get3A_475 = arith.constant 64 : index
        %get3A_476 = tpu.vector_load %arg12[%get3A_474, %get3A_475] {strides = array<i32>} : memref<128x128xf32, #tpu.memory_space<vmem>>, vector<16xf32>,
        %mul3A_477 = arith.mulf %get3A_476, %gather3A_443 : vector<16xf32>
        %swap3A_478 = arith.index_cast %add3A_445 : i32 to index
        %swap3A_479 = arith.constant 64 : index
        %swap3A_480 = tpu.vector_load %arg12[%swap3A_478, %swap3A_479] {strides = array<i32>} : memref<128x128xf32, #tpu.memory_space<vmem>>, vector<16xf32>,
        tpu.vector_store %arg12[%swap3A_478, %swap3A_479], %mul3A_477 {strides = array<i32>} : memref<128x128xf32, #tpu.memory_space<vmem>>, vector<16xf32>,
        %get3A_481 = arith.index_cast %add3A_445 : i32 to index
        %get3A_482 = arith.constant 80 : index
        %get3A_483 = tpu.vector_load %arg12[%get3A_481, %get3A_482] {strides = array<i32>} : memref<128x128xf32, #tpu.memory_space<vmem>>, vector<16xf32>,
        %mul3A_484 = arith.mulf %get3A_483, %gather3A_443 : vector<16xf32>
        %swap3A_485 = arith.index_cast %add3A_445 : i32 to index
        %swap3A_486 = arith.constant 80 : index
        %swap3A_487 = tpu.vector_load %arg12[%swap3A_485, %swap3A_486] {strides = array<i32>} : memref<128x128xf32, #tpu.memory_space<vmem>>, vector<16xf32>,
        tpu.vector_store %arg12[%swap3A_485, %swap3A_486], %mul3A_484 {strides = array<i32>} : memref<128x128xf32, #tpu.memory_space<vmem>>, vector<16xf32>,
        %get3A_488 = arith.index_cast %add3A_445 : i32 to index
        %get3A_489 = arith.constant 96 : index
        %get3A_490 = tpu.vector_load %arg12[%get3A_488, %get3A_489] {strides = array<i32>} : memref<128x128xf32, #tpu.memory_space<vmem>>, vector<16xf32>,
        %mul3A_491 = arith.mulf %get3A_490, %gather3A_443 : vector<16xf32>
        %swap3A_492 = arith.index_cast %add3A_445 : i32 to index
        %swap3A_493 = arith.constant 96 : index
        %swap3A_494 = tpu.vector_load %arg12[%swap3A_492, %swap3A_493] {strides = array<i32>} : memref<128x128xf32, #tpu.memory_space<vmem>>, vector<16xf32>,
        tpu.vector_store %arg12[%swap3A_492, %swap3A_493], %mul3A_491 {strides = array<i32>} : memref<128x128xf32, #tpu.memory_space<vmem>>, vector<16xf32>,
        %get3A_495 = arith.index_cast %add3A_445 : i32 to index
        %get3A_496 = arith.constant 112 : index
        %get3A_497 = tpu.vector_load %arg12[%get3A_495, %get3A_496] {strides = array<i32>} : memref<128x128xf32, #tpu.memory_space<vmem>>, vector<16xf32>,
        %mul3A_498 = arith.mulf %get3A_497, %gather3A_443 : vector<16xf32>
        %swap3A_499 = arith.index_cast %add3A_445 : i32 to index
        %swap3A_500 = arith.constant 112 : index
        %swap3A_501 = tpu.vector_load %arg12[%swap3A_499, %swap3A_500] {strides = array<i32>} : memref<128x128xf32, #tpu.memory_space<vmem>>, vector<16xf32>,
        tpu.vector_store %arg12[%swap3A_499, %swap3A_500], %mul3A_498 {strides = array<i32>} : memref<128x128xf32, #tpu.memory_space<vmem>>, vector<16xf32>,
        %broadcast_in_dim3A_502 = arith.constant 4 : i32
        %broadcast_in_dim3A_503 = vector.broadcast %broadcast_in_dim3A_502 : i32 to vector<16x1xi32>
        %gather3A_504 = vector.shape_cast %broadcast_in_dim3A_503 : vector<16x1xi32> to vector<16xi32>
        %gather3A_505 = tpu.dynamic_gather %get3A_256[%gather3A_504] in [0] : vector<16xf32>, vector<16xi32> -> vector<16xf32>
        %add3A_506 = arith.constant 4 : i32
        %add3A_507 = arith.addi %mul3A_253, %add3A_506 : i32
        %get3A_508 = arith.index_cast %add3A_507 : i32 to index
        %get3A_509 = arith.constant 0 : index
        %get3A_510 = tpu.vector_load %arg12[%get3A_508, %get3A_509] {strides = array<i32>} : memref<128x128xf32, #tpu.memory_space<vmem>>, vector<16xf32>,
        %mul3A_511 = arith.mulf %get3A_510, %gather3A_505 : vector<16xf32>
        %swap3A_512 = arith.index_cast %add3A_507 : i32 to index
        %swap3A_513 = arith.constant 0 : index
        %swap3A_514 = tpu.vector_load %arg12[%swap3A_512, %swap3A_513] {strides = array<i32>} : memref<128x128xf32, #tpu.memory_space<vmem>>, vector<16xf32>,
        tpu.vector_store %arg12[%swap3A_512, %swap3A_513], %mul3A_511 {strides = array<i32>} : memref<128x128xf32, #tpu.memory_space<vmem>>, vector<16xf32>,
        %get3A_515 = arith.index_cast %add3A_507 : i32 to index
        %get3A_516 = arith.constant 16 : index
        %get3A_517 = tpu.vector_load %arg12[%get3A_515, %get3A_516] {strides = array<i32>} : memref<128x128xf32, #tpu.memory_space<vmem>>, vector<16xf32>,
        %mul3A_518 = arith.mulf %get3A_517, %gather3A_505 : vector<16xf32>
        %swap3A_519 = arith.index_cast %add3A_507 : i32 to index
        %swap3A_520 = arith.constant 16 : index
        %swap3A_521 = tpu.vector_load %arg12[%swap3A_519, %swap3A_520] {strides = array<i32>} : memref<128x128xf32, #tpu.memory_space<vmem>>, vector<16xf32>,
        tpu.vector_store %arg12[%swap3A_519, %swap3A_520], %mul3A_518 {strides = array<i32>} : memref<128x128xf32, #tpu.memory_space<vmem>>, vector<16xf32>,
        %get3A_522 = arith.index_cast %add3A_507 : i32 to index
        %get3A_523 = arith.constant 32 : index
        %get3A_524 = tpu.vector_load %arg12[%get3A_522, %get3A_523] {strides = array<i32>} : memref<128x128xf32, #tpu.memory_space<vmem>>, vector<16xf32>,
        %mul3A_525 = arith.mulf %get3A_524, %gather3A_505 : vector<16xf32>
        %swap3A_526 = arith.index_cast %add3A_507 : i32 to index
        %swap3A_527 = arith.constant 32 : index
        %swap3A_528 = tpu.vector_load %arg12[%swap3A_526, %swap3A_527] {strides = array<i32>} : memref<128x128xf32, #tpu.memory_space<vmem>>, vector<16xf32>,
        tpu.vector_store %arg12[%swap3A_526, %swap3A_527], %mul3A_525 {strides = array<i32>} : memref<128x128xf32, #tpu.memory_space<vmem>>, vector<16xf32>,
        %get3A_529 = arith.index_cast %add3A_507 : i32 to index
        %get3A_530 = arith.constant 48 : index
        %get3A_531 = tpu.vector_load %arg12[%get3A_529, %get3A_530] {strides = array<i32>} : memref<128x128xf32, #tpu.memory_space<vmem>>, vector<16xf32>,
        %mul3A_532 = arith.mulf %get3A_531, %gather3A_505 : vector<16xf32>
        %swap3A_533 = arith.index_cast %add3A_507 : i32 to index
        %swap3A_534 = arith.constant 48 : index
        %swap3A_535 = tpu.vector_load %arg12[%swap3A_533, %swap3A_534] {strides = array<i32>} : memref<128x128xf32, #tpu.memory_space<vmem>>, vector<16xf32>,
        tpu.vector_store %arg12[%swap3A_533, %swap3A_534], %mul3A_532 {strides = array<i32>} : memref<128x128xf32, #tpu.memory_space<vmem>>, vector<16xf32>,
        %get3A_536 = arith.index_cast %add3A_507 : i32 to index
        %get3A_537 = arith.constant 64 : index
        %get3A_538 = tpu.vector_load %arg12[%get3A_536, %get3A_537] {strides = array<i32>} : memref<128x128xf32, #tpu.memory_space<vmem>>, vector<16xf32>,
        %mul3A_539 = arith.mulf %get3A_538, %gather3A_505 : vector<16xf32>
        %swap3A_540 = arith.index_cast %add3A_507 : i32 to index
        %swap3A_541 = arith.constant 64 : index
        %swap3A_542 = tpu.vector_load %arg12[%swap3A_540, %swap3A_541] {strides = array<i32>} : memref<128x128xf32, #tpu.memory_space<vmem>>, vector<16xf32>,
        tpu.vector_store %arg12[%swap3A_540, %swap3A_541], %mul3A_539 {strides = array<i32>} : memref<128x128xf32, #tpu.memory_space<vmem>>, vector<16xf32>,
        %get3A_543 = arith.index_cast %add3A_507 : i32 to index
        %get3A_544 = arith.constant 80 : index
        %get3A_545 = tpu.vector_load %arg12[%get3A_543, %get3A_544] {strides = array<i32>} : memref<128x128xf32, #tpu.memory_space<vmem>>, vector<16xf32>,
        %mul3A_546 = arith.mulf %get3A_545, %gather3A_505 : vector<16xf32>
        %swap3A_547 = arith.index_cast %add3A_507 : i32 to index
        %swap3A_548 = arith.constant 80 : index
        %swap3A_549 = tpu.vector_load %arg12[%swap3A_547, %swap3A_548] {strides = array<i32>} : memref<128x128xf32, #tpu.memory_space<vmem>>, vector<16xf32>,
        tpu.vector_store %arg12[%swap3A_547, %swap3A_548], %mul3A_546 {strides = array<i32>} : memref<128x128xf32, #tpu.memory_space<vmem>>, vector<16xf32>,
        %get3A_550 = arith.index_cast %add3A_507 : i32 to index
        %get3A_551 = arith.constant 96 : index
        %get3A_552 = tpu.vector_load %arg12[%get3A_550, %get3A_551] {strides = array<i32>} : memref<128x128xf32, #tpu.memory_space<vmem>>, vector<16xf32>,
        %mul3A_553 = arith.mulf %get3A_552, %gather3A_505 : vector<16xf32>
        %swap3A_554 = arith.index_cast %add3A_507 : i32 to index
        %swap3A_555 = arith.constant 96 : index
        %swap3A_556 = tpu.vector_load %arg12[%swap3A_554, %swap3A_555] {strides = array<i32>} : memref<128x128xf32, #tpu.memory_space<vmem>>, vector<16xf32>,
        tpu.vector_store %arg12[%swap3A_554, %swap3A_555], %mul3A_553 {strides = array<i32>} : memref<128x128xf32, #tpu.memory_space<vmem>>, vector<16xf32>,
        %get3A_557 = arith.index_cast %add3A_507 : i32 to index
        %get3A_558 = arith.constant 112 : index
        %get3A_559 = tpu.vector_load %arg12[%get3A_557, %get3A_558] {strides = array<i32>} : memref<128x128xf32, #tpu.memory_space<vmem>>, vector<16xf32>,
        %mul3A_560 = arith.mulf %get3A_559, %gather3A_505 : vector<16xf32>
        %swap3A_561 = arith.index_cast %add3A_507 : i32 to index
        %swap3A_562 = arith.constant 112 : index
        %swap3A_563 = tpu.vector_load %arg12[%swap3A_561, %swap3A_562] {strides = array<i32>} : memref<128x128xf32, #tpu.memory_space<vmem>>, vector<16xf32>,
        tpu.vector_store %arg12[%swap3A_561, %swap3A_562], %mul3A_560 {strides = array<i32>} : memref<128x128xf32, #tpu.memory_space<vmem>>, vector<16xf32>,
        %broadcast_in_dim3A_564 = arith.constant 5 : i32
        %broadcast_in_dim3A_565 = vector.broadcast %broadcast_in_dim3A_564 : i32 to vector<16x1xi32>
        %gather3A_566 = vector.shape_cast %broadcast_in_dim3A_565 : vector<16x1xi32> to vector<16xi32>
        %gather3A_567 = tpu.dynamic_gather %get3A_256[%gather3A_566] in [0] : vector<16xf32>, vector<16xi32> -> vector<16xf32>
        %add3A_568 = arith.constant 5 : i32
        %add3A_569 = arith.addi %mul3A_253, %add3A_568 : i32
        %get3A_570 = arith.index_cast %add3A_569 : i32 to index
        %get3A_571 = arith.constant 0 : index
        %get3A_572 = tpu.vector_load %arg12[%get3A_570, %get3A_571] {strides = array<i32>} : memref<128x128xf32, #tpu.memory_space<vmem>>, vector<16xf32>,
        %mul3A_573 = arith.mulf %get3A_572, %gather3A_567 : vector<16xf32>
        %swap3A_574 = arith.index_cast %add3A_569 : i32 to index
        %swap3A_575 = arith.constant 0 : index
        %swap3A_576 = tpu.vector_load %arg12[%swap3A_574, %swap3A_575] {strides = array<i32>} : memref<128x128xf32, #tpu.memory_space<vmem>>, vector<16xf32>,
        tpu.vector_store %arg12[%swap3A_574, %swap3A_575], %mul3A_573 {strides = array<i32>} : memref<128x128xf32, #tpu.memory_space<vmem>>, vector<16xf32>,
        %get3A_577 = arith.index_cast %add3A_569 : i32 to index
        %get3A_578 = arith.constant 16 : index
        %get3A_579 = tpu.vector_load %arg12[%get3A_577, %get3A_578] {strides = array<i32>} : memref<128x128xf32, #tpu.memory_space<vmem>>, vector<16xf32>,
        %mul3A_580 = arith.mulf %get3A_579, %gather3A_567 : vector<16xf32>
        %swap3A_581 = arith.index_cast %add3A_569 : i32 to index
        %swap3A_582 = arith.constant 16 : index
        %swap3A_583 = tpu.vector_load %arg12[%swap3A_581, %swap3A_582] {strides = array<i32>} : memref<128x128xf32, #tpu.memory_space<vmem>>, vector<16xf32>,
        tpu.vector_store %arg12[%swap3A_581, %swap3A_582], %mul3A_580 {strides = array<i32>} : memref<128x128xf32, #tpu.memory_space<vmem>>, vector<16xf32>,
        %get3A_584 = arith.index_cast %add3A_569 : i32 to index
        %get3A_585 = arith.constant 32 : index
        %get3A_586 = tpu.vector_load %arg12[%get3A_584, %get3A_585] {strides = array<i32>} : memref<128x128xf32, #tpu.memory_space<vmem>>, vector<16xf32>,
        %mul3A_587 = arith.mulf %get3A_586, %gather3A_567 : vector<16xf32>
        %swap3A_588 = arith.index_cast %add3A_569 : i32 to index
        %swap3A_589 = arith.constant 32 : index
        %swap3A_590 = tpu.vector_load %arg12[%swap3A_588, %swap3A_589] {strides = array<i32>} : memref<128x128xf32, #tpu.memory_space<vmem>>, vector<16xf32>,
        tpu.vector_store %arg12[%swap3A_588, %swap3A_589], %mul3A_587 {strides = array<i32>} : memref<128x128xf32, #tpu.memory_space<vmem>>, vector<16xf32>,
        %get3A_591 = arith.index_cast %add3A_569 : i32 to index
        %get3A_592 = arith.constant 48 : index
        %get3A_593 = tpu.vector_load %arg12[%get3A_591, %get3A_592] {strides = array<i32>} : memref<128x128xf32, #tpu.memory_space<vmem>>, vector<16xf32>,
        %mul3A_594 = arith.mulf %get3A_593, %gather3A_567 : vector<16xf32>
        %swap3A_595 = arith.index_cast %add3A_569 : i32 to index
        %swap3A_596 = arith.constant 48 : index
        %swap3A_597 = tpu.vector_load %arg12[%swap3A_595, %swap3A_596] {strides = array<i32>} : memref<128x128xf32, #tpu.memory_space<vmem>>, vector<16xf32>,
        tpu.vector_store %arg12[%swap3A_595, %swap3A_596], %mul3A_594 {strides = array<i32>} : memref<128x128xf32, #tpu.memory_space<vmem>>, vector<16xf32>,
        %get3A_598 = arith.index_cast %add3A_569 : i32 to index
        %get3A_599 = arith.constant 64 : index
        %get3A_600 = tpu.vector_load %arg12[%get3A_598, %get3A_599] {strides = array<i32>} : memref<128x128xf32, #tpu.memory_space<vmem>>, vector<16xf32>,
        %mul3A_601 = arith.mulf %get3A_600, %gather3A_567 : vector<16xf32>
        %swap3A_602 = arith.index_cast %add3A_569 : i32 to index
        %swap3A_603 = arith.constant 64 : index
        %swap3A_604 = tpu.vector_load %arg12[%swap3A_602, %swap3A_603] {strides = array<i32>} : memref<128x128xf32, #tpu.memory_space<vmem>>, vector<16xf32>,
        tpu.vector_store %arg12[%swap3A_602, %swap3A_603], %mul3A_601 {strides = array<i32>} : memref<128x128xf32, #tpu.memory_space<vmem>>, vector<16xf32>,
        %get3A_605 = arith.index_cast %add3A_569 : i32 to index
        %get3A_606 = arith.constant 80 : index
        %get3A_607 = tpu.vector_load %arg12[%get3A_605, %get3A_606] {strides = array<i32>} : memref<128x128xf32, #tpu.memory_space<vmem>>, vector<16xf32>,
        %mul3A_608 = arith.mulf %get3A_607, %gather3A_567 : vector<16xf32>
        %swap3A_609 = arith.index_cast %add3A_569 : i32 to index
        %swap3A_610 = arith.constant 80 : index
        %swap3A_611 = tpu.vector_load %arg12[%swap3A_609, %swap3A_610] {strides = array<i32>} : memref<128x128xf32, #tpu.memory_space<vmem>>, vector<16xf32>,
        tpu.vector_store %arg12[%swap3A_609, %swap3A_610], %mul3A_608 {strides = array<i32>} : memref<128x128xf32, #tpu.memory_space<vmem>>, vector<16xf32>,
        %get3A_612 = arith.index_cast %add3A_569 : i32 to index
        %get3A_613 = arith.constant 96 : index
        %get3A_614 = tpu.vector_load %arg12[%get3A_612, %get3A_613] {strides = array<i32>} : memref<128x128xf32, #tpu.memory_space<vmem>>, vector<16xf32>,
        %mul3A_615 = arith.mulf %get3A_614, %gather3A_567 : vector<16xf32>
        %swap3A_616 = arith.index_cast %add3A_569 : i32 to index
        %swap3A_617 = arith.constant 96 : index
        %swap3A_618 = tpu.vector_load %arg12[%swap3A_616, %swap3A_617] {strides = array<i32>} : memref<128x128xf32, #tpu.memory_space<vmem>>, vector<16xf32>,
        tpu.vector_store %arg12[%swap3A_616, %swap3A_617], %mul3A_615 {strides = array<i32>} : memref<128x128xf32, #tpu.memory_space<vmem>>, vector<16xf32>,
        %get3A_619 = arith.index_cast %add3A_569 : i32 to index
        %get3A_620 = arith.constant 112 : index
        %get3A_621 = tpu.vector_load %arg12[%get3A_619, %get3A_620] {strides = array<i32>} : memref<128x128xf32, #tpu.memory_space<vmem>>, vector<16xf32>,
        %mul3A_622 = arith.mulf %get3A_621, %gather3A_567 : vector<16xf32>
        %swap3A_623 = arith.index_cast %add3A_569 : i32 to index
        %swap3A_624 = arith.constant 112 : index
        %swap3A_625 = tpu.vector_load %arg12[%swap3A_623, %swap3A_624] {strides = array<i32>} : memref<128x128xf32, #tpu.memory_space<vmem>>, vector<16xf32>,
        tpu.vector_store %arg12[%swap3A_623, %swap3A_624], %mul3A_622 {strides = array<i32>} : memref<128x128xf32, #tpu.memory_space<vmem>>, vector<16xf32>,
        %broadcast_in_dim3A_626 = arith.constant 6 : i32
        %broadcast_in_dim3A_627 = vector.broadcast %broadcast_in_dim3A_626 : i32 to vector<16x1xi32>
        %gather3A_628 = vector.shape_cast %broadcast_in_dim3A_627 : vector<16x1xi32> to vector<16xi32>
        %gather3A_629 = tpu.dynamic_gather %get3A_256[%gather3A_628] in [0] : vector<16xf32>, vector<16xi32> -> vector<16xf32>
        %add3A_630 = arith.constant 6 : i32
        %add3A_631 = arith.addi %mul3A_253, %add3A_630 : i32
        %get3A_632 = arith.index_cast %add3A_631 : i32 to index
        %get3A_633 = arith.constant 0 : index
        %get3A_634 = tpu.vector_load %arg12[%get3A_632, %get3A_633] {strides = array<i32>} : memref<128x128xf32, #tpu.memory_space<vmem>>, vector<16xf32>,
        %mul3A_635 = arith.mulf %get3A_634, %gather3A_629 : vector<16xf32>
        %swap3A_636 = arith.index_cast %add3A_631 : i32 to index
        %swap3A_637 = arith.constant 0 : index
        %swap3A_638 = tpu.vector_load %arg12[%swap3A_636, %swap3A_637] {strides = array<i32>} : memref<128x128xf32, #tpu.memory_space<vmem>>, vector<16xf32>,
        tpu.vector_store %arg12[%swap3A_636, %swap3A_637], %mul3A_635 {strides = array<i32>} : memref<128x128xf32, #tpu.memory_space<vmem>>, vector<16xf32>,
        %get3A_639 = arith.index_cast %add3A_631 : i32 to index
        %get3A_640 = arith.constant 16 : index
        %get3A_641 = tpu.vector_load %arg12[%get3A_639, %get3A_640] {strides = array<i32>} : memref<128x128xf32, #tpu.memory_space<vmem>>, vector<16xf32>,
        %mul3A_642 = arith.mulf %get3A_641, %gather3A_629 : vector<16xf32>
        %swap3A_643 = arith.index_cast %add3A_631 : i32 to index
        %swap3A_644 = arith.constant 16 : index
        %swap3A_645 = tpu.vector_load %arg12[%swap3A_643, %swap3A_644] {strides = array<i32>} : memref<128x128xf32, #tpu.memory_space<vmem>>, vector<16xf32>,
        tpu.vector_store %arg12[%swap3A_643, %swap3A_644], %mul3A_642 {strides = array<i32>} : memref<128x128xf32, #tpu.memory_space<vmem>>, vector<16xf32>,
        %get3A_646 = arith.index_cast %add3A_631 : i32 to index
        %get3A_647 = arith.constant 32 : index
        %get3A_648 = tpu.vector_load %arg12[%get3A_646, %get3A_647] {strides = array<i32>} : memref<128x128xf32, #tpu.memory_space<vmem>>, vector<16xf32>,
        %mul3A_649 = arith.mulf %get3A_648, %gather3A_629 : vector<16xf32>
        %swap3A_650 = arith.index_cast %add3A_631 : i32 to index
        %swap3A_651 = arith.constant 32 : index
        %swap3A_652 = tpu.vector_load %arg12[%swap3A_650, %swap3A_651] {strides = array<i32>} : memref<128x128xf32, #tpu.memory_space<vmem>>, vector<16xf32>,
        tpu.vector_store %arg12[%swap3A_650, %swap3A_651], %mul3A_649 {strides = array<i32>} : memref<128x128xf32, #tpu.memory_space<vmem>>, vector<16xf32>,
        %get3A_653 = arith.index_cast %add3A_631 : i32 to index
        %get3A_654 = arith.constant 48 : index
        %get3A_655 = tpu.vector_load %arg12[%get3A_653, %get3A_654] {strides = array<i32>} : memref<128x128xf32, #tpu.memory_space<vmem>>, vector<16xf32>,
        %mul3A_656 = arith.mulf %get3A_655, %gather3A_629 : vector<16xf32>
        %swap3A_657 = arith.index_cast %add3A_631 : i32 to index
        %swap3A_658 = arith.constant 48 : index
        %swap3A_659 = tpu.vector_load %arg12[%swap3A_657, %swap3A_658] {strides = array<i32>} : memref<128x128xf32, #tpu.memory_space<vmem>>, vector<16xf32>,
        tpu.vector_store %arg12[%swap3A_657, %swap3A_658], %mul3A_656 {strides = array<i32>} : memref<128x128xf32, #tpu.memory_space<vmem>>, vector<16xf32>,
        %get3A_660 = arith.index_cast %add3A_631 : i32 to index
        %get3A_661 = arith.constant 64 : index
        %get3A_662 = tpu.vector_load %arg12[%get3A_660, %get3A_661] {strides = array<i32>} : memref<128x128xf32, #tpu.memory_space<vmem>>, vector<16xf32>,
        %mul3A_663 = arith.mulf %get3A_662, %gather3A_629 : vector<16xf32>
        %swap3A_664 = arith.index_cast %add3A_631 : i32 to index
        %swap3A_665 = arith.constant 64 : index
        %swap3A_666 = tpu.vector_load %arg12[%swap3A_664, %swap3A_665] {strides = array<i32>} : memref<128x128xf32, #tpu.memory_space<vmem>>, vector<16xf32>,
        tpu.vector_store %arg12[%swap3A_664, %swap3A_665], %mul3A_663 {strides = array<i32>} : memref<128x128xf32, #tpu.memory_space<vmem>>, vector<16xf32>,
        %get3A_667 = arith.index_cast %add3A_631 : i32 to index
        %get3A_668 = arith.constant 80 : index
        %get3A_669 = tpu.vector_load %arg12[%get3A_667, %get3A_668] {strides = array<i32>} : memref<128x128xf32, #tpu.memory_space<vmem>>, vector<16xf32>,
        %mul3A_670 = arith.mulf %get3A_669, %gather3A_629 : vector<16xf32>
        %swap3A_671 = arith.index_cast %add3A_631 : i32 to index
        %swap3A_672 = arith.constant 80 : index
        %swap3A_673 = tpu.vector_load %arg12[%swap3A_671, %swap3A_672] {strides = array<i32>} : memref<128x128xf32, #tpu.memory_space<vmem>>, vector<16xf32>,
        tpu.vector_store %arg12[%swap3A_671, %swap3A_672], %mul3A_670 {strides = array<i32>} : memref<128x128xf32, #tpu.memory_space<vmem>>, vector<16xf32>,
        %get3A_674 = arith.index_cast %add3A_631 : i32 to index
        %get3A_675 = arith.constant 96 : index
        %get3A_676 = tpu.vector_load %arg12[%get3A_674, %get3A_675] {strides = array<i32>} : memref<128x128xf32, #tpu.memory_space<vmem>>, vector<16xf32>,
        %mul3A_677 = arith.mulf %get3A_676, %gather3A_629 : vector<16xf32>
        %swap3A_678 = arith.index_cast %add3A_631 : i32 to index
        %swap3A_679 = arith.constant 96 : index
        %swap3A_680 = tpu.vector_load %arg12[%swap3A_678, %swap3A_679] {strides = array<i32>} : memref<128x128xf32, #tpu.memory_space<vmem>>, vector<16xf32>,
        tpu.vector_store %arg12[%swap3A_678, %swap3A_679], %mul3A_677 {strides = array<i32>} : memref<128x128xf32, #tpu.memory_space<vmem>>, vector<16xf32>,
        %get3A_681 = arith.index_cast %add3A_631 : i32 to index
        %get3A_682 = arith.constant 112 : index
        %get3A_683 = tpu.vector_load %arg12[%get3A_681, %get3A_682] {strides = array<i32>} : memref<128x128xf32, #tpu.memory_space<vmem>>, vector<16xf32>,
        %mul3A_684 = arith.mulf %get3A_683, %gather3A_629 : vector<16xf32>
        %swap3A_685 = arith.index_cast %add3A_631 : i32 to index
        %swap3A_686 = arith.constant 112 : index
        %swap3A_687 = tpu.vector_load %arg12[%swap3A_685, %swap3A_686] {strides = array<i32>} : memref<128x128xf32, #tpu.memory_space<vmem>>, vector<16xf32>,
        tpu.vector_store %arg12[%swap3A_685, %swap3A_686], %mul3A_684 {strides = array<i32>} : memref<128x128xf32, #tpu.memory_space<vmem>>, vector<16xf32>,
        %broadcast_in_dim3A_688 = arith.constant 7 : i32
        %broadcast_in_dim3A_689 = vector.broadcast %broadcast_in_dim3A_688 : i32 to vector<16x1xi32>
        %gather3A_690 = vector.shape_cast %broadcast_in_dim3A_689 : vector<16x1xi32> to vector<16xi32>
        %gather3A_691 = tpu.dynamic_gather %get3A_256[%gather3A_690] in [0] : vector<16xf32>, vector<16xi32> -> vector<16xf32>
        %add3A_692 = arith.constant 7 : i32
        %add3A_693 = arith.addi %mul3A_253, %add3A_692 : i32
        %get3A_694 = arith.index_cast %add3A_693 : i32 to index
        %get3A_695 = arith.constant 0 : index
        %get3A_696 = tpu.vector_load %arg12[%get3A_694, %get3A_695] {strides = array<i32>} : memref<128x128xf32, #tpu.memory_space<vmem>>, vector<16xf32>,
        %mul3A_697 = arith.mulf %get3A_696, %gather3A_691 : vector<16xf32>
        %swap3A_698 = arith.index_cast %add3A_693 : i32 to index
        %swap3A_699 = arith.constant 0 : index
        %swap3A_700 = tpu.vector_load %arg12[%swap3A_698, %swap3A_699] {strides = array<i32>} : memref<128x128xf32, #tpu.memory_space<vmem>>, vector<16xf32>,
        tpu.vector_store %arg12[%swap3A_698, %swap3A_699], %mul3A_697 {strides = array<i32>} : memref<128x128xf32, #tpu.memory_space<vmem>>, vector<16xf32>,
        %get3A_701 = arith.index_cast %add3A_693 : i32 to index
        %get3A_702 = arith.constant 16 : index
        %get3A_703 = tpu.vector_load %arg12[%get3A_701, %get3A_702] {strides = array<i32>} : memref<128x128xf32, #tpu.memory_space<vmem>>, vector<16xf32>,
        %mul3A_704 = arith.mulf %get3A_703, %gather3A_691 : vector<16xf32>
        %swap3A_705 = arith.index_cast %add3A_693 : i32 to index
        %swap3A_706 = arith.constant 16 : index
        %swap3A_707 = tpu.vector_load %arg12[%swap3A_705, %swap3A_706] {strides = array<i32>} : memref<128x128xf32, #tpu.memory_space<vmem>>, vector<16xf32>,
        tpu.vector_store %arg12[%swap3A_705, %swap3A_706], %mul3A_704 {strides = array<i32>} : memref<128x128xf32, #tpu.memory_space<vmem>>, vector<16xf32>,
        %get3A_708 = arith.index_cast %add3A_693 : i32 to index
        %get3A_709 = arith.constant 32 : index
        %get3A_710 = tpu.vector_load %arg12[%get3A_708, %get3A_709] {strides = array<i32>} : memref<128x128xf32, #tpu.memory_space<vmem>>, vector<16xf32>,
        %mul3A_711 = arith.mulf %get3A_710, %gather3A_691 : vector<16xf32>
        %swap3A_712 = arith.index_cast %add3A_693 : i32 to index
        %swap3A_713 = arith.constant 32 : index
        %swap3A_714 = tpu.vector_load %arg12[%swap3A_712, %swap3A_713] {strides = array<i32>} : memref<128x128xf32, #tpu.memory_space<vmem>>, vector<16xf32>,
        tpu.vector_store %arg12[%swap3A_712, %swap3A_713], %mul3A_711 {strides = array<i32>} : memref<128x128xf32, #tpu.memory_space<vmem>>, vector<16xf32>,
        %get3A_715 = arith.index_cast %add3A_693 : i32 to index
        %get3A_716 = arith.constant 48 : index
        %get3A_717 = tpu.vector_load %arg12[%get3A_715, %get3A_716] {strides = array<i32>} : memref<128x128xf32, #tpu.memory_space<vmem>>, vector<16xf32>,
        %mul3A_718 = arith.mulf %get3A_717, %gather3A_691 : vector<16xf32>
        %swap3A_719 = arith.index_cast %add3A_693 : i32 to index
        %swap3A_720 = arith.constant 48 : index
        %swap3A_721 = tpu.vector_load %arg12[%swap3A_719, %swap3A_720] {strides = array<i32>} : memref<128x128xf32, #tpu.memory_space<vmem>>, vector<16xf32>,
        tpu.vector_store %arg12[%swap3A_719, %swap3A_720], %mul3A_718 {strides = array<i32>} : memref<128x128xf32, #tpu.memory_space<vmem>>, vector<16xf32>,
        %get3A_722 = arith.index_cast %add3A_693 : i32 to index
        %get3A_723 = arith.constant 64 : index
        %get3A_724 = tpu.vector_load %arg12[%get3A_722, %get3A_723] {strides = array<i32>} : memref<128x128xf32, #tpu.memory_space<vmem>>, vector<16xf32>,
        %mul3A_725 = arith.mulf %get3A_724, %gather3A_691 : vector<16xf32>
        %swap3A_726 = arith.index_cast %add3A_693 : i32 to index
        %swap3A_727 = arith.constant 64 : index
        %swap3A_728 = tpu.vector_load %arg12[%swap3A_726, %swap3A_727] {strides = array<i32>} : memref<128x128xf32, #tpu.memory_space<vmem>>, vector<16xf32>,
        tpu.vector_store %arg12[%swap3A_726, %swap3A_727], %mul3A_725 {strides = array<i32>} : memref<128x128xf32, #tpu.memory_space<vmem>>, vector<16xf32>,
        %get3A_729 = arith.index_cast %add3A_693 : i32 to index
        %get3A_730 = arith.constant 80 : index
        %get3A_731 = tpu.vector_load %arg12[%get3A_729, %get3A_730] {strides = array<i32>} : memref<128x128xf32, #tpu.memory_space<vmem>>, vector<16xf32>,
        %mul3A_732 = arith.mulf %get3A_731, %gather3A_691 : vector<16xf32>
        %swap3A_733 = arith.index_cast %add3A_693 : i32 to index
        %swap3A_734 = arith.constant 80 : index
        %swap3A_735 = tpu.vector_load %arg12[%swap3A_733, %swap3A_734] {strides = array<i32>} : memref<128x128xf32, #tpu.memory_space<vmem>>, vector<16xf32>,
        tpu.vector_store %arg12[%swap3A_733, %swap3A_734], %mul3A_732 {strides = array<i32>} : memref<128x128xf32, #tpu.memory_space<vmem>>, vector<16xf32>,
        %get3A_736 = arith.index_cast %add3A_693 : i32 to index
        %get3A_737 = arith.constant 96 : index
        %get3A_738 = tpu.vector_load %arg12[%get3A_736, %get3A_737] {strides = array<i32>} : memref<128x128xf32, #tpu.memory_space<vmem>>, vector<16xf32>,
        %mul3A_739 = arith.mulf %get3A_738, %gather3A_691 : vector<16xf32>
        %swap3A_740 = arith.index_cast %add3A_693 : i32 to index
        %swap3A_741 = arith.constant 96 : index
        %swap3A_742 = tpu.vector_load %arg12[%swap3A_740, %swap3A_741] {strides = array<i32>} : memref<128x128xf32, #tpu.memory_space<vmem>>, vector<16xf32>,
        tpu.vector_store %arg12[%swap3A_740, %swap3A_741], %mul3A_739 {strides = array<i32>} : memref<128x128xf32, #tpu.memory_space<vmem>>, vector<16xf32>,
        %get3A_743 = arith.index_cast %add3A_693 : i32 to index
        %get3A_744 = arith.constant 112 : index
        %get3A_745 = tpu.vector_load %arg12[%get3A_743, %get3A_744] {strides = array<i32>} : memref<128x128xf32, #tpu.memory_space<vmem>>, vector<16xf32>,
        %mul3A_746 = arith.mulf %get3A_745, %gather3A_691 : vector<16xf32>
        %swap3A_747 = arith.index_cast %add3A_693 : i32 to index
        %swap3A_748 = arith.constant 112 : index
        %swap3A_749 = tpu.vector_load %arg12[%swap3A_747, %swap3A_748] {strides = array<i32>} : memref<128x128xf32, #tpu.memory_space<vmem>>, vector<16xf32>,
        tpu.vector_store %arg12[%swap3A_747, %swap3A_748], %mul3A_746 {strides = array<i32>} : memref<128x128xf32, #tpu.memory_space<vmem>>, vector<16xf32>,
        %broadcast_in_dim3A_750 = arith.constant 8 : i32
        %broadcast_in_dim3A_751 = vector.broadcast %broadcast_in_dim3A_750 : i32 to vector<16x1xi32>
        %gather3A_752 = vector.shape_cast %broadcast_in_dim3A_751 : vector<16x1xi32> to vector<16xi32>
        %gather3A_753 = tpu.dynamic_gather %get3A_256[%gather3A_752] in [0] : vector<16xf32>, vector<16xi32> -> vector<16xf32>
        %add3A_754 = arith.constant 8 : i32
        %add3A_755 = arith.addi %mul3A_253, %add3A_754 : i32
        %get3A_756 = arith.index_cast %add3A_755 : i32 to index
        %get3A_757 = arith.constant 0 : index
        %get3A_758 = tpu.vector_load %arg12[%get3A_756, %get3A_757] {strides = array<i32>} : memref<128x128xf32, #tpu.memory_space<vmem>>, vector<16xf32>,
        %mul3A_759 = arith.mulf %get3A_758, %gather3A_753 : vector<16xf32>
        %swap3A_760 = arith.index_cast %add3A_755 : i32 to index
        %swap3A_761 = arith.constant 0 : index
        %swap3A_762 = tpu.vector_load %arg12[%swap3A_760, %swap3A_761] {strides = array<i32>} : memref<128x128xf32, #tpu.memory_space<vmem>>, vector<16xf32>,
        tpu.vector_store %arg12[%swap3A_760, %swap3A_761], %mul3A_759 {strides = array<i32>} : memref<128x128xf32, #tpu.memory_space<vmem>>, vector<16xf32>,
        %get3A_763 = arith.index_cast %add3A_755 : i32 to index
        %get3A_764 = arith.constant 16 : index
        %get3A_765 = tpu.vector_load %arg12[%get3A_763, %get3A_764] {strides = array<i32>} : memref<128x128xf32, #tpu.memory_space<vmem>>, vector<16xf32>,
        %mul3A_766 = arith.mulf %get3A_765, %gather3A_753 : vector<16xf32>
        %swap3A_767 = arith.index_cast %add3A_755 : i32 to index
        %swap3A_768 = arith.constant 16 : index
        %swap3A_769 = tpu.vector_load %arg12[%swap3A_767, %swap3A_768] {strides = array<i32>} : memref<128x128xf32, #tpu.memory_space<vmem>>, vector<16xf32>,
        tpu.vector_store %arg12[%swap3A_767, %swap3A_768], %mul3A_766 {strides = array<i32>} : memref<128x128xf32, #tpu.memory_space<vmem>>, vector<16xf32>,
        %get3A_770 = arith.index_cast %add3A_755 : i32 to index
        %get3A_771 = arith.constant 32 : index
        %get3A_772 = tpu.vector_load %arg12[%get3A_770, %get3A_771] {strides = array<i32>} : memref<128x128xf32, #tpu.memory_space<vmem>>, vector<16xf32>,
        %mul3A_773 = arith.mulf %get3A_772, %gather3A_753 : vector<16xf32>
        %swap3A_774 = arith.index_cast %add3A_755 : i32 to index
        %swap3A_775 = arith.constant 32 : index
        %swap3A_776 = tpu.vector_load %arg12[%swap3A_774, %swap3A_775] {strides = array<i32>} : memref<128x128xf32, #tpu.memory_space<vmem>>, vector<16xf32>,
        tpu.vector_store %arg12[%swap3A_774, %swap3A_775], %mul3A_773 {strides = array<i32>} : memref<128x128xf32, #tpu.memory_space<vmem>>, vector<16xf32>,
        %get3A_777 = arith.index_cast %add3A_755 : i32 to index
        %get3A_778 = arith.constant 48 : index
        %get3A_779 = tpu.vector_load %arg12[%get3A_777, %get3A_778] {strides = array<i32>} : memref<128x128xf32, #tpu.memory_space<vmem>>, vector<16xf32>,
        %mul3A_780 = arith.mulf %get3A_779, %gather3A_753 : vector<16xf32>
        %swap3A_781 = arith.index_cast %add3A_755 : i32 to index
        %swap3A_782 = arith.constant 48 : index
        %swap3A_783 = tpu.vector_load %arg12[%swap3A_781, %swap3A_782] {strides = array<i32>} : memref<128x128xf32, #tpu.memory_space<vmem>>, vector<16xf32>,
        tpu.vector_store %arg12[%swap3A_781, %swap3A_782], %mul3A_780 {strides = array<i32>} : memref<128x128xf32, #tpu.memory_space<vmem>>, vector<16xf32>,
        %get3A_784 = arith.index_cast %add3A_755 : i32 to index
        %get3A_785 = arith.constant 64 : index
        %get3A_786 = tpu.vector_load %arg12[%get3A_784, %get3A_785] {strides = array<i32>} : memref<128x128xf32, #tpu.memory_space<vmem>>, vector<16xf32>,
        %mul3A_787 = arith.mulf %get3A_786, %gather3A_753 : vector<16xf32>
        %swap3A_788 = arith.index_cast %add3A_755 : i32 to index
        %swap3A_789 = arith.constant 64 : index
        %swap3A_790 = tpu.vector_load %arg12[%swap3A_788, %swap3A_789] {strides = array<i32>} : memref<128x128xf32, #tpu.memory_space<vmem>>, vector<16xf32>,
        tpu.vector_store %arg12[%swap3A_788, %swap3A_789], %mul3A_787 {strides = array<i32>} : memref<128x128xf32, #tpu.memory_space<vmem>>, vector<16xf32>,
        %get3A_791 = arith.index_cast %add3A_755 : i32 to index
        %get3A_792 = arith.constant 80 : index
        %get3A_793 = tpu.vector_load %arg12[%get3A_791, %get3A_792] {strides = array<i32>} : memref<128x128xf32, #tpu.memory_space<vmem>>, vector<16xf32>,
        %mul3A_794 = arith.mulf %get3A_793, %gather3A_753 : vector<16xf32>
        %swap3A_795 = arith.index_cast %add3A_755 : i32 to index
        %swap3A_796 = arith.constant 80 : index
        %swap3A_797 = tpu.vector_load %arg12[%swap3A_795, %swap3A_796] {strides = array<i32>} : memref<128x128xf32, #tpu.memory_space<vmem>>, vector<16xf32>,
        tpu.vector_store %arg12[%swap3A_795, %swap3A_796], %mul3A_794 {strides = array<i32>} : memref<128x128xf32, #tpu.memory_space<vmem>>, vector<16xf32>,
        %get3A_798 = arith.index_cast %add3A_755 : i32 to index
        %get3A_799 = arith.constant 96 : index
        %get3A_800 = tpu.vector_load %arg12[%get3A_798, %get3A_799] {strides = array<i32>} : memref<128x128xf32, #tpu.memory_space<vmem>>, vector<16xf32>,
        %mul3A_801 = arith.mulf %get3A_800, %gather3A_753 : vector<16xf32>
        %swap3A_802 = arith.index_cast %add3A_755 : i32 to index
        %swap3A_803 = arith.constant 96 : index
        %swap3A_804 = tpu.vector_load %arg12[%swap3A_802, %swap3A_803] {strides = array<i32>} : memref<128x128xf32, #tpu.memory_space<vmem>>, vector<16xf32>,
        tpu.vector_store %arg12[%swap3A_802, %swap3A_803], %mul3A_801 {strides = array<i32>} : memref<128x128xf32, #tpu.memory_space<vmem>>, vector<16xf32>,
        %get3A_805 = arith.index_cast %add3A_755 : i32 to index
        %get3A_806 = arith.constant 112 : index
        %get3A_807 = tpu.vector_load %arg12[%get3A_805, %get3A_806] {strides = array<i32>} : memref<128x128xf32, #tpu.memory_space<vmem>>, vector<16xf32>,
        %mul3A_808 = arith.mulf %get3A_807, %gather3A_753 : vector<16xf32>
        %swap3A_809 = arith.index_cast %add3A_755 : i32 to index
        %swap3A_810 = arith.constant 112 : index
        %swap3A_811 = tpu.vector_load %arg12[%swap3A_809, %swap3A_810] {strides = array<i32>} : memref<128x128xf32, #tpu.memory_space<vmem>>, vector<16xf32>,
        tpu.vector_store %arg12[%swap3A_809, %swap3A_810], %mul3A_808 {strides = array<i32>} : memref<128x128xf32, #tpu.memory_space<vmem>>, vector<16xf32>,
        %broadcast_in_dim3A_812 = arith.constant 9 : i32
        %broadcast_in_dim3A_813 = vector.broadcast %broadcast_in_dim3A_812 : i32 to vector<16x1xi32>
        %gather3A_814 = vector.shape_cast %broadcast_in_dim3A_813 : vector<16x1xi32> to vector<16xi32>
        %gather3A_815 = tpu.dynamic_gather %get3A_256[%gather3A_814] in [0] : vector<16xf32>, vector<16xi32> -> vector<16xf32>
        %add3A_816 = arith.constant 9 : i32
        %add3A_817 = arith.addi %mul3A_253, %add3A_816 : i32
        %get3A_818 = arith.index_cast %add3A_817 : i32 to index
        %get3A_819 = arith.constant 0 : index
        %get3A_820 = tpu.vector_load %arg12[%get3A_818, %get3A_819] {strides = array<i32>} : memref<128x128xf32, #tpu.memory_space<vmem>>, vector<16xf32>,
        %mul3A_821 = arith.mulf %get3A_820, %gather3A_815 : vector<16xf32>
        %swap3A_822 = arith.index_cast %add3A_817 : i32 to index
        %swap3A_823 = arith.constant 0 : index
        %swap3A_824 = tpu.vector_load %arg12[%swap3A_822, %swap3A_823] {strides = array<i32>} : memref<128x128xf32, #tpu.memory_space<vmem>>, vector<16xf32>,
        tpu.vector_store %arg12[%swap3A_822, %swap3A_823], %mul3A_821 {strides = array<i32>} : memref<128x128xf32, #tpu.memory_space<vmem>>, vector<16xf32>,
        %get3A_825 = arith.index_cast %add3A_817 : i32 to index
        %get3A_826 = arith.constant 16 : index
        %get3A_827 = tpu.vector_load %arg12[%get3A_825, %get3A_826] {strides = array<i32>} : memref<128x128xf32, #tpu.memory_space<vmem>>, vector<16xf32>,
        %mul3A_828 = arith.mulf %get3A_827, %gather3A_815 : vector<16xf32>
        %swap3A_829 = arith.index_cast %add3A_817 : i32 to index
        %swap3A_830 = arith.constant 16 : index
        %swap3A_831 = tpu.vector_load %arg12[%swap3A_829, %swap3A_830] {strides = array<i32>} : memref<128x128xf32, #tpu.memory_space<vmem>>, vector<16xf32>,
        tpu.vector_store %arg12[%swap3A_829, %swap3A_830], %mul3A_828 {strides = array<i32>} : memref<128x128xf32, #tpu.memory_space<vmem>>, vector<16xf32>,
        %get3A_832 = arith.index_cast %add3A_817 : i32 to index
        %get3A_833 = arith.constant 32 : index
        %get3A_834 = tpu.vector_load %arg12[%get3A_832, %get3A_833] {strides = array<i32>} : memref<128x128xf32, #tpu.memory_space<vmem>>, vector<16xf32>,
        %mul3A_835 = arith.mulf %get3A_834, %gather3A_815 : vector<16xf32>
        %swap3A_836 = arith.index_cast %add3A_817 : i32 to index
        %swap3A_837 = arith.constant 32 : index
        %swap3A_838 = tpu.vector_load %arg12[%swap3A_836, %swap3A_837] {strides = array<i32>} : memref<128x128xf32, #tpu.memory_space<vmem>>, vector<16xf32>,
        tpu.vector_store %arg12[%swap3A_836, %swap3A_837], %mul3A_835 {strides = array<i32>} : memref<128x128xf32, #tpu.memory_space<vmem>>, vector<16xf32>,
        %get3A_839 = arith.index_cast %add3A_817 : i32 to index
        %get3A_840 = arith.constant 48 : index
        %get3A_841 = tpu.vector_load %arg12[%get3A_839, %get3A_840] {strides = array<i32>} : memref<128x128xf32, #tpu.memory_space<vmem>>, vector<16xf32>,
        %mul3A_842 = arith.mulf %get3A_841, %gather3A_815 : vector<16xf32>
        %swap3A_843 = arith.index_cast %add3A_817 : i32 to index
        %swap3A_844 = arith.constant 48 : index
        %swap3A_845 = tpu.vector_load %arg12[%swap3A_843, %swap3A_844] {strides = array<i32>} : memref<128x128xf32, #tpu.memory_space<vmem>>, vector<16xf32>,
        tpu.vector_store %arg12[%swap3A_843, %swap3A_844], %mul3A_842 {strides = array<i32>} : memref<128x128xf32, #tpu.memory_space<vmem>>, vector<16xf32>,
        %get3A_846 = arith.index_cast %add3A_817 : i32 to index
        %get3A_847 = arith.constant 64 : index
        %get3A_848 = tpu.vector_load %arg12[%get3A_846, %get3A_847] {strides = array<i32>} : memref<128x128xf32, #tpu.memory_space<vmem>>, vector<16xf32>,
        %mul3A_849 = arith.mulf %get3A_848, %gather3A_815 : vector<16xf32>
        %swap3A_850 = arith.index_cast %add3A_817 : i32 to index
        %swap3A_851 = arith.constant 64 : index
        %swap3A_852 = tpu.vector_load %arg12[%swap3A_850, %swap3A_851] {strides = array<i32>} : memref<128x128xf32, #tpu.memory_space<vmem>>, vector<16xf32>,
        tpu.vector_store %arg12[%swap3A_850, %swap3A_851], %mul3A_849 {strides = array<i32>} : memref<128x128xf32, #tpu.memory_space<vmem>>, vector<16xf32>,
        %get3A_853 = arith.index_cast %add3A_817 : i32 to index
        %get3A_854 = arith.constant 80 : index
        %get3A_855 = tpu.vector_load %arg12[%get3A_853, %get3A_854] {strides = array<i32>} : memref<128x128xf32, #tpu.memory_space<vmem>>, vector<16xf32>,
        %mul3A_856 = arith.mulf %get3A_855, %gather3A_815 : vector<16xf32>
        %swap3A_857 = arith.index_cast %add3A_817 : i32 to index
        %swap3A_858 = arith.constant 80 : index
        %swap3A_859 = tpu.vector_load %arg12[%swap3A_857, %swap3A_858] {strides = array<i32>} : memref<128x128xf32, #tpu.memory_space<vmem>>, vector<16xf32>,
        tpu.vector_store %arg12[%swap3A_857, %swap3A_858], %mul3A_856 {strides = array<i32>} : memref<128x128xf32, #tpu.memory_space<vmem>>, vector<16xf32>,
        %get3A_860 = arith.index_cast %add3A_817 : i32 to index
        %get3A_861 = arith.constant 96 : index
        %get3A_862 = tpu.vector_load %arg12[%get3A_860, %get3A_861] {strides = array<i32>} : memref<128x128xf32, #tpu.memory_space<vmem>>, vector<16xf32>,
        %mul3A_863 = arith.mulf %get3A_862, %gather3A_815 : vector<16xf32>
        %swap3A_864 = arith.index_cast %add3A_817 : i32 to index
        %swap3A_865 = arith.constant 96 : index
        %swap3A_866 = tpu.vector_load %arg12[%swap3A_864, %swap3A_865] {strides = array<i32>} : memref<128x128xf32, #tpu.memory_space<vmem>>, vector<16xf32>,
        tpu.vector_store %arg12[%swap3A_864, %swap3A_865], %mul3A_863 {strides = array<i32>} : memref<128x128xf32, #tpu.memory_space<vmem>>, vector<16xf32>,
        %get3A_867 = arith.index_cast %add3A_817 : i32 to index
        %get3A_868 = arith.constant 112 : index
        %get3A_869 = tpu.vector_load %arg12[%get3A_867, %get3A_868] {strides = array<i32>} : memref<128x128xf32, #tpu.memory_space<vmem>>, vector<16xf32>,
        %mul3A_870 = arith.mulf %get3A_869, %gather3A_815 : vector<16xf32>
        %swap3A_871 = arith.index_cast %add3A_817 : i32 to index
        %swap3A_872 = arith.constant 112 : index
        %swap3A_873 = tpu.vector_load %arg12[%swap3A_871, %swap3A_872] {strides = array<i32>} : memref<128x128xf32, #tpu.memory_space<vmem>>, vector<16xf32>,
        tpu.vector_store %arg12[%swap3A_871, %swap3A_872], %mul3A_870 {strides = array<i32>} : memref<128x128xf32, #tpu.memory_space<vmem>>, vector<16xf32>,
        %broadcast_in_dim3A_874 = arith.constant 10 : i32
        %broadcast_in_dim3A_875 = vector.broadcast %broadcast_in_dim3A_874 : i32 to vector<16x1xi32>
        %gather3A_876 = vector.shape_cast %broadcast_in_dim3A_875 : vector<16x1xi32> to vector<16xi32>
        %gather3A_877 = tpu.dynamic_gather %get3A_256[%gather3A_876] in [0] : vector<16xf32>, vector<16xi32> -> vector<16xf32>
        %add3A_878 = arith.constant 10 : i32
        %add3A_879 = arith.addi %mul3A_253, %add3A_878 : i32
        %get3A_880 = arith.index_cast %add3A_879 : i32 to index
        %get3A_881 = arith.constant 0 : index
        %get3A_882 = tpu.vector_load %arg12[%get3A_880, %get3A_881] {strides = array<i32>} : memref<128x128xf32, #tpu.memory_space<vmem>>, vector<16xf32>,
        %mul3A_883 = arith.mulf %get3A_882, %gather3A_877 : vector<16xf32>
        %swap3A_884 = arith.index_cast %add3A_879 : i32 to index
        %swap3A_885 = arith.constant 0 : index
        %swap3A_886 = tpu.vector_load %arg12[%swap3A_884, %swap3A_885] {strides = array<i32>} : memref<128x128xf32, #tpu.memory_space<vmem>>, vector<16xf32>,
        tpu.vector_store %arg12[%swap3A_884, %swap3A_885], %mul3A_883 {strides = array<i32>} : memref<128x128xf32, #tpu.memory_space<vmem>>, vector<16xf32>,
        %get3A_887 = arith.index_cast %add3A_879 : i32 to index
        %get3A_888 = arith.constant 16 : index
        %get3A_889 = tpu.vector_load %arg12[%get3A_887, %get3A_888] {strides = array<i32>} : memref<128x128xf32, #tpu.memory_space<vmem>>, vector<16xf32>,
        %mul3A_890 = arith.mulf %get3A_889, %gather3A_877 : vector<16xf32>
        %swap3A_891 = arith.index_cast %add3A_879 : i32 to index
        %swap3A_892 = arith.constant 16 : index
        %swap3A_893 = tpu.vector_load %arg12[%swap3A_891, %swap3A_892] {strides = array<i32>} : memref<128x128xf32, #tpu.memory_space<vmem>>, vector<16xf32>,
        tpu.vector_store %arg12[%swap3A_891, %swap3A_892], %mul3A_890 {strides = array<i32>} : memref<128x128xf32, #tpu.memory_space<vmem>>, vector<16xf32>,
        %get3A_894 = arith.index_cast %add3A_879 : i32 to index
        %get3A_895 = arith.constant 32 : index
        %get3A_896 = tpu.vector_load %arg12[%get3A_894, %get3A_895] {strides = array<i32>} : memref<128x128xf32, #tpu.memory_space<vmem>>, vector<16xf32>,
        %mul3A_897 = arith.mulf %get3A_896, %gather3A_877 : vector<16xf32>
        %swap3A_898 = arith.index_cast %add3A_879 : i32 to index
        %swap3A_899 = arith.constant 32 : index
        %swap3A_900 = tpu.vector_load %arg12[%swap3A_898, %swap3A_899] {strides = array<i32>} : memref<128x128xf32, #tpu.memory_space<vmem>>, vector<16xf32>,
        tpu.vector_store %arg12[%swap3A_898, %swap3A_899], %mul3A_897 {strides = array<i32>} : memref<128x128xf32, #tpu.memory_space<vmem>>, vector<16xf32>,
        %get3A_901 = arith.index_cast %add3A_879 : i32 to index
        %get3A_902 = arith.constant 48 : index
        %get3A_903 = tpu.vector_load %arg12[%get3A_901, %get3A_902] {strides = array<i32>} : memref<128x128xf32, #tpu.memory_space<vmem>>, vector<16xf32>,
        %mul3A_904 = arith.mulf %get3A_903, %gather3A_877 : vector<16xf32>
        %swap3A_905 = arith.index_cast %add3A_879 : i32 to index
        %swap3A_906 = arith.constant 48 : index
        %swap3A_907 = tpu.vector_load %arg12[%swap3A_905, %swap3A_906] {strides = array<i32>} : memref<128x128xf32, #tpu.memory_space<vmem>>, vector<16xf32>,
        tpu.vector_store %arg12[%swap3A_905, %swap3A_906], %mul3A_904 {strides = array<i32>} : memref<128x128xf32, #tpu.memory_space<vmem>>, vector<16xf32>,
        %get3A_908 = arith.index_cast %add3A_879 : i32 to index
        %get3A_909 = arith.constant 64 : index
        %get3A_910 = tpu.vector_load %arg12[%get3A_908, %get3A_909] {strides = array<i32>} : memref<128x128xf32, #tpu.memory_space<vmem>>, vector<16xf32>,
        %mul3A_911 = arith.mulf %get3A_910, %gather3A_877 : vector<16xf32>
        %swap3A_912 = arith.index_cast %add3A_879 : i32 to index
        %swap3A_913 = arith.constant 64 : index
        %swap3A_914 = tpu.vector_load %arg12[%swap3A_912, %swap3A_913] {strides = array<i32>} : memref<128x128xf32, #tpu.memory_space<vmem>>, vector<16xf32>,
        tpu.vector_store %arg12[%swap3A_912, %swap3A_913], %mul3A_911 {strides = array<i32>} : memref<128x128xf32, #tpu.memory_space<vmem>>, vector<16xf32>,
        %get3A_915 = arith.index_cast %add3A_879 : i32 to index
        %get3A_916 = arith.constant 80 : index
        %get3A_917 = tpu.vector_load %arg12[%get3A_915, %get3A_916] {strides = array<i32>} : memref<128x128xf32, #tpu.memory_space<vmem>>, vector<16xf32>,
        %mul3A_918 = arith.mulf %get3A_917, %gather3A_877 : vector<16xf32>
        %swap3A_919 = arith.index_cast %add3A_879 : i32 to index
        %swap3A_920 = arith.constant 80 : index
        %swap3A_921 = tpu.vector_load %arg12[%swap3A_919, %swap3A_920] {strides = array<i32>} : memref<128x128xf32, #tpu.memory_space<vmem>>, vector<16xf32>,
        tpu.vector_store %arg12[%swap3A_919, %swap3A_920], %mul3A_918 {strides = array<i32>} : memref<128x128xf32, #tpu.memory_space<vmem>>, vector<16xf32>,
        %get3A_922 = arith.index_cast %add3A_879 : i32 to index
        %get3A_923 = arith.constant 96 : index
        %get3A_924 = tpu.vector_load %arg12[%get3A_922, %get3A_923] {strides = array<i32>} : memref<128x128xf32, #tpu.memory_space<vmem>>, vector<16xf32>,
        %mul3A_925 = arith.mulf %get3A_924, %gather3A_877 : vector<16xf32>
        %swap3A_926 = arith.index_cast %add3A_879 : i32 to index
        %swap3A_927 = arith.constant 96 : index
        %swap3A_928 = tpu.vector_load %arg12[%swap3A_926, %swap3A_927] {strides = array<i32>} : memref<128x128xf32, #tpu.memory_space<vmem>>, vector<16xf32>,
        tpu.vector_store %arg12[%swap3A_926, %swap3A_927], %mul3A_925 {strides = array<i32>} : memref<128x128xf32, #tpu.memory_space<vmem>>, vector<16xf32>,
        %get3A_929 = arith.index_cast %add3A_879 : i32 to index
        %get3A_930 = arith.constant 112 : index
        %get3A_931 = tpu.vector_load %arg12[%get3A_929, %get3A_930] {strides = array<i32>} : memref<128x128xf32, #tpu.memory_space<vmem>>, vector<16xf32>,
        %mul3A_932 = arith.mulf %get3A_931, %gather3A_877 : vector<16xf32>
        %swap3A_933 = arith.index_cast %add3A_879 : i32 to index
        %swap3A_934 = arith.constant 112 : index
        %swap3A_935 = tpu.vector_load %arg12[%swap3A_933, %swap3A_934] {strides = array<i32>} : memref<128x128xf32, #tpu.memory_space<vmem>>, vector<16xf32>,
        tpu.vector_store %arg12[%swap3A_933, %swap3A_934], %mul3A_932 {strides = array<i32>} : memref<128x128xf32, #tpu.memory_space<vmem>>, vector<16xf32>,
        %broadcast_in_dim3A_936 = arith.constant 11 : i32
        %broadcast_in_dim3A_937 = vector.broadcast %broadcast_in_dim3A_936 : i32 to vector<16x1xi32>
        %gather3A_938 = vector.shape_cast %broadcast_in_dim3A_937 : vector<16x1xi32> to vector<16xi32>
        %gather3A_939 = tpu.dynamic_gather %get3A_256[%gather3A_938] in [0] : vector<16xf32>, vector<16xi32> -> vector<16xf32>
        %add3A_940 = arith.constant 11 : i32
        %add3A_941 = arith.addi %mul3A_253, %add3A_940 : i32
        %get3A_942 = arith.index_cast %add3A_941 : i32 to index
        %get3A_943 = arith.constant 0 : index
        %get3A_944 = tpu.vector_load %arg12[%get3A_942, %get3A_943] {strides = array<i32>} : memref<128x128xf32, #tpu.memory_space<vmem>>, vector<16xf32>,
        %mul3A_945 = arith.mulf %get3A_944, %gather3A_939 : vector<16xf32>
        %swap3A_946 = arith.index_cast %add3A_941 : i32 to index
        %swap3A_947 = arith.constant 0 : index
        %swap3A_948 = tpu.vector_load %arg12[%swap3A_946, %swap3A_947] {strides = array<i32>} : memref<128x128xf32, #tpu.memory_space<vmem>>, vector<16xf32>,
        tpu.vector_store %arg12[%swap3A_946, %swap3A_947], %mul3A_945 {strides = array<i32>} : memref<128x128xf32, #tpu.memory_space<vmem>>, vector<16xf32>,
        %get3A_949 = arith.index_cast %add3A_941 : i32 to index
        %get3A_950 = arith.constant 16 : index
        %get3A_951 = tpu.vector_load %arg12[%get3A_949, %get3A_950] {strides = array<i32>} : memref<128x128xf32, #tpu.memory_space<vmem>>, vector<16xf32>,
        %mul3A_952 = arith.mulf %get3A_951, %gather3A_939 : vector<16xf32>
        %swap3A_953 = arith.index_cast %add3A_941 : i32 to index
        %swap3A_954 = arith.constant 16 : index
        %swap3A_955 = tpu.vector_load %arg12[%swap3A_953, %swap3A_954] {strides = array<i32>} : memref<128x128xf32, #tpu.memory_space<vmem>>, vector<16xf32>,
        tpu.vector_store %arg12[%swap3A_953, %swap3A_954], %mul3A_952 {strides = array<i32>} : memref<128x128xf32, #tpu.memory_space<vmem>>, vector<16xf32>,
        %get3A_956 = arith.index_cast %add3A_941 : i32 to index
        %get3A_957 = arith.constant 32 : index
        %get3A_958 = tpu.vector_load %arg12[%get3A_956, %get3A_957] {strides = array<i32>} : memref<128x128xf32, #tpu.memory_space<vmem>>, vector<16xf32>,
        %mul3A_959 = arith.mulf %get3A_958, %gather3A_939 : vector<16xf32>
        %swap3A_960 = arith.index_cast %add3A_941 : i32 to index
        %swap3A_961 = arith.constant 32 : index
        %swap3A_962 = tpu.vector_load %arg12[%swap3A_960, %swap3A_961] {strides = array<i32>} : memref<128x128xf32, #tpu.memory_space<vmem>>, vector<16xf32>,
        tpu.vector_store %arg12[%swap3A_960, %swap3A_961], %mul3A_959 {strides = array<i32>} : memref<128x128xf32, #tpu.memory_space<vmem>>, vector<16xf32>,
        %get3A_963 = arith.index_cast %add3A_941 : i32 to index
        %get3A_964 = arith.constant 48 : index
        %get3A_965 = tpu.vector_load %arg12[%get3A_963, %get3A_964] {strides = array<i32>} : memref<128x128xf32, #tpu.memory_space<vmem>>, vector<16xf32>,
        %mul3A_966 = arith.mulf %get3A_965, %gather3A_939 : vector<16xf32>
        %swap3A_967 = arith.index_cast %add3A_941 : i32 to index
        %swap3A_968 = arith.constant 48 : index
        %swap3A_969 = tpu.vector_load %arg12[%swap3A_967, %swap3A_968] {strides = array<i32>} : memref<128x128xf32, #tpu.memory_space<vmem>>, vector<16xf32>,
        tpu.vector_store %arg12[%swap3A_967, %swap3A_968], %mul3A_966 {strides = array<i32>} : memref<128x128xf32, #tpu.memory_space<vmem>>, vector<16xf32>,
        %get3A_970 = arith.index_cast %add3A_941 : i32 to index
        %get3A_971 = arith.constant 64 : index
        %get3A_972 = tpu.vector_load %arg12[%get3A_970, %get3A_971] {strides = array<i32>} : memref<128x128xf32, #tpu.memory_space<vmem>>, vector<16xf32>,
        %mul3A_973 = arith.mulf %get3A_972, %gather3A_939 : vector<16xf32>
        %swap3A_974 = arith.index_cast %add3A_941 : i32 to index
        %swap3A_975 = arith.constant 64 : index
        %swap3A_976 = tpu.vector_load %arg12[%swap3A_974, %swap3A_975] {strides = array<i32>} : memref<128x128xf32, #tpu.memory_space<vmem>>, vector<16xf32>,
        tpu.vector_store %arg12[%swap3A_974, %swap3A_975], %mul3A_973 {strides = array<i32>} : memref<128x128xf32, #tpu.memory_space<vmem>>, vector<16xf32>,
        %get3A_977 = arith.index_cast %add3A_941 : i32 to index
        %get3A_978 = arith.constant 80 : index
        %get3A_979 = tpu.vector_load %arg12[%get3A_977, %get3A_978] {strides = array<i32>} : memref<128x128xf32, #tpu.memory_space<vmem>>, vector<16xf32>,
        %mul3A_980 = arith.mulf %get3A_979, %gather3A_939 : vector<16xf32>
        %swap3A_981 = arith.index_cast %add3A_941 : i32 to index
        %swap3A_982 = arith.constant 80 : index
        %swap3A_983 = tpu.vector_load %arg12[%swap3A_981, %swap3A_982] {strides = array<i32>} : memref<128x128xf32, #tpu.memory_space<vmem>>, vector<16xf32>,
        tpu.vector_store %arg12[%swap3A_981, %swap3A_982], %mul3A_980 {strides = array<i32>} : memref<128x128xf32, #tpu.memory_space<vmem>>, vector<16xf32>,
        %get3A_984 = arith.index_cast %add3A_941 : i32 to index
        %get3A_985 = arith.constant 96 : index
        %get3A_986 = tpu.vector_load %arg12[%get3A_984, %get3A_985] {strides = array<i32>} : memref<128x128xf32, #tpu.memory_space<vmem>>, vector<16xf32>,
        %mul3A_987 = arith.mulf %get3A_986, %gather3A_939 : vector<16xf32>
        %swap3A_988 = arith.index_cast %add3A_941 : i32 to index
        %swap3A_989 = arith.constant 96 : index
        %swap3A_990 = tpu.vector_load %arg12[%swap3A_988, %swap3A_989] {strides = array<i32>} : memref<128x128xf32, #tpu.memory_space<vmem>>, vector<16xf32>,
        tpu.vector_store %arg12[%swap3A_988, %swap3A_989], %mul3A_987 {strides = array<i32>} : memref<128x128xf32, #tpu.memory_space<vmem>>, vector<16xf32>,
        %get3A_991 = arith.index_cast %add3A_941 : i32 to index
        %get3A_992 = arith.constant 112 : index
        %get3A_993 = tpu.vector_load %arg12[%get3A_991, %get3A_992] {strides = array<i32>} : memref<128x128xf32, #tpu.memory_space<vmem>>, vector<16xf32>,
        %mul3A_994 = arith.mulf %get3A_993, %gather3A_939 : vector<16xf32>
        %swap3A_995 = arith.index_cast %add3A_941 : i32 to index
        %swap3A_996 = arith.constant 112 : index
        %swap3A_997 = tpu.vector_load %arg12[%swap3A_995, %swap3A_996] {strides = array<i32>} : memref<128x128xf32, #tpu.memory_space<vmem>>, vector<16xf32>,
        tpu.vector_store %arg12[%swap3A_995, %swap3A_996], %mul3A_994 {strides = array<i32>} : memref<128x128xf32, #tpu.memory_space<vmem>>, vector<16xf32>,
        %broadcast_in_dim3A_998 = arith.constant 12 : i32
        %broadcast_in_dim3A_999 = vector.broadcast %broadcast_in_dim3A_998 : i32 to vector<16x1xi32>
        %gather3A_1000 = vector.shape_cast %broadcast_in_dim3A_999 : vector<16x1xi32> to vector<16xi32>
        %gather3A_1001 = tpu.dynamic_gather %get3A_256[%gather3A_1000] in [0] : vector<16xf32>, vector<16xi32> -> vector<16xf32>
        %add3A_1002 = arith.constant 12 : i32
        %add3A_1003 = arith.addi %mul3A_253, %add3A_1002 : i32
        %get3A_1004 = arith.index_cast %add3A_1003 : i32 to index
        %get3A_1005 = arith.constant 0 : index
        %get3A_1006 = tpu.vector_load %arg12[%get3A_1004, %get3A_1005] {strides = array<i32>} : memref<128x128xf32, #tpu.memory_space<vmem>>, vector<16xf32>,
        %mul3A_1007 = arith.mulf %get3A_1006, %gather3A_1001 : vector<16xf32>
        %swap3A_1008 = arith.index_cast %add3A_1003 : i32 to index
        %swap3A_1009 = arith.constant 0 : index
        %swap3A_1010 = tpu.vector_load %arg12[%swap3A_1008, %swap3A_1009] {strides = array<i32>} : memref<128x128xf32, #tpu.memory_space<vmem>>, vector<16xf32>,
        tpu.vector_store %arg12[%swap3A_1008, %swap3A_1009], %mul3A_1007 {strides = array<i32>} : memref<128x128xf32, #tpu.memory_space<vmem>>, vector<16xf32>,
        %get3A_1011 = arith.index_cast %add3A_1003 : i32 to index
        %get3A_1012 = arith.constant 16 : index
        %get3A_1013 = tpu.vector_load %arg12[%get3A_1011, %get3A_1012] {strides = array<i32>} : memref<128x128xf32, #tpu.memory_space<vmem>>, vector<16xf32>,
        %mul3A_1014 = arith.mulf %get3A_1013, %gather3A_1001 : vector<16xf32>
        %swap3A_1015 = arith.index_cast %add3A_1003 : i32 to index
        %swap3A_1016 = arith.constant 16 : index
        %swap3A_1017 = tpu.vector_load %arg12[%swap3A_1015, %swap3A_1016] {strides = array<i32>} : memref<128x128xf32, #tpu.memory_space<vmem>>, vector<16xf32>,
        tpu.vector_store %arg12[%swap3A_1015, %swap3A_1016], %mul3A_1014 {strides = array<i32>} : memref<128x128xf32, #tpu.memory_space<vmem>>, vector<16xf32>,
        %get3A_1018 = arith.index_cast %add3A_1003 : i32 to index
        %get3A_1019 = arith.constant 32 : index
        %get3A_1020 = tpu.vector_load %arg12[%get3A_1018, %get3A_1019] {strides = array<i32>} : memref<128x128xf32, #tpu.memory_space<vmem>>, vector<16xf32>,
        %mul3A_1021 = arith.mulf %get3A_1020, %gather3A_1001 : vector<16xf32>
        %swap3A_1022 = arith.index_cast %add3A_1003 : i32 to index
        %swap3A_1023 = arith.constant 32 : index
        %swap3A_1024 = tpu.vector_load %arg12[%swap3A_1022, %swap3A_1023] {strides = array<i32>} : memref<128x128xf32, #tpu.memory_space<vmem>>, vector<16xf32>,
        tpu.vector_store %arg12[%swap3A_1022, %swap3A_1023], %mul3A_1021 {strides = array<i32>} : memref<128x128xf32, #tpu.memory_space<vmem>>, vector<16xf32>,
        %get3A_1025 = arith.index_cast %add3A_1003 : i32 to index
        %get3A_1026 = arith.constant 48 : index
        %get3A_1027 = tpu.vector_load %arg12[%get3A_1025, %get3A_1026] {strides = array<i32>} : memref<128x128xf32, #tpu.memory_space<vmem>>, vector<16xf32>,
        %mul3A_1028 = arith.mulf %get3A_1027, %gather3A_1001 : vector<16xf32>
        %swap3A_1029 = arith.index_cast %add3A_1003 : i32 to index
        %swap3A_1030 = arith.constant 48 : index
        %swap3A_1031 = tpu.vector_load %arg12[%swap3A_1029, %swap3A_1030] {strides = array<i32>} : memref<128x128xf32, #tpu.memory_space<vmem>>, vector<16xf32>,
        tpu.vector_store %arg12[%swap3A_1029, %swap3A_1030], %mul3A_1028 {strides = array<i32>} : memref<128x128xf32, #tpu.memory_space<vmem>>, vector<16xf32>,
        %get3A_1032 = arith.index_cast %add3A_1003 : i32 to index
        %get3A_1033 = arith.constant 64 : index
        %get3A_1034 = tpu.vector_load %arg12[%get3A_1032, %get3A_1033] {strides = array<i32>} : memref<128x128xf32, #tpu.memory_space<vmem>>, vector<16xf32>,
        %mul3A_1035 = arith.mulf %get3A_1034, %gather3A_1001 : vector<16xf32>
        %swap3A_1036 = arith.index_cast %add3A_1003 : i32 to index
        %swap3A_1037 = arith.constant 64 : index
        %swap3A_1038 = tpu.vector_load %arg12[%swap3A_1036, %swap3A_1037] {strides = array<i32>} : memref<128x128xf32, #tpu.memory_space<vmem>>, vector<16xf32>,
        tpu.vector_store %arg12[%swap3A_1036, %swap3A_1037], %mul3A_1035 {strides = array<i32>} : memref<128x128xf32, #tpu.memory_space<vmem>>, vector<16xf32>,
        %get3A_1039 = arith.index_cast %add3A_1003 : i32 to index
        %get3A_1040 = arith.constant 80 : index
        %get3A_1041 = tpu.vector_load %arg12[%get3A_1039, %get3A_1040] {strides = array<i32>} : memref<128x128xf32, #tpu.memory_space<vmem>>, vector<16xf32>,
        %mul3A_1042 = arith.mulf %get3A_1041, %gather3A_1001 : vector<16xf32>
        %swap3A_1043 = arith.index_cast %add3A_1003 : i32 to index
        %swap3A_1044 = arith.constant 80 : index
        %swap3A_1045 = tpu.vector_load %arg12[%swap3A_1043, %swap3A_1044] {strides = array<i32>} : memref<128x128xf32, #tpu.memory_space<vmem>>, vector<16xf32>,
        tpu.vector_store %arg12[%swap3A_1043, %swap3A_1044], %mul3A_1042 {strides = array<i32>} : memref<128x128xf32, #tpu.memory_space<vmem>>, vector<16xf32>,
        %get3A_1046 = arith.index_cast %add3A_1003 : i32 to index
        %get3A_1047 = arith.constant 96 : index
        %get3A_1048 = tpu.vector_load %arg12[%get3A_1046, %get3A_1047] {strides = array<i32>} : memref<128x128xf32, #tpu.memory_space<vmem>>, vector<16xf32>,
        %mul3A_1049 = arith.mulf %get3A_1048, %gather3A_1001 : vector<16xf32>
        %swap3A_1050 = arith.index_cast %add3A_1003 : i32 to index
        %swap3A_1051 = arith.constant 96 : index
        %swap3A_1052 = tpu.vector_load %arg12[%swap3A_1050, %swap3A_1051] {strides = array<i32>} : memref<128x128xf32, #tpu.memory_space<vmem>>, vector<16xf32>,
        tpu.vector_store %arg12[%swap3A_1050, %swap3A_1051], %mul3A_1049 {strides = array<i32>} : memref<128x128xf32, #tpu.memory_space<vmem>>, vector<16xf32>,
        %get3A_1053 = arith.index_cast %add3A_1003 : i32 to index
        %get3A_1054 = arith.constant 112 : index
        %get3A_1055 = tpu.vector_load %arg12[%get3A_1053, %get3A_1054] {strides = array<i32>} : memref<128x128xf32, #tpu.memory_space<vmem>>, vector<16xf32>,
        %mul3A_1056 = arith.mulf %get3A_1055, %gather3A_1001 : vector<16xf32>
        %swap3A_1057 = arith.index_cast %add3A_1003 : i32 to index
        %swap3A_1058 = arith.constant 112 : index
        %swap3A_1059 = tpu.vector_load %arg12[%swap3A_1057, %swap3A_1058] {strides = array<i32>} : memref<128x128xf32, #tpu.memory_space<vmem>>, vector<16xf32>,
        tpu.vector_store %arg12[%swap3A_1057, %swap3A_1058], %mul3A_1056 {strides = array<i32>} : memref<128x128xf32, #tpu.memory_space<vmem>>, vector<16xf32>,
        %broadcast_in_dim3A_1060 = arith.constant 13 : i32
        %broadcast_in_dim3A_1061 = vector.broadcast %broadcast_in_dim3A_1060 : i32 to vector<16x1xi32>
        %gather3A_1062 = vector.shape_cast %broadcast_in_dim3A_1061 : vector<16x1xi32> to vector<16xi32>
        %gather3A_1063 = tpu.dynamic_gather %get3A_256[%gather3A_1062] in [0] : vector<16xf32>, vector<16xi32> -> vector<16xf32>
        %add3A_1064 = arith.constant 13 : i32
        %add3A_1065 = arith.addi %mul3A_253, %add3A_1064 : i32
        %get3A_1066 = arith.index_cast %add3A_1065 : i32 to index
        %get3A_1067 = arith.constant 0 : index
        %get3A_1068 = tpu.vector_load %arg12[%get3A_1066, %get3A_1067] {strides = array<i32>} : memref<128x128xf32, #tpu.memory_space<vmem>>, vector<16xf32>,
        %mul3A_1069 = arith.mulf %get3A_1068, %gather3A_1063 : vector<16xf32>
        %swap3A_1070 = arith.index_cast %add3A_1065 : i32 to index
        %swap3A_1071 = arith.constant 0 : index
        %swap3A_1072 = tpu.vector_load %arg12[%swap3A_1070, %swap3A_1071] {strides = array<i32>} : memref<128x128xf32, #tpu.memory_space<vmem>>, vector<16xf32>,
        tpu.vector_store %arg12[%swap3A_1070, %swap3A_1071], %mul3A_1069 {strides = array<i32>} : memref<128x128xf32, #tpu.memory_space<vmem>>, vector<16xf32>,
        %get3A_1073 = arith.index_cast %add3A_1065 : i32 to index
        %get3A_1074 = arith.constant 16 : index
        %get3A_1075 = tpu.vector_load %arg12[%get3A_1073, %get3A_1074] {strides = array<i32>} : memref<128x128xf32, #tpu.memory_space<vmem>>, vector<16xf32>,
        %mul3A_1076 = arith.mulf %get3A_1075, %gather3A_1063 : vector<16xf32>
        %swap3A_1077 = arith.index_cast %add3A_1065 : i32 to index
        %swap3A_1078 = arith.constant 16 : index
        %swap3A_1079 = tpu.vector_load %arg12[%swap3A_1077, %swap3A_1078] {strides = array<i32>} : memref<128x128xf32, #tpu.memory_space<vmem>>, vector<16xf32>,
        tpu.vector_store %arg12[%swap3A_1077, %swap3A_1078], %mul3A_1076 {strides = array<i32>} : memref<128x128xf32, #tpu.memory_space<vmem>>, vector<16xf32>,
        %get3A_1080 = arith.index_cast %add3A_1065 : i32 to index
        %get3A_1081 = arith.constant 32 : index
        %get3A_1082 = tpu.vector_load %arg12[%get3A_1080, %get3A_1081] {strides = array<i32>} : memref<128x128xf32, #tpu.memory_space<vmem>>, vector<16xf32>,
        %mul3A_1083 = arith.mulf %get3A_1082, %gather3A_1063 : vector<16xf32>
        %swap3A_1084 = arith.index_cast %add3A_1065 : i32 to index
        %swap3A_1085 = arith.constant 32 : index
        %swap3A_1086 = tpu.vector_load %arg12[%swap3A_1084, %swap3A_1085] {strides = array<i32>} : memref<128x128xf32, #tpu.memory_space<vmem>>, vector<16xf32>,
        tpu.vector_store %arg12[%swap3A_1084, %swap3A_1085], %mul3A_1083 {strides = array<i32>} : memref<128x128xf32, #tpu.memory_space<vmem>>, vector<16xf32>,
        %get3A_1087 = arith.index_cast %add3A_1065 : i32 to index
        %get3A_1088 = arith.constant 48 : index
        %get3A_1089 = tpu.vector_load %arg12[%get3A_1087, %get3A_1088] {strides = array<i32>} : memref<128x128xf32, #tpu.memory_space<vmem>>, vector<16xf32>,
        %mul3A_1090 = arith.mulf %get3A_1089, %gather3A_1063 : vector<16xf32>
        %swap3A_1091 = arith.index_cast %add3A_1065 : i32 to index
        %swap3A_1092 = arith.constant 48 : index
        %swap3A_1093 = tpu.vector_load %arg12[%swap3A_1091, %swap3A_1092] {strides = array<i32>} : memref<128x128xf32, #tpu.memory_space<vmem>>, vector<16xf32>,
        tpu.vector_store %arg12[%swap3A_1091, %swap3A_1092], %mul3A_1090 {strides = array<i32>} : memref<128x128xf32, #tpu.memory_space<vmem>>, vector<16xf32>,
        %get3A_1094 = arith.index_cast %add3A_1065 : i32 to index
        %get3A_1095 = arith.constant 64 : index
        %get3A_1096 = tpu.vector_load %arg12[%get3A_1094, %get3A_1095] {strides = array<i32>} : memref<128x128xf32, #tpu.memory_space<vmem>>, vector<16xf32>,
        %mul3A_1097 = arith.mulf %get3A_1096, %gather3A_1063 : vector<16xf32>
        %swap3A_1098 = arith.index_cast %add3A_1065 : i32 to index
        %swap3A_1099 = arith.constant 64 : index
        %swap3A_1100 = tpu.vector_load %arg12[%swap3A_1098, %swap3A_1099] {strides = array<i32>} : memref<128x128xf32, #tpu.memory_space<vmem>>, vector<16xf32>,
        tpu.vector_store %arg12[%swap3A_1098, %swap3A_1099], %mul3A_1097 {strides = array<i32>} : memref<128x128xf32, #tpu.memory_space<vmem>>, vector<16xf32>,
        %get3A_1101 = arith.index_cast %add3A_1065 : i32 to index
        %get3A_1102 = arith.constant 80 : index
        %get3A_1103 = tpu.vector_load %arg12[%get3A_1101, %get3A_1102] {strides = array<i32>} : memref<128x128xf32, #tpu.memory_space<vmem>>, vector<16xf32>,
        %mul3A_1104 = arith.mulf %get3A_1103, %gather3A_1063 : vector<16xf32>
        %swap3A_1105 = arith.index_cast %add3A_1065 : i32 to index
        %swap3A_1106 = arith.constant 80 : index
        %swap3A_1107 = tpu.vector_load %arg12[%swap3A_1105, %swap3A_1106] {strides = array<i32>} : memref<128x128xf32, #tpu.memory_space<vmem>>, vector<16xf32>,
        tpu.vector_store %arg12[%swap3A_1105, %swap3A_1106], %mul3A_1104 {strides = array<i32>} : memref<128x128xf32, #tpu.memory_space<vmem>>, vector<16xf32>,
        %get3A_1108 = arith.index_cast %add3A_1065 : i32 to index
        %get3A_1109 = arith.constant 96 : index
        %get3A_1110 = tpu.vector_load %arg12[%get3A_1108, %get3A_1109] {strides = array<i32>} : memref<128x128xf32, #tpu.memory_space<vmem>>, vector<16xf32>,
        %mul3A_1111 = arith.mulf %get3A_1110, %gather3A_1063 : vector<16xf32>
        %swap3A_1112 = arith.index_cast %add3A_1065 : i32 to index
        %swap3A_1113 = arith.constant 96 : index
        %swap3A_1114 = tpu.vector_load %arg12[%swap3A_1112, %swap3A_1113] {strides = array<i32>} : memref<128x128xf32, #tpu.memory_space<vmem>>, vector<16xf32>,
        tpu.vector_store %arg12[%swap3A_1112, %swap3A_1113], %mul3A_1111 {strides = array<i32>} : memref<128x128xf32, #tpu.memory_space<vmem>>, vector<16xf32>,
        %get3A_1115 = arith.index_cast %add3A_1065 : i32 to index
        %get3A_1116 = arith.constant 112 : index
        %get3A_1117 = tpu.vector_load %arg12[%get3A_1115, %get3A_1116] {strides = array<i32>} : memref<128x128xf32, #tpu.memory_space<vmem>>, vector<16xf32>,
        %mul3A_1118 = arith.mulf %get3A_1117, %gather3A_1063 : vector<16xf32>
        %swap3A_1119 = arith.index_cast %add3A_1065 : i32 to index
        %swap3A_1120 = arith.constant 112 : index
        %swap3A_1121 = tpu.vector_load %arg12[%swap3A_1119, %swap3A_1120] {strides = array<i32>} : memref<128x128xf32, #tpu.memory_space<vmem>>, vector<16xf32>,
        tpu.vector_store %arg12[%swap3A_1119, %swap3A_1120], %mul3A_1118 {strides = array<i32>} : memref<128x128xf32, #tpu.memory_space<vmem>>, vector<16xf32>,
        %broadcast_in_dim3A_1122 = arith.constant 14 : i32
        %broadcast_in_dim3A_1123 = vector.broadcast %broadcast_in_dim3A_1122 : i32 to vector<16x1xi32>
        %gather3A_1124 = vector.shape_cast %broadcast_in_dim3A_1123 : vector<16x1xi32> to vector<16xi32>
        %gather3A_1125 = tpu.dynamic_gather %get3A_256[%gather3A_1124] in [0] : vector<16xf32>, vector<16xi32> -> vector<16xf32>
        %add3A_1126 = arith.constant 14 : i32
        %add3A_1127 = arith.addi %mul3A_253, %add3A_1126 : i32
        %get3A_1128 = arith.index_cast %add3A_1127 : i32 to index
        %get3A_1129 = arith.constant 0 : index
        %get3A_1130 = tpu.vector_load %arg12[%get3A_1128, %get3A_1129] {strides = array<i32>} : memref<128x128xf32, #tpu.memory_space<vmem>>, vector<16xf32>,
        %mul3A_1131 = arith.mulf %get3A_1130, %gather3A_1125 : vector<16xf32>
        %swap3A_1132 = arith.index_cast %add3A_1127 : i32 to index
        %swap3A_1133 = arith.constant 0 : index
        %swap3A_1134 = tpu.vector_load %arg12[%swap3A_1132, %swap3A_1133] {strides = array<i32>} : memref<128x128xf32, #tpu.memory_space<vmem>>, vector<16xf32>,
        tpu.vector_store %arg12[%swap3A_1132, %swap3A_1133], %mul3A_1131 {strides = array<i32>} : memref<128x128xf32, #tpu.memory_space<vmem>>, vector<16xf32>,
        %get3A_1135 = arith.index_cast %add3A_1127 : i32 to index
        %get3A_1136 = arith.constant 16 : index
        %get3A_1137 = tpu.vector_load %arg12[%get3A_1135, %get3A_1136] {strides = array<i32>} : memref<128x128xf32, #tpu.memory_space<vmem>>, vector<16xf32>,
        %mul3A_1138 = arith.mulf %get3A_1137, %gather3A_1125 : vector<16xf32>
        %swap3A_1139 = arith.index_cast %add3A_1127 : i32 to index
        %swap3A_1140 = arith.constant 16 : index
        %swap3A_1141 = tpu.vector_load %arg12[%swap3A_1139, %swap3A_1140] {strides = array<i32>} : memref<128x128xf32, #tpu.memory_space<vmem>>, vector<16xf32>,
        tpu.vector_store %arg12[%swap3A_1139, %swap3A_1140], %mul3A_1138 {strides = array<i32>} : memref<128x128xf32, #tpu.memory_space<vmem>>, vector<16xf32>,
        %get3A_1142 = arith.index_cast %add3A_1127 : i32 to index
        %get3A_1143 = arith.constant 32 : index
        %get3A_1144 = tpu.vector_load %arg12[%get3A_1142, %get3A_1143] {strides = array<i32>} : memref<128x128xf32, #tpu.memory_space<vmem>>, vector<16xf32>,
        %mul3A_1145 = arith.mulf %get3A_1144, %gather3A_1125 : vector<16xf32>
        %swap3A_1146 = arith.index_cast %add3A_1127 : i32 to index
        %swap3A_1147 = arith.constant 32 : index
        %swap3A_1148 = tpu.vector_load %arg12[%swap3A_1146, %swap3A_1147] {strides = array<i32>} : memref<128x128xf32, #tpu.memory_space<vmem>>, vector<16xf32>,
        tpu.vector_store %arg12[%swap3A_1146, %swap3A_1147], %mul3A_1145 {strides = array<i32>} : memref<128x128xf32, #tpu.memory_space<vmem>>, vector<16xf32>,
        %get3A_1149 = arith.index_cast %add3A_1127 : i32 to index
        %get3A_1150 = arith.constant 48 : index
        %get3A_1151 = tpu.vector_load %arg12[%get3A_1149, %get3A_1150] {strides = array<i32>} : memref<128x128xf32, #tpu.memory_space<vmem>>, vector<16xf32>,
        %mul3A_1152 = arith.mulf %get3A_1151, %gather3A_1125 : vector<16xf32>
        %swap3A_1153 = arith.index_cast %add3A_1127 : i32 to index
        %swap3A_1154 = arith.constant 48 : index
        %swap3A_1155 = tpu.vector_load %arg12[%swap3A_1153, %swap3A_1154] {strides = array<i32>} : memref<128x128xf32, #tpu.memory_space<vmem>>, vector<16xf32>,
        tpu.vector_store %arg12[%swap3A_1153, %swap3A_1154], %mul3A_1152 {strides = array<i32>} : memref<128x128xf32, #tpu.memory_space<vmem>>, vector<16xf32>,
        %get3A_1156 = arith.index_cast %add3A_1127 : i32 to index
        %get3A_1157 = arith.constant 64 : index
        %get3A_1158 = tpu.vector_load %arg12[%get3A_1156, %get3A_1157] {strides = array<i32>} : memref<128x128xf32, #tpu.memory_space<vmem>>, vector<16xf32>,
        %mul3A_1159 = arith.mulf %get3A_1158, %gather3A_1125 : vector<16xf32>
        %swap3A_1160 = arith.index_cast %add3A_1127 : i32 to index
        %swap3A_1161 = arith.constant 64 : index
        %swap3A_1162 = tpu.vector_load %arg12[%swap3A_1160, %swap3A_1161] {strides = array<i32>} : memref<128x128xf32, #tpu.memory_space<vmem>>, vector<16xf32>,
        tpu.vector_store %arg12[%swap3A_1160, %swap3A_1161], %mul3A_1159 {strides = array<i32>} : memref<128x128xf32, #tpu.memory_space<vmem>>, vector<16xf32>,
        %get3A_1163 = arith.index_cast %add3A_1127 : i32 to index
        %get3A_1164 = arith.constant 80 : index
        %get3A_1165 = tpu.vector_load %arg12[%get3A_1163, %get3A_1164] {strides = array<i32>} : memref<128x128xf32, #tpu.memory_space<vmem>>, vector<16xf32>,
        %mul3A_1166 = arith.mulf %get3A_1165, %gather3A_1125 : vector<16xf32>
        %swap3A_1167 = arith.index_cast %add3A_1127 : i32 to index
        %swap3A_1168 = arith.constant 80 : index
        %swap3A_1169 = tpu.vector_load %arg12[%swap3A_1167, %swap3A_1168] {strides = array<i32>} : memref<128x128xf32, #tpu.memory_space<vmem>>, vector<16xf32>,
        tpu.vector_store %arg12[%swap3A_1167, %swap3A_1168], %mul3A_1166 {strides = array<i32>} : memref<128x128xf32, #tpu.memory_space<vmem>>, vector<16xf32>,
        %get3A_1170 = arith.index_cast %add3A_1127 : i32 to index
        %get3A_1171 = arith.constant 96 : index
        %get3A_1172 = tpu.vector_load %arg12[%get3A_1170, %get3A_1171] {strides = array<i32>} : memref<128x128xf32, #tpu.memory_space<vmem>>, vector<16xf32>,
        %mul3A_1173 = arith.mulf %get3A_1172, %gather3A_1125 : vector<16xf32>
        %swap3A_1174 = arith.index_cast %add3A_1127 : i32 to index
        %swap3A_1175 = arith.constant 96 : index
        %swap3A_1176 = tpu.vector_load %arg12[%swap3A_1174, %swap3A_1175] {strides = array<i32>} : memref<128x128xf32, #tpu.memory_space<vmem>>, vector<16xf32>,
        tpu.vector_store %arg12[%swap3A_1174, %swap3A_1175], %mul3A_1173 {strides = array<i32>} : memref<128x128xf32, #tpu.memory_space<vmem>>, vector<16xf32>,
        %get3A_1177 = arith.index_cast %add3A_1127 : i32 to index
        %get3A_1178 = arith.constant 112 : index
        %get3A_1179 = tpu.vector_load %arg12[%get3A_1177, %get3A_1178] {strides = array<i32>} : memref<128x128xf32, #tpu.memory_space<vmem>>, vector<16xf32>,
        %mul3A_1180 = arith.mulf %get3A_1179, %gather3A_1125 : vector<16xf32>
        %swap3A_1181 = arith.index_cast %add3A_1127 : i32 to index
        %swap3A_1182 = arith.constant 112 : index
        %swap3A_1183 = tpu.vector_load %arg12[%swap3A_1181, %swap3A_1182] {strides = array<i32>} : memref<128x128xf32, #tpu.memory_space<vmem>>, vector<16xf32>,
        tpu.vector_store %arg12[%swap3A_1181, %swap3A_1182], %mul3A_1180 {strides = array<i32>} : memref<128x128xf32, #tpu.memory_space<vmem>>, vector<16xf32>,
        %broadcast_in_dim3A_1184 = arith.constant 15 : i32
        %broadcast_in_dim3A_1185 = vector.broadcast %broadcast_in_dim3A_1184 : i32 to vector<16x1xi32>
        %gather3A_1186 = vector.shape_cast %broadcast_in_dim3A_1185 : vector<16x1xi32> to vector<16xi32>
        %gather3A_1187 = tpu.dynamic_gather %get3A_256[%gather3A_1186] in [0] : vector<16xf32>, vector<16xi32> -> vector<16xf32>
        %add3A_1188 = arith.constant 15 : i32
        %add3A_1189 = arith.addi %mul3A_253, %add3A_1188 : i32
        %get3A_1190 = arith.index_cast %add3A_1189 : i32 to index
        %get3A_1191 = arith.constant 0 : index
        %get3A_1192 = tpu.vector_load %arg12[%get3A_1190, %get3A_1191] {strides = array<i32>} : memref<128x128xf32, #tpu.memory_space<vmem>>, vector<16xf32>,
        %mul3A_1193 = arith.mulf %get3A_1192, %gather3A_1187 : vector<16xf32>
        %swap3A_1194 = arith.index_cast %add3A_1189 : i32 to index
        %swap3A_1195 = arith.constant 0 : index
        %swap3A_1196 = tpu.vector_load %arg12[%swap3A_1194, %swap3A_1195] {strides = array<i32>} : memref<128x128xf32, #tpu.memory_space<vmem>>, vector<16xf32>,
        tpu.vector_store %arg12[%swap3A_1194, %swap3A_1195], %mul3A_1193 {strides = array<i32>} : memref<128x128xf32, #tpu.memory_space<vmem>>, vector<16xf32>,
        %get3A_1197 = arith.index_cast %add3A_1189 : i32 to index
        %get3A_1198 = arith.constant 16 : index
        %get3A_1199 = tpu.vector_load %arg12[%get3A_1197, %get3A_1198] {strides = array<i32>} : memref<128x128xf32, #tpu.memory_space<vmem>>, vector<16xf32>,
        %mul3A_1200 = arith.mulf %get3A_1199, %gather3A_1187 : vector<16xf32>
        %swap3A_1201 = arith.index_cast %add3A_1189 : i32 to index
        %swap3A_1202 = arith.constant 16 : index
        %swap3A_1203 = tpu.vector_load %arg12[%swap3A_1201, %swap3A_1202] {strides = array<i32>} : memref<128x128xf32, #tpu.memory_space<vmem>>, vector<16xf32>,
        tpu.vector_store %arg12[%swap3A_1201, %swap3A_1202], %mul3A_1200 {strides = array<i32>} : memref<128x128xf32, #tpu.memory_space<vmem>>, vector<16xf32>,
        %get3A_1204 = arith.index_cast %add3A_1189 : i32 to index
        %get3A_1205 = arith.constant 32 : index
        %get3A_1206 = tpu.vector_load %arg12[%get3A_1204, %get3A_1205] {strides = array<i32>} : memref<128x128xf32, #tpu.memory_space<vmem>>, vector<16xf32>,
        %mul3A_1207 = arith.mulf %get3A_1206, %gather3A_1187 : vector<16xf32>
        %swap3A_1208 = arith.index_cast %add3A_1189 : i32 to index
        %swap3A_1209 = arith.constant 32 : index
        %swap3A_1210 = tpu.vector_load %arg12[%swap3A_1208, %swap3A_1209] {strides = array<i32>} : memref<128x128xf32, #tpu.memory_space<vmem>>, vector<16xf32>,
        tpu.vector_store %arg12[%swap3A_1208, %swap3A_1209], %mul3A_1207 {strides = array<i32>} : memref<128x128xf32, #tpu.memory_space<vmem>>, vector<16xf32>,
        %get3A_1211 = arith.index_cast %add3A_1189 : i32 to index
        %get3A_1212 = arith.constant 48 : index
        %get3A_1213 = tpu.vector_load %arg12[%get3A_1211, %get3A_1212] {strides = array<i32>} : memref<128x128xf32, #tpu.memory_space<vmem>>, vector<16xf32>,
        %mul3A_1214 = arith.mulf %get3A_1213, %gather3A_1187 : vector<16xf32>
        %swap3A_1215 = arith.index_cast %add3A_1189 : i32 to index
        %swap3A_1216 = arith.constant 48 : index
        %swap3A_1217 = tpu.vector_load %arg12[%swap3A_1215, %swap3A_1216] {strides = array<i32>} : memref<128x128xf32, #tpu.memory_space<vmem>>, vector<16xf32>,
        tpu.vector_store %arg12[%swap3A_1215, %swap3A_1216], %mul3A_1214 {strides = array<i32>} : memref<128x128xf32, #tpu.memory_space<vmem>>, vector<16xf32>,
        %get3A_1218 = arith.index_cast %add3A_1189 : i32 to index
        %get3A_1219 = arith.constant 64 : index
        %get3A_1220 = tpu.vector_load %arg12[%get3A_1218, %get3A_1219] {strides = array<i32>} : memref<128x128xf32, #tpu.memory_space<vmem>>, vector<16xf32>,
        %mul3A_1221 = arith.mulf %get3A_1220, %gather3A_1187 : vector<16xf32>
        %swap3A_1222 = arith.index_cast %add3A_1189 : i32 to index
        %swap3A_1223 = arith.constant 64 : index
        %swap3A_1224 = tpu.vector_load %arg12[%swap3A_1222, %swap3A_1223] {strides = array<i32>} : memref<128x128xf32, #tpu.memory_space<vmem>>, vector<16xf32>,
        tpu.vector_store %arg12[%swap3A_1222, %swap3A_1223], %mul3A_1221 {strides = array<i32>} : memref<128x128xf32, #tpu.memory_space<vmem>>, vector<16xf32>,
        %get3A_1225 = arith.index_cast %add3A_1189 : i32 to index
        %get3A_1226 = arith.constant 80 : index
        %get3A_1227 = tpu.vector_load %arg12[%get3A_1225, %get3A_1226] {strides = array<i32>} : memref<128x128xf32, #tpu.memory_space<vmem>>, vector<16xf32>,
        %mul3A_1228 = arith.mulf %get3A_1227, %gather3A_1187 : vector<16xf32>
        %swap3A_1229 = arith.index_cast %add3A_1189 : i32 to index
        %swap3A_1230 = arith.constant 80 : index
        %swap3A_1231 = tpu.vector_load %arg12[%swap3A_1229, %swap3A_1230] {strides = array<i32>} : memref<128x128xf32, #tpu.memory_space<vmem>>, vector<16xf32>,
        tpu.vector_store %arg12[%swap3A_1229, %swap3A_1230], %mul3A_1228 {strides = array<i32>} : memref<128x128xf32, #tpu.memory_space<vmem>>, vector<16xf32>,
        %get3A_1232 = arith.index_cast %add3A_1189 : i32 to index
        %get3A_1233 = arith.constant 96 : index
        %get3A_1234 = tpu.vector_load %arg12[%get3A_1232, %get3A_1233] {strides = array<i32>} : memref<128x128xf32, #tpu.memory_space<vmem>>, vector<16xf32>,
        %mul3A_1235 = arith.mulf %get3A_1234, %gather3A_1187 : vector<16xf32>
        %swap3A_1236 = arith.index_cast %add3A_1189 : i32 to index
        %swap3A_1237 = arith.constant 96 : index
        %swap3A_1238 = tpu.vector_load %arg12[%swap3A_1236, %swap3A_1237] {strides = array<i32>} : memref<128x128xf32, #tpu.memory_space<vmem>>, vector<16xf32>,
        tpu.vector_store %arg12[%swap3A_1236, %swap3A_1237], %mul3A_1235 {strides = array<i32>} : memref<128x128xf32, #tpu.memory_space<vmem>>, vector<16xf32>,
        %get3A_1239 = arith.index_cast %add3A_1189 : i32 to index
        %get3A_1240 = arith.constant 112 : index
        %get3A_1241 = tpu.vector_load %arg12[%get3A_1239, %get3A_1240] {strides = array<i32>} : memref<128x128xf32, #tpu.memory_space<vmem>>, vector<16xf32>,
        %mul3A_1242 = arith.mulf %get3A_1241, %gather3A_1187 : vector<16xf32>
        %swap3A_1243 = arith.index_cast %add3A_1189 : i32 to index
        %swap3A_1244 = arith.constant 112 : index
        %swap3A_1245 = tpu.vector_load %arg12[%swap3A_1243, %swap3A_1244] {strides = array<i32>} : memref<128x128xf32, #tpu.memory_space<vmem>>, vector<16xf32>,
        tpu.vector_store %arg12[%swap3A_1243, %swap3A_1244], %mul3A_1242 {strides = array<i32>} : memref<128x128xf32, #tpu.memory_space<vmem>>, vector<16xf32>,
      }
      %scan3A_245 = arith.constant 8 : i32
      %run_scoped3A_246 = arith.constant 1 : i32
      "tpu.region"() ({
        %run_scoped3A_247 = tpu.sem_alloc : memref<!tpu.dma_semaphore, #tpu.memory_space<semaphore_mem>>
        %dma_start3A_248 = arith.constant 0 : i32
        %dma_start3A_249 = tpu.memref_slice %arg9[%run_scoped3A_246, %dma_start3A_248] : memref<2x128xi32, #tpu.memory_space<vmem>> -> memref<1x128xi32, #tpu.memory_space<vmem>>
        %dma_start3A_250 = tpu.memref_squeeze %dma_start3A_249 : memref<1x128xi32, #tpu.memory_space<vmem>> -> memref<128xi32, #tpu.memory_space<vmem>>
        %dma_start3A_251 = arith.constant 0 : i32
        %dma_start3A_252 = arith.constant 0 : i32
        %dma_start3A_253 = tpu.memref_slice %arg13[%dma_start3A_251, %dma_start3A_252] : memref<10240x128xf32, #tpu.memory_space<vmem_shared>> -> memref<10240x128xf32, #tpu.memory_space<vmem_shared>>
        tpu.enqueue_indirect_dma source(%arg12 : memref<128x128xf32, #tpu.memory_space<vmem>>) target(%dma_start3A_253 : memref<10240x128xf32, #tpu.memory_space<vmem_shared>>) offsets(%dma_start3A_250 : memref<128xi32, #tpu.memory_space<vmem>>) semaphore(%run_scoped3A_247 : memref<!tpu.dma_semaphore, #tpu.memory_space<semaphore_mem>>) {add = true}
        %dma_wait3A_254 = arith.constant 0 : i32
        %dma_wait3A_255 = tpu.memref_slice %arg9[%run_scoped3A_246, %dma_wait3A_254] : memref<2x128xi32, #tpu.memory_space<vmem>> -> memref<1x128xi32, #tpu.memory_space<vmem>>
        %dma_wait3A_256 = tpu.memref_squeeze %dma_wait3A_255 : memref<1x128xi32, #tpu.memory_space<vmem>> -> memref<128xi32, #tpu.memory_space<vmem>>
        %dma_wait3A_257 = arith.constant 0 : i32
        %dma_wait3A_258 = arith.constant 0 : i32
        %dma_wait3A_259 = tpu.memref_slice %arg13[%dma_wait3A_257, %dma_wait3A_258] : memref<10240x128xf32, #tpu.memory_space<vmem_shared>> -> memref<10240x128xf32, #tpu.memory_space<vmem_shared>>
        tpu.wait_indirect_dma semaphore(%run_scoped3A_247 : memref<!tpu.dma_semaphore, #tpu.memory_space<semaphore_mem>>) src(%arg12 : memref<128x128xf32, #tpu.memory_space<vmem>>) dst(%dma_wait3A_259 : memref<10240x128xf32, #tpu.memory_space<vmem_shared>>)
        tpu.yield
      }) : () -> ()
    }
    %scan3A_62 = arith.constant 40 : i32
    %barrier3A_63 = arith.constant 0 : index
    tpu.barrier barrier_id(%barrier3A_63)
    "tpu.region"() ({
      %run_scoped3A = tpu.sem_alloc : memref<!tpu.dma_semaphore, #tpu.memory_space<semaphore_mem>>
      %dma_start3A_64 = arith.constant 0 : i32
      %dma_start3A_65 = arith.constant 0 : i32
      %dma_start3A_66 = tpu.memref_slice %arg7[%arg0, %dma_start3A_64, %dma_start3A_65] : memref<2x10240x128xf32, #tpu.memory_space<hbm>> -> memref<1x10240x128xf32, #tpu.memory_space<hbm>>
      %dma_start3A_67 = tpu.memref_squeeze %dma_start3A_66 : memref<1x10240x128xf32, #tpu.memory_space<hbm>> -> memref<10240x128xf32, #tpu.memory_space<hbm>>
      %dma_start3A_68 = arith.constant 0 : i32
      %dma_start3A_69 = tpu.memref_slice %dma_start3A_67[%mul3A_2, %dma_start3A_68] : memref<10240x128xf32, #tpu.memory_space<hbm>> -> memref<640x128xf32, #tpu.memory_space<hbm>>
      %dma_start3A_70 = arith.constant 0 : i32
      %dma_start3A_71 = tpu.memref_slice %arg13[%mul3A_2, %dma_start3A_70] : memref<10240x128xf32, #tpu.memory_space<vmem_shared>> -> memref<640x128xf32, #tpu.memory_space<vmem_shared>>
      tpu.enqueue_dma source(%dma_start3A_71 : memref<640x128xf32, #tpu.memory_space<vmem_shared>>) target(%dma_start3A_69 : memref<640x128xf32, #tpu.memory_space<hbm>>) target_semaphore(%run_scoped3A : memref<!tpu.dma_semaphore, #tpu.memory_space<semaphore_mem>>)
      %dma_wait3A = arith.constant 0 : i32
      %dma_wait3A_72 = arith.constant 0 : i32
      %dma_wait3A_73 = tpu.memref_slice %arg7[%arg0, %dma_wait3A, %dma_wait3A_72] : memref<2x10240x128xf32, #tpu.memory_space<hbm>> -> memref<1x10240x128xf32, #tpu.memory_space<hbm>>
      %dma_wait3A_74 = tpu.memref_squeeze %dma_wait3A_73 : memref<1x10240x128xf32, #tpu.memory_space<hbm>> -> memref<10240x128xf32, #tpu.memory_space<hbm>>
      %dma_wait3A_75 = arith.constant 0 : i32
      %dma_wait3A_76 = tpu.memref_slice %dma_wait3A_74[%mul3A_2, %dma_wait3A_75] : memref<10240x128xf32, #tpu.memory_space<hbm>> -> memref<640x128xf32, #tpu.memory_space<hbm>>
      %dma_wait3A_77 = arith.constant 0 : i32
      %dma_wait3A_78 = tpu.memref_slice %arg13[%mul3A_2, %dma_wait3A_77] : memref<10240x128xf32, #tpu.memory_space<vmem_shared>> -> memref<640x128xf32, #tpu.memory_space<vmem_shared>>
      tpu.wait_dma2 semaphore(%run_scoped3A : memref<!tpu.dma_semaphore, #tpu.memory_space<semaphore_mem>>) src(%dma_wait3A_78 : memref<640x128xf32, #tpu.memory_space<vmem_shared>>) dst(%dma_wait3A_76 : memref<640x128xf32, #tpu.memory_space<hbm>>)
      tpu.yield
    }) : () -> ()
    return
  }
}

#map = affine_map<(d0, d1) -> (0, 0, 0)>
#map1 = affine_map<(d0, d1) -> (0, 0)>
module attributes {stable_mosaic.version = 14 : i64} {
  func.func @k(%arg0: i32, %arg1: i32, %arg2: memref<1x10240x128xf32, #tpu.memory_space<hbm>>, %arg3: memref<1280x128xi32, #tpu.memory_space<hbm>>, %arg4: memref<1280x128xi32, #tpu.memory_space<hbm>>, %arg5: memref<1280x128xf32, #tpu.memory_space<hbm>>, %arg6: memref<640x128xf32, #tpu.memory_space<hbm>>, %arg7: memref<2x10240x128xf32, #tpu.memory_space<hbm>>, %arg8: memref<40x128xi32, #tpu.memory_space<vmem>>, %arg9: memref<2x128xi32, #tpu.memory_space<vmem>>, %arg10: memref<2x128xf32, #tpu.memory_space<vmem>>, %arg11: memref<128x128xf32, #tpu.memory_space<vmem>>, %arg12: memref<128x128xf32, #tpu.memory_space<vmem>>, %arg13: memref<10240x128xf32, #tpu.memory_space<vmem_shared>>, %arg14: memref<!tpu.dma_semaphore, #tpu.memory_space<semaphore_mem>>, %arg15: memref<!tpu.dma_semaphore, #tpu.memory_space<semaphore_mem>>, %arg16: memref<!tpu.dma_semaphore, #tpu.memory_space<semaphore_mem>>, %arg17: memref<!tpu.dma_semaphore, #tpu.memory_space<semaphore_mem>>, %arg18: memref<!tpu.dma_semaphore, #tpu.memory_space<semaphore_mem>>, %arg19: memref<!tpu.dma_semaphore, #tpu.memory_space<semaphore_mem>>) attributes {dimension_semantics = [#tpu.dimension_semantics<core_parallel>, #tpu.dimension_semantics<subcore_parallel>], iteration_bounds = array<i64: 2, 16>, scalar_prefetch = 0 : i64, scratch_operands = 12 : i64, tpu.core_type = #tpu.core_type<sc_vector_subcore>, window_params = [{transform_indices = #map}, {transform_indices = #map1}, {transform_indices = #map1}, {transform_indices = #map1}, {transform_indices = #map1}, {transform_indices = #map}]} {
    %mul3A = arith.constant 16 : i32
    %mul3A_0 = arith.muli %arg0, %mul3A : i32
    %add3A = arith.addi %mul3A_0, %arg1 : i32
    %mul3A_1 = arith.constant 40 : i32
    %mul3A_2 = arith.muli %add3A, %mul3A_1 : i32
    %mul3A_3 = arith.constant 640 : i32
    %mul3A_4 = arith.muli %arg1, %mul3A_3 : i32
    "tpu.region"() ({
      %run_scoped3A = tpu.sem_alloc : memref<!tpu.dma_semaphore, #tpu.memory_space<semaphore_mem>>
      %dma_start3A_70 = arith.constant 0 : i32
      %dma_start3A_71 = tpu.memref_slice %arg4[%mul3A_2, %dma_start3A_70] : memref<1280x128xi32, #tpu.memory_space<hbm>> -> memref<40x128xi32, #tpu.memory_space<hbm>>
      %dma_start3A_72 = arith.constant 0 : i32
      %dma_start3A_73 = tpu.memref_slice %arg4[%mul3A_2, %dma_start3A_72] : memref<1280x128xi32, #tpu.memory_space<hbm>> -> memref<40x128xi32, #tpu.memory_space<hbm>>
      tpu.enqueue_dma source(%dma_start3A_73 : memref<40x128xi32, #tpu.memory_space<hbm>>) target(%arg8 : memref<40x128xi32, #tpu.memory_space<vmem>>) target_semaphore(%run_scoped3A : memref<!tpu.dma_semaphore, #tpu.memory_space<semaphore_mem>>)
      %dma_wait3A = arith.constant 0 : i32
      %dma_wait3A_74 = tpu.memref_slice %arg4[%mul3A_2, %dma_wait3A] : memref<1280x128xi32, #tpu.memory_space<hbm>> -> memref<40x128xi32, #tpu.memory_space<hbm>>
      %dma_wait3A_75 = arith.constant 0 : i32
      %dma_wait3A_76 = tpu.memref_slice %arg4[%mul3A_2, %dma_wait3A_75] : memref<1280x128xi32, #tpu.memory_space<hbm>> -> memref<40x128xi32, #tpu.memory_space<hbm>>
      tpu.wait_dma2 semaphore(%run_scoped3A : memref<!tpu.dma_semaphore, #tpu.memory_space<semaphore_mem>>) src(%dma_wait3A_76 : memref<40x128xi32, #tpu.memory_space<hbm>>) dst(%arg8 : memref<40x128xi32, #tpu.memory_space<vmem>>)
      tpu.yield
    }) : () -> ()
    %dma_start3A = arith.constant 0 : i32
    %dma_start3A_5 = arith.constant 0 : i32
    %dma_start3A_6 = arith.constant 0 : i32
    %dma_start3A_7 = arith.constant 0 : i32
    %dma_start3A_8 = tpu.memref_slice %arg11[%dma_start3A_6, %dma_start3A_7] : memref<128x128xf32, #tpu.memory_space<vmem>> -> memref<64x128xf32, #tpu.memory_space<vmem>>
    %dma_start3A_9 = arith.constant 0 : i32
    %dma_start3A_10 = tpu.memref_slice %arg8[%dma_start3A_5, %dma_start3A_9] : memref<40x128xi32, #tpu.memory_space<vmem>> -> memref<1x64xi32, #tpu.memory_space<vmem>>
    %dma_start3A_11 = tpu.memref_squeeze %dma_start3A_10 : memref<1x64xi32, #tpu.memory_space<vmem>> -> memref<64xi32, #tpu.memory_space<vmem>>
    %dma_start3A_12 = arith.constant 0 : i32
    %dma_start3A_13 = arith.constant 0 : i32
    %dma_start3A_14 = tpu.memref_slice %arg2[%dma_start3A, %dma_start3A_12, %dma_start3A_13] : memref<1x10240x128xf32, #tpu.memory_space<hbm>> -> memref<1x10240x128xf32, #tpu.memory_space<hbm>>
    %dma_start3A_15 = tpu.memref_squeeze %dma_start3A_14 : memref<1x10240x128xf32, #tpu.memory_space<hbm>> -> memref<10240x128xf32, #tpu.memory_space<hbm>>
    %dma_start3A_16 = arith.constant 0 : i32
    %dma_start3A_17 = arith.constant 0 : i32
    %dma_start3A_18 = tpu.memref_slice %dma_start3A_15[%dma_start3A_16, %dma_start3A_17] : memref<10240x128xf32, #tpu.memory_space<hbm>> -> memref<10240x128xf32, #tpu.memory_space<hbm>>
    tpu.enqueue_indirect_dma source(%dma_start3A_18 : memref<10240x128xf32, #tpu.memory_space<hbm>>) target(%dma_start3A_8 : memref<64x128xf32, #tpu.memory_space<vmem>>) offsets(%dma_start3A_11 : memref<64xi32, #tpu.memory_space<vmem>>) semaphore(%arg14 : memref<!tpu.dma_semaphore, #tpu.memory_space<semaphore_mem>>)
    %dma_start3A_19 = arith.constant 0 : i32
    %dma_start3A_20 = arith.constant 0 : i32
    %dma_start3A_21 = arith.constant 64 : i32
    %dma_start3A_22 = arith.constant 0 : i32
    %dma_start3A_23 = tpu.memref_slice %arg11[%dma_start3A_21, %dma_start3A_22] : memref<128x128xf32, #tpu.memory_space<vmem>> -> memref<64x128xf32, #tpu.memory_space<vmem>>
    %dma_start3A_24 = arith.constant 64 : i32
    %dma_start3A_25 = tpu.memref_slice %arg8[%dma_start3A_20, %dma_start3A_24] : memref<40x128xi32, #tpu.memory_space<vmem>> -> memref<1x64xi32, #tpu.memory_space<vmem>>
    %dma_start3A_26 = tpu.memref_squeeze %dma_start3A_25 : memref<1x64xi32, #tpu.memory_space<vmem>> -> memref<64xi32, #tpu.memory_space<vmem>>
    %dma_start3A_27 = arith.constant 0 : i32
    %dma_start3A_28 = arith.constant 0 : i32
    %dma_start3A_29 = tpu.memref_slice %arg2[%dma_start3A_19, %dma_start3A_27, %dma_start3A_28] : memref<1x10240x128xf32, #tpu.memory_space<hbm>> -> memref<1x10240x128xf32, #tpu.memory_space<hbm>>
    %dma_start3A_30 = tpu.memref_squeeze %dma_start3A_29 : memref<1x10240x128xf32, #tpu.memory_space<hbm>> -> memref<10240x128xf32, #tpu.memory_space<hbm>>
    %dma_start3A_31 = arith.constant 0 : i32
    %dma_start3A_32 = arith.constant 0 : i32
    %dma_start3A_33 = tpu.memref_slice %dma_start3A_30[%dma_start3A_31, %dma_start3A_32] : memref<10240x128xf32, #tpu.memory_space<hbm>> -> memref<10240x128xf32, #tpu.memory_space<hbm>>
    tpu.enqueue_indirect_dma source(%dma_start3A_33 : memref<10240x128xf32, #tpu.memory_space<hbm>>) target(%dma_start3A_23 : memref<64x128xf32, #tpu.memory_space<vmem>>) offsets(%dma_start3A_26 : memref<64xi32, #tpu.memory_space<vmem>>) semaphore(%arg18 : memref<!tpu.dma_semaphore, #tpu.memory_space<semaphore_mem>>)
    %add3A_34 = arith.constant 0 : i32
    %add3A_35 = arith.addi %mul3A_2, %add3A_34 : i32
    %add3A_36 = arith.constant 0 : i32
    %add3A_37 = arith.addi %mul3A_2, %add3A_36 : i32
    %dma_start3A_38 = arith.constant 0 : i32
    %dma_start3A_39 = arith.constant 0 : i32
    %dma_start3A_40 = tpu.memref_slice %arg9[%dma_start3A_38, %dma_start3A_39] : memref<2x128xi32, #tpu.memory_space<vmem>> -> memref<1x128xi32, #tpu.memory_space<vmem>>
    %dma_start3A_41 = tpu.memref_squeeze %dma_start3A_40 : memref<1x128xi32, #tpu.memory_space<vmem>> -> memref<128xi32, #tpu.memory_space<vmem>>
    %dma_start3A_42 = arith.constant 0 : i32
    %dma_start3A_43 = tpu.memref_slice %arg3[%add3A_35, %dma_start3A_42] : memref<1280x128xi32, #tpu.memory_space<hbm>> -> memref<1x128xi32, #tpu.memory_space<hbm>>
    %dma_start3A_44 = tpu.memref_squeeze %dma_start3A_43 : memref<1x128xi32, #tpu.memory_space<hbm>> -> memref<128xi32, #tpu.memory_space<hbm>>
    %dma_start3A_45 = arith.constant 0 : i32
    %dma_start3A_46 = tpu.memref_slice %arg9[%dma_start3A_38, %dma_start3A_45] : memref<2x128xi32, #tpu.memory_space<vmem>> -> memref<1x128xi32, #tpu.memory_space<vmem>>
    %dma_start3A_47 = tpu.memref_squeeze %dma_start3A_46 : memref<1x128xi32, #tpu.memory_space<vmem>> -> memref<128xi32, #tpu.memory_space<vmem>>
    %dma_start3A_48 = arith.constant 0 : i32
    %dma_start3A_49 = tpu.memref_slice %arg3[%add3A_35, %dma_start3A_48] : memref<1280x128xi32, #tpu.memory_space<hbm>> -> memref<1x128xi32, #tpu.memory_space<hbm>>
    %dma_start3A_50 = tpu.memref_squeeze %dma_start3A_49 : memref<1x128xi32, #tpu.memory_space<hbm>> -> memref<128xi32, #tpu.memory_space<hbm>>
    tpu.enqueue_dma source(%dma_start3A_50 : memref<128xi32, #tpu.memory_space<hbm>>) target(%dma_start3A_47 : memref<128xi32, #tpu.memory_space<vmem>>) target_semaphore(%arg16 : memref<!tpu.dma_semaphore, #tpu.memory_space<semaphore_mem>>)
    %dma_start3A_51 = arith.constant 0 : i32
    %dma_start3A_52 = arith.constant 0 : i32
    %dma_start3A_53 = tpu.memref_slice %arg10[%dma_start3A_51, %dma_start3A_52] : memref<2x128xf32, #tpu.memory_space<vmem>> -> memref<1x128xf32, #tpu.memory_space<vmem>>
    %dma_start3A_54 = tpu.memref_squeeze %dma_start3A_53 : memref<1x128xf32, #tpu.memory_space<vmem>> -> memref<128xf32, #tpu.memory_space<vmem>>
    %dma_start3A_55 = arith.constant 0 : i32
    %dma_start3A_56 = tpu.memref_slice %arg5[%add3A_37, %dma_start3A_55] : memref<1280x128xf32, #tpu.memory_space<hbm>> -> memref<1x128xf32, #tpu.memory_space<hbm>>
    %dma_start3A_57 = tpu.memref_squeeze %dma_start3A_56 : memref<1x128xf32, #tpu.memory_space<hbm>> -> memref<128xf32, #tpu.memory_space<hbm>>
    %dma_start3A_58 = arith.constant 0 : i32
    %dma_start3A_59 = tpu.memref_slice %arg10[%dma_start3A_51, %dma_start3A_58] : memref<2x128xf32, #tpu.memory_space<vmem>> -> memref<1x128xf32, #tpu.memory_space<vmem>>
    %dma_start3A_60 = tpu.memref_squeeze %dma_start3A_59 : memref<1x128xf32, #tpu.memory_space<vmem>> -> memref<128xf32, #tpu.memory_space<vmem>>
    %dma_start3A_61 = arith.constant 0 : i32
    %dma_start3A_62 = tpu.memref_slice %arg5[%add3A_37, %dma_start3A_61] : memref<1280x128xf32, #tpu.memory_space<hbm>> -> memref<1x128xf32, #tpu.memory_space<hbm>>
    %dma_start3A_63 = tpu.memref_squeeze %dma_start3A_62 : memref<1x128xf32, #tpu.memory_space<hbm>> -> memref<128xf32, #tpu.memory_space<hbm>>
    tpu.enqueue_dma source(%dma_start3A_63 : memref<128xf32, #tpu.memory_space<hbm>>) target(%dma_start3A_60 : memref<128xf32, #tpu.memory_space<vmem>>) target_semaphore(%arg16 : memref<!tpu.dma_semaphore, #tpu.memory_space<semaphore_mem>>)
    "tpu.region"() ({
      %run_scoped3A = tpu.sem_alloc : memref<!tpu.dma_semaphore, #tpu.memory_space<semaphore_mem>>
      %dma_start3A_70 = arith.constant 0 : i32
      %dma_start3A_71 = tpu.memref_slice %arg13[%mul3A_4, %dma_start3A_70] : memref<10240x128xf32, #tpu.memory_space<vmem_shared>> -> memref<640x128xf32, #tpu.memory_space<vmem_shared>>
      tpu.enqueue_dma source(%arg6 : memref<640x128xf32, #tpu.memory_space<hbm>>) target(%dma_start3A_71 : memref<640x128xf32, #tpu.memory_space<vmem_shared>>) target_semaphore(%run_scoped3A : memref<!tpu.dma_semaphore, #tpu.memory_space<semaphore_mem>>)
      %dma_wait3A = arith.constant 0 : i32
      %dma_wait3A_72 = tpu.memref_slice %arg13[%mul3A_4, %dma_wait3A] : memref<10240x128xf32, #tpu.memory_space<vmem_shared>> -> memref<640x128xf32, #tpu.memory_space<vmem_shared>>
      tpu.wait_dma2 semaphore(%run_scoped3A : memref<!tpu.dma_semaphore, #tpu.memory_space<semaphore_mem>>) src(%arg6 : memref<640x128xf32, #tpu.memory_space<hbm>>) dst(%dma_wait3A_72 : memref<640x128xf32, #tpu.memory_space<vmem_shared>>)
      tpu.yield
    }) : () -> ()
    %barrier3A = arith.constant 0 : index
    tpu.barrier barrier_id(%barrier3A)
    %scan3A = arith.constant 0 : i32
    %scan3A_64 = arith.constant 0 : i32
    %scan3A_65 = arith.constant 20 : i32
    %scan3A_66 = arith.addi %scan3A_64, %scan3A_65 : i32
    %scan3A_67 = arith.constant 1 : i32
    scf.for %scan3A_70 = %scan3A_64 to %scan3A_66 step %scan3A_67  : i32 {
      %mul3A_71 = arith.constant 1 : i32
      %mul3A_72 = arith.muli %scan3A_70, %mul3A_71 : i32
      %add3A_73 = arith.constant 0 : i32
      %add3A_74 = arith.addi %add3A_73, %mul3A_72 : i32
      %mul3A_75 = arith.constant 2 : i32
      %mul3A_76 = arith.muli %add3A_74, %mul3A_75 : i32
      %add3A_77 = arith.constant 1 : i32
      %add3A_78 = arith.addi %mul3A_76, %add3A_77 : i32
      %dma_start3A_79 = arith.constant 0 : i32
      %dma_start3A_80 = arith.constant 0 : i32
      %dma_start3A_81 = tpu.memref_slice %arg12[%dma_start3A_79, %dma_start3A_80] : memref<128x128xf32, #tpu.memory_space<vmem>> -> memref<64x128xf32, #tpu.memory_space<vmem>>
      %dma_start3A_82 = arith.constant 0 : i32
      %dma_start3A_83 = tpu.memref_slice %arg8[%add3A_78, %dma_start3A_82] : memref<40x128xi32, #tpu.memory_space<vmem>> -> memref<1x64xi32, #tpu.memory_space<vmem>>
      %dma_start3A_84 = tpu.memref_squeeze %dma_start3A_83 : memref<1x64xi32, #tpu.memory_space<vmem>> -> memref<64xi32, #tpu.memory_space<vmem>>
      %dma_start3A_85 = arith.constant 0 : i32
      %dma_start3A_86 = arith.constant 0 : i32
      %dma_start3A_87 = tpu.memref_slice %arg2[%scan3A, %dma_start3A_85, %dma_start3A_86] : memref<1x10240x128xf32, #tpu.memory_space<hbm>> -> memref<1x10240x128xf32, #tpu.memory_space<hbm>>
      %dma_start3A_88 = tpu.memref_squeeze %dma_start3A_87 : memref<1x10240x128xf32, #tpu.memory_space<hbm>> -> memref<10240x128xf32, #tpu.memory_space<hbm>>
      %dma_start3A_89 = arith.constant 0 : i32
      %dma_start3A_90 = arith.constant 0 : i32
      %dma_start3A_91 = tpu.memref_slice %dma_start3A_88[%dma_start3A_89, %dma_start3A_90] : memref<10240x128xf32, #tpu.memory_space<hbm>> -> memref<10240x128xf32, #tpu.memory_space<hbm>>
      tpu.enqueue_indirect_dma source(%dma_start3A_91 : memref<10240x128xf32, #tpu.memory_space<hbm>>) target(%dma_start3A_81 : memref<64x128xf32, #tpu.memory_space<vmem>>) offsets(%dma_start3A_84 : memref<64xi32, #tpu.memory_space<vmem>>) semaphore(%arg15 : memref<!tpu.dma_semaphore, #tpu.memory_space<semaphore_mem>>)
      %dma_start3A_92 = arith.constant 64 : i32
      %dma_start3A_93 = arith.constant 0 : i32
      %dma_start3A_94 = tpu.memref_slice %arg12[%dma_start3A_92, %dma_start3A_93] : memref<128x128xf32, #tpu.memory_space<vmem>> -> memref<64x128xf32, #tpu.memory_space<vmem>>
      %dma_start3A_95 = arith.constant 64 : i32
      %dma_start3A_96 = tpu.memref_slice %arg8[%add3A_78, %dma_start3A_95] : memref<40x128xi32, #tpu.memory_space<vmem>> -> memref<1x64xi32, #tpu.memory_space<vmem>>
      %dma_start3A_97 = tpu.memref_squeeze %dma_start3A_96 : memref<1x64xi32, #tpu.memory_space<vmem>> -> memref<64xi32, #tpu.memory_space<vmem>>
      %dma_start3A_98 = arith.constant 0 : i32
      %dma_start3A_99 = arith.constant 0 : i32
      %dma_start3A_100 = tpu.memref_slice %arg2[%scan3A, %dma_start3A_98, %dma_start3A_99] : memref<1x10240x128xf32, #tpu.memory_space<hbm>> -> memref<1x10240x128xf32, #tpu.memory_space<hbm>>
      %dma_start3A_101 = tpu.memref_squeeze %dma_start3A_100 : memref<1x10240x128xf32, #tpu.memory_space<hbm>> -> memref<10240x128xf32, #tpu.memory_space<hbm>>
      %dma_start3A_102 = arith.constant 0 : i32
      %dma_start3A_103 = arith.constant 0 : i32
      %dma_start3A_104 = tpu.memref_slice %dma_start3A_101[%dma_start3A_102, %dma_start3A_103] : memref<10240x128xf32, #tpu.memory_space<hbm>> -> memref<10240x128xf32, #tpu.memory_space<hbm>>
      tpu.enqueue_indirect_dma source(%dma_start3A_104 : memref<10240x128xf32, #tpu.memory_space<hbm>>) target(%dma_start3A_94 : memref<64x128xf32, #tpu.memory_space<vmem>>) offsets(%dma_start3A_97 : memref<64xi32, #tpu.memory_space<vmem>>) semaphore(%arg19 : memref<!tpu.dma_semaphore, #tpu.memory_space<semaphore_mem>>)
      %add3A_105 = arith.addi %mul3A_2, %add3A_78 : i32
      %add3A_106 = arith.addi %mul3A_2, %add3A_78 : i32
      %dma_start3A_107 = arith.constant 1 : i32
      %dma_start3A_108 = arith.constant 0 : i32
      %dma_start3A_109 = tpu.memref_slice %arg9[%dma_start3A_107, %dma_start3A_108] : memref<2x128xi32, #tpu.memory_space<vmem>> -> memref<1x128xi32, #tpu.memory_space<vmem>>
      %dma_start3A_110 = tpu.memref_squeeze %dma_start3A_109 : memref<1x128xi32, #tpu.memory_space<vmem>> -> memref<128xi32, #tpu.memory_space<vmem>>
      %dma_start3A_111 = arith.constant 0 : i32
      %dma_start3A_112 = tpu.memref_slice %arg3[%add3A_105, %dma_start3A_111] : memref<1280x128xi32, #tpu.memory_space<hbm>> -> memref<1x128xi32, #tpu.memory_space<hbm>>
      %dma_start3A_113 = tpu.memref_squeeze %dma_start3A_112 : memref<1x128xi32, #tpu.memory_space<hbm>> -> memref<128xi32, #tpu.memory_space<hbm>>
      %dma_start3A_114 = arith.constant 0 : i32
      %dma_start3A_115 = tpu.memref_slice %arg9[%dma_start3A_107, %dma_start3A_114] : memref<2x128xi32, #tpu.memory_space<vmem>> -> memref<1x128xi32, #tpu.memory_space<vmem>>
      %dma_start3A_116 = tpu.memref_squeeze %dma_start3A_115 : memref<1x128xi32, #tpu.memory_space<vmem>> -> memref<128xi32, #tpu.memory_space<vmem>>
      %dma_start3A_117 = arith.constant 0 : i32
      %dma_start3A_118 = tpu.memref_slice %arg3[%add3A_105, %dma_start3A_117] : memref<1280x128xi32, #tpu.memory_space<hbm>> -> memref<1x128xi32, #tpu.memory_space<hbm>>
      %dma_start3A_119 = tpu.memref_squeeze %dma_start3A_118 : memref<1x128xi32, #tpu.memory_space<hbm>> -> memref<128xi32, #tpu.memory_space<hbm>>
      tpu.enqueue_dma source(%dma_start3A_119 : memref<128xi32, #tpu.memory_space<hbm>>) target(%dma_start3A_116 : memref<128xi32, #tpu.memory_space<vmem>>) target_semaphore(%arg17 : memref<!tpu.dma_semaphore, #tpu.memory_space<semaphore_mem>>)
      %dma_start3A_120 = arith.constant 1 : i32
      %dma_start3A_121 = arith.constant 0 : i32
      %dma_start3A_122 = tpu.memref_slice %arg10[%dma_start3A_120, %dma_start3A_121] : memref<2x128xf32, #tpu.memory_space<vmem>> -> memref<1x128xf32, #tpu.memory_space<vmem>>
      %dma_start3A_123 = tpu.memref_squeeze %dma_start3A_122 : memref<1x128xf32, #tpu.memory_space<vmem>> -> memref<128xf32, #tpu.memory_space<vmem>>
      %dma_start3A_124 = arith.constant 0 : i32
      %dma_start3A_125 = tpu.memref_slice %arg5[%add3A_106, %dma_start3A_124] : memref<1280x128xf32, #tpu.memory_space<hbm>> -> memref<1x128xf32, #tpu.memory_space<hbm>>
      %dma_start3A_126 = tpu.memref_squeeze %dma_start3A_125 : memref<1x128xf32, #tpu.memory_space<hbm>> -> memref<128xf32, #tpu.memory_space<hbm>>
      %dma_start3A_127 = arith.constant 0 : i32
      %dma_start3A_128 = tpu.memref_slice %arg10[%dma_start3A_120, %dma_start3A_127] : memref<2x128xf32, #tpu.memory_space<vmem>> -> memref<1x128xf32, #tpu.memory_space<vmem>>
      %dma_start3A_129 = tpu.memref_squeeze %dma_start3A_128 : memref<1x128xf32, #tpu.memory_space<vmem>> -> memref<128xf32, #tpu.memory_space<vmem>>
      %dma_start3A_130 = arith.constant 0 : i32
      %dma_start3A_131 = tpu.memref_slice %arg5[%add3A_106, %dma_start3A_130] : memref<1280x128xf32, #tpu.memory_space<hbm>> -> memref<1x128xf32, #tpu.memory_space<hbm>>
      %dma_start3A_132 = tpu.memref_squeeze %dma_start3A_131 : memref<1x128xf32, #tpu.memory_space<hbm>> -> memref<128xf32, #tpu.memory_space<hbm>>
      tpu.enqueue_dma source(%dma_start3A_132 : memref<128xf32, #tpu.memory_space<hbm>>) target(%dma_start3A_129 : memref<128xf32, #tpu.memory_space<vmem>>) target_semaphore(%arg17 : memref<!tpu.dma_semaphore, #tpu.memory_space<semaphore_mem>>)
      %dma_wait3A = arith.constant 0 : i32
      %dma_wait3A_133 = arith.constant 0 : i32
      %dma_wait3A_134 = tpu.memref_slice %arg11[%dma_wait3A, %dma_wait3A_133] : memref<128x128xf32, #tpu.memory_space<vmem>> -> memref<64x128xf32, #tpu.memory_space<vmem>>
      %dma_wait3A_135 = arith.constant 0 : i32
      %dma_wait3A_136 = tpu.memref_slice %arg8[%mul3A_76, %dma_wait3A_135] : memref<40x128xi32, #tpu.memory_space<vmem>> -> memref<1x64xi32, #tpu.memory_space<vmem>>
      %dma_wait3A_137 = tpu.memref_squeeze %dma_wait3A_136 : memref<1x64xi32, #tpu.memory_space<vmem>> -> memref<64xi32, #tpu.memory_space<vmem>>
      %dma_wait3A_138 = arith.constant 0 : i32
      %dma_wait3A_139 = arith.constant 0 : i32
      %dma_wait3A_140 = tpu.memref_slice %arg2[%scan3A, %dma_wait3A_138, %dma_wait3A_139] : memref<1x10240x128xf32, #tpu.memory_space<hbm>> -> memref<1x10240x128xf32, #tpu.memory_space<hbm>>
      %dma_wait3A_141 = tpu.memref_squeeze %dma_wait3A_140 : memref<1x10240x128xf32, #tpu.memory_space<hbm>> -> memref<10240x128xf32, #tpu.memory_space<hbm>>
      %dma_wait3A_142 = arith.constant 0 : i32
      %dma_wait3A_143 = arith.constant 0 : i32
      %dma_wait3A_144 = tpu.memref_slice %dma_wait3A_141[%dma_wait3A_142, %dma_wait3A_143] : memref<10240x128xf32, #tpu.memory_space<hbm>> -> memref<10240x128xf32, #tpu.memory_space<hbm>>
      tpu.wait_indirect_dma semaphore(%arg14 : memref<!tpu.dma_semaphore, #tpu.memory_space<semaphore_mem>>) src(%dma_wait3A_144 : memref<10240x128xf32, #tpu.memory_space<hbm>>) dst(%dma_wait3A_134 : memref<64x128xf32, #tpu.memory_space<vmem>>)
      %dma_wait3A_145 = arith.constant 64 : i32
      %dma_wait3A_146 = arith.constant 0 : i32
      %dma_wait3A_147 = tpu.memref_slice %arg11[%dma_wait3A_145, %dma_wait3A_146] : memref<128x128xf32, #tpu.memory_space<vmem>> -> memref<64x128xf32, #tpu.memory_space<vmem>>
      %dma_wait3A_148 = arith.constant 64 : i32
      %dma_wait3A_149 = tpu.memref_slice %arg8[%mul3A_76, %dma_wait3A_148] : memref<40x128xi32, #tpu.memory_space<vmem>> -> memref<1x64xi32, #tpu.memory_space<vmem>>
      %dma_wait3A_150 = tpu.memref_squeeze %dma_wait3A_149 : memref<1x64xi32, #tpu.memory_space<vmem>> -> memref<64xi32, #tpu.memory_space<vmem>>
      %dma_wait3A_151 = arith.constant 0 : i32
      %dma_wait3A_152 = arith.constant 0 : i32
      %dma_wait3A_153 = tpu.memref_slice %arg2[%scan3A, %dma_wait3A_151, %dma_wait3A_152] : memref<1x10240x128xf32, #tpu.memory_space<hbm>> -> memref<1x10240x128xf32, #tpu.memory_space<hbm>>
      %dma_wait3A_154 = tpu.memref_squeeze %dma_wait3A_153 : memref<1x10240x128xf32, #tpu.memory_space<hbm>> -> memref<10240x128xf32, #tpu.memory_space<hbm>>
      %dma_wait3A_155 = arith.constant 0 : i32
      %dma_wait3A_156 = arith.constant 0 : i32
      %dma_wait3A_157 = tpu.memref_slice %dma_wait3A_154[%dma_wait3A_155, %dma_wait3A_156] : memref<10240x128xf32, #tpu.memory_space<hbm>> -> memref<10240x128xf32, #tpu.memory_space<hbm>>
      tpu.wait_indirect_dma semaphore(%arg18 : memref<!tpu.dma_semaphore, #tpu.memory_space<semaphore_mem>>) src(%dma_wait3A_157 : memref<10240x128xf32, #tpu.memory_space<hbm>>) dst(%dma_wait3A_147 : memref<64x128xf32, #tpu.memory_space<vmem>>)
      %add3A_158 = arith.addi %mul3A_2, %mul3A_76 : i32
      %add3A_159 = arith.addi %mul3A_2, %mul3A_76 : i32
      %dma_wait3A_160 = arith.constant 0 : i32
      %dma_wait3A_161 = arith.constant 0 : i32
      %dma_wait3A_162 = tpu.memref_slice %arg9[%dma_wait3A_160, %dma_wait3A_161] : memref<2x128xi32, #tpu.memory_space<vmem>> -> memref<1x128xi32, #tpu.memory_space<vmem>>
      %dma_wait3A_163 = tpu.memref_squeeze %dma_wait3A_162 : memref<1x128xi32, #tpu.memory_space<vmem>> -> memref<128xi32, #tpu.memory_space<vmem>>
      %dma_wait3A_164 = arith.constant 0 : i32
      %dma_wait3A_165 = tpu.memref_slice %arg3[%add3A_158, %dma_wait3A_164] : memref<1280x128xi32, #tpu.memory_space<hbm>> -> memref<1x128xi32, #tpu.memory_space<hbm>>
      %dma_wait3A_166 = tpu.memref_squeeze %dma_wait3A_165 : memref<1x128xi32, #tpu.memory_space<hbm>> -> memref<128xi32, #tpu.memory_space<hbm>>
      %dma_wait3A_167 = arith.constant 0 : i32
      %dma_wait3A_168 = tpu.memref_slice %arg9[%dma_wait3A_160, %dma_wait3A_167] : memref<2x128xi32, #tpu.memory_space<vmem>> -> memref<1x128xi32, #tpu.memory_space<vmem>>
      %dma_wait3A_169 = tpu.memref_squeeze %dma_wait3A_168 : memref<1x128xi32, #tpu.memory_space<vmem>> -> memref<128xi32, #tpu.memory_space<vmem>>
      %dma_wait3A_170 = arith.constant 0 : i32
      %dma_wait3A_171 = tpu.memref_slice %arg3[%add3A_158, %dma_wait3A_170] : memref<1280x128xi32, #tpu.memory_space<hbm>> -> memref<1x128xi32, #tpu.memory_space<hbm>>
      %dma_wait3A_172 = tpu.memref_squeeze %dma_wait3A_171 : memref<1x128xi32, #tpu.memory_space<hbm>> -> memref<128xi32, #tpu.memory_space<hbm>>
      tpu.wait_dma2 semaphore(%arg16 : memref<!tpu.dma_semaphore, #tpu.memory_space<semaphore_mem>>) src(%dma_wait3A_172 : memref<128xi32, #tpu.memory_space<hbm>>) dst(%dma_wait3A_169 : memref<128xi32, #tpu.memory_space<vmem>>)
      %dma_wait3A_173 = arith.constant 0 : i32
      %dma_wait3A_174 = arith.constant 0 : i32
      %dma_wait3A_175 = tpu.memref_slice %arg10[%dma_wait3A_173, %dma_wait3A_174] : memref<2x128xf32, #tpu.memory_space<vmem>> -> memref<1x128xf32, #tpu.memory_space<vmem>>
      %dma_wait3A_176 = tpu.memref_squeeze %dma_wait3A_175 : memref<1x128xf32, #tpu.memory_space<vmem>> -> memref<128xf32, #tpu.memory_space<vmem>>
      %dma_wait3A_177 = arith.constant 0 : i32
      %dma_wait3A_178 = tpu.memref_slice %arg5[%add3A_159, %dma_wait3A_177] : memref<1280x128xf32, #tpu.memory_space<hbm>> -> memref<1x128xf32, #tpu.memory_space<hbm>>
      %dma_wait3A_179 = tpu.memref_squeeze %dma_wait3A_178 : memref<1x128xf32, #tpu.memory_space<hbm>> -> memref<128xf32, #tpu.memory_space<hbm>>
      %dma_wait3A_180 = arith.constant 0 : i32
      %dma_wait3A_181 = tpu.memref_slice %arg10[%dma_wait3A_173, %dma_wait3A_180] : memref<2x128xf32, #tpu.memory_space<vmem>> -> memref<1x128xf32, #tpu.memory_space<vmem>>
      %dma_wait3A_182 = tpu.memref_squeeze %dma_wait3A_181 : memref<1x128xf32, #tpu.memory_space<vmem>> -> memref<128xf32, #tpu.memory_space<vmem>>
      %dma_wait3A_183 = arith.constant 0 : i32
      %dma_wait3A_184 = tpu.memref_slice %arg5[%add3A_159, %dma_wait3A_183] : memref<1280x128xf32, #tpu.memory_space<hbm>> -> memref<1x128xf32, #tpu.memory_space<hbm>>
      %dma_wait3A_185 = tpu.memref_squeeze %dma_wait3A_184 : memref<1x128xf32, #tpu.memory_space<hbm>> -> memref<128xf32, #tpu.memory_space<hbm>>
      tpu.wait_dma2 semaphore(%arg16 : memref<!tpu.dma_semaphore, #tpu.memory_space<semaphore_mem>>) src(%dma_wait3A_185 : memref<128xf32, #tpu.memory_space<hbm>>) dst(%dma_wait3A_182 : memref<128xf32, #tpu.memory_space<vmem>>)
      %scan3A_186 = arith.constant 0 : i32
      %scan3A_187 = arith.constant 8 : i32
      %scan3A_188 = arith.addi %scan3A_186, %scan3A_187 : i32
      %scan3A_189 = arith.constant 1 : i32
      scf.for %scan3A_253 = %scan3A_186 to %scan3A_188 step %scan3A_189  : i32 {
        %mul3A_254 = arith.constant 1 : i32
        %mul3A_255 = arith.muli %scan3A_253, %mul3A_254 : i32
        %add3A_256 = arith.constant 0 : i32
        %add3A_257 = arith.addi %add3A_256, %mul3A_255 : i32
        %mul3A_258 = arith.constant 16 : i32
        %mul3A_259 = arith.muli %add3A_257, %mul3A_258 : i32
        %get3A = arith.constant 0 : i32
        %get3A_260 = arith.index_cast %get3A : i32 to index
        %get3A_261 = arith.index_cast %mul3A_259 : i32 to index
        %get3A_262 = tpu.vector_load %arg10[%get3A_260, %get3A_261] {strides = array<i32>} : memref<2x128xf32, #tpu.memory_space<vmem>>, vector<16xf32>,
        %broadcast_in_dim3A = arith.constant 0 : i32
        %broadcast_in_dim3A_263 = vector.broadcast %broadcast_in_dim3A : i32 to vector<16x1xi32>
        %gather3A = vector.shape_cast %broadcast_in_dim3A_263 : vector<16x1xi32> to vector<16xi32>
        %gather3A_264 = tpu.dynamic_gather %get3A_262[%gather3A] in [0] : vector<16xf32>, vector<16xi32> -> vector<16xf32>
        %add3A_265 = arith.constant 0 : i32
        %add3A_266 = arith.addi %mul3A_259, %add3A_265 : i32
        %get3A_267 = arith.index_cast %add3A_266 : i32 to index
        %get3A_268 = arith.constant 0 : index
        %get3A_269 = tpu.vector_load %arg11[%get3A_267, %get3A_268] {strides = array<i32>} : memref<128x128xf32, #tpu.memory_space<vmem>>, vector<16xf32>,
        %mul3A_270 = arith.mulf %get3A_269, %gather3A_264 : vector<16xf32>
        %swap3A = arith.index_cast %add3A_266 : i32 to index
        %swap3A_271 = arith.constant 0 : index
        %swap3A_272 = tpu.vector_load %arg11[%swap3A, %swap3A_271] {strides = array<i32>} : memref<128x128xf32, #tpu.memory_space<vmem>>, vector<16xf32>,
        tpu.vector_store %arg11[%swap3A, %swap3A_271], %mul3A_270 {strides = array<i32>} : memref<128x128xf32, #tpu.memory_space<vmem>>, vector<16xf32>,
        %get3A_273 = arith.index_cast %add3A_266 : i32 to index
        %get3A_274 = arith.constant 16 : index
        %get3A_275 = tpu.vector_load %arg11[%get3A_273, %get3A_274] {strides = array<i32>} : memref<128x128xf32, #tpu.memory_space<vmem>>, vector<16xf32>,
        %mul3A_276 = arith.mulf %get3A_275, %gather3A_264 : vector<16xf32>
        %swap3A_277 = arith.index_cast %add3A_266 : i32 to index
        %swap3A_278 = arith.constant 16 : index
        %swap3A_279 = tpu.vector_load %arg11[%swap3A_277, %swap3A_278] {strides = array<i32>} : memref<128x128xf32, #tpu.memory_space<vmem>>, vector<16xf32>,
        tpu.vector_store %arg11[%swap3A_277, %swap3A_278], %mul3A_276 {strides = array<i32>} : memref<128x128xf32, #tpu.memory_space<vmem>>, vector<16xf32>,
        %get3A_280 = arith.index_cast %add3A_266 : i32 to index
        %get3A_281 = arith.constant 32 : index
        %get3A_282 = tpu.vector_load %arg11[%get3A_280, %get3A_281] {strides = array<i32>} : memref<128x128xf32, #tpu.memory_space<vmem>>, vector<16xf32>,
        %mul3A_283 = arith.mulf %get3A_282, %gather3A_264 : vector<16xf32>
        %swap3A_284 = arith.index_cast %add3A_266 : i32 to index
        %swap3A_285 = arith.constant 32 : index
        %swap3A_286 = tpu.vector_load %arg11[%swap3A_284, %swap3A_285] {strides = array<i32>} : memref<128x128xf32, #tpu.memory_space<vmem>>, vector<16xf32>,
        tpu.vector_store %arg11[%swap3A_284, %swap3A_285], %mul3A_283 {strides = array<i32>} : memref<128x128xf32, #tpu.memory_space<vmem>>, vector<16xf32>,
        %get3A_287 = arith.index_cast %add3A_266 : i32 to index
        %get3A_288 = arith.constant 48 : index
        %get3A_289 = tpu.vector_load %arg11[%get3A_287, %get3A_288] {strides = array<i32>} : memref<128x128xf32, #tpu.memory_space<vmem>>, vector<16xf32>,
        %mul3A_290 = arith.mulf %get3A_289, %gather3A_264 : vector<16xf32>
        %swap3A_291 = arith.index_cast %add3A_266 : i32 to index
        %swap3A_292 = arith.constant 48 : index
        %swap3A_293 = tpu.vector_load %arg11[%swap3A_291, %swap3A_292] {strides = array<i32>} : memref<128x128xf32, #tpu.memory_space<vmem>>, vector<16xf32>,
        tpu.vector_store %arg11[%swap3A_291, %swap3A_292], %mul3A_290 {strides = array<i32>} : memref<128x128xf32, #tpu.memory_space<vmem>>, vector<16xf32>,
        %broadcast_in_dim3A_294 = arith.constant 1 : i32
        %broadcast_in_dim3A_295 = vector.broadcast %broadcast_in_dim3A_294 : i32 to vector<16x1xi32>
        %gather3A_296 = vector.shape_cast %broadcast_in_dim3A_295 : vector<16x1xi32> to vector<16xi32>
        %gather3A_297 = tpu.dynamic_gather %get3A_262[%gather3A_296] in [0] : vector<16xf32>, vector<16xi32> -> vector<16xf32>
        %add3A_298 = arith.constant 1 : i32
        %add3A_299 = arith.addi %mul3A_259, %add3A_298 : i32
        %get3A_300 = arith.index_cast %add3A_299 : i32 to index
        %get3A_301 = arith.constant 0 : index
        %get3A_302 = tpu.vector_load %arg11[%get3A_300, %get3A_301] {strides = array<i32>} : memref<128x128xf32, #tpu.memory_space<vmem>>, vector<16xf32>,
        %mul3A_303 = arith.mulf %get3A_302, %gather3A_297 : vector<16xf32>
        %swap3A_304 = arith.index_cast %add3A_299 : i32 to index
        %swap3A_305 = arith.constant 0 : index
        %swap3A_306 = tpu.vector_load %arg11[%swap3A_304, %swap3A_305] {strides = array<i32>} : memref<128x128xf32, #tpu.memory_space<vmem>>, vector<16xf32>,
        tpu.vector_store %arg11[%swap3A_304, %swap3A_305], %mul3A_303 {strides = array<i32>} : memref<128x128xf32, #tpu.memory_space<vmem>>, vector<16xf32>,
        %get3A_307 = arith.index_cast %add3A_299 : i32 to index
        %get3A_308 = arith.constant 16 : index
        %get3A_309 = tpu.vector_load %arg11[%get3A_307, %get3A_308] {strides = array<i32>} : memref<128x128xf32, #tpu.memory_space<vmem>>, vector<16xf32>,
        %mul3A_310 = arith.mulf %get3A_309, %gather3A_297 : vector<16xf32>
        %swap3A_311 = arith.index_cast %add3A_299 : i32 to index
        %swap3A_312 = arith.constant 16 : index
        %swap3A_313 = tpu.vector_load %arg11[%swap3A_311, %swap3A_312] {strides = array<i32>} : memref<128x128xf32, #tpu.memory_space<vmem>>, vector<16xf32>,
        tpu.vector_store %arg11[%swap3A_311, %swap3A_312], %mul3A_310 {strides = array<i32>} : memref<128x128xf32, #tpu.memory_space<vmem>>, vector<16xf32>,
        %get3A_314 = arith.index_cast %add3A_299 : i32 to index
        %get3A_315 = arith.constant 32 : index
        %get3A_316 = tpu.vector_load %arg11[%get3A_314, %get3A_315] {strides = array<i32>} : memref<128x128xf32, #tpu.memory_space<vmem>>, vector<16xf32>,
        %mul3A_317 = arith.mulf %get3A_316, %gather3A_297 : vector<16xf32>
        %swap3A_318 = arith.index_cast %add3A_299 : i32 to index
        %swap3A_319 = arith.constant 32 : index
        %swap3A_320 = tpu.vector_load %arg11[%swap3A_318, %swap3A_319] {strides = array<i32>} : memref<128x128xf32, #tpu.memory_space<vmem>>, vector<16xf32>,
        tpu.vector_store %arg11[%swap3A_318, %swap3A_319], %mul3A_317 {strides = array<i32>} : memref<128x128xf32, #tpu.memory_space<vmem>>, vector<16xf32>,
        %get3A_321 = arith.index_cast %add3A_299 : i32 to index
        %get3A_322 = arith.constant 48 : index
        %get3A_323 = tpu.vector_load %arg11[%get3A_321, %get3A_322] {strides = array<i32>} : memref<128x128xf32, #tpu.memory_space<vmem>>, vector<16xf32>,
        %mul3A_324 = arith.mulf %get3A_323, %gather3A_297 : vector<16xf32>
        %swap3A_325 = arith.index_cast %add3A_299 : i32 to index
        %swap3A_326 = arith.constant 48 : index
        %swap3A_327 = tpu.vector_load %arg11[%swap3A_325, %swap3A_326] {strides = array<i32>} : memref<128x128xf32, #tpu.memory_space<vmem>>, vector<16xf32>,
        tpu.vector_store %arg11[%swap3A_325, %swap3A_326], %mul3A_324 {strides = array<i32>} : memref<128x128xf32, #tpu.memory_space<vmem>>, vector<16xf32>,
        %broadcast_in_dim3A_328 = arith.constant 2 : i32
        %broadcast_in_dim3A_329 = vector.broadcast %broadcast_in_dim3A_328 : i32 to vector<16x1xi32>
        %gather3A_330 = vector.shape_cast %broadcast_in_dim3A_329 : vector<16x1xi32> to vector<16xi32>
        %gather3A_331 = tpu.dynamic_gather %get3A_262[%gather3A_330] in [0] : vector<16xf32>, vector<16xi32> -> vector<16xf32>
        %add3A_332 = arith.constant 2 : i32
        %add3A_333 = arith.addi %mul3A_259, %add3A_332 : i32
        %get3A_334 = arith.index_cast %add3A_333 : i32 to index
        %get3A_335 = arith.constant 0 : index
        %get3A_336 = tpu.vector_load %arg11[%get3A_334, %get3A_335] {strides = array<i32>} : memref<128x128xf32, #tpu.memory_space<vmem>>, vector<16xf32>,
        %mul3A_337 = arith.mulf %get3A_336, %gather3A_331 : vector<16xf32>
        %swap3A_338 = arith.index_cast %add3A_333 : i32 to index
        %swap3A_339 = arith.constant 0 : index
        %swap3A_340 = tpu.vector_load %arg11[%swap3A_338, %swap3A_339] {strides = array<i32>} : memref<128x128xf32, #tpu.memory_space<vmem>>, vector<16xf32>,
        tpu.vector_store %arg11[%swap3A_338, %swap3A_339], %mul3A_337 {strides = array<i32>} : memref<128x128xf32, #tpu.memory_space<vmem>>, vector<16xf32>,
        %get3A_341 = arith.index_cast %add3A_333 : i32 to index
        %get3A_342 = arith.constant 16 : index
        %get3A_343 = tpu.vector_load %arg11[%get3A_341, %get3A_342] {strides = array<i32>} : memref<128x128xf32, #tpu.memory_space<vmem>>, vector<16xf32>,
        %mul3A_344 = arith.mulf %get3A_343, %gather3A_331 : vector<16xf32>
        %swap3A_345 = arith.index_cast %add3A_333 : i32 to index
        %swap3A_346 = arith.constant 16 : index
        %swap3A_347 = tpu.vector_load %arg11[%swap3A_345, %swap3A_346] {strides = array<i32>} : memref<128x128xf32, #tpu.memory_space<vmem>>, vector<16xf32>,
        tpu.vector_store %arg11[%swap3A_345, %swap3A_346], %mul3A_344 {strides = array<i32>} : memref<128x128xf32, #tpu.memory_space<vmem>>, vector<16xf32>,
        %get3A_348 = arith.index_cast %add3A_333 : i32 to index
        %get3A_349 = arith.constant 32 : index
        %get3A_350 = tpu.vector_load %arg11[%get3A_348, %get3A_349] {strides = array<i32>} : memref<128x128xf32, #tpu.memory_space<vmem>>, vector<16xf32>,
        %mul3A_351 = arith.mulf %get3A_350, %gather3A_331 : vector<16xf32>
        %swap3A_352 = arith.index_cast %add3A_333 : i32 to index
        %swap3A_353 = arith.constant 32 : index
        %swap3A_354 = tpu.vector_load %arg11[%swap3A_352, %swap3A_353] {strides = array<i32>} : memref<128x128xf32, #tpu.memory_space<vmem>>, vector<16xf32>,
        tpu.vector_store %arg11[%swap3A_352, %swap3A_353], %mul3A_351 {strides = array<i32>} : memref<128x128xf32, #tpu.memory_space<vmem>>, vector<16xf32>,
        %get3A_355 = arith.index_cast %add3A_333 : i32 to index
        %get3A_356 = arith.constant 48 : index
        %get3A_357 = tpu.vector_load %arg11[%get3A_355, %get3A_356] {strides = array<i32>} : memref<128x128xf32, #tpu.memory_space<vmem>>, vector<16xf32>,
        %mul3A_358 = arith.mulf %get3A_357, %gather3A_331 : vector<16xf32>
        %swap3A_359 = arith.index_cast %add3A_333 : i32 to index
        %swap3A_360 = arith.constant 48 : index
        %swap3A_361 = tpu.vector_load %arg11[%swap3A_359, %swap3A_360] {strides = array<i32>} : memref<128x128xf32, #tpu.memory_space<vmem>>, vector<16xf32>,
        tpu.vector_store %arg11[%swap3A_359, %swap3A_360], %mul3A_358 {strides = array<i32>} : memref<128x128xf32, #tpu.memory_space<vmem>>, vector<16xf32>,
        %broadcast_in_dim3A_362 = arith.constant 3 : i32
        %broadcast_in_dim3A_363 = vector.broadcast %broadcast_in_dim3A_362 : i32 to vector<16x1xi32>
        %gather3A_364 = vector.shape_cast %broadcast_in_dim3A_363 : vector<16x1xi32> to vector<16xi32>
        %gather3A_365 = tpu.dynamic_gather %get3A_262[%gather3A_364] in [0] : vector<16xf32>, vector<16xi32> -> vector<16xf32>
        %add3A_366 = arith.constant 3 : i32
        %add3A_367 = arith.addi %mul3A_259, %add3A_366 : i32
        %get3A_368 = arith.index_cast %add3A_367 : i32 to index
        %get3A_369 = arith.constant 0 : index
        %get3A_370 = tpu.vector_load %arg11[%get3A_368, %get3A_369] {strides = array<i32>} : memref<128x128xf32, #tpu.memory_space<vmem>>, vector<16xf32>,
        %mul3A_371 = arith.mulf %get3A_370, %gather3A_365 : vector<16xf32>
        %swap3A_372 = arith.index_cast %add3A_367 : i32 to index
        %swap3A_373 = arith.constant 0 : index
        %swap3A_374 = tpu.vector_load %arg11[%swap3A_372, %swap3A_373] {strides = array<i32>} : memref<128x128xf32, #tpu.memory_space<vmem>>, vector<16xf32>,
        tpu.vector_store %arg11[%swap3A_372, %swap3A_373], %mul3A_371 {strides = array<i32>} : memref<128x128xf32, #tpu.memory_space<vmem>>, vector<16xf32>,
        %get3A_375 = arith.index_cast %add3A_367 : i32 to index
        %get3A_376 = arith.constant 16 : index
        %get3A_377 = tpu.vector_load %arg11[%get3A_375, %get3A_376] {strides = array<i32>} : memref<128x128xf32, #tpu.memory_space<vmem>>, vector<16xf32>,
        %mul3A_378 = arith.mulf %get3A_377, %gather3A_365 : vector<16xf32>
        %swap3A_379 = arith.index_cast %add3A_367 : i32 to index
        %swap3A_380 = arith.constant 16 : index
        %swap3A_381 = tpu.vector_load %arg11[%swap3A_379, %swap3A_380] {strides = array<i32>} : memref<128x128xf32, #tpu.memory_space<vmem>>, vector<16xf32>,
        tpu.vector_store %arg11[%swap3A_379, %swap3A_380], %mul3A_378 {strides = array<i32>} : memref<128x128xf32, #tpu.memory_space<vmem>>, vector<16xf32>,
        %get3A_382 = arith.index_cast %add3A_367 : i32 to index
        %get3A_383 = arith.constant 32 : index
        %get3A_384 = tpu.vector_load %arg11[%get3A_382, %get3A_383] {strides = array<i32>} : memref<128x128xf32, #tpu.memory_space<vmem>>, vector<16xf32>,
        %mul3A_385 = arith.mulf %get3A_384, %gather3A_365 : vector<16xf32>
        %swap3A_386 = arith.index_cast %add3A_367 : i32 to index
        %swap3A_387 = arith.constant 32 : index
        %swap3A_388 = tpu.vector_load %arg11[%swap3A_386, %swap3A_387] {strides = array<i32>} : memref<128x128xf32, #tpu.memory_space<vmem>>, vector<16xf32>,
        tpu.vector_store %arg11[%swap3A_386, %swap3A_387], %mul3A_385 {strides = array<i32>} : memref<128x128xf32, #tpu.memory_space<vmem>>, vector<16xf32>,
        %get3A_389 = arith.index_cast %add3A_367 : i32 to index
        %get3A_390 = arith.constant 48 : index
        %get3A_391 = tpu.vector_load %arg11[%get3A_389, %get3A_390] {strides = array<i32>} : memref<128x128xf32, #tpu.memory_space<vmem>>, vector<16xf32>,
        %mul3A_392 = arith.mulf %get3A_391, %gather3A_365 : vector<16xf32>
        %swap3A_393 = arith.index_cast %add3A_367 : i32 to index
        %swap3A_394 = arith.constant 48 : index
        %swap3A_395 = tpu.vector_load %arg11[%swap3A_393, %swap3A_394] {strides = array<i32>} : memref<128x128xf32, #tpu.memory_space<vmem>>, vector<16xf32>,
        tpu.vector_store %arg11[%swap3A_393, %swap3A_394], %mul3A_392 {strides = array<i32>} : memref<128x128xf32, #tpu.memory_space<vmem>>, vector<16xf32>,
        %broadcast_in_dim3A_396 = arith.constant 4 : i32
        %broadcast_in_dim3A_397 = vector.broadcast %broadcast_in_dim3A_396 : i32 to vector<16x1xi32>
        %gather3A_398 = vector.shape_cast %broadcast_in_dim3A_397 : vector<16x1xi32> to vector<16xi32>
        %gather3A_399 = tpu.dynamic_gather %get3A_262[%gather3A_398] in [0] : vector<16xf32>, vector<16xi32> -> vector<16xf32>
        %add3A_400 = arith.constant 4 : i32
        %add3A_401 = arith.addi %mul3A_259, %add3A_400 : i32
        %get3A_402 = arith.index_cast %add3A_401 : i32 to index
        %get3A_403 = arith.constant 0 : index
        %get3A_404 = tpu.vector_load %arg11[%get3A_402, %get3A_403] {strides = array<i32>} : memref<128x128xf32, #tpu.memory_space<vmem>>, vector<16xf32>,
        %mul3A_405 = arith.mulf %get3A_404, %gather3A_399 : vector<16xf32>
        %swap3A_406 = arith.index_cast %add3A_401 : i32 to index
        %swap3A_407 = arith.constant 0 : index
        %swap3A_408 = tpu.vector_load %arg11[%swap3A_406, %swap3A_407] {strides = array<i32>} : memref<128x128xf32, #tpu.memory_space<vmem>>, vector<16xf32>,
        tpu.vector_store %arg11[%swap3A_406, %swap3A_407], %mul3A_405 {strides = array<i32>} : memref<128x128xf32, #tpu.memory_space<vmem>>, vector<16xf32>,
        %get3A_409 = arith.index_cast %add3A_401 : i32 to index
        %get3A_410 = arith.constant 16 : index
        %get3A_411 = tpu.vector_load %arg11[%get3A_409, %get3A_410] {strides = array<i32>} : memref<128x128xf32, #tpu.memory_space<vmem>>, vector<16xf32>,
        %mul3A_412 = arith.mulf %get3A_411, %gather3A_399 : vector<16xf32>
        %swap3A_413 = arith.index_cast %add3A_401 : i32 to index
        %swap3A_414 = arith.constant 16 : index
        %swap3A_415 = tpu.vector_load %arg11[%swap3A_413, %swap3A_414] {strides = array<i32>} : memref<128x128xf32, #tpu.memory_space<vmem>>, vector<16xf32>,
        tpu.vector_store %arg11[%swap3A_413, %swap3A_414], %mul3A_412 {strides = array<i32>} : memref<128x128xf32, #tpu.memory_space<vmem>>, vector<16xf32>,
        %get3A_416 = arith.index_cast %add3A_401 : i32 to index
        %get3A_417 = arith.constant 32 : index
        %get3A_418 = tpu.vector_load %arg11[%get3A_416, %get3A_417] {strides = array<i32>} : memref<128x128xf32, #tpu.memory_space<vmem>>, vector<16xf32>,
        %mul3A_419 = arith.mulf %get3A_418, %gather3A_399 : vector<16xf32>
        %swap3A_420 = arith.index_cast %add3A_401 : i32 to index
        %swap3A_421 = arith.constant 32 : index
        %swap3A_422 = tpu.vector_load %arg11[%swap3A_420, %swap3A_421] {strides = array<i32>} : memref<128x128xf32, #tpu.memory_space<vmem>>, vector<16xf32>,
        tpu.vector_store %arg11[%swap3A_420, %swap3A_421], %mul3A_419 {strides = array<i32>} : memref<128x128xf32, #tpu.memory_space<vmem>>, vector<16xf32>,
        %get3A_423 = arith.index_cast %add3A_401 : i32 to index
        %get3A_424 = arith.constant 48 : index
        %get3A_425 = tpu.vector_load %arg11[%get3A_423, %get3A_424] {strides = array<i32>} : memref<128x128xf32, #tpu.memory_space<vmem>>, vector<16xf32>,
        %mul3A_426 = arith.mulf %get3A_425, %gather3A_399 : vector<16xf32>
        %swap3A_427 = arith.index_cast %add3A_401 : i32 to index
        %swap3A_428 = arith.constant 48 : index
        %swap3A_429 = tpu.vector_load %arg11[%swap3A_427, %swap3A_428] {strides = array<i32>} : memref<128x128xf32, #tpu.memory_space<vmem>>, vector<16xf32>,
        tpu.vector_store %arg11[%swap3A_427, %swap3A_428], %mul3A_426 {strides = array<i32>} : memref<128x128xf32, #tpu.memory_space<vmem>>, vector<16xf32>,
        %broadcast_in_dim3A_430 = arith.constant 5 : i32
        %broadcast_in_dim3A_431 = vector.broadcast %broadcast_in_dim3A_430 : i32 to vector<16x1xi32>
        %gather3A_432 = vector.shape_cast %broadcast_in_dim3A_431 : vector<16x1xi32> to vector<16xi32>
        %gather3A_433 = tpu.dynamic_gather %get3A_262[%gather3A_432] in [0] : vector<16xf32>, vector<16xi32> -> vector<16xf32>
        %add3A_434 = arith.constant 5 : i32
        %add3A_435 = arith.addi %mul3A_259, %add3A_434 : i32
        %get3A_436 = arith.index_cast %add3A_435 : i32 to index
        %get3A_437 = arith.constant 0 : index
        %get3A_438 = tpu.vector_load %arg11[%get3A_436, %get3A_437] {strides = array<i32>} : memref<128x128xf32, #tpu.memory_space<vmem>>, vector<16xf32>,
        %mul3A_439 = arith.mulf %get3A_438, %gather3A_433 : vector<16xf32>
        %swap3A_440 = arith.index_cast %add3A_435 : i32 to index
        %swap3A_441 = arith.constant 0 : index
        %swap3A_442 = tpu.vector_load %arg11[%swap3A_440, %swap3A_441] {strides = array<i32>} : memref<128x128xf32, #tpu.memory_space<vmem>>, vector<16xf32>,
        tpu.vector_store %arg11[%swap3A_440, %swap3A_441], %mul3A_439 {strides = array<i32>} : memref<128x128xf32, #tpu.memory_space<vmem>>, vector<16xf32>,
        %get3A_443 = arith.index_cast %add3A_435 : i32 to index
        %get3A_444 = arith.constant 16 : index
        %get3A_445 = tpu.vector_load %arg11[%get3A_443, %get3A_444] {strides = array<i32>} : memref<128x128xf32, #tpu.memory_space<vmem>>, vector<16xf32>,
        %mul3A_446 = arith.mulf %get3A_445, %gather3A_433 : vector<16xf32>
        %swap3A_447 = arith.index_cast %add3A_435 : i32 to index
        %swap3A_448 = arith.constant 16 : index
        %swap3A_449 = tpu.vector_load %arg11[%swap3A_447, %swap3A_448] {strides = array<i32>} : memref<128x128xf32, #tpu.memory_space<vmem>>, vector<16xf32>,
        tpu.vector_store %arg11[%swap3A_447, %swap3A_448], %mul3A_446 {strides = array<i32>} : memref<128x128xf32, #tpu.memory_space<vmem>>, vector<16xf32>,
        %get3A_450 = arith.index_cast %add3A_435 : i32 to index
        %get3A_451 = arith.constant 32 : index
        %get3A_452 = tpu.vector_load %arg11[%get3A_450, %get3A_451] {strides = array<i32>} : memref<128x128xf32, #tpu.memory_space<vmem>>, vector<16xf32>,
        %mul3A_453 = arith.mulf %get3A_452, %gather3A_433 : vector<16xf32>
        %swap3A_454 = arith.index_cast %add3A_435 : i32 to index
        %swap3A_455 = arith.constant 32 : index
        %swap3A_456 = tpu.vector_load %arg11[%swap3A_454, %swap3A_455] {strides = array<i32>} : memref<128x128xf32, #tpu.memory_space<vmem>>, vector<16xf32>,
        tpu.vector_store %arg11[%swap3A_454, %swap3A_455], %mul3A_453 {strides = array<i32>} : memref<128x128xf32, #tpu.memory_space<vmem>>, vector<16xf32>,
        %get3A_457 = arith.index_cast %add3A_435 : i32 to index
        %get3A_458 = arith.constant 48 : index
        %get3A_459 = tpu.vector_load %arg11[%get3A_457, %get3A_458] {strides = array<i32>} : memref<128x128xf32, #tpu.memory_space<vmem>>, vector<16xf32>,
        %mul3A_460 = arith.mulf %get3A_459, %gather3A_433 : vector<16xf32>
        %swap3A_461 = arith.index_cast %add3A_435 : i32 to index
        %swap3A_462 = arith.constant 48 : index
        %swap3A_463 = tpu.vector_load %arg11[%swap3A_461, %swap3A_462] {strides = array<i32>} : memref<128x128xf32, #tpu.memory_space<vmem>>, vector<16xf32>,
        tpu.vector_store %arg11[%swap3A_461, %swap3A_462], %mul3A_460 {strides = array<i32>} : memref<128x128xf32, #tpu.memory_space<vmem>>, vector<16xf32>,
        %broadcast_in_dim3A_464 = arith.constant 6 : i32
        %broadcast_in_dim3A_465 = vector.broadcast %broadcast_in_dim3A_464 : i32 to vector<16x1xi32>
        %gather3A_466 = vector.shape_cast %broadcast_in_dim3A_465 : vector<16x1xi32> to vector<16xi32>
        %gather3A_467 = tpu.dynamic_gather %get3A_262[%gather3A_466] in [0] : vector<16xf32>, vector<16xi32> -> vector<16xf32>
        %add3A_468 = arith.constant 6 : i32
        %add3A_469 = arith.addi %mul3A_259, %add3A_468 : i32
        %get3A_470 = arith.index_cast %add3A_469 : i32 to index
        %get3A_471 = arith.constant 0 : index
        %get3A_472 = tpu.vector_load %arg11[%get3A_470, %get3A_471] {strides = array<i32>} : memref<128x128xf32, #tpu.memory_space<vmem>>, vector<16xf32>,
        %mul3A_473 = arith.mulf %get3A_472, %gather3A_467 : vector<16xf32>
        %swap3A_474 = arith.index_cast %add3A_469 : i32 to index
        %swap3A_475 = arith.constant 0 : index
        %swap3A_476 = tpu.vector_load %arg11[%swap3A_474, %swap3A_475] {strides = array<i32>} : memref<128x128xf32, #tpu.memory_space<vmem>>, vector<16xf32>,
        tpu.vector_store %arg11[%swap3A_474, %swap3A_475], %mul3A_473 {strides = array<i32>} : memref<128x128xf32, #tpu.memory_space<vmem>>, vector<16xf32>,
        %get3A_477 = arith.index_cast %add3A_469 : i32 to index
        %get3A_478 = arith.constant 16 : index
        %get3A_479 = tpu.vector_load %arg11[%get3A_477, %get3A_478] {strides = array<i32>} : memref<128x128xf32, #tpu.memory_space<vmem>>, vector<16xf32>,
        %mul3A_480 = arith.mulf %get3A_479, %gather3A_467 : vector<16xf32>
        %swap3A_481 = arith.index_cast %add3A_469 : i32 to index
        %swap3A_482 = arith.constant 16 : index
        %swap3A_483 = tpu.vector_load %arg11[%swap3A_481, %swap3A_482] {strides = array<i32>} : memref<128x128xf32, #tpu.memory_space<vmem>>, vector<16xf32>,
        tpu.vector_store %arg11[%swap3A_481, %swap3A_482], %mul3A_480 {strides = array<i32>} : memref<128x128xf32, #tpu.memory_space<vmem>>, vector<16xf32>,
        %get3A_484 = arith.index_cast %add3A_469 : i32 to index
        %get3A_485 = arith.constant 32 : index
        %get3A_486 = tpu.vector_load %arg11[%get3A_484, %get3A_485] {strides = array<i32>} : memref<128x128xf32, #tpu.memory_space<vmem>>, vector<16xf32>,
        %mul3A_487 = arith.mulf %get3A_486, %gather3A_467 : vector<16xf32>
        %swap3A_488 = arith.index_cast %add3A_469 : i32 to index
        %swap3A_489 = arith.constant 32 : index
        %swap3A_490 = tpu.vector_load %arg11[%swap3A_488, %swap3A_489] {strides = array<i32>} : memref<128x128xf32, #tpu.memory_space<vmem>>, vector<16xf32>,
        tpu.vector_store %arg11[%swap3A_488, %swap3A_489], %mul3A_487 {strides = array<i32>} : memref<128x128xf32, #tpu.memory_space<vmem>>, vector<16xf32>,
        %get3A_491 = arith.index_cast %add3A_469 : i32 to index
        %get3A_492 = arith.constant 48 : index
        %get3A_493 = tpu.vector_load %arg11[%get3A_491, %get3A_492] {strides = array<i32>} : memref<128x128xf32, #tpu.memory_space<vmem>>, vector<16xf32>,
        %mul3A_494 = arith.mulf %get3A_493, %gather3A_467 : vector<16xf32>
        %swap3A_495 = arith.index_cast %add3A_469 : i32 to index
        %swap3A_496 = arith.constant 48 : index
        %swap3A_497 = tpu.vector_load %arg11[%swap3A_495, %swap3A_496] {strides = array<i32>} : memref<128x128xf32, #tpu.memory_space<vmem>>, vector<16xf32>,
        tpu.vector_store %arg11[%swap3A_495, %swap3A_496], %mul3A_494 {strides = array<i32>} : memref<128x128xf32, #tpu.memory_space<vmem>>, vector<16xf32>,
        %broadcast_in_dim3A_498 = arith.constant 7 : i32
        %broadcast_in_dim3A_499 = vector.broadcast %broadcast_in_dim3A_498 : i32 to vector<16x1xi32>
        %gather3A_500 = vector.shape_cast %broadcast_in_dim3A_499 : vector<16x1xi32> to vector<16xi32>
        %gather3A_501 = tpu.dynamic_gather %get3A_262[%gather3A_500] in [0] : vector<16xf32>, vector<16xi32> -> vector<16xf32>
        %add3A_502 = arith.constant 7 : i32
        %add3A_503 = arith.addi %mul3A_259, %add3A_502 : i32
        %get3A_504 = arith.index_cast %add3A_503 : i32 to index
        %get3A_505 = arith.constant 0 : index
        %get3A_506 = tpu.vector_load %arg11[%get3A_504, %get3A_505] {strides = array<i32>} : memref<128x128xf32, #tpu.memory_space<vmem>>, vector<16xf32>,
        %mul3A_507 = arith.mulf %get3A_506, %gather3A_501 : vector<16xf32>
        %swap3A_508 = arith.index_cast %add3A_503 : i32 to index
        %swap3A_509 = arith.constant 0 : index
        %swap3A_510 = tpu.vector_load %arg11[%swap3A_508, %swap3A_509] {strides = array<i32>} : memref<128x128xf32, #tpu.memory_space<vmem>>, vector<16xf32>,
        tpu.vector_store %arg11[%swap3A_508, %swap3A_509], %mul3A_507 {strides = array<i32>} : memref<128x128xf32, #tpu.memory_space<vmem>>, vector<16xf32>,
        %get3A_511 = arith.index_cast %add3A_503 : i32 to index
        %get3A_512 = arith.constant 16 : index
        %get3A_513 = tpu.vector_load %arg11[%get3A_511, %get3A_512] {strides = array<i32>} : memref<128x128xf32, #tpu.memory_space<vmem>>, vector<16xf32>,
        %mul3A_514 = arith.mulf %get3A_513, %gather3A_501 : vector<16xf32>
        %swap3A_515 = arith.index_cast %add3A_503 : i32 to index
        %swap3A_516 = arith.constant 16 : index
        %swap3A_517 = tpu.vector_load %arg11[%swap3A_515, %swap3A_516] {strides = array<i32>} : memref<128x128xf32, #tpu.memory_space<vmem>>, vector<16xf32>,
        tpu.vector_store %arg11[%swap3A_515, %swap3A_516], %mul3A_514 {strides = array<i32>} : memref<128x128xf32, #tpu.memory_space<vmem>>, vector<16xf32>,
        %get3A_518 = arith.index_cast %add3A_503 : i32 to index
        %get3A_519 = arith.constant 32 : index
        %get3A_520 = tpu.vector_load %arg11[%get3A_518, %get3A_519] {strides = array<i32>} : memref<128x128xf32, #tpu.memory_space<vmem>>, vector<16xf32>,
        %mul3A_521 = arith.mulf %get3A_520, %gather3A_501 : vector<16xf32>
        %swap3A_522 = arith.index_cast %add3A_503 : i32 to index
        %swap3A_523 = arith.constant 32 : index
        %swap3A_524 = tpu.vector_load %arg11[%swap3A_522, %swap3A_523] {strides = array<i32>} : memref<128x128xf32, #tpu.memory_space<vmem>>, vector<16xf32>,
        tpu.vector_store %arg11[%swap3A_522, %swap3A_523], %mul3A_521 {strides = array<i32>} : memref<128x128xf32, #tpu.memory_space<vmem>>, vector<16xf32>,
        %get3A_525 = arith.index_cast %add3A_503 : i32 to index
        %get3A_526 = arith.constant 48 : index
        %get3A_527 = tpu.vector_load %arg11[%get3A_525, %get3A_526] {strides = array<i32>} : memref<128x128xf32, #tpu.memory_space<vmem>>, vector<16xf32>,
        %mul3A_528 = arith.mulf %get3A_527, %gather3A_501 : vector<16xf32>
        %swap3A_529 = arith.index_cast %add3A_503 : i32 to index
        %swap3A_530 = arith.constant 48 : index
        %swap3A_531 = tpu.vector_load %arg11[%swap3A_529, %swap3A_530] {strides = array<i32>} : memref<128x128xf32, #tpu.memory_space<vmem>>, vector<16xf32>,
        tpu.vector_store %arg11[%swap3A_529, %swap3A_530], %mul3A_528 {strides = array<i32>} : memref<128x128xf32, #tpu.memory_space<vmem>>, vector<16xf32>,
        %broadcast_in_dim3A_532 = arith.constant 8 : i32
        %broadcast_in_dim3A_533 = vector.broadcast %broadcast_in_dim3A_532 : i32 to vector<16x1xi32>
        %gather3A_534 = vector.shape_cast %broadcast_in_dim3A_533 : vector<16x1xi32> to vector<16xi32>
        %gather3A_535 = tpu.dynamic_gather %get3A_262[%gather3A_534] in [0] : vector<16xf32>, vector<16xi32> -> vector<16xf32>
        %add3A_536 = arith.constant 8 : i32
        %add3A_537 = arith.addi %mul3A_259, %add3A_536 : i32
        %get3A_538 = arith.index_cast %add3A_537 : i32 to index
        %get3A_539 = arith.constant 0 : index
        %get3A_540 = tpu.vector_load %arg11[%get3A_538, %get3A_539] {strides = array<i32>} : memref<128x128xf32, #tpu.memory_space<vmem>>, vector<16xf32>,
        %mul3A_541 = arith.mulf %get3A_540, %gather3A_535 : vector<16xf32>
        %swap3A_542 = arith.index_cast %add3A_537 : i32 to index
        %swap3A_543 = arith.constant 0 : index
        %swap3A_544 = tpu.vector_load %arg11[%swap3A_542, %swap3A_543] {strides = array<i32>} : memref<128x128xf32, #tpu.memory_space<vmem>>, vector<16xf32>,
        tpu.vector_store %arg11[%swap3A_542, %swap3A_543], %mul3A_541 {strides = array<i32>} : memref<128x128xf32, #tpu.memory_space<vmem>>, vector<16xf32>,
        %get3A_545 = arith.index_cast %add3A_537 : i32 to index
        %get3A_546 = arith.constant 16 : index
        %get3A_547 = tpu.vector_load %arg11[%get3A_545, %get3A_546] {strides = array<i32>} : memref<128x128xf32, #tpu.memory_space<vmem>>, vector<16xf32>,
        %mul3A_548 = arith.mulf %get3A_547, %gather3A_535 : vector<16xf32>
        %swap3A_549 = arith.index_cast %add3A_537 : i32 to index
        %swap3A_550 = arith.constant 16 : index
        %swap3A_551 = tpu.vector_load %arg11[%swap3A_549, %swap3A_550] {strides = array<i32>} : memref<128x128xf32, #tpu.memory_space<vmem>>, vector<16xf32>,
        tpu.vector_store %arg11[%swap3A_549, %swap3A_550], %mul3A_548 {strides = array<i32>} : memref<128x128xf32, #tpu.memory_space<vmem>>, vector<16xf32>,
        %get3A_552 = arith.index_cast %add3A_537 : i32 to index
        %get3A_553 = arith.constant 32 : index
        %get3A_554 = tpu.vector_load %arg11[%get3A_552, %get3A_553] {strides = array<i32>} : memref<128x128xf32, #tpu.memory_space<vmem>>, vector<16xf32>,
        %mul3A_555 = arith.mulf %get3A_554, %gather3A_535 : vector<16xf32>
        %swap3A_556 = arith.index_cast %add3A_537 : i32 to index
        %swap3A_557 = arith.constant 32 : index
        %swap3A_558 = tpu.vector_load %arg11[%swap3A_556, %swap3A_557] {strides = array<i32>} : memref<128x128xf32, #tpu.memory_space<vmem>>, vector<16xf32>,
        tpu.vector_store %arg11[%swap3A_556, %swap3A_557], %mul3A_555 {strides = array<i32>} : memref<128x128xf32, #tpu.memory_space<vmem>>, vector<16xf32>,
        %get3A_559 = arith.index_cast %add3A_537 : i32 to index
        %get3A_560 = arith.constant 48 : index
        %get3A_561 = tpu.vector_load %arg11[%get3A_559, %get3A_560] {strides = array<i32>} : memref<128x128xf32, #tpu.memory_space<vmem>>, vector<16xf32>,
        %mul3A_562 = arith.mulf %get3A_561, %gather3A_535 : vector<16xf32>
        %swap3A_563 = arith.index_cast %add3A_537 : i32 to index
        %swap3A_564 = arith.constant 48 : index
        %swap3A_565 = tpu.vector_load %arg11[%swap3A_563, %swap3A_564] {strides = array<i32>} : memref<128x128xf32, #tpu.memory_space<vmem>>, vector<16xf32>,
        tpu.vector_store %arg11[%swap3A_563, %swap3A_564], %mul3A_562 {strides = array<i32>} : memref<128x128xf32, #tpu.memory_space<vmem>>, vector<16xf32>,
        %broadcast_in_dim3A_566 = arith.constant 9 : i32
        %broadcast_in_dim3A_567 = vector.broadcast %broadcast_in_dim3A_566 : i32 to vector<16x1xi32>
        %gather3A_568 = vector.shape_cast %broadcast_in_dim3A_567 : vector<16x1xi32> to vector<16xi32>
        %gather3A_569 = tpu.dynamic_gather %get3A_262[%gather3A_568] in [0] : vector<16xf32>, vector<16xi32> -> vector<16xf32>
        %add3A_570 = arith.constant 9 : i32
        %add3A_571 = arith.addi %mul3A_259, %add3A_570 : i32
        %get3A_572 = arith.index_cast %add3A_571 : i32 to index
        %get3A_573 = arith.constant 0 : index
        %get3A_574 = tpu.vector_load %arg11[%get3A_572, %get3A_573] {strides = array<i32>} : memref<128x128xf32, #tpu.memory_space<vmem>>, vector<16xf32>,
        %mul3A_575 = arith.mulf %get3A_574, %gather3A_569 : vector<16xf32>
        %swap3A_576 = arith.index_cast %add3A_571 : i32 to index
        %swap3A_577 = arith.constant 0 : index
        %swap3A_578 = tpu.vector_load %arg11[%swap3A_576, %swap3A_577] {strides = array<i32>} : memref<128x128xf32, #tpu.memory_space<vmem>>, vector<16xf32>,
        tpu.vector_store %arg11[%swap3A_576, %swap3A_577], %mul3A_575 {strides = array<i32>} : memref<128x128xf32, #tpu.memory_space<vmem>>, vector<16xf32>,
        %get3A_579 = arith.index_cast %add3A_571 : i32 to index
        %get3A_580 = arith.constant 16 : index
        %get3A_581 = tpu.vector_load %arg11[%get3A_579, %get3A_580] {strides = array<i32>} : memref<128x128xf32, #tpu.memory_space<vmem>>, vector<16xf32>,
        %mul3A_582 = arith.mulf %get3A_581, %gather3A_569 : vector<16xf32>
        %swap3A_583 = arith.index_cast %add3A_571 : i32 to index
        %swap3A_584 = arith.constant 16 : index
        %swap3A_585 = tpu.vector_load %arg11[%swap3A_583, %swap3A_584] {strides = array<i32>} : memref<128x128xf32, #tpu.memory_space<vmem>>, vector<16xf32>,
        tpu.vector_store %arg11[%swap3A_583, %swap3A_584], %mul3A_582 {strides = array<i32>} : memref<128x128xf32, #tpu.memory_space<vmem>>, vector<16xf32>,
        %get3A_586 = arith.index_cast %add3A_571 : i32 to index
        %get3A_587 = arith.constant 32 : index
        %get3A_588 = tpu.vector_load %arg11[%get3A_586, %get3A_587] {strides = array<i32>} : memref<128x128xf32, #tpu.memory_space<vmem>>, vector<16xf32>,
        %mul3A_589 = arith.mulf %get3A_588, %gather3A_569 : vector<16xf32>
        %swap3A_590 = arith.index_cast %add3A_571 : i32 to index
        %swap3A_591 = arith.constant 32 : index
        %swap3A_592 = tpu.vector_load %arg11[%swap3A_590, %swap3A_591] {strides = array<i32>} : memref<128x128xf32, #tpu.memory_space<vmem>>, vector<16xf32>,
        tpu.vector_store %arg11[%swap3A_590, %swap3A_591], %mul3A_589 {strides = array<i32>} : memref<128x128xf32, #tpu.memory_space<vmem>>, vector<16xf32>,
        %get3A_593 = arith.index_cast %add3A_571 : i32 to index
        %get3A_594 = arith.constant 48 : index
        %get3A_595 = tpu.vector_load %arg11[%get3A_593, %get3A_594] {strides = array<i32>} : memref<128x128xf32, #tpu.memory_space<vmem>>, vector<16xf32>,
        %mul3A_596 = arith.mulf %get3A_595, %gather3A_569 : vector<16xf32>
        %swap3A_597 = arith.index_cast %add3A_571 : i32 to index
        %swap3A_598 = arith.constant 48 : index
        %swap3A_599 = tpu.vector_load %arg11[%swap3A_597, %swap3A_598] {strides = array<i32>} : memref<128x128xf32, #tpu.memory_space<vmem>>, vector<16xf32>,
        tpu.vector_store %arg11[%swap3A_597, %swap3A_598], %mul3A_596 {strides = array<i32>} : memref<128x128xf32, #tpu.memory_space<vmem>>, vector<16xf32>,
        %broadcast_in_dim3A_600 = arith.constant 10 : i32
        %broadcast_in_dim3A_601 = vector.broadcast %broadcast_in_dim3A_600 : i32 to vector<16x1xi32>
        %gather3A_602 = vector.shape_cast %broadcast_in_dim3A_601 : vector<16x1xi32> to vector<16xi32>
        %gather3A_603 = tpu.dynamic_gather %get3A_262[%gather3A_602] in [0] : vector<16xf32>, vector<16xi32> -> vector<16xf32>
        %add3A_604 = arith.constant 10 : i32
        %add3A_605 = arith.addi %mul3A_259, %add3A_604 : i32
        %get3A_606 = arith.index_cast %add3A_605 : i32 to index
        %get3A_607 = arith.constant 0 : index
        %get3A_608 = tpu.vector_load %arg11[%get3A_606, %get3A_607] {strides = array<i32>} : memref<128x128xf32, #tpu.memory_space<vmem>>, vector<16xf32>,
        %mul3A_609 = arith.mulf %get3A_608, %gather3A_603 : vector<16xf32>
        %swap3A_610 = arith.index_cast %add3A_605 : i32 to index
        %swap3A_611 = arith.constant 0 : index
        %swap3A_612 = tpu.vector_load %arg11[%swap3A_610, %swap3A_611] {strides = array<i32>} : memref<128x128xf32, #tpu.memory_space<vmem>>, vector<16xf32>,
        tpu.vector_store %arg11[%swap3A_610, %swap3A_611], %mul3A_609 {strides = array<i32>} : memref<128x128xf32, #tpu.memory_space<vmem>>, vector<16xf32>,
        %get3A_613 = arith.index_cast %add3A_605 : i32 to index
        %get3A_614 = arith.constant 16 : index
        %get3A_615 = tpu.vector_load %arg11[%get3A_613, %get3A_614] {strides = array<i32>} : memref<128x128xf32, #tpu.memory_space<vmem>>, vector<16xf32>,
        %mul3A_616 = arith.mulf %get3A_615, %gather3A_603 : vector<16xf32>
        %swap3A_617 = arith.index_cast %add3A_605 : i32 to index
        %swap3A_618 = arith.constant 16 : index
        %swap3A_619 = tpu.vector_load %arg11[%swap3A_617, %swap3A_618] {strides = array<i32>} : memref<128x128xf32, #tpu.memory_space<vmem>>, vector<16xf32>,
        tpu.vector_store %arg11[%swap3A_617, %swap3A_618], %mul3A_616 {strides = array<i32>} : memref<128x128xf32, #tpu.memory_space<vmem>>, vector<16xf32>,
        %get3A_620 = arith.index_cast %add3A_605 : i32 to index
        %get3A_621 = arith.constant 32 : index
        %get3A_622 = tpu.vector_load %arg11[%get3A_620, %get3A_621] {strides = array<i32>} : memref<128x128xf32, #tpu.memory_space<vmem>>, vector<16xf32>,
        %mul3A_623 = arith.mulf %get3A_622, %gather3A_603 : vector<16xf32>
        %swap3A_624 = arith.index_cast %add3A_605 : i32 to index
        %swap3A_625 = arith.constant 32 : index
        %swap3A_626 = tpu.vector_load %arg11[%swap3A_624, %swap3A_625] {strides = array<i32>} : memref<128x128xf32, #tpu.memory_space<vmem>>, vector<16xf32>,
        tpu.vector_store %arg11[%swap3A_624, %swap3A_625], %mul3A_623 {strides = array<i32>} : memref<128x128xf32, #tpu.memory_space<vmem>>, vector<16xf32>,
        %get3A_627 = arith.index_cast %add3A_605 : i32 to index
        %get3A_628 = arith.constant 48 : index
        %get3A_629 = tpu.vector_load %arg11[%get3A_627, %get3A_628] {strides = array<i32>} : memref<128x128xf32, #tpu.memory_space<vmem>>, vector<16xf32>,
        %mul3A_630 = arith.mulf %get3A_629, %gather3A_603 : vector<16xf32>
        %swap3A_631 = arith.index_cast %add3A_605 : i32 to index
        %swap3A_632 = arith.constant 48 : index
        %swap3A_633 = tpu.vector_load %arg11[%swap3A_631, %swap3A_632] {strides = array<i32>} : memref<128x128xf32, #tpu.memory_space<vmem>>, vector<16xf32>,
        tpu.vector_store %arg11[%swap3A_631, %swap3A_632], %mul3A_630 {strides = array<i32>} : memref<128x128xf32, #tpu.memory_space<vmem>>, vector<16xf32>,
        %broadcast_in_dim3A_634 = arith.constant 11 : i32
        %broadcast_in_dim3A_635 = vector.broadcast %broadcast_in_dim3A_634 : i32 to vector<16x1xi32>
        %gather3A_636 = vector.shape_cast %broadcast_in_dim3A_635 : vector<16x1xi32> to vector<16xi32>
        %gather3A_637 = tpu.dynamic_gather %get3A_262[%gather3A_636] in [0] : vector<16xf32>, vector<16xi32> -> vector<16xf32>
        %add3A_638 = arith.constant 11 : i32
        %add3A_639 = arith.addi %mul3A_259, %add3A_638 : i32
        %get3A_640 = arith.index_cast %add3A_639 : i32 to index
        %get3A_641 = arith.constant 0 : index
        %get3A_642 = tpu.vector_load %arg11[%get3A_640, %get3A_641] {strides = array<i32>} : memref<128x128xf32, #tpu.memory_space<vmem>>, vector<16xf32>,
        %mul3A_643 = arith.mulf %get3A_642, %gather3A_637 : vector<16xf32>
        %swap3A_644 = arith.index_cast %add3A_639 : i32 to index
        %swap3A_645 = arith.constant 0 : index
        %swap3A_646 = tpu.vector_load %arg11[%swap3A_644, %swap3A_645] {strides = array<i32>} : memref<128x128xf32, #tpu.memory_space<vmem>>, vector<16xf32>,
        tpu.vector_store %arg11[%swap3A_644, %swap3A_645], %mul3A_643 {strides = array<i32>} : memref<128x128xf32, #tpu.memory_space<vmem>>, vector<16xf32>,
        %get3A_647 = arith.index_cast %add3A_639 : i32 to index
        %get3A_648 = arith.constant 16 : index
        %get3A_649 = tpu.vector_load %arg11[%get3A_647, %get3A_648] {strides = array<i32>} : memref<128x128xf32, #tpu.memory_space<vmem>>, vector<16xf32>,
        %mul3A_650 = arith.mulf %get3A_649, %gather3A_637 : vector<16xf32>
        %swap3A_651 = arith.index_cast %add3A_639 : i32 to index
        %swap3A_652 = arith.constant 16 : index
        %swap3A_653 = tpu.vector_load %arg11[%swap3A_651, %swap3A_652] {strides = array<i32>} : memref<128x128xf32, #tpu.memory_space<vmem>>, vector<16xf32>,
        tpu.vector_store %arg11[%swap3A_651, %swap3A_652], %mul3A_650 {strides = array<i32>} : memref<128x128xf32, #tpu.memory_space<vmem>>, vector<16xf32>,
        %get3A_654 = arith.index_cast %add3A_639 : i32 to index
        %get3A_655 = arith.constant 32 : index
        %get3A_656 = tpu.vector_load %arg11[%get3A_654, %get3A_655] {strides = array<i32>} : memref<128x128xf32, #tpu.memory_space<vmem>>, vector<16xf32>,
        %mul3A_657 = arith.mulf %get3A_656, %gather3A_637 : vector<16xf32>
        %swap3A_658 = arith.index_cast %add3A_639 : i32 to index
        %swap3A_659 = arith.constant 32 : index
        %swap3A_660 = tpu.vector_load %arg11[%swap3A_658, %swap3A_659] {strides = array<i32>} : memref<128x128xf32, #tpu.memory_space<vmem>>, vector<16xf32>,
        tpu.vector_store %arg11[%swap3A_658, %swap3A_659], %mul3A_657 {strides = array<i32>} : memref<128x128xf32, #tpu.memory_space<vmem>>, vector<16xf32>,
        %get3A_661 = arith.index_cast %add3A_639 : i32 to index
        %get3A_662 = arith.constant 48 : index
        %get3A_663 = tpu.vector_load %arg11[%get3A_661, %get3A_662] {strides = array<i32>} : memref<128x128xf32, #tpu.memory_space<vmem>>, vector<16xf32>,
        %mul3A_664 = arith.mulf %get3A_663, %gather3A_637 : vector<16xf32>
        %swap3A_665 = arith.index_cast %add3A_639 : i32 to index
        %swap3A_666 = arith.constant 48 : index
        %swap3A_667 = tpu.vector_load %arg11[%swap3A_665, %swap3A_666] {strides = array<i32>} : memref<128x128xf32, #tpu.memory_space<vmem>>, vector<16xf32>,
        tpu.vector_store %arg11[%swap3A_665, %swap3A_666], %mul3A_664 {strides = array<i32>} : memref<128x128xf32, #tpu.memory_space<vmem>>, vector<16xf32>,
        %broadcast_in_dim3A_668 = arith.constant 12 : i32
        %broadcast_in_dim3A_669 = vector.broadcast %broadcast_in_dim3A_668 : i32 to vector<16x1xi32>
        %gather3A_670 = vector.shape_cast %broadcast_in_dim3A_669 : vector<16x1xi32> to vector<16xi32>
        %gather3A_671 = tpu.dynamic_gather %get3A_262[%gather3A_670] in [0] : vector<16xf32>, vector<16xi32> -> vector<16xf32>
        %add3A_672 = arith.constant 12 : i32
        %add3A_673 = arith.addi %mul3A_259, %add3A_672 : i32
        %get3A_674 = arith.index_cast %add3A_673 : i32 to index
        %get3A_675 = arith.constant 0 : index
        %get3A_676 = tpu.vector_load %arg11[%get3A_674, %get3A_675] {strides = array<i32>} : memref<128x128xf32, #tpu.memory_space<vmem>>, vector<16xf32>,
        %mul3A_677 = arith.mulf %get3A_676, %gather3A_671 : vector<16xf32>
        %swap3A_678 = arith.index_cast %add3A_673 : i32 to index
        %swap3A_679 = arith.constant 0 : index
        %swap3A_680 = tpu.vector_load %arg11[%swap3A_678, %swap3A_679] {strides = array<i32>} : memref<128x128xf32, #tpu.memory_space<vmem>>, vector<16xf32>,
        tpu.vector_store %arg11[%swap3A_678, %swap3A_679], %mul3A_677 {strides = array<i32>} : memref<128x128xf32, #tpu.memory_space<vmem>>, vector<16xf32>,
        %get3A_681 = arith.index_cast %add3A_673 : i32 to index
        %get3A_682 = arith.constant 16 : index
        %get3A_683 = tpu.vector_load %arg11[%get3A_681, %get3A_682] {strides = array<i32>} : memref<128x128xf32, #tpu.memory_space<vmem>>, vector<16xf32>,
        %mul3A_684 = arith.mulf %get3A_683, %gather3A_671 : vector<16xf32>
        %swap3A_685 = arith.index_cast %add3A_673 : i32 to index
        %swap3A_686 = arith.constant 16 : index
        %swap3A_687 = tpu.vector_load %arg11[%swap3A_685, %swap3A_686] {strides = array<i32>} : memref<128x128xf32, #tpu.memory_space<vmem>>, vector<16xf32>,
        tpu.vector_store %arg11[%swap3A_685, %swap3A_686], %mul3A_684 {strides = array<i32>} : memref<128x128xf32, #tpu.memory_space<vmem>>, vector<16xf32>,
        %get3A_688 = arith.index_cast %add3A_673 : i32 to index
        %get3A_689 = arith.constant 32 : index
        %get3A_690 = tpu.vector_load %arg11[%get3A_688, %get3A_689] {strides = array<i32>} : memref<128x128xf32, #tpu.memory_space<vmem>>, vector<16xf32>,
        %mul3A_691 = arith.mulf %get3A_690, %gather3A_671 : vector<16xf32>
        %swap3A_692 = arith.index_cast %add3A_673 : i32 to index
        %swap3A_693 = arith.constant 32 : index
        %swap3A_694 = tpu.vector_load %arg11[%swap3A_692, %swap3A_693] {strides = array<i32>} : memref<128x128xf32, #tpu.memory_space<vmem>>, vector<16xf32>,
        tpu.vector_store %arg11[%swap3A_692, %swap3A_693], %mul3A_691 {strides = array<i32>} : memref<128x128xf32, #tpu.memory_space<vmem>>, vector<16xf32>,
        %get3A_695 = arith.index_cast %add3A_673 : i32 to index
        %get3A_696 = arith.constant 48 : index
        %get3A_697 = tpu.vector_load %arg11[%get3A_695, %get3A_696] {strides = array<i32>} : memref<128x128xf32, #tpu.memory_space<vmem>>, vector<16xf32>,
        %mul3A_698 = arith.mulf %get3A_697, %gather3A_671 : vector<16xf32>
        %swap3A_699 = arith.index_cast %add3A_673 : i32 to index
        %swap3A_700 = arith.constant 48 : index
        %swap3A_701 = tpu.vector_load %arg11[%swap3A_699, %swap3A_700] {strides = array<i32>} : memref<128x128xf32, #tpu.memory_space<vmem>>, vector<16xf32>,
        tpu.vector_store %arg11[%swap3A_699, %swap3A_700], %mul3A_698 {strides = array<i32>} : memref<128x128xf32, #tpu.memory_space<vmem>>, vector<16xf32>,
        %broadcast_in_dim3A_702 = arith.constant 13 : i32
        %broadcast_in_dim3A_703 = vector.broadcast %broadcast_in_dim3A_702 : i32 to vector<16x1xi32>
        %gather3A_704 = vector.shape_cast %broadcast_in_dim3A_703 : vector<16x1xi32> to vector<16xi32>
        %gather3A_705 = tpu.dynamic_gather %get3A_262[%gather3A_704] in [0] : vector<16xf32>, vector<16xi32> -> vector<16xf32>
        %add3A_706 = arith.constant 13 : i32
        %add3A_707 = arith.addi %mul3A_259, %add3A_706 : i32
        %get3A_708 = arith.index_cast %add3A_707 : i32 to index
        %get3A_709 = arith.constant 0 : index
        %get3A_710 = tpu.vector_load %arg11[%get3A_708, %get3A_709] {strides = array<i32>} : memref<128x128xf32, #tpu.memory_space<vmem>>, vector<16xf32>,
        %mul3A_711 = arith.mulf %get3A_710, %gather3A_705 : vector<16xf32>
        %swap3A_712 = arith.index_cast %add3A_707 : i32 to index
        %swap3A_713 = arith.constant 0 : index
        %swap3A_714 = tpu.vector_load %arg11[%swap3A_712, %swap3A_713] {strides = array<i32>} : memref<128x128xf32, #tpu.memory_space<vmem>>, vector<16xf32>,
        tpu.vector_store %arg11[%swap3A_712, %swap3A_713], %mul3A_711 {strides = array<i32>} : memref<128x128xf32, #tpu.memory_space<vmem>>, vector<16xf32>,
        %get3A_715 = arith.index_cast %add3A_707 : i32 to index
        %get3A_716 = arith.constant 16 : index
        %get3A_717 = tpu.vector_load %arg11[%get3A_715, %get3A_716] {strides = array<i32>} : memref<128x128xf32, #tpu.memory_space<vmem>>, vector<16xf32>,
        %mul3A_718 = arith.mulf %get3A_717, %gather3A_705 : vector<16xf32>
        %swap3A_719 = arith.index_cast %add3A_707 : i32 to index
        %swap3A_720 = arith.constant 16 : index
        %swap3A_721 = tpu.vector_load %arg11[%swap3A_719, %swap3A_720] {strides = array<i32>} : memref<128x128xf32, #tpu.memory_space<vmem>>, vector<16xf32>,
        tpu.vector_store %arg11[%swap3A_719, %swap3A_720], %mul3A_718 {strides = array<i32>} : memref<128x128xf32, #tpu.memory_space<vmem>>, vector<16xf32>,
        %get3A_722 = arith.index_cast %add3A_707 : i32 to index
        %get3A_723 = arith.constant 32 : index
        %get3A_724 = tpu.vector_load %arg11[%get3A_722, %get3A_723] {strides = array<i32>} : memref<128x128xf32, #tpu.memory_space<vmem>>, vector<16xf32>,
        %mul3A_725 = arith.mulf %get3A_724, %gather3A_705 : vector<16xf32>
        %swap3A_726 = arith.index_cast %add3A_707 : i32 to index
        %swap3A_727 = arith.constant 32 : index
        %swap3A_728 = tpu.vector_load %arg11[%swap3A_726, %swap3A_727] {strides = array<i32>} : memref<128x128xf32, #tpu.memory_space<vmem>>, vector<16xf32>,
        tpu.vector_store %arg11[%swap3A_726, %swap3A_727], %mul3A_725 {strides = array<i32>} : memref<128x128xf32, #tpu.memory_space<vmem>>, vector<16xf32>,
        %get3A_729 = arith.index_cast %add3A_707 : i32 to index
        %get3A_730 = arith.constant 48 : index
        %get3A_731 = tpu.vector_load %arg11[%get3A_729, %get3A_730] {strides = array<i32>} : memref<128x128xf32, #tpu.memory_space<vmem>>, vector<16xf32>,
        %mul3A_732 = arith.mulf %get3A_731, %gather3A_705 : vector<16xf32>
        %swap3A_733 = arith.index_cast %add3A_707 : i32 to index
        %swap3A_734 = arith.constant 48 : index
        %swap3A_735 = tpu.vector_load %arg11[%swap3A_733, %swap3A_734] {strides = array<i32>} : memref<128x128xf32, #tpu.memory_space<vmem>>, vector<16xf32>,
        tpu.vector_store %arg11[%swap3A_733, %swap3A_734], %mul3A_732 {strides = array<i32>} : memref<128x128xf32, #tpu.memory_space<vmem>>, vector<16xf32>,
        %broadcast_in_dim3A_736 = arith.constant 14 : i32
        %broadcast_in_dim3A_737 = vector.broadcast %broadcast_in_dim3A_736 : i32 to vector<16x1xi32>
        %gather3A_738 = vector.shape_cast %broadcast_in_dim3A_737 : vector<16x1xi32> to vector<16xi32>
        %gather3A_739 = tpu.dynamic_gather %get3A_262[%gather3A_738] in [0] : vector<16xf32>, vector<16xi32> -> vector<16xf32>
        %add3A_740 = arith.constant 14 : i32
        %add3A_741 = arith.addi %mul3A_259, %add3A_740 : i32
        %get3A_742 = arith.index_cast %add3A_741 : i32 to index
        %get3A_743 = arith.constant 0 : index
        %get3A_744 = tpu.vector_load %arg11[%get3A_742, %get3A_743] {strides = array<i32>} : memref<128x128xf32, #tpu.memory_space<vmem>>, vector<16xf32>,
        %mul3A_745 = arith.mulf %get3A_744, %gather3A_739 : vector<16xf32>
        %swap3A_746 = arith.index_cast %add3A_741 : i32 to index
        %swap3A_747 = arith.constant 0 : index
        %swap3A_748 = tpu.vector_load %arg11[%swap3A_746, %swap3A_747] {strides = array<i32>} : memref<128x128xf32, #tpu.memory_space<vmem>>, vector<16xf32>,
        tpu.vector_store %arg11[%swap3A_746, %swap3A_747], %mul3A_745 {strides = array<i32>} : memref<128x128xf32, #tpu.memory_space<vmem>>, vector<16xf32>,
        %get3A_749 = arith.index_cast %add3A_741 : i32 to index
        %get3A_750 = arith.constant 16 : index
        %get3A_751 = tpu.vector_load %arg11[%get3A_749, %get3A_750] {strides = array<i32>} : memref<128x128xf32, #tpu.memory_space<vmem>>, vector<16xf32>,
        %mul3A_752 = arith.mulf %get3A_751, %gather3A_739 : vector<16xf32>
        %swap3A_753 = arith.index_cast %add3A_741 : i32 to index
        %swap3A_754 = arith.constant 16 : index
        %swap3A_755 = tpu.vector_load %arg11[%swap3A_753, %swap3A_754] {strides = array<i32>} : memref<128x128xf32, #tpu.memory_space<vmem>>, vector<16xf32>,
        tpu.vector_store %arg11[%swap3A_753, %swap3A_754], %mul3A_752 {strides = array<i32>} : memref<128x128xf32, #tpu.memory_space<vmem>>, vector<16xf32>,
        %get3A_756 = arith.index_cast %add3A_741 : i32 to index
        %get3A_757 = arith.constant 32 : index
        %get3A_758 = tpu.vector_load %arg11[%get3A_756, %get3A_757] {strides = array<i32>} : memref<128x128xf32, #tpu.memory_space<vmem>>, vector<16xf32>,
        %mul3A_759 = arith.mulf %get3A_758, %gather3A_739 : vector<16xf32>
        %swap3A_760 = arith.index_cast %add3A_741 : i32 to index
        %swap3A_761 = arith.constant 32 : index
        %swap3A_762 = tpu.vector_load %arg11[%swap3A_760, %swap3A_761] {strides = array<i32>} : memref<128x128xf32, #tpu.memory_space<vmem>>, vector<16xf32>,
        tpu.vector_store %arg11[%swap3A_760, %swap3A_761], %mul3A_759 {strides = array<i32>} : memref<128x128xf32, #tpu.memory_space<vmem>>, vector<16xf32>,
        %get3A_763 = arith.index_cast %add3A_741 : i32 to index
        %get3A_764 = arith.constant 48 : index
        %get3A_765 = tpu.vector_load %arg11[%get3A_763, %get3A_764] {strides = array<i32>} : memref<128x128xf32, #tpu.memory_space<vmem>>, vector<16xf32>,
        %mul3A_766 = arith.mulf %get3A_765, %gather3A_739 : vector<16xf32>
        %swap3A_767 = arith.index_cast %add3A_741 : i32 to index
        %swap3A_768 = arith.constant 48 : index
        %swap3A_769 = tpu.vector_load %arg11[%swap3A_767, %swap3A_768] {strides = array<i32>} : memref<128x128xf32, #tpu.memory_space<vmem>>, vector<16xf32>,
        tpu.vector_store %arg11[%swap3A_767, %swap3A_768], %mul3A_766 {strides = array<i32>} : memref<128x128xf32, #tpu.memory_space<vmem>>, vector<16xf32>,
        %broadcast_in_dim3A_770 = arith.constant 15 : i32
        %broadcast_in_dim3A_771 = vector.broadcast %broadcast_in_dim3A_770 : i32 to vector<16x1xi32>
        %gather3A_772 = vector.shape_cast %broadcast_in_dim3A_771 : vector<16x1xi32> to vector<16xi32>
        %gather3A_773 = tpu.dynamic_gather %get3A_262[%gather3A_772] in [0] : vector<16xf32>, vector<16xi32> -> vector<16xf32>
        %add3A_774 = arith.constant 15 : i32
        %add3A_775 = arith.addi %mul3A_259, %add3A_774 : i32
        %get3A_776 = arith.index_cast %add3A_775 : i32 to index
        %get3A_777 = arith.constant 0 : index
        %get3A_778 = tpu.vector_load %arg11[%get3A_776, %get3A_777] {strides = array<i32>} : memref<128x128xf32, #tpu.memory_space<vmem>>, vector<16xf32>,
        %mul3A_779 = arith.mulf %get3A_778, %gather3A_773 : vector<16xf32>
        %swap3A_780 = arith.index_cast %add3A_775 : i32 to index
        %swap3A_781 = arith.constant 0 : index
        %swap3A_782 = tpu.vector_load %arg11[%swap3A_780, %swap3A_781] {strides = array<i32>} : memref<128x128xf32, #tpu.memory_space<vmem>>, vector<16xf32>,
        tpu.vector_store %arg11[%swap3A_780, %swap3A_781], %mul3A_779 {strides = array<i32>} : memref<128x128xf32, #tpu.memory_space<vmem>>, vector<16xf32>,
        %get3A_783 = arith.index_cast %add3A_775 : i32 to index
        %get3A_784 = arith.constant 16 : index
        %get3A_785 = tpu.vector_load %arg11[%get3A_783, %get3A_784] {strides = array<i32>} : memref<128x128xf32, #tpu.memory_space<vmem>>, vector<16xf32>,
        %mul3A_786 = arith.mulf %get3A_785, %gather3A_773 : vector<16xf32>
        %swap3A_787 = arith.index_cast %add3A_775 : i32 to index
        %swap3A_788 = arith.constant 16 : index
        %swap3A_789 = tpu.vector_load %arg11[%swap3A_787, %swap3A_788] {strides = array<i32>} : memref<128x128xf32, #tpu.memory_space<vmem>>, vector<16xf32>,
        tpu.vector_store %arg11[%swap3A_787, %swap3A_788], %mul3A_786 {strides = array<i32>} : memref<128x128xf32, #tpu.memory_space<vmem>>, vector<16xf32>,
        %get3A_790 = arith.index_cast %add3A_775 : i32 to index
        %get3A_791 = arith.constant 32 : index
        %get3A_792 = tpu.vector_load %arg11[%get3A_790, %get3A_791] {strides = array<i32>} : memref<128x128xf32, #tpu.memory_space<vmem>>, vector<16xf32>,
        %mul3A_793 = arith.mulf %get3A_792, %gather3A_773 : vector<16xf32>
        %swap3A_794 = arith.index_cast %add3A_775 : i32 to index
        %swap3A_795 = arith.constant 32 : index
        %swap3A_796 = tpu.vector_load %arg11[%swap3A_794, %swap3A_795] {strides = array<i32>} : memref<128x128xf32, #tpu.memory_space<vmem>>, vector<16xf32>,
        tpu.vector_store %arg11[%swap3A_794, %swap3A_795], %mul3A_793 {strides = array<i32>} : memref<128x128xf32, #tpu.memory_space<vmem>>, vector<16xf32>,
        %get3A_797 = arith.index_cast %add3A_775 : i32 to index
        %get3A_798 = arith.constant 48 : index
        %get3A_799 = tpu.vector_load %arg11[%get3A_797, %get3A_798] {strides = array<i32>} : memref<128x128xf32, #tpu.memory_space<vmem>>, vector<16xf32>,
        %mul3A_800 = arith.mulf %get3A_799, %gather3A_773 : vector<16xf32>
        %swap3A_801 = arith.index_cast %add3A_775 : i32 to index
        %swap3A_802 = arith.constant 48 : index
        %swap3A_803 = tpu.vector_load %arg11[%swap3A_801, %swap3A_802] {strides = array<i32>} : memref<128x128xf32, #tpu.memory_space<vmem>>, vector<16xf32>,
        tpu.vector_store %arg11[%swap3A_801, %swap3A_802], %mul3A_800 {strides = array<i32>} : memref<128x128xf32, #tpu.memory_space<vmem>>, vector<16xf32>,
      }
      %scan3A_190 = arith.constant 8 : i32
      %run_scoped3A = arith.constant 0 : i32
      "tpu.region"() ({
        %run_scoped3A_253 = tpu.sem_alloc : memref<!tpu.dma_semaphore, #tpu.memory_space<semaphore_mem>>
        %dma_start3A_254 = arith.constant 0 : i32
        %dma_start3A_255 = tpu.memref_slice %arg9[%run_scoped3A, %dma_start3A_254] : memref<2x128xi32, #tpu.memory_space<vmem>> -> memref<1x128xi32, #tpu.memory_space<vmem>>
        %dma_start3A_256 = tpu.memref_squeeze %dma_start3A_255 : memref<1x128xi32, #tpu.memory_space<vmem>> -> memref<128xi32, #tpu.memory_space<vmem>>
        %dma_start3A_257 = arith.constant 0 : i32
        %dma_start3A_258 = arith.constant 0 : i32
        %dma_start3A_259 = tpu.memref_slice %arg13[%dma_start3A_257, %dma_start3A_258] : memref<10240x128xf32, #tpu.memory_space<vmem_shared>> -> memref<10240x128xf32, #tpu.memory_space<vmem_shared>>
        tpu.enqueue_indirect_dma source(%arg11 : memref<128x128xf32, #tpu.memory_space<vmem>>) target(%dma_start3A_259 : memref<10240x128xf32, #tpu.memory_space<vmem_shared>>) offsets(%dma_start3A_256 : memref<128xi32, #tpu.memory_space<vmem>>) semaphore(%run_scoped3A_253 : memref<!tpu.dma_semaphore, #tpu.memory_space<semaphore_mem>>) {add = true}
        %dma_wait3A_260 = arith.constant 0 : i32
        %dma_wait3A_261 = tpu.memref_slice %arg9[%run_scoped3A, %dma_wait3A_260] : memref<2x128xi32, #tpu.memory_space<vmem>> -> memref<1x128xi32, #tpu.memory_space<vmem>>
        %dma_wait3A_262 = tpu.memref_squeeze %dma_wait3A_261 : memref<1x128xi32, #tpu.memory_space<vmem>> -> memref<128xi32, #tpu.memory_space<vmem>>
        %dma_wait3A_263 = arith.constant 0 : i32
        %dma_wait3A_264 = arith.constant 0 : i32
        %dma_wait3A_265 = tpu.memref_slice %arg13[%dma_wait3A_263, %dma_wait3A_264] : memref<10240x128xf32, #tpu.memory_space<vmem_shared>> -> memref<10240x128xf32, #tpu.memory_space<vmem_shared>>
        tpu.wait_indirect_dma semaphore(%run_scoped3A_253 : memref<!tpu.dma_semaphore, #tpu.memory_space<semaphore_mem>>) src(%arg11 : memref<128x128xf32, #tpu.memory_space<vmem>>) dst(%dma_wait3A_265 : memref<10240x128xf32, #tpu.memory_space<vmem_shared>>)
        tpu.yield
      }) : () -> ()
      %lt3A = arith.constant 19 : i32
      %lt3A_191 = arith.cmpi slt, %add3A_74, %lt3A : i32
      %convert_element_type3A = arith.extui %lt3A_191 : i1 to i32
      %cond3A = arith.constant 0 : i32
      %cond3A_192 = arith.cmpi ne, %convert_element_type3A, %cond3A : i32
      scf.if %cond3A_192 {
        %add3A_253 = arith.constant 2 : i32
        %add3A_254 = arith.addi %mul3A_76, %add3A_253 : i32
        %dma_start3A_255 = arith.constant 0 : i32
        %dma_start3A_256 = arith.constant 0 : i32
        %dma_start3A_257 = tpu.memref_slice %arg11[%dma_start3A_255, %dma_start3A_256] : memref<128x128xf32, #tpu.memory_space<vmem>> -> memref<64x128xf32, #tpu.memory_space<vmem>>
        %dma_start3A_258 = arith.constant 0 : i32
        %dma_start3A_259 = tpu.memref_slice %arg8[%add3A_254, %dma_start3A_258] : memref<40x128xi32, #tpu.memory_space<vmem>> -> memref<1x64xi32, #tpu.memory_space<vmem>>
        %dma_start3A_260 = tpu.memref_squeeze %dma_start3A_259 : memref<1x64xi32, #tpu.memory_space<vmem>> -> memref<64xi32, #tpu.memory_space<vmem>>
        %dma_start3A_261 = arith.constant 0 : i32
        %dma_start3A_262 = arith.constant 0 : i32
        %dma_start3A_263 = tpu.memref_slice %arg2[%scan3A, %dma_start3A_261, %dma_start3A_262] : memref<1x10240x128xf32, #tpu.memory_space<hbm>> -> memref<1x10240x128xf32, #tpu.memory_space<hbm>>
        %dma_start3A_264 = tpu.memref_squeeze %dma_start3A_263 : memref<1x10240x128xf32, #tpu.memory_space<hbm>> -> memref<10240x128xf32, #tpu.memory_space<hbm>>
        %dma_start3A_265 = arith.constant 0 : i32
        %dma_start3A_266 = arith.constant 0 : i32
        %dma_start3A_267 = tpu.memref_slice %dma_start3A_264[%dma_start3A_265, %dma_start3A_266] : memref<10240x128xf32, #tpu.memory_space<hbm>> -> memref<10240x128xf32, #tpu.memory_space<hbm>>
        tpu.enqueue_indirect_dma source(%dma_start3A_267 : memref<10240x128xf32, #tpu.memory_space<hbm>>) target(%dma_start3A_257 : memref<64x128xf32, #tpu.memory_space<vmem>>) offsets(%dma_start3A_260 : memref<64xi32, #tpu.memory_space<vmem>>) semaphore(%arg14 : memref<!tpu.dma_semaphore, #tpu.memory_space<semaphore_mem>>)
        %dma_start3A_268 = arith.constant 64 : i32
        %dma_start3A_269 = arith.constant 0 : i32
        %dma_start3A_270 = tpu.memref_slice %arg11[%dma_start3A_268, %dma_start3A_269] : memref<128x128xf32, #tpu.memory_space<vmem>> -> memref<64x128xf32, #tpu.memory_space<vmem>>
        %dma_start3A_271 = arith.constant 64 : i32
        %dma_start3A_272 = tpu.memref_slice %arg8[%add3A_254, %dma_start3A_271] : memref<40x128xi32, #tpu.memory_space<vmem>> -> memref<1x64xi32, #tpu.memory_space<vmem>>
        %dma_start3A_273 = tpu.memref_squeeze %dma_start3A_272 : memref<1x64xi32, #tpu.memory_space<vmem>> -> memref<64xi32, #tpu.memory_space<vmem>>
        %dma_start3A_274 = arith.constant 0 : i32
        %dma_start3A_275 = arith.constant 0 : i32
        %dma_start3A_276 = tpu.memref_slice %arg2[%scan3A, %dma_start3A_274, %dma_start3A_275] : memref<1x10240x128xf32, #tpu.memory_space<hbm>> -> memref<1x10240x128xf32, #tpu.memory_space<hbm>>
        %dma_start3A_277 = tpu.memref_squeeze %dma_start3A_276 : memref<1x10240x128xf32, #tpu.memory_space<hbm>> -> memref<10240x128xf32, #tpu.memory_space<hbm>>
        %dma_start3A_278 = arith.constant 0 : i32
        %dma_start3A_279 = arith.constant 0 : i32
        %dma_start3A_280 = tpu.memref_slice %dma_start3A_277[%dma_start3A_278, %dma_start3A_279] : memref<10240x128xf32, #tpu.memory_space<hbm>> -> memref<10240x128xf32, #tpu.memory_space<hbm>>
        tpu.enqueue_indirect_dma source(%dma_start3A_280 : memref<10240x128xf32, #tpu.memory_space<hbm>>) target(%dma_start3A_270 : memref<64x128xf32, #tpu.memory_space<vmem>>) offsets(%dma_start3A_273 : memref<64xi32, #tpu.memory_space<vmem>>) semaphore(%arg18 : memref<!tpu.dma_semaphore, #tpu.memory_space<semaphore_mem>>)
        %add3A_281 = arith.addi %mul3A_2, %add3A_254 : i32
        %add3A_282 = arith.addi %mul3A_2, %add3A_254 : i32
        %dma_start3A_283 = arith.constant 0 : i32
        %dma_start3A_284 = arith.constant 0 : i32
        %dma_start3A_285 = tpu.memref_slice %arg9[%dma_start3A_283, %dma_start3A_284] : memref<2x128xi32, #tpu.memory_space<vmem>> -> memref<1x128xi32, #tpu.memory_space<vmem>>
        %dma_start3A_286 = tpu.memref_squeeze %dma_start3A_285 : memref<1x128xi32, #tpu.memory_space<vmem>> -> memref<128xi32, #tpu.memory_space<vmem>>
        %dma_start3A_287 = arith.constant 0 : i32
        %dma_start3A_288 = tpu.memref_slice %arg3[%add3A_281, %dma_start3A_287] : memref<1280x128xi32, #tpu.memory_space<hbm>> -> memref<1x128xi32, #tpu.memory_space<hbm>>
        %dma_start3A_289 = tpu.memref_squeeze %dma_start3A_288 : memref<1x128xi32, #tpu.memory_space<hbm>> -> memref<128xi32, #tpu.memory_space<hbm>>
        %dma_start3A_290 = arith.constant 0 : i32
        %dma_start3A_291 = tpu.memref_slice %arg9[%dma_start3A_283, %dma_start3A_290] : memref<2x128xi32, #tpu.memory_space<vmem>> -> memref<1x128xi32, #tpu.memory_space<vmem>>
        %dma_start3A_292 = tpu.memref_squeeze %dma_start3A_291 : memref<1x128xi32, #tpu.memory_space<vmem>> -> memref<128xi32, #tpu.memory_space<vmem>>
        %dma_start3A_293 = arith.constant 0 : i32
        %dma_start3A_294 = tpu.memref_slice %arg3[%add3A_281, %dma_start3A_293] : memref<1280x128xi32, #tpu.memory_space<hbm>> -> memref<1x128xi32, #tpu.memory_space<hbm>>
        %dma_start3A_295 = tpu.memref_squeeze %dma_start3A_294 : memref<1x128xi32, #tpu.memory_space<hbm>> -> memref<128xi32, #tpu.memory_space<hbm>>
        tpu.enqueue_dma source(%dma_start3A_295 : memref<128xi32, #tpu.memory_space<hbm>>) target(%dma_start3A_292 : memref<128xi32, #tpu.memory_space<vmem>>) target_semaphore(%arg16 : memref<!tpu.dma_semaphore, #tpu.memory_space<semaphore_mem>>)
        %dma_start3A_296 = arith.constant 0 : i32
        %dma_start3A_297 = arith.constant 0 : i32
        %dma_start3A_298 = tpu.memref_slice %arg10[%dma_start3A_296, %dma_start3A_297] : memref<2x128xf32, #tpu.memory_space<vmem>> -> memref<1x128xf32, #tpu.memory_space<vmem>>
        %dma_start3A_299 = tpu.memref_squeeze %dma_start3A_298 : memref<1x128xf32, #tpu.memory_space<vmem>> -> memref<128xf32, #tpu.memory_space<vmem>>
        %dma_start3A_300 = arith.constant 0 : i32
        %dma_start3A_301 = tpu.memref_slice %arg5[%add3A_282, %dma_start3A_300] : memref<1280x128xf32, #tpu.memory_space<hbm>> -> memref<1x128xf32, #tpu.memory_space<hbm>>
        %dma_start3A_302 = tpu.memref_squeeze %dma_start3A_301 : memref<1x128xf32, #tpu.memory_space<hbm>> -> memref<128xf32, #tpu.memory_space<hbm>>
        %dma_start3A_303 = arith.constant 0 : i32
        %dma_start3A_304 = tpu.memref_slice %arg10[%dma_start3A_296, %dma_start3A_303] : memref<2x128xf32, #tpu.memory_space<vmem>> -> memref<1x128xf32, #tpu.memory_space<vmem>>
        %dma_start3A_305 = tpu.memref_squeeze %dma_start3A_304 : memref<1x128xf32, #tpu.memory_space<vmem>> -> memref<128xf32, #tpu.memory_space<vmem>>
        %dma_start3A_306 = arith.constant 0 : i32
        %dma_start3A_307 = tpu.memref_slice %arg5[%add3A_282, %dma_start3A_306] : memref<1280x128xf32, #tpu.memory_space<hbm>> -> memref<1x128xf32, #tpu.memory_space<hbm>>
        %dma_start3A_308 = tpu.memref_squeeze %dma_start3A_307 : memref<1x128xf32, #tpu.memory_space<hbm>> -> memref<128xf32, #tpu.memory_space<hbm>>
        tpu.enqueue_dma source(%dma_start3A_308 : memref<128xf32, #tpu.memory_space<hbm>>) target(%dma_start3A_305 : memref<128xf32, #tpu.memory_space<vmem>>) target_semaphore(%arg16 : memref<!tpu.dma_semaphore, #tpu.memory_space<semaphore_mem>>)
      } else {
      }
      %dma_wait3A_193 = arith.constant 0 : i32
      %dma_wait3A_194 = arith.constant 0 : i32
      %dma_wait3A_195 = tpu.memref_slice %arg12[%dma_wait3A_193, %dma_wait3A_194] : memref<128x128xf32, #tpu.memory_space<vmem>> -> memref<64x128xf32, #tpu.memory_space<vmem>>
      %dma_wait3A_196 = arith.constant 0 : i32
      %dma_wait3A_197 = tpu.memref_slice %arg8[%add3A_78, %dma_wait3A_196] : memref<40x128xi32, #tpu.memory_space<vmem>> -> memref<1x64xi32, #tpu.memory_space<vmem>>
      %dma_wait3A_198 = tpu.memref_squeeze %dma_wait3A_197 : memref<1x64xi32, #tpu.memory_space<vmem>> -> memref<64xi32, #tpu.memory_space<vmem>>
      %dma_wait3A_199 = arith.constant 0 : i32
      %dma_wait3A_200 = arith.constant 0 : i32
      %dma_wait3A_201 = tpu.memref_slice %arg2[%scan3A, %dma_wait3A_199, %dma_wait3A_200] : memref<1x10240x128xf32, #tpu.memory_space<hbm>> -> memref<1x10240x128xf32, #tpu.memory_space<hbm>>
      %dma_wait3A_202 = tpu.memref_squeeze %dma_wait3A_201 : memref<1x10240x128xf32, #tpu.memory_space<hbm>> -> memref<10240x128xf32, #tpu.memory_space<hbm>>
      %dma_wait3A_203 = arith.constant 0 : i32
      %dma_wait3A_204 = arith.constant 0 : i32
      %dma_wait3A_205 = tpu.memref_slice %dma_wait3A_202[%dma_wait3A_203, %dma_wait3A_204] : memref<10240x128xf32, #tpu.memory_space<hbm>> -> memref<10240x128xf32, #tpu.memory_space<hbm>>
      tpu.wait_indirect_dma semaphore(%arg15 : memref<!tpu.dma_semaphore, #tpu.memory_space<semaphore_mem>>) src(%dma_wait3A_205 : memref<10240x128xf32, #tpu.memory_space<hbm>>) dst(%dma_wait3A_195 : memref<64x128xf32, #tpu.memory_space<vmem>>)
      %dma_wait3A_206 = arith.constant 64 : i32
      %dma_wait3A_207 = arith.constant 0 : i32
      %dma_wait3A_208 = tpu.memref_slice %arg12[%dma_wait3A_206, %dma_wait3A_207] : memref<128x128xf32, #tpu.memory_space<vmem>> -> memref<64x128xf32, #tpu.memory_space<vmem>>
      %dma_wait3A_209 = arith.constant 64 : i32
      %dma_wait3A_210 = tpu.memref_slice %arg8[%add3A_78, %dma_wait3A_209] : memref<40x128xi32, #tpu.memory_space<vmem>> -> memref<1x64xi32, #tpu.memory_space<vmem>>
      %dma_wait3A_211 = tpu.memref_squeeze %dma_wait3A_210 : memref<1x64xi32, #tpu.memory_space<vmem>> -> memref<64xi32, #tpu.memory_space<vmem>>
      %dma_wait3A_212 = arith.constant 0 : i32
      %dma_wait3A_213 = arith.constant 0 : i32
      %dma_wait3A_214 = tpu.memref_slice %arg2[%scan3A, %dma_wait3A_212, %dma_wait3A_213] : memref<1x10240x128xf32, #tpu.memory_space<hbm>> -> memref<1x10240x128xf32, #tpu.memory_space<hbm>>
      %dma_wait3A_215 = tpu.memref_squeeze %dma_wait3A_214 : memref<1x10240x128xf32, #tpu.memory_space<hbm>> -> memref<10240x128xf32, #tpu.memory_space<hbm>>
      %dma_wait3A_216 = arith.constant 0 : i32
      %dma_wait3A_217 = arith.constant 0 : i32
      %dma_wait3A_218 = tpu.memref_slice %dma_wait3A_215[%dma_wait3A_216, %dma_wait3A_217] : memref<10240x128xf32, #tpu.memory_space<hbm>> -> memref<10240x128xf32, #tpu.memory_space<hbm>>
      tpu.wait_indirect_dma semaphore(%arg19 : memref<!tpu.dma_semaphore, #tpu.memory_space<semaphore_mem>>) src(%dma_wait3A_218 : memref<10240x128xf32, #tpu.memory_space<hbm>>) dst(%dma_wait3A_208 : memref<64x128xf32, #tpu.memory_space<vmem>>)
      %add3A_219 = arith.addi %mul3A_2, %add3A_78 : i32
      %add3A_220 = arith.addi %mul3A_2, %add3A_78 : i32
      %dma_wait3A_221 = arith.constant 1 : i32
      %dma_wait3A_222 = arith.constant 0 : i32
      %dma_wait3A_223 = tpu.memref_slice %arg9[%dma_wait3A_221, %dma_wait3A_222] : memref<2x128xi32, #tpu.memory_space<vmem>> -> memref<1x128xi32, #tpu.memory_space<vmem>>
      %dma_wait3A_224 = tpu.memref_squeeze %dma_wait3A_223 : memref<1x128xi32, #tpu.memory_space<vmem>> -> memref<128xi32, #tpu.memory_space<vmem>>
      %dma_wait3A_225 = arith.constant 0 : i32
      %dma_wait3A_226 = tpu.memref_slice %arg3[%add3A_219, %dma_wait3A_225] : memref<1280x128xi32, #tpu.memory_space<hbm>> -> memref<1x128xi32, #tpu.memory_space<hbm>>
      %dma_wait3A_227 = tpu.memref_squeeze %dma_wait3A_226 : memref<1x128xi32, #tpu.memory_space<hbm>> -> memref<128xi32, #tpu.memory_space<hbm>>
      %dma_wait3A_228 = arith.constant 0 : i32
      %dma_wait3A_229 = tpu.memref_slice %arg9[%dma_wait3A_221, %dma_wait3A_228] : memref<2x128xi32, #tpu.memory_space<vmem>> -> memref<1x128xi32, #tpu.memory_space<vmem>>
      %dma_wait3A_230 = tpu.memref_squeeze %dma_wait3A_229 : memref<1x128xi32, #tpu.memory_space<vmem>> -> memref<128xi32, #tpu.memory_space<vmem>>
      %dma_wait3A_231 = arith.constant 0 : i32
      %dma_wait3A_232 = tpu.memref_slice %arg3[%add3A_219, %dma_wait3A_231] : memref<1280x128xi32, #tpu.memory_space<hbm>> -> memref<1x128xi32, #tpu.memory_space<hbm>>
      %dma_wait3A_233 = tpu.memref_squeeze %dma_wait3A_232 : memref<1x128xi32, #tpu.memory_space<hbm>> -> memref<128xi32, #tpu.memory_space<hbm>>
      tpu.wait_dma2 semaphore(%arg17 : memref<!tpu.dma_semaphore, #tpu.memory_space<semaphore_mem>>) src(%dma_wait3A_233 : memref<128xi32, #tpu.memory_space<hbm>>) dst(%dma_wait3A_230 : memref<128xi32, #tpu.memory_space<vmem>>)
      %dma_wait3A_234 = arith.constant 1 : i32
      %dma_wait3A_235 = arith.constant 0 : i32
      %dma_wait3A_236 = tpu.memref_slice %arg10[%dma_wait3A_234, %dma_wait3A_235] : memref<2x128xf32, #tpu.memory_space<vmem>> -> memref<1x128xf32, #tpu.memory_space<vmem>>
      %dma_wait3A_237 = tpu.memref_squeeze %dma_wait3A_236 : memref<1x128xf32, #tpu.memory_space<vmem>> -> memref<128xf32, #tpu.memory_space<vmem>>
      %dma_wait3A_238 = arith.constant 0 : i32
      %dma_wait3A_239 = tpu.memref_slice %arg5[%add3A_220, %dma_wait3A_238] : memref<1280x128xf32, #tpu.memory_space<hbm>> -> memref<1x128xf32, #tpu.memory_space<hbm>>
      %dma_wait3A_240 = tpu.memref_squeeze %dma_wait3A_239 : memref<1x128xf32, #tpu.memory_space<hbm>> -> memref<128xf32, #tpu.memory_space<hbm>>
      %dma_wait3A_241 = arith.constant 0 : i32
      %dma_wait3A_242 = tpu.memref_slice %arg10[%dma_wait3A_234, %dma_wait3A_241] : memref<2x128xf32, #tpu.memory_space<vmem>> -> memref<1x128xf32, #tpu.memory_space<vmem>>
      %dma_wait3A_243 = tpu.memref_squeeze %dma_wait3A_242 : memref<1x128xf32, #tpu.memory_space<vmem>> -> memref<128xf32, #tpu.memory_space<vmem>>
      %dma_wait3A_244 = arith.constant 0 : i32
      %dma_wait3A_245 = tpu.memref_slice %arg5[%add3A_220, %dma_wait3A_244] : memref<1280x128xf32, #tpu.memory_space<hbm>> -> memref<1x128xf32, #tpu.memory_space<hbm>>
      %dma_wait3A_246 = tpu.memref_squeeze %dma_wait3A_245 : memref<1x128xf32, #tpu.memory_space<hbm>> -> memref<128xf32, #tpu.memory_space<hbm>>
      tpu.wait_dma2 semaphore(%arg17 : memref<!tpu.dma_semaphore, #tpu.memory_space<semaphore_mem>>) src(%dma_wait3A_246 : memref<128xf32, #tpu.memory_space<hbm>>) dst(%dma_wait3A_243 : memref<128xf32, #tpu.memory_space<vmem>>)
      %scan3A_247 = arith.constant 0 : i32
      %scan3A_248 = arith.constant 8 : i32
      %scan3A_249 = arith.addi %scan3A_247, %scan3A_248 : i32
      %scan3A_250 = arith.constant 1 : i32
      scf.for %scan3A_253 = %scan3A_247 to %scan3A_249 step %scan3A_250  : i32 {
        %mul3A_254 = arith.constant 1 : i32
        %mul3A_255 = arith.muli %scan3A_253, %mul3A_254 : i32
        %add3A_256 = arith.constant 0 : i32
        %add3A_257 = arith.addi %add3A_256, %mul3A_255 : i32
        %mul3A_258 = arith.constant 16 : i32
        %mul3A_259 = arith.muli %add3A_257, %mul3A_258 : i32
        %get3A = arith.constant 1 : i32
        %get3A_260 = arith.index_cast %get3A : i32 to index
        %get3A_261 = arith.index_cast %mul3A_259 : i32 to index
        %get3A_262 = tpu.vector_load %arg10[%get3A_260, %get3A_261] {strides = array<i32>} : memref<2x128xf32, #tpu.memory_space<vmem>>, vector<16xf32>,
        %broadcast_in_dim3A = arith.constant 0 : i32
        %broadcast_in_dim3A_263 = vector.broadcast %broadcast_in_dim3A : i32 to vector<16x1xi32>
        %gather3A = vector.shape_cast %broadcast_in_dim3A_263 : vector<16x1xi32> to vector<16xi32>
        %gather3A_264 = tpu.dynamic_gather %get3A_262[%gather3A] in [0] : vector<16xf32>, vector<16xi32> -> vector<16xf32>
        %add3A_265 = arith.constant 0 : i32
        %add3A_266 = arith.addi %mul3A_259, %add3A_265 : i32
        %get3A_267 = arith.index_cast %add3A_266 : i32 to index
        %get3A_268 = arith.constant 0 : index
        %get3A_269 = tpu.vector_load %arg12[%get3A_267, %get3A_268] {strides = array<i32>} : memref<128x128xf32, #tpu.memory_space<vmem>>, vector<16xf32>,
        %mul3A_270 = arith.mulf %get3A_269, %gather3A_264 : vector<16xf32>
        %swap3A = arith.index_cast %add3A_266 : i32 to index
        %swap3A_271 = arith.constant 0 : index
        %swap3A_272 = tpu.vector_load %arg12[%swap3A, %swap3A_271] {strides = array<i32>} : memref<128x128xf32, #tpu.memory_space<vmem>>, vector<16xf32>,
        tpu.vector_store %arg12[%swap3A, %swap3A_271], %mul3A_270 {strides = array<i32>} : memref<128x128xf32, #tpu.memory_space<vmem>>, vector<16xf32>,
        %get3A_273 = arith.index_cast %add3A_266 : i32 to index
        %get3A_274 = arith.constant 16 : index
        %get3A_275 = tpu.vector_load %arg12[%get3A_273, %get3A_274] {strides = array<i32>} : memref<128x128xf32, #tpu.memory_space<vmem>>, vector<16xf32>,
        %mul3A_276 = arith.mulf %get3A_275, %gather3A_264 : vector<16xf32>
        %swap3A_277 = arith.index_cast %add3A_266 : i32 to index
        %swap3A_278 = arith.constant 16 : index
        %swap3A_279 = tpu.vector_load %arg12[%swap3A_277, %swap3A_278] {strides = array<i32>} : memref<128x128xf32, #tpu.memory_space<vmem>>, vector<16xf32>,
        tpu.vector_store %arg12[%swap3A_277, %swap3A_278], %mul3A_276 {strides = array<i32>} : memref<128x128xf32, #tpu.memory_space<vmem>>, vector<16xf32>,
        %get3A_280 = arith.index_cast %add3A_266 : i32 to index
        %get3A_281 = arith.constant 32 : index
        %get3A_282 = tpu.vector_load %arg12[%get3A_280, %get3A_281] {strides = array<i32>} : memref<128x128xf32, #tpu.memory_space<vmem>>, vector<16xf32>,
        %mul3A_283 = arith.mulf %get3A_282, %gather3A_264 : vector<16xf32>
        %swap3A_284 = arith.index_cast %add3A_266 : i32 to index
        %swap3A_285 = arith.constant 32 : index
        %swap3A_286 = tpu.vector_load %arg12[%swap3A_284, %swap3A_285] {strides = array<i32>} : memref<128x128xf32, #tpu.memory_space<vmem>>, vector<16xf32>,
        tpu.vector_store %arg12[%swap3A_284, %swap3A_285], %mul3A_283 {strides = array<i32>} : memref<128x128xf32, #tpu.memory_space<vmem>>, vector<16xf32>,
        %get3A_287 = arith.index_cast %add3A_266 : i32 to index
        %get3A_288 = arith.constant 48 : index
        %get3A_289 = tpu.vector_load %arg12[%get3A_287, %get3A_288] {strides = array<i32>} : memref<128x128xf32, #tpu.memory_space<vmem>>, vector<16xf32>,
        %mul3A_290 = arith.mulf %get3A_289, %gather3A_264 : vector<16xf32>
        %swap3A_291 = arith.index_cast %add3A_266 : i32 to index
        %swap3A_292 = arith.constant 48 : index
        %swap3A_293 = tpu.vector_load %arg12[%swap3A_291, %swap3A_292] {strides = array<i32>} : memref<128x128xf32, #tpu.memory_space<vmem>>, vector<16xf32>,
        tpu.vector_store %arg12[%swap3A_291, %swap3A_292], %mul3A_290 {strides = array<i32>} : memref<128x128xf32, #tpu.memory_space<vmem>>, vector<16xf32>,
        %broadcast_in_dim3A_294 = arith.constant 1 : i32
        %broadcast_in_dim3A_295 = vector.broadcast %broadcast_in_dim3A_294 : i32 to vector<16x1xi32>
        %gather3A_296 = vector.shape_cast %broadcast_in_dim3A_295 : vector<16x1xi32> to vector<16xi32>
        %gather3A_297 = tpu.dynamic_gather %get3A_262[%gather3A_296] in [0] : vector<16xf32>, vector<16xi32> -> vector<16xf32>
        %add3A_298 = arith.constant 1 : i32
        %add3A_299 = arith.addi %mul3A_259, %add3A_298 : i32
        %get3A_300 = arith.index_cast %add3A_299 : i32 to index
        %get3A_301 = arith.constant 0 : index
        %get3A_302 = tpu.vector_load %arg12[%get3A_300, %get3A_301] {strides = array<i32>} : memref<128x128xf32, #tpu.memory_space<vmem>>, vector<16xf32>,
        %mul3A_303 = arith.mulf %get3A_302, %gather3A_297 : vector<16xf32>
        %swap3A_304 = arith.index_cast %add3A_299 : i32 to index
        %swap3A_305 = arith.constant 0 : index
        %swap3A_306 = tpu.vector_load %arg12[%swap3A_304, %swap3A_305] {strides = array<i32>} : memref<128x128xf32, #tpu.memory_space<vmem>>, vector<16xf32>,
        tpu.vector_store %arg12[%swap3A_304, %swap3A_305], %mul3A_303 {strides = array<i32>} : memref<128x128xf32, #tpu.memory_space<vmem>>, vector<16xf32>,
        %get3A_307 = arith.index_cast %add3A_299 : i32 to index
        %get3A_308 = arith.constant 16 : index
        %get3A_309 = tpu.vector_load %arg12[%get3A_307, %get3A_308] {strides = array<i32>} : memref<128x128xf32, #tpu.memory_space<vmem>>, vector<16xf32>,
        %mul3A_310 = arith.mulf %get3A_309, %gather3A_297 : vector<16xf32>
        %swap3A_311 = arith.index_cast %add3A_299 : i32 to index
        %swap3A_312 = arith.constant 16 : index
        %swap3A_313 = tpu.vector_load %arg12[%swap3A_311, %swap3A_312] {strides = array<i32>} : memref<128x128xf32, #tpu.memory_space<vmem>>, vector<16xf32>,
        tpu.vector_store %arg12[%swap3A_311, %swap3A_312], %mul3A_310 {strides = array<i32>} : memref<128x128xf32, #tpu.memory_space<vmem>>, vector<16xf32>,
        %get3A_314 = arith.index_cast %add3A_299 : i32 to index
        %get3A_315 = arith.constant 32 : index
        %get3A_316 = tpu.vector_load %arg12[%get3A_314, %get3A_315] {strides = array<i32>} : memref<128x128xf32, #tpu.memory_space<vmem>>, vector<16xf32>,
        %mul3A_317 = arith.mulf %get3A_316, %gather3A_297 : vector<16xf32>
        %swap3A_318 = arith.index_cast %add3A_299 : i32 to index
        %swap3A_319 = arith.constant 32 : index
        %swap3A_320 = tpu.vector_load %arg12[%swap3A_318, %swap3A_319] {strides = array<i32>} : memref<128x128xf32, #tpu.memory_space<vmem>>, vector<16xf32>,
        tpu.vector_store %arg12[%swap3A_318, %swap3A_319], %mul3A_317 {strides = array<i32>} : memref<128x128xf32, #tpu.memory_space<vmem>>, vector<16xf32>,
        %get3A_321 = arith.index_cast %add3A_299 : i32 to index
        %get3A_322 = arith.constant 48 : index
        %get3A_323 = tpu.vector_load %arg12[%get3A_321, %get3A_322] {strides = array<i32>} : memref<128x128xf32, #tpu.memory_space<vmem>>, vector<16xf32>,
        %mul3A_324 = arith.mulf %get3A_323, %gather3A_297 : vector<16xf32>
        %swap3A_325 = arith.index_cast %add3A_299 : i32 to index
        %swap3A_326 = arith.constant 48 : index
        %swap3A_327 = tpu.vector_load %arg12[%swap3A_325, %swap3A_326] {strides = array<i32>} : memref<128x128xf32, #tpu.memory_space<vmem>>, vector<16xf32>,
        tpu.vector_store %arg12[%swap3A_325, %swap3A_326], %mul3A_324 {strides = array<i32>} : memref<128x128xf32, #tpu.memory_space<vmem>>, vector<16xf32>,
        %broadcast_in_dim3A_328 = arith.constant 2 : i32
        %broadcast_in_dim3A_329 = vector.broadcast %broadcast_in_dim3A_328 : i32 to vector<16x1xi32>
        %gather3A_330 = vector.shape_cast %broadcast_in_dim3A_329 : vector<16x1xi32> to vector<16xi32>
        %gather3A_331 = tpu.dynamic_gather %get3A_262[%gather3A_330] in [0] : vector<16xf32>, vector<16xi32> -> vector<16xf32>
        %add3A_332 = arith.constant 2 : i32
        %add3A_333 = arith.addi %mul3A_259, %add3A_332 : i32
        %get3A_334 = arith.index_cast %add3A_333 : i32 to index
        %get3A_335 = arith.constant 0 : index
        %get3A_336 = tpu.vector_load %arg12[%get3A_334, %get3A_335] {strides = array<i32>} : memref<128x128xf32, #tpu.memory_space<vmem>>, vector<16xf32>,
        %mul3A_337 = arith.mulf %get3A_336, %gather3A_331 : vector<16xf32>
        %swap3A_338 = arith.index_cast %add3A_333 : i32 to index
        %swap3A_339 = arith.constant 0 : index
        %swap3A_340 = tpu.vector_load %arg12[%swap3A_338, %swap3A_339] {strides = array<i32>} : memref<128x128xf32, #tpu.memory_space<vmem>>, vector<16xf32>,
        tpu.vector_store %arg12[%swap3A_338, %swap3A_339], %mul3A_337 {strides = array<i32>} : memref<128x128xf32, #tpu.memory_space<vmem>>, vector<16xf32>,
        %get3A_341 = arith.index_cast %add3A_333 : i32 to index
        %get3A_342 = arith.constant 16 : index
        %get3A_343 = tpu.vector_load %arg12[%get3A_341, %get3A_342] {strides = array<i32>} : memref<128x128xf32, #tpu.memory_space<vmem>>, vector<16xf32>,
        %mul3A_344 = arith.mulf %get3A_343, %gather3A_331 : vector<16xf32>
        %swap3A_345 = arith.index_cast %add3A_333 : i32 to index
        %swap3A_346 = arith.constant 16 : index
        %swap3A_347 = tpu.vector_load %arg12[%swap3A_345, %swap3A_346] {strides = array<i32>} : memref<128x128xf32, #tpu.memory_space<vmem>>, vector<16xf32>,
        tpu.vector_store %arg12[%swap3A_345, %swap3A_346], %mul3A_344 {strides = array<i32>} : memref<128x128xf32, #tpu.memory_space<vmem>>, vector<16xf32>,
        %get3A_348 = arith.index_cast %add3A_333 : i32 to index
        %get3A_349 = arith.constant 32 : index
        %get3A_350 = tpu.vector_load %arg12[%get3A_348, %get3A_349] {strides = array<i32>} : memref<128x128xf32, #tpu.memory_space<vmem>>, vector<16xf32>,
        %mul3A_351 = arith.mulf %get3A_350, %gather3A_331 : vector<16xf32>
        %swap3A_352 = arith.index_cast %add3A_333 : i32 to index
        %swap3A_353 = arith.constant 32 : index
        %swap3A_354 = tpu.vector_load %arg12[%swap3A_352, %swap3A_353] {strides = array<i32>} : memref<128x128xf32, #tpu.memory_space<vmem>>, vector<16xf32>,
        tpu.vector_store %arg12[%swap3A_352, %swap3A_353], %mul3A_351 {strides = array<i32>} : memref<128x128xf32, #tpu.memory_space<vmem>>, vector<16xf32>,
        %get3A_355 = arith.index_cast %add3A_333 : i32 to index
        %get3A_356 = arith.constant 48 : index
        %get3A_357 = tpu.vector_load %arg12[%get3A_355, %get3A_356] {strides = array<i32>} : memref<128x128xf32, #tpu.memory_space<vmem>>, vector<16xf32>,
        %mul3A_358 = arith.mulf %get3A_357, %gather3A_331 : vector<16xf32>
        %swap3A_359 = arith.index_cast %add3A_333 : i32 to index
        %swap3A_360 = arith.constant 48 : index
        %swap3A_361 = tpu.vector_load %arg12[%swap3A_359, %swap3A_360] {strides = array<i32>} : memref<128x128xf32, #tpu.memory_space<vmem>>, vector<16xf32>,
        tpu.vector_store %arg12[%swap3A_359, %swap3A_360], %mul3A_358 {strides = array<i32>} : memref<128x128xf32, #tpu.memory_space<vmem>>, vector<16xf32>,
        %broadcast_in_dim3A_362 = arith.constant 3 : i32
        %broadcast_in_dim3A_363 = vector.broadcast %broadcast_in_dim3A_362 : i32 to vector<16x1xi32>
        %gather3A_364 = vector.shape_cast %broadcast_in_dim3A_363 : vector<16x1xi32> to vector<16xi32>
        %gather3A_365 = tpu.dynamic_gather %get3A_262[%gather3A_364] in [0] : vector<16xf32>, vector<16xi32> -> vector<16xf32>
        %add3A_366 = arith.constant 3 : i32
        %add3A_367 = arith.addi %mul3A_259, %add3A_366 : i32
        %get3A_368 = arith.index_cast %add3A_367 : i32 to index
        %get3A_369 = arith.constant 0 : index
        %get3A_370 = tpu.vector_load %arg12[%get3A_368, %get3A_369] {strides = array<i32>} : memref<128x128xf32, #tpu.memory_space<vmem>>, vector<16xf32>,
        %mul3A_371 = arith.mulf %get3A_370, %gather3A_365 : vector<16xf32>
        %swap3A_372 = arith.index_cast %add3A_367 : i32 to index
        %swap3A_373 = arith.constant 0 : index
        %swap3A_374 = tpu.vector_load %arg12[%swap3A_372, %swap3A_373] {strides = array<i32>} : memref<128x128xf32, #tpu.memory_space<vmem>>, vector<16xf32>,
        tpu.vector_store %arg12[%swap3A_372, %swap3A_373], %mul3A_371 {strides = array<i32>} : memref<128x128xf32, #tpu.memory_space<vmem>>, vector<16xf32>,
        %get3A_375 = arith.index_cast %add3A_367 : i32 to index
        %get3A_376 = arith.constant 16 : index
        %get3A_377 = tpu.vector_load %arg12[%get3A_375, %get3A_376] {strides = array<i32>} : memref<128x128xf32, #tpu.memory_space<vmem>>, vector<16xf32>,
        %mul3A_378 = arith.mulf %get3A_377, %gather3A_365 : vector<16xf32>
        %swap3A_379 = arith.index_cast %add3A_367 : i32 to index
        %swap3A_380 = arith.constant 16 : index
        %swap3A_381 = tpu.vector_load %arg12[%swap3A_379, %swap3A_380] {strides = array<i32>} : memref<128x128xf32, #tpu.memory_space<vmem>>, vector<16xf32>,
        tpu.vector_store %arg12[%swap3A_379, %swap3A_380], %mul3A_378 {strides = array<i32>} : memref<128x128xf32, #tpu.memory_space<vmem>>, vector<16xf32>,
        %get3A_382 = arith.index_cast %add3A_367 : i32 to index
        %get3A_383 = arith.constant 32 : index
        %get3A_384 = tpu.vector_load %arg12[%get3A_382, %get3A_383] {strides = array<i32>} : memref<128x128xf32, #tpu.memory_space<vmem>>, vector<16xf32>,
        %mul3A_385 = arith.mulf %get3A_384, %gather3A_365 : vector<16xf32>
        %swap3A_386 = arith.index_cast %add3A_367 : i32 to index
        %swap3A_387 = arith.constant 32 : index
        %swap3A_388 = tpu.vector_load %arg12[%swap3A_386, %swap3A_387] {strides = array<i32>} : memref<128x128xf32, #tpu.memory_space<vmem>>, vector<16xf32>,
        tpu.vector_store %arg12[%swap3A_386, %swap3A_387], %mul3A_385 {strides = array<i32>} : memref<128x128xf32, #tpu.memory_space<vmem>>, vector<16xf32>,
        %get3A_389 = arith.index_cast %add3A_367 : i32 to index
        %get3A_390 = arith.constant 48 : index
        %get3A_391 = tpu.vector_load %arg12[%get3A_389, %get3A_390] {strides = array<i32>} : memref<128x128xf32, #tpu.memory_space<vmem>>, vector<16xf32>,
        %mul3A_392 = arith.mulf %get3A_391, %gather3A_365 : vector<16xf32>
        %swap3A_393 = arith.index_cast %add3A_367 : i32 to index
        %swap3A_394 = arith.constant 48 : index
        %swap3A_395 = tpu.vector_load %arg12[%swap3A_393, %swap3A_394] {strides = array<i32>} : memref<128x128xf32, #tpu.memory_space<vmem>>, vector<16xf32>,
        tpu.vector_store %arg12[%swap3A_393, %swap3A_394], %mul3A_392 {strides = array<i32>} : memref<128x128xf32, #tpu.memory_space<vmem>>, vector<16xf32>,
        %broadcast_in_dim3A_396 = arith.constant 4 : i32
        %broadcast_in_dim3A_397 = vector.broadcast %broadcast_in_dim3A_396 : i32 to vector<16x1xi32>
        %gather3A_398 = vector.shape_cast %broadcast_in_dim3A_397 : vector<16x1xi32> to vector<16xi32>
        %gather3A_399 = tpu.dynamic_gather %get3A_262[%gather3A_398] in [0] : vector<16xf32>, vector<16xi32> -> vector<16xf32>
        %add3A_400 = arith.constant 4 : i32
        %add3A_401 = arith.addi %mul3A_259, %add3A_400 : i32
        %get3A_402 = arith.index_cast %add3A_401 : i32 to index
        %get3A_403 = arith.constant 0 : index
        %get3A_404 = tpu.vector_load %arg12[%get3A_402, %get3A_403] {strides = array<i32>} : memref<128x128xf32, #tpu.memory_space<vmem>>, vector<16xf32>,
        %mul3A_405 = arith.mulf %get3A_404, %gather3A_399 : vector<16xf32>
        %swap3A_406 = arith.index_cast %add3A_401 : i32 to index
        %swap3A_407 = arith.constant 0 : index
        %swap3A_408 = tpu.vector_load %arg12[%swap3A_406, %swap3A_407] {strides = array<i32>} : memref<128x128xf32, #tpu.memory_space<vmem>>, vector<16xf32>,
        tpu.vector_store %arg12[%swap3A_406, %swap3A_407], %mul3A_405 {strides = array<i32>} : memref<128x128xf32, #tpu.memory_space<vmem>>, vector<16xf32>,
        %get3A_409 = arith.index_cast %add3A_401 : i32 to index
        %get3A_410 = arith.constant 16 : index
        %get3A_411 = tpu.vector_load %arg12[%get3A_409, %get3A_410] {strides = array<i32>} : memref<128x128xf32, #tpu.memory_space<vmem>>, vector<16xf32>,
        %mul3A_412 = arith.mulf %get3A_411, %gather3A_399 : vector<16xf32>
        %swap3A_413 = arith.index_cast %add3A_401 : i32 to index
        %swap3A_414 = arith.constant 16 : index
        %swap3A_415 = tpu.vector_load %arg12[%swap3A_413, %swap3A_414] {strides = array<i32>} : memref<128x128xf32, #tpu.memory_space<vmem>>, vector<16xf32>,
        tpu.vector_store %arg12[%swap3A_413, %swap3A_414], %mul3A_412 {strides = array<i32>} : memref<128x128xf32, #tpu.memory_space<vmem>>, vector<16xf32>,
        %get3A_416 = arith.index_cast %add3A_401 : i32 to index
        %get3A_417 = arith.constant 32 : index
        %get3A_418 = tpu.vector_load %arg12[%get3A_416, %get3A_417] {strides = array<i32>} : memref<128x128xf32, #tpu.memory_space<vmem>>, vector<16xf32>,
        %mul3A_419 = arith.mulf %get3A_418, %gather3A_399 : vector<16xf32>
        %swap3A_420 = arith.index_cast %add3A_401 : i32 to index
        %swap3A_421 = arith.constant 32 : index
        %swap3A_422 = tpu.vector_load %arg12[%swap3A_420, %swap3A_421] {strides = array<i32>} : memref<128x128xf32, #tpu.memory_space<vmem>>, vector<16xf32>,
        tpu.vector_store %arg12[%swap3A_420, %swap3A_421], %mul3A_419 {strides = array<i32>} : memref<128x128xf32, #tpu.memory_space<vmem>>, vector<16xf32>,
        %get3A_423 = arith.index_cast %add3A_401 : i32 to index
        %get3A_424 = arith.constant 48 : index
        %get3A_425 = tpu.vector_load %arg12[%get3A_423, %get3A_424] {strides = array<i32>} : memref<128x128xf32, #tpu.memory_space<vmem>>, vector<16xf32>,
        %mul3A_426 = arith.mulf %get3A_425, %gather3A_399 : vector<16xf32>
        %swap3A_427 = arith.index_cast %add3A_401 : i32 to index
        %swap3A_428 = arith.constant 48 : index
        %swap3A_429 = tpu.vector_load %arg12[%swap3A_427, %swap3A_428] {strides = array<i32>} : memref<128x128xf32, #tpu.memory_space<vmem>>, vector<16xf32>,
        tpu.vector_store %arg12[%swap3A_427, %swap3A_428], %mul3A_426 {strides = array<i32>} : memref<128x128xf32, #tpu.memory_space<vmem>>, vector<16xf32>,
        %broadcast_in_dim3A_430 = arith.constant 5 : i32
        %broadcast_in_dim3A_431 = vector.broadcast %broadcast_in_dim3A_430 : i32 to vector<16x1xi32>
        %gather3A_432 = vector.shape_cast %broadcast_in_dim3A_431 : vector<16x1xi32> to vector<16xi32>
        %gather3A_433 = tpu.dynamic_gather %get3A_262[%gather3A_432] in [0] : vector<16xf32>, vector<16xi32> -> vector<16xf32>
        %add3A_434 = arith.constant 5 : i32
        %add3A_435 = arith.addi %mul3A_259, %add3A_434 : i32
        %get3A_436 = arith.index_cast %add3A_435 : i32 to index
        %get3A_437 = arith.constant 0 : index
        %get3A_438 = tpu.vector_load %arg12[%get3A_436, %get3A_437] {strides = array<i32>} : memref<128x128xf32, #tpu.memory_space<vmem>>, vector<16xf32>,
        %mul3A_439 = arith.mulf %get3A_438, %gather3A_433 : vector<16xf32>
        %swap3A_440 = arith.index_cast %add3A_435 : i32 to index
        %swap3A_441 = arith.constant 0 : index
        %swap3A_442 = tpu.vector_load %arg12[%swap3A_440, %swap3A_441] {strides = array<i32>} : memref<128x128xf32, #tpu.memory_space<vmem>>, vector<16xf32>,
        tpu.vector_store %arg12[%swap3A_440, %swap3A_441], %mul3A_439 {strides = array<i32>} : memref<128x128xf32, #tpu.memory_space<vmem>>, vector<16xf32>,
        %get3A_443 = arith.index_cast %add3A_435 : i32 to index
        %get3A_444 = arith.constant 16 : index
        %get3A_445 = tpu.vector_load %arg12[%get3A_443, %get3A_444] {strides = array<i32>} : memref<128x128xf32, #tpu.memory_space<vmem>>, vector<16xf32>,
        %mul3A_446 = arith.mulf %get3A_445, %gather3A_433 : vector<16xf32>
        %swap3A_447 = arith.index_cast %add3A_435 : i32 to index
        %swap3A_448 = arith.constant 16 : index
        %swap3A_449 = tpu.vector_load %arg12[%swap3A_447, %swap3A_448] {strides = array<i32>} : memref<128x128xf32, #tpu.memory_space<vmem>>, vector<16xf32>,
        tpu.vector_store %arg12[%swap3A_447, %swap3A_448], %mul3A_446 {strides = array<i32>} : memref<128x128xf32, #tpu.memory_space<vmem>>, vector<16xf32>,
        %get3A_450 = arith.index_cast %add3A_435 : i32 to index
        %get3A_451 = arith.constant 32 : index
        %get3A_452 = tpu.vector_load %arg12[%get3A_450, %get3A_451] {strides = array<i32>} : memref<128x128xf32, #tpu.memory_space<vmem>>, vector<16xf32>,
        %mul3A_453 = arith.mulf %get3A_452, %gather3A_433 : vector<16xf32>
        %swap3A_454 = arith.index_cast %add3A_435 : i32 to index
        %swap3A_455 = arith.constant 32 : index
        %swap3A_456 = tpu.vector_load %arg12[%swap3A_454, %swap3A_455] {strides = array<i32>} : memref<128x128xf32, #tpu.memory_space<vmem>>, vector<16xf32>,
        tpu.vector_store %arg12[%swap3A_454, %swap3A_455], %mul3A_453 {strides = array<i32>} : memref<128x128xf32, #tpu.memory_space<vmem>>, vector<16xf32>,
        %get3A_457 = arith.index_cast %add3A_435 : i32 to index
        %get3A_458 = arith.constant 48 : index
        %get3A_459 = tpu.vector_load %arg12[%get3A_457, %get3A_458] {strides = array<i32>} : memref<128x128xf32, #tpu.memory_space<vmem>>, vector<16xf32>,
        %mul3A_460 = arith.mulf %get3A_459, %gather3A_433 : vector<16xf32>
        %swap3A_461 = arith.index_cast %add3A_435 : i32 to index
        %swap3A_462 = arith.constant 48 : index
        %swap3A_463 = tpu.vector_load %arg12[%swap3A_461, %swap3A_462] {strides = array<i32>} : memref<128x128xf32, #tpu.memory_space<vmem>>, vector<16xf32>,
        tpu.vector_store %arg12[%swap3A_461, %swap3A_462], %mul3A_460 {strides = array<i32>} : memref<128x128xf32, #tpu.memory_space<vmem>>, vector<16xf32>,
        %broadcast_in_dim3A_464 = arith.constant 6 : i32
        %broadcast_in_dim3A_465 = vector.broadcast %broadcast_in_dim3A_464 : i32 to vector<16x1xi32>
        %gather3A_466 = vector.shape_cast %broadcast_in_dim3A_465 : vector<16x1xi32> to vector<16xi32>
        %gather3A_467 = tpu.dynamic_gather %get3A_262[%gather3A_466] in [0] : vector<16xf32>, vector<16xi32> -> vector<16xf32>
        %add3A_468 = arith.constant 6 : i32
        %add3A_469 = arith.addi %mul3A_259, %add3A_468 : i32
        %get3A_470 = arith.index_cast %add3A_469 : i32 to index
        %get3A_471 = arith.constant 0 : index
        %get3A_472 = tpu.vector_load %arg12[%get3A_470, %get3A_471] {strides = array<i32>} : memref<128x128xf32, #tpu.memory_space<vmem>>, vector<16xf32>,
        %mul3A_473 = arith.mulf %get3A_472, %gather3A_467 : vector<16xf32>
        %swap3A_474 = arith.index_cast %add3A_469 : i32 to index
        %swap3A_475 = arith.constant 0 : index
        %swap3A_476 = tpu.vector_load %arg12[%swap3A_474, %swap3A_475] {strides = array<i32>} : memref<128x128xf32, #tpu.memory_space<vmem>>, vector<16xf32>,
        tpu.vector_store %arg12[%swap3A_474, %swap3A_475], %mul3A_473 {strides = array<i32>} : memref<128x128xf32, #tpu.memory_space<vmem>>, vector<16xf32>,
        %get3A_477 = arith.index_cast %add3A_469 : i32 to index
        %get3A_478 = arith.constant 16 : index
        %get3A_479 = tpu.vector_load %arg12[%get3A_477, %get3A_478] {strides = array<i32>} : memref<128x128xf32, #tpu.memory_space<vmem>>, vector<16xf32>,
        %mul3A_480 = arith.mulf %get3A_479, %gather3A_467 : vector<16xf32>
        %swap3A_481 = arith.index_cast %add3A_469 : i32 to index
        %swap3A_482 = arith.constant 16 : index
        %swap3A_483 = tpu.vector_load %arg12[%swap3A_481, %swap3A_482] {strides = array<i32>} : memref<128x128xf32, #tpu.memory_space<vmem>>, vector<16xf32>,
        tpu.vector_store %arg12[%swap3A_481, %swap3A_482], %mul3A_480 {strides = array<i32>} : memref<128x128xf32, #tpu.memory_space<vmem>>, vector<16xf32>,
        %get3A_484 = arith.index_cast %add3A_469 : i32 to index
        %get3A_485 = arith.constant 32 : index
        %get3A_486 = tpu.vector_load %arg12[%get3A_484, %get3A_485] {strides = array<i32>} : memref<128x128xf32, #tpu.memory_space<vmem>>, vector<16xf32>,
        %mul3A_487 = arith.mulf %get3A_486, %gather3A_467 : vector<16xf32>
        %swap3A_488 = arith.index_cast %add3A_469 : i32 to index
        %swap3A_489 = arith.constant 32 : index
        %swap3A_490 = tpu.vector_load %arg12[%swap3A_488, %swap3A_489] {strides = array<i32>} : memref<128x128xf32, #tpu.memory_space<vmem>>, vector<16xf32>,
        tpu.vector_store %arg12[%swap3A_488, %swap3A_489], %mul3A_487 {strides = array<i32>} : memref<128x128xf32, #tpu.memory_space<vmem>>, vector<16xf32>,
        %get3A_491 = arith.index_cast %add3A_469 : i32 to index
        %get3A_492 = arith.constant 48 : index
        %get3A_493 = tpu.vector_load %arg12[%get3A_491, %get3A_492] {strides = array<i32>} : memref<128x128xf32, #tpu.memory_space<vmem>>, vector<16xf32>,
        %mul3A_494 = arith.mulf %get3A_493, %gather3A_467 : vector<16xf32>
        %swap3A_495 = arith.index_cast %add3A_469 : i32 to index
        %swap3A_496 = arith.constant 48 : index
        %swap3A_497 = tpu.vector_load %arg12[%swap3A_495, %swap3A_496] {strides = array<i32>} : memref<128x128xf32, #tpu.memory_space<vmem>>, vector<16xf32>,
        tpu.vector_store %arg12[%swap3A_495, %swap3A_496], %mul3A_494 {strides = array<i32>} : memref<128x128xf32, #tpu.memory_space<vmem>>, vector<16xf32>,
        %broadcast_in_dim3A_498 = arith.constant 7 : i32
        %broadcast_in_dim3A_499 = vector.broadcast %broadcast_in_dim3A_498 : i32 to vector<16x1xi32>
        %gather3A_500 = vector.shape_cast %broadcast_in_dim3A_499 : vector<16x1xi32> to vector<16xi32>
        %gather3A_501 = tpu.dynamic_gather %get3A_262[%gather3A_500] in [0] : vector<16xf32>, vector<16xi32> -> vector<16xf32>
        %add3A_502 = arith.constant 7 : i32
        %add3A_503 = arith.addi %mul3A_259, %add3A_502 : i32
        %get3A_504 = arith.index_cast %add3A_503 : i32 to index
        %get3A_505 = arith.constant 0 : index
        %get3A_506 = tpu.vector_load %arg12[%get3A_504, %get3A_505] {strides = array<i32>} : memref<128x128xf32, #tpu.memory_space<vmem>>, vector<16xf32>,
        %mul3A_507 = arith.mulf %get3A_506, %gather3A_501 : vector<16xf32>
        %swap3A_508 = arith.index_cast %add3A_503 : i32 to index
        %swap3A_509 = arith.constant 0 : index
        %swap3A_510 = tpu.vector_load %arg12[%swap3A_508, %swap3A_509] {strides = array<i32>} : memref<128x128xf32, #tpu.memory_space<vmem>>, vector<16xf32>,
        tpu.vector_store %arg12[%swap3A_508, %swap3A_509], %mul3A_507 {strides = array<i32>} : memref<128x128xf32, #tpu.memory_space<vmem>>, vector<16xf32>,
        %get3A_511 = arith.index_cast %add3A_503 : i32 to index
        %get3A_512 = arith.constant 16 : index
        %get3A_513 = tpu.vector_load %arg12[%get3A_511, %get3A_512] {strides = array<i32>} : memref<128x128xf32, #tpu.memory_space<vmem>>, vector<16xf32>,
        %mul3A_514 = arith.mulf %get3A_513, %gather3A_501 : vector<16xf32>
        %swap3A_515 = arith.index_cast %add3A_503 : i32 to index
        %swap3A_516 = arith.constant 16 : index
        %swap3A_517 = tpu.vector_load %arg12[%swap3A_515, %swap3A_516] {strides = array<i32>} : memref<128x128xf32, #tpu.memory_space<vmem>>, vector<16xf32>,
        tpu.vector_store %arg12[%swap3A_515, %swap3A_516], %mul3A_514 {strides = array<i32>} : memref<128x128xf32, #tpu.memory_space<vmem>>, vector<16xf32>,
        %get3A_518 = arith.index_cast %add3A_503 : i32 to index
        %get3A_519 = arith.constant 32 : index
        %get3A_520 = tpu.vector_load %arg12[%get3A_518, %get3A_519] {strides = array<i32>} : memref<128x128xf32, #tpu.memory_space<vmem>>, vector<16xf32>,
        %mul3A_521 = arith.mulf %get3A_520, %gather3A_501 : vector<16xf32>
        %swap3A_522 = arith.index_cast %add3A_503 : i32 to index
        %swap3A_523 = arith.constant 32 : index
        %swap3A_524 = tpu.vector_load %arg12[%swap3A_522, %swap3A_523] {strides = array<i32>} : memref<128x128xf32, #tpu.memory_space<vmem>>, vector<16xf32>,
        tpu.vector_store %arg12[%swap3A_522, %swap3A_523], %mul3A_521 {strides = array<i32>} : memref<128x128xf32, #tpu.memory_space<vmem>>, vector<16xf32>,
        %get3A_525 = arith.index_cast %add3A_503 : i32 to index
        %get3A_526 = arith.constant 48 : index
        %get3A_527 = tpu.vector_load %arg12[%get3A_525, %get3A_526] {strides = array<i32>} : memref<128x128xf32, #tpu.memory_space<vmem>>, vector<16xf32>,
        %mul3A_528 = arith.mulf %get3A_527, %gather3A_501 : vector<16xf32>
        %swap3A_529 = arith.index_cast %add3A_503 : i32 to index
        %swap3A_530 = arith.constant 48 : index
        %swap3A_531 = tpu.vector_load %arg12[%swap3A_529, %swap3A_530] {strides = array<i32>} : memref<128x128xf32, #tpu.memory_space<vmem>>, vector<16xf32>,
        tpu.vector_store %arg12[%swap3A_529, %swap3A_530], %mul3A_528 {strides = array<i32>} : memref<128x128xf32, #tpu.memory_space<vmem>>, vector<16xf32>,
        %broadcast_in_dim3A_532 = arith.constant 8 : i32
        %broadcast_in_dim3A_533 = vector.broadcast %broadcast_in_dim3A_532 : i32 to vector<16x1xi32>
        %gather3A_534 = vector.shape_cast %broadcast_in_dim3A_533 : vector<16x1xi32> to vector<16xi32>
        %gather3A_535 = tpu.dynamic_gather %get3A_262[%gather3A_534] in [0] : vector<16xf32>, vector<16xi32> -> vector<16xf32>
        %add3A_536 = arith.constant 8 : i32
        %add3A_537 = arith.addi %mul3A_259, %add3A_536 : i32
        %get3A_538 = arith.index_cast %add3A_537 : i32 to index
        %get3A_539 = arith.constant 0 : index
        %get3A_540 = tpu.vector_load %arg12[%get3A_538, %get3A_539] {strides = array<i32>} : memref<128x128xf32, #tpu.memory_space<vmem>>, vector<16xf32>,
        %mul3A_541 = arith.mulf %get3A_540, %gather3A_535 : vector<16xf32>
        %swap3A_542 = arith.index_cast %add3A_537 : i32 to index
        %swap3A_543 = arith.constant 0 : index
        %swap3A_544 = tpu.vector_load %arg12[%swap3A_542, %swap3A_543] {strides = array<i32>} : memref<128x128xf32, #tpu.memory_space<vmem>>, vector<16xf32>,
        tpu.vector_store %arg12[%swap3A_542, %swap3A_543], %mul3A_541 {strides = array<i32>} : memref<128x128xf32, #tpu.memory_space<vmem>>, vector<16xf32>,
        %get3A_545 = arith.index_cast %add3A_537 : i32 to index
        %get3A_546 = arith.constant 16 : index
        %get3A_547 = tpu.vector_load %arg12[%get3A_545, %get3A_546] {strides = array<i32>} : memref<128x128xf32, #tpu.memory_space<vmem>>, vector<16xf32>,
        %mul3A_548 = arith.mulf %get3A_547, %gather3A_535 : vector<16xf32>
        %swap3A_549 = arith.index_cast %add3A_537 : i32 to index
        %swap3A_550 = arith.constant 16 : index
        %swap3A_551 = tpu.vector_load %arg12[%swap3A_549, %swap3A_550] {strides = array<i32>} : memref<128x128xf32, #tpu.memory_space<vmem>>, vector<16xf32>,
        tpu.vector_store %arg12[%swap3A_549, %swap3A_550], %mul3A_548 {strides = array<i32>} : memref<128x128xf32, #tpu.memory_space<vmem>>, vector<16xf32>,
        %get3A_552 = arith.index_cast %add3A_537 : i32 to index
        %get3A_553 = arith.constant 32 : index
        %get3A_554 = tpu.vector_load %arg12[%get3A_552, %get3A_553] {strides = array<i32>} : memref<128x128xf32, #tpu.memory_space<vmem>>, vector<16xf32>,
        %mul3A_555 = arith.mulf %get3A_554, %gather3A_535 : vector<16xf32>
        %swap3A_556 = arith.index_cast %add3A_537 : i32 to index
        %swap3A_557 = arith.constant 32 : index
        %swap3A_558 = tpu.vector_load %arg12[%swap3A_556, %swap3A_557] {strides = array<i32>} : memref<128x128xf32, #tpu.memory_space<vmem>>, vector<16xf32>,
        tpu.vector_store %arg12[%swap3A_556, %swap3A_557], %mul3A_555 {strides = array<i32>} : memref<128x128xf32, #tpu.memory_space<vmem>>, vector<16xf32>,
        %get3A_559 = arith.index_cast %add3A_537 : i32 to index
        %get3A_560 = arith.constant 48 : index
        %get3A_561 = tpu.vector_load %arg12[%get3A_559, %get3A_560] {strides = array<i32>} : memref<128x128xf32, #tpu.memory_space<vmem>>, vector<16xf32>,
        %mul3A_562 = arith.mulf %get3A_561, %gather3A_535 : vector<16xf32>
        %swap3A_563 = arith.index_cast %add3A_537 : i32 to index
        %swap3A_564 = arith.constant 48 : index
        %swap3A_565 = tpu.vector_load %arg12[%swap3A_563, %swap3A_564] {strides = array<i32>} : memref<128x128xf32, #tpu.memory_space<vmem>>, vector<16xf32>,
        tpu.vector_store %arg12[%swap3A_563, %swap3A_564], %mul3A_562 {strides = array<i32>} : memref<128x128xf32, #tpu.memory_space<vmem>>, vector<16xf32>,
        %broadcast_in_dim3A_566 = arith.constant 9 : i32
        %broadcast_in_dim3A_567 = vector.broadcast %broadcast_in_dim3A_566 : i32 to vector<16x1xi32>
        %gather3A_568 = vector.shape_cast %broadcast_in_dim3A_567 : vector<16x1xi32> to vector<16xi32>
        %gather3A_569 = tpu.dynamic_gather %get3A_262[%gather3A_568] in [0] : vector<16xf32>, vector<16xi32> -> vector<16xf32>
        %add3A_570 = arith.constant 9 : i32
        %add3A_571 = arith.addi %mul3A_259, %add3A_570 : i32
        %get3A_572 = arith.index_cast %add3A_571 : i32 to index
        %get3A_573 = arith.constant 0 : index
        %get3A_574 = tpu.vector_load %arg12[%get3A_572, %get3A_573] {strides = array<i32>} : memref<128x128xf32, #tpu.memory_space<vmem>>, vector<16xf32>,
        %mul3A_575 = arith.mulf %get3A_574, %gather3A_569 : vector<16xf32>
        %swap3A_576 = arith.index_cast %add3A_571 : i32 to index
        %swap3A_577 = arith.constant 0 : index
        %swap3A_578 = tpu.vector_load %arg12[%swap3A_576, %swap3A_577] {strides = array<i32>} : memref<128x128xf32, #tpu.memory_space<vmem>>, vector<16xf32>,
        tpu.vector_store %arg12[%swap3A_576, %swap3A_577], %mul3A_575 {strides = array<i32>} : memref<128x128xf32, #tpu.memory_space<vmem>>, vector<16xf32>,
        %get3A_579 = arith.index_cast %add3A_571 : i32 to index
        %get3A_580 = arith.constant 16 : index
        %get3A_581 = tpu.vector_load %arg12[%get3A_579, %get3A_580] {strides = array<i32>} : memref<128x128xf32, #tpu.memory_space<vmem>>, vector<16xf32>,
        %mul3A_582 = arith.mulf %get3A_581, %gather3A_569 : vector<16xf32>
        %swap3A_583 = arith.index_cast %add3A_571 : i32 to index
        %swap3A_584 = arith.constant 16 : index
        %swap3A_585 = tpu.vector_load %arg12[%swap3A_583, %swap3A_584] {strides = array<i32>} : memref<128x128xf32, #tpu.memory_space<vmem>>, vector<16xf32>,
        tpu.vector_store %arg12[%swap3A_583, %swap3A_584], %mul3A_582 {strides = array<i32>} : memref<128x128xf32, #tpu.memory_space<vmem>>, vector<16xf32>,
        %get3A_586 = arith.index_cast %add3A_571 : i32 to index
        %get3A_587 = arith.constant 32 : index
        %get3A_588 = tpu.vector_load %arg12[%get3A_586, %get3A_587] {strides = array<i32>} : memref<128x128xf32, #tpu.memory_space<vmem>>, vector<16xf32>,
        %mul3A_589 = arith.mulf %get3A_588, %gather3A_569 : vector<16xf32>
        %swap3A_590 = arith.index_cast %add3A_571 : i32 to index
        %swap3A_591 = arith.constant 32 : index
        %swap3A_592 = tpu.vector_load %arg12[%swap3A_590, %swap3A_591] {strides = array<i32>} : memref<128x128xf32, #tpu.memory_space<vmem>>, vector<16xf32>,
        tpu.vector_store %arg12[%swap3A_590, %swap3A_591], %mul3A_589 {strides = array<i32>} : memref<128x128xf32, #tpu.memory_space<vmem>>, vector<16xf32>,
        %get3A_593 = arith.index_cast %add3A_571 : i32 to index
        %get3A_594 = arith.constant 48 : index
        %get3A_595 = tpu.vector_load %arg12[%get3A_593, %get3A_594] {strides = array<i32>} : memref<128x128xf32, #tpu.memory_space<vmem>>, vector<16xf32>,
        %mul3A_596 = arith.mulf %get3A_595, %gather3A_569 : vector<16xf32>
        %swap3A_597 = arith.index_cast %add3A_571 : i32 to index
        %swap3A_598 = arith.constant 48 : index
        %swap3A_599 = tpu.vector_load %arg12[%swap3A_597, %swap3A_598] {strides = array<i32>} : memref<128x128xf32, #tpu.memory_space<vmem>>, vector<16xf32>,
        tpu.vector_store %arg12[%swap3A_597, %swap3A_598], %mul3A_596 {strides = array<i32>} : memref<128x128xf32, #tpu.memory_space<vmem>>, vector<16xf32>,
        %broadcast_in_dim3A_600 = arith.constant 10 : i32
        %broadcast_in_dim3A_601 = vector.broadcast %broadcast_in_dim3A_600 : i32 to vector<16x1xi32>
        %gather3A_602 = vector.shape_cast %broadcast_in_dim3A_601 : vector<16x1xi32> to vector<16xi32>
        %gather3A_603 = tpu.dynamic_gather %get3A_262[%gather3A_602] in [0] : vector<16xf32>, vector<16xi32> -> vector<16xf32>
        %add3A_604 = arith.constant 10 : i32
        %add3A_605 = arith.addi %mul3A_259, %add3A_604 : i32
        %get3A_606 = arith.index_cast %add3A_605 : i32 to index
        %get3A_607 = arith.constant 0 : index
        %get3A_608 = tpu.vector_load %arg12[%get3A_606, %get3A_607] {strides = array<i32>} : memref<128x128xf32, #tpu.memory_space<vmem>>, vector<16xf32>,
        %mul3A_609 = arith.mulf %get3A_608, %gather3A_603 : vector<16xf32>
        %swap3A_610 = arith.index_cast %add3A_605 : i32 to index
        %swap3A_611 = arith.constant 0 : index
        %swap3A_612 = tpu.vector_load %arg12[%swap3A_610, %swap3A_611] {strides = array<i32>} : memref<128x128xf32, #tpu.memory_space<vmem>>, vector<16xf32>,
        tpu.vector_store %arg12[%swap3A_610, %swap3A_611], %mul3A_609 {strides = array<i32>} : memref<128x128xf32, #tpu.memory_space<vmem>>, vector<16xf32>,
        %get3A_613 = arith.index_cast %add3A_605 : i32 to index
        %get3A_614 = arith.constant 16 : index
        %get3A_615 = tpu.vector_load %arg12[%get3A_613, %get3A_614] {strides = array<i32>} : memref<128x128xf32, #tpu.memory_space<vmem>>, vector<16xf32>,
        %mul3A_616 = arith.mulf %get3A_615, %gather3A_603 : vector<16xf32>
        %swap3A_617 = arith.index_cast %add3A_605 : i32 to index
        %swap3A_618 = arith.constant 16 : index
        %swap3A_619 = tpu.vector_load %arg12[%swap3A_617, %swap3A_618] {strides = array<i32>} : memref<128x128xf32, #tpu.memory_space<vmem>>, vector<16xf32>,
        tpu.vector_store %arg12[%swap3A_617, %swap3A_618], %mul3A_616 {strides = array<i32>} : memref<128x128xf32, #tpu.memory_space<vmem>>, vector<16xf32>,
        %get3A_620 = arith.index_cast %add3A_605 : i32 to index
        %get3A_621 = arith.constant 32 : index
        %get3A_622 = tpu.vector_load %arg12[%get3A_620, %get3A_621] {strides = array<i32>} : memref<128x128xf32, #tpu.memory_space<vmem>>, vector<16xf32>,
        %mul3A_623 = arith.mulf %get3A_622, %gather3A_603 : vector<16xf32>
        %swap3A_624 = arith.index_cast %add3A_605 : i32 to index
        %swap3A_625 = arith.constant 32 : index
        %swap3A_626 = tpu.vector_load %arg12[%swap3A_624, %swap3A_625] {strides = array<i32>} : memref<128x128xf32, #tpu.memory_space<vmem>>, vector<16xf32>,
        tpu.vector_store %arg12[%swap3A_624, %swap3A_625], %mul3A_623 {strides = array<i32>} : memref<128x128xf32, #tpu.memory_space<vmem>>, vector<16xf32>,
        %get3A_627 = arith.index_cast %add3A_605 : i32 to index
        %get3A_628 = arith.constant 48 : index
        %get3A_629 = tpu.vector_load %arg12[%get3A_627, %get3A_628] {strides = array<i32>} : memref<128x128xf32, #tpu.memory_space<vmem>>, vector<16xf32>,
        %mul3A_630 = arith.mulf %get3A_629, %gather3A_603 : vector<16xf32>
        %swap3A_631 = arith.index_cast %add3A_605 : i32 to index
        %swap3A_632 = arith.constant 48 : index
        %swap3A_633 = tpu.vector_load %arg12[%swap3A_631, %swap3A_632] {strides = array<i32>} : memref<128x128xf32, #tpu.memory_space<vmem>>, vector<16xf32>,
        tpu.vector_store %arg12[%swap3A_631, %swap3A_632], %mul3A_630 {strides = array<i32>} : memref<128x128xf32, #tpu.memory_space<vmem>>, vector<16xf32>,
        %broadcast_in_dim3A_634 = arith.constant 11 : i32
        %broadcast_in_dim3A_635 = vector.broadcast %broadcast_in_dim3A_634 : i32 to vector<16x1xi32>
        %gather3A_636 = vector.shape_cast %broadcast_in_dim3A_635 : vector<16x1xi32> to vector<16xi32>
        %gather3A_637 = tpu.dynamic_gather %get3A_262[%gather3A_636] in [0] : vector<16xf32>, vector<16xi32> -> vector<16xf32>
        %add3A_638 = arith.constant 11 : i32
        %add3A_639 = arith.addi %mul3A_259, %add3A_638 : i32
        %get3A_640 = arith.index_cast %add3A_639 : i32 to index
        %get3A_641 = arith.constant 0 : index
        %get3A_642 = tpu.vector_load %arg12[%get3A_640, %get3A_641] {strides = array<i32>} : memref<128x128xf32, #tpu.memory_space<vmem>>, vector<16xf32>,
        %mul3A_643 = arith.mulf %get3A_642, %gather3A_637 : vector<16xf32>
        %swap3A_644 = arith.index_cast %add3A_639 : i32 to index
        %swap3A_645 = arith.constant 0 : index
        %swap3A_646 = tpu.vector_load %arg12[%swap3A_644, %swap3A_645] {strides = array<i32>} : memref<128x128xf32, #tpu.memory_space<vmem>>, vector<16xf32>,
        tpu.vector_store %arg12[%swap3A_644, %swap3A_645], %mul3A_643 {strides = array<i32>} : memref<128x128xf32, #tpu.memory_space<vmem>>, vector<16xf32>,
        %get3A_647 = arith.index_cast %add3A_639 : i32 to index
        %get3A_648 = arith.constant 16 : index
        %get3A_649 = tpu.vector_load %arg12[%get3A_647, %get3A_648] {strides = array<i32>} : memref<128x128xf32, #tpu.memory_space<vmem>>, vector<16xf32>,
        %mul3A_650 = arith.mulf %get3A_649, %gather3A_637 : vector<16xf32>
        %swap3A_651 = arith.index_cast %add3A_639 : i32 to index
        %swap3A_652 = arith.constant 16 : index
        %swap3A_653 = tpu.vector_load %arg12[%swap3A_651, %swap3A_652] {strides = array<i32>} : memref<128x128xf32, #tpu.memory_space<vmem>>, vector<16xf32>,
        tpu.vector_store %arg12[%swap3A_651, %swap3A_652], %mul3A_650 {strides = array<i32>} : memref<128x128xf32, #tpu.memory_space<vmem>>, vector<16xf32>,
        %get3A_654 = arith.index_cast %add3A_639 : i32 to index
        %get3A_655 = arith.constant 32 : index
        %get3A_656 = tpu.vector_load %arg12[%get3A_654, %get3A_655] {strides = array<i32>} : memref<128x128xf32, #tpu.memory_space<vmem>>, vector<16xf32>,
        %mul3A_657 = arith.mulf %get3A_656, %gather3A_637 : vector<16xf32>
        %swap3A_658 = arith.index_cast %add3A_639 : i32 to index
        %swap3A_659 = arith.constant 32 : index
        %swap3A_660 = tpu.vector_load %arg12[%swap3A_658, %swap3A_659] {strides = array<i32>} : memref<128x128xf32, #tpu.memory_space<vmem>>, vector<16xf32>,
        tpu.vector_store %arg12[%swap3A_658, %swap3A_659], %mul3A_657 {strides = array<i32>} : memref<128x128xf32, #tpu.memory_space<vmem>>, vector<16xf32>,
        %get3A_661 = arith.index_cast %add3A_639 : i32 to index
        %get3A_662 = arith.constant 48 : index
        %get3A_663 = tpu.vector_load %arg12[%get3A_661, %get3A_662] {strides = array<i32>} : memref<128x128xf32, #tpu.memory_space<vmem>>, vector<16xf32>,
        %mul3A_664 = arith.mulf %get3A_663, %gather3A_637 : vector<16xf32>
        %swap3A_665 = arith.index_cast %add3A_639 : i32 to index
        %swap3A_666 = arith.constant 48 : index
        %swap3A_667 = tpu.vector_load %arg12[%swap3A_665, %swap3A_666] {strides = array<i32>} : memref<128x128xf32, #tpu.memory_space<vmem>>, vector<16xf32>,
        tpu.vector_store %arg12[%swap3A_665, %swap3A_666], %mul3A_664 {strides = array<i32>} : memref<128x128xf32, #tpu.memory_space<vmem>>, vector<16xf32>,
        %broadcast_in_dim3A_668 = arith.constant 12 : i32
        %broadcast_in_dim3A_669 = vector.broadcast %broadcast_in_dim3A_668 : i32 to vector<16x1xi32>
        %gather3A_670 = vector.shape_cast %broadcast_in_dim3A_669 : vector<16x1xi32> to vector<16xi32>
        %gather3A_671 = tpu.dynamic_gather %get3A_262[%gather3A_670] in [0] : vector<16xf32>, vector<16xi32> -> vector<16xf32>
        %add3A_672 = arith.constant 12 : i32
        %add3A_673 = arith.addi %mul3A_259, %add3A_672 : i32
        %get3A_674 = arith.index_cast %add3A_673 : i32 to index
        %get3A_675 = arith.constant 0 : index
        %get3A_676 = tpu.vector_load %arg12[%get3A_674, %get3A_675] {strides = array<i32>} : memref<128x128xf32, #tpu.memory_space<vmem>>, vector<16xf32>,
        %mul3A_677 = arith.mulf %get3A_676, %gather3A_671 : vector<16xf32>
        %swap3A_678 = arith.index_cast %add3A_673 : i32 to index
        %swap3A_679 = arith.constant 0 : index
        %swap3A_680 = tpu.vector_load %arg12[%swap3A_678, %swap3A_679] {strides = array<i32>} : memref<128x128xf32, #tpu.memory_space<vmem>>, vector<16xf32>,
        tpu.vector_store %arg12[%swap3A_678, %swap3A_679], %mul3A_677 {strides = array<i32>} : memref<128x128xf32, #tpu.memory_space<vmem>>, vector<16xf32>,
        %get3A_681 = arith.index_cast %add3A_673 : i32 to index
        %get3A_682 = arith.constant 16 : index
        %get3A_683 = tpu.vector_load %arg12[%get3A_681, %get3A_682] {strides = array<i32>} : memref<128x128xf32, #tpu.memory_space<vmem>>, vector<16xf32>,
        %mul3A_684 = arith.mulf %get3A_683, %gather3A_671 : vector<16xf32>
        %swap3A_685 = arith.index_cast %add3A_673 : i32 to index
        %swap3A_686 = arith.constant 16 : index
        %swap3A_687 = tpu.vector_load %arg12[%swap3A_685, %swap3A_686] {strides = array<i32>} : memref<128x128xf32, #tpu.memory_space<vmem>>, vector<16xf32>,
        tpu.vector_store %arg12[%swap3A_685, %swap3A_686], %mul3A_684 {strides = array<i32>} : memref<128x128xf32, #tpu.memory_space<vmem>>, vector<16xf32>,
        %get3A_688 = arith.index_cast %add3A_673 : i32 to index
        %get3A_689 = arith.constant 32 : index
        %get3A_690 = tpu.vector_load %arg12[%get3A_688, %get3A_689] {strides = array<i32>} : memref<128x128xf32, #tpu.memory_space<vmem>>, vector<16xf32>,
        %mul3A_691 = arith.mulf %get3A_690, %gather3A_671 : vector<16xf32>
        %swap3A_692 = arith.index_cast %add3A_673 : i32 to index
        %swap3A_693 = arith.constant 32 : index
        %swap3A_694 = tpu.vector_load %arg12[%swap3A_692, %swap3A_693] {strides = array<i32>} : memref<128x128xf32, #tpu.memory_space<vmem>>, vector<16xf32>,
        tpu.vector_store %arg12[%swap3A_692, %swap3A_693], %mul3A_691 {strides = array<i32>} : memref<128x128xf32, #tpu.memory_space<vmem>>, vector<16xf32>,
        %get3A_695 = arith.index_cast %add3A_673 : i32 to index
        %get3A_696 = arith.constant 48 : index
        %get3A_697 = tpu.vector_load %arg12[%get3A_695, %get3A_696] {strides = array<i32>} : memref<128x128xf32, #tpu.memory_space<vmem>>, vector<16xf32>,
        %mul3A_698 = arith.mulf %get3A_697, %gather3A_671 : vector<16xf32>
        %swap3A_699 = arith.index_cast %add3A_673 : i32 to index
        %swap3A_700 = arith.constant 48 : index
        %swap3A_701 = tpu.vector_load %arg12[%swap3A_699, %swap3A_700] {strides = array<i32>} : memref<128x128xf32, #tpu.memory_space<vmem>>, vector<16xf32>,
        tpu.vector_store %arg12[%swap3A_699, %swap3A_700], %mul3A_698 {strides = array<i32>} : memref<128x128xf32, #tpu.memory_space<vmem>>, vector<16xf32>,
        %broadcast_in_dim3A_702 = arith.constant 13 : i32
        %broadcast_in_dim3A_703 = vector.broadcast %broadcast_in_dim3A_702 : i32 to vector<16x1xi32>
        %gather3A_704 = vector.shape_cast %broadcast_in_dim3A_703 : vector<16x1xi32> to vector<16xi32>
        %gather3A_705 = tpu.dynamic_gather %get3A_262[%gather3A_704] in [0] : vector<16xf32>, vector<16xi32> -> vector<16xf32>
        %add3A_706 = arith.constant 13 : i32
        %add3A_707 = arith.addi %mul3A_259, %add3A_706 : i32
        %get3A_708 = arith.index_cast %add3A_707 : i32 to index
        %get3A_709 = arith.constant 0 : index
        %get3A_710 = tpu.vector_load %arg12[%get3A_708, %get3A_709] {strides = array<i32>} : memref<128x128xf32, #tpu.memory_space<vmem>>, vector<16xf32>,
        %mul3A_711 = arith.mulf %get3A_710, %gather3A_705 : vector<16xf32>
        %swap3A_712 = arith.index_cast %add3A_707 : i32 to index
        %swap3A_713 = arith.constant 0 : index
        %swap3A_714 = tpu.vector_load %arg12[%swap3A_712, %swap3A_713] {strides = array<i32>} : memref<128x128xf32, #tpu.memory_space<vmem>>, vector<16xf32>,
        tpu.vector_store %arg12[%swap3A_712, %swap3A_713], %mul3A_711 {strides = array<i32>} : memref<128x128xf32, #tpu.memory_space<vmem>>, vector<16xf32>,
        %get3A_715 = arith.index_cast %add3A_707 : i32 to index
        %get3A_716 = arith.constant 16 : index
        %get3A_717 = tpu.vector_load %arg12[%get3A_715, %get3A_716] {strides = array<i32>} : memref<128x128xf32, #tpu.memory_space<vmem>>, vector<16xf32>,
        %mul3A_718 = arith.mulf %get3A_717, %gather3A_705 : vector<16xf32>
        %swap3A_719 = arith.index_cast %add3A_707 : i32 to index
        %swap3A_720 = arith.constant 16 : index
        %swap3A_721 = tpu.vector_load %arg12[%swap3A_719, %swap3A_720] {strides = array<i32>} : memref<128x128xf32, #tpu.memory_space<vmem>>, vector<16xf32>,
        tpu.vector_store %arg12[%swap3A_719, %swap3A_720], %mul3A_718 {strides = array<i32>} : memref<128x128xf32, #tpu.memory_space<vmem>>, vector<16xf32>,
        %get3A_722 = arith.index_cast %add3A_707 : i32 to index
        %get3A_723 = arith.constant 32 : index
        %get3A_724 = tpu.vector_load %arg12[%get3A_722, %get3A_723] {strides = array<i32>} : memref<128x128xf32, #tpu.memory_space<vmem>>, vector<16xf32>,
        %mul3A_725 = arith.mulf %get3A_724, %gather3A_705 : vector<16xf32>
        %swap3A_726 = arith.index_cast %add3A_707 : i32 to index
        %swap3A_727 = arith.constant 32 : index
        %swap3A_728 = tpu.vector_load %arg12[%swap3A_726, %swap3A_727] {strides = array<i32>} : memref<128x128xf32, #tpu.memory_space<vmem>>, vector<16xf32>,
        tpu.vector_store %arg12[%swap3A_726, %swap3A_727], %mul3A_725 {strides = array<i32>} : memref<128x128xf32, #tpu.memory_space<vmem>>, vector<16xf32>,
        %get3A_729 = arith.index_cast %add3A_707 : i32 to index
        %get3A_730 = arith.constant 48 : index
        %get3A_731 = tpu.vector_load %arg12[%get3A_729, %get3A_730] {strides = array<i32>} : memref<128x128xf32, #tpu.memory_space<vmem>>, vector<16xf32>,
        %mul3A_732 = arith.mulf %get3A_731, %gather3A_705 : vector<16xf32>
        %swap3A_733 = arith.index_cast %add3A_707 : i32 to index
        %swap3A_734 = arith.constant 48 : index
        %swap3A_735 = tpu.vector_load %arg12[%swap3A_733, %swap3A_734] {strides = array<i32>} : memref<128x128xf32, #tpu.memory_space<vmem>>, vector<16xf32>,
        tpu.vector_store %arg12[%swap3A_733, %swap3A_734], %mul3A_732 {strides = array<i32>} : memref<128x128xf32, #tpu.memory_space<vmem>>, vector<16xf32>,
        %broadcast_in_dim3A_736 = arith.constant 14 : i32
        %broadcast_in_dim3A_737 = vector.broadcast %broadcast_in_dim3A_736 : i32 to vector<16x1xi32>
        %gather3A_738 = vector.shape_cast %broadcast_in_dim3A_737 : vector<16x1xi32> to vector<16xi32>
        %gather3A_739 = tpu.dynamic_gather %get3A_262[%gather3A_738] in [0] : vector<16xf32>, vector<16xi32> -> vector<16xf32>
        %add3A_740 = arith.constant 14 : i32
        %add3A_741 = arith.addi %mul3A_259, %add3A_740 : i32
        %get3A_742 = arith.index_cast %add3A_741 : i32 to index
        %get3A_743 = arith.constant 0 : index
        %get3A_744 = tpu.vector_load %arg12[%get3A_742, %get3A_743] {strides = array<i32>} : memref<128x128xf32, #tpu.memory_space<vmem>>, vector<16xf32>,
        %mul3A_745 = arith.mulf %get3A_744, %gather3A_739 : vector<16xf32>
        %swap3A_746 = arith.index_cast %add3A_741 : i32 to index
        %swap3A_747 = arith.constant 0 : index
        %swap3A_748 = tpu.vector_load %arg12[%swap3A_746, %swap3A_747] {strides = array<i32>} : memref<128x128xf32, #tpu.memory_space<vmem>>, vector<16xf32>,
        tpu.vector_store %arg12[%swap3A_746, %swap3A_747], %mul3A_745 {strides = array<i32>} : memref<128x128xf32, #tpu.memory_space<vmem>>, vector<16xf32>,
        %get3A_749 = arith.index_cast %add3A_741 : i32 to index
        %get3A_750 = arith.constant 16 : index
        %get3A_751 = tpu.vector_load %arg12[%get3A_749, %get3A_750] {strides = array<i32>} : memref<128x128xf32, #tpu.memory_space<vmem>>, vector<16xf32>,
        %mul3A_752 = arith.mulf %get3A_751, %gather3A_739 : vector<16xf32>
        %swap3A_753 = arith.index_cast %add3A_741 : i32 to index
        %swap3A_754 = arith.constant 16 : index
        %swap3A_755 = tpu.vector_load %arg12[%swap3A_753, %swap3A_754] {strides = array<i32>} : memref<128x128xf32, #tpu.memory_space<vmem>>, vector<16xf32>,
        tpu.vector_store %arg12[%swap3A_753, %swap3A_754], %mul3A_752 {strides = array<i32>} : memref<128x128xf32, #tpu.memory_space<vmem>>, vector<16xf32>,
        %get3A_756 = arith.index_cast %add3A_741 : i32 to index
        %get3A_757 = arith.constant 32 : index
        %get3A_758 = tpu.vector_load %arg12[%get3A_756, %get3A_757] {strides = array<i32>} : memref<128x128xf32, #tpu.memory_space<vmem>>, vector<16xf32>,
        %mul3A_759 = arith.mulf %get3A_758, %gather3A_739 : vector<16xf32>
        %swap3A_760 = arith.index_cast %add3A_741 : i32 to index
        %swap3A_761 = arith.constant 32 : index
        %swap3A_762 = tpu.vector_load %arg12[%swap3A_760, %swap3A_761] {strides = array<i32>} : memref<128x128xf32, #tpu.memory_space<vmem>>, vector<16xf32>,
        tpu.vector_store %arg12[%swap3A_760, %swap3A_761], %mul3A_759 {strides = array<i32>} : memref<128x128xf32, #tpu.memory_space<vmem>>, vector<16xf32>,
        %get3A_763 = arith.index_cast %add3A_741 : i32 to index
        %get3A_764 = arith.constant 48 : index
        %get3A_765 = tpu.vector_load %arg12[%get3A_763, %get3A_764] {strides = array<i32>} : memref<128x128xf32, #tpu.memory_space<vmem>>, vector<16xf32>,
        %mul3A_766 = arith.mulf %get3A_765, %gather3A_739 : vector<16xf32>
        %swap3A_767 = arith.index_cast %add3A_741 : i32 to index
        %swap3A_768 = arith.constant 48 : index
        %swap3A_769 = tpu.vector_load %arg12[%swap3A_767, %swap3A_768] {strides = array<i32>} : memref<128x128xf32, #tpu.memory_space<vmem>>, vector<16xf32>,
        tpu.vector_store %arg12[%swap3A_767, %swap3A_768], %mul3A_766 {strides = array<i32>} : memref<128x128xf32, #tpu.memory_space<vmem>>, vector<16xf32>,
        %broadcast_in_dim3A_770 = arith.constant 15 : i32
        %broadcast_in_dim3A_771 = vector.broadcast %broadcast_in_dim3A_770 : i32 to vector<16x1xi32>
        %gather3A_772 = vector.shape_cast %broadcast_in_dim3A_771 : vector<16x1xi32> to vector<16xi32>
        %gather3A_773 = tpu.dynamic_gather %get3A_262[%gather3A_772] in [0] : vector<16xf32>, vector<16xi32> -> vector<16xf32>
        %add3A_774 = arith.constant 15 : i32
        %add3A_775 = arith.addi %mul3A_259, %add3A_774 : i32
        %get3A_776 = arith.index_cast %add3A_775 : i32 to index
        %get3A_777 = arith.constant 0 : index
        %get3A_778 = tpu.vector_load %arg12[%get3A_776, %get3A_777] {strides = array<i32>} : memref<128x128xf32, #tpu.memory_space<vmem>>, vector<16xf32>,
        %mul3A_779 = arith.mulf %get3A_778, %gather3A_773 : vector<16xf32>
        %swap3A_780 = arith.index_cast %add3A_775 : i32 to index
        %swap3A_781 = arith.constant 0 : index
        %swap3A_782 = tpu.vector_load %arg12[%swap3A_780, %swap3A_781] {strides = array<i32>} : memref<128x128xf32, #tpu.memory_space<vmem>>, vector<16xf32>,
        tpu.vector_store %arg12[%swap3A_780, %swap3A_781], %mul3A_779 {strides = array<i32>} : memref<128x128xf32, #tpu.memory_space<vmem>>, vector<16xf32>,
        %get3A_783 = arith.index_cast %add3A_775 : i32 to index
        %get3A_784 = arith.constant 16 : index
        %get3A_785 = tpu.vector_load %arg12[%get3A_783, %get3A_784] {strides = array<i32>} : memref<128x128xf32, #tpu.memory_space<vmem>>, vector<16xf32>,
        %mul3A_786 = arith.mulf %get3A_785, %gather3A_773 : vector<16xf32>
        %swap3A_787 = arith.index_cast %add3A_775 : i32 to index
        %swap3A_788 = arith.constant 16 : index
        %swap3A_789 = tpu.vector_load %arg12[%swap3A_787, %swap3A_788] {strides = array<i32>} : memref<128x128xf32, #tpu.memory_space<vmem>>, vector<16xf32>,
        tpu.vector_store %arg12[%swap3A_787, %swap3A_788], %mul3A_786 {strides = array<i32>} : memref<128x128xf32, #tpu.memory_space<vmem>>, vector<16xf32>,
        %get3A_790 = arith.index_cast %add3A_775 : i32 to index
        %get3A_791 = arith.constant 32 : index
        %get3A_792 = tpu.vector_load %arg12[%get3A_790, %get3A_791] {strides = array<i32>} : memref<128x128xf32, #tpu.memory_space<vmem>>, vector<16xf32>,
        %mul3A_793 = arith.mulf %get3A_792, %gather3A_773 : vector<16xf32>
        %swap3A_794 = arith.index_cast %add3A_775 : i32 to index
        %swap3A_795 = arith.constant 32 : index
        %swap3A_796 = tpu.vector_load %arg12[%swap3A_794, %swap3A_795] {strides = array<i32>} : memref<128x128xf32, #tpu.memory_space<vmem>>, vector<16xf32>,
        tpu.vector_store %arg12[%swap3A_794, %swap3A_795], %mul3A_793 {strides = array<i32>} : memref<128x128xf32, #tpu.memory_space<vmem>>, vector<16xf32>,
        %get3A_797 = arith.index_cast %add3A_775 : i32 to index
        %get3A_798 = arith.constant 48 : index
        %get3A_799 = tpu.vector_load %arg12[%get3A_797, %get3A_798] {strides = array<i32>} : memref<128x128xf32, #tpu.memory_space<vmem>>, vector<16xf32>,
        %mul3A_800 = arith.mulf %get3A_799, %gather3A_773 : vector<16xf32>
        %swap3A_801 = arith.index_cast %add3A_775 : i32 to index
        %swap3A_802 = arith.constant 48 : index
        %swap3A_803 = tpu.vector_load %arg12[%swap3A_801, %swap3A_802] {strides = array<i32>} : memref<128x128xf32, #tpu.memory_space<vmem>>, vector<16xf32>,
        tpu.vector_store %arg12[%swap3A_801, %swap3A_802], %mul3A_800 {strides = array<i32>} : memref<128x128xf32, #tpu.memory_space<vmem>>, vector<16xf32>,
      }
      %scan3A_251 = arith.constant 8 : i32
      %run_scoped3A_252 = arith.constant 1 : i32
      "tpu.region"() ({
        %run_scoped3A_253 = tpu.sem_alloc : memref<!tpu.dma_semaphore, #tpu.memory_space<semaphore_mem>>
        %dma_start3A_254 = arith.constant 0 : i32
        %dma_start3A_255 = tpu.memref_slice %arg9[%run_scoped3A_252, %dma_start3A_254] : memref<2x128xi32, #tpu.memory_space<vmem>> -> memref<1x128xi32, #tpu.memory_space<vmem>>
        %dma_start3A_256 = tpu.memref_squeeze %dma_start3A_255 : memref<1x128xi32, #tpu.memory_space<vmem>> -> memref<128xi32, #tpu.memory_space<vmem>>
        %dma_start3A_257 = arith.constant 0 : i32
        %dma_start3A_258 = arith.constant 0 : i32
        %dma_start3A_259 = tpu.memref_slice %arg13[%dma_start3A_257, %dma_start3A_258] : memref<10240x128xf32, #tpu.memory_space<vmem_shared>> -> memref<10240x128xf32, #tpu.memory_space<vmem_shared>>
        tpu.enqueue_indirect_dma source(%arg12 : memref<128x128xf32, #tpu.memory_space<vmem>>) target(%dma_start3A_259 : memref<10240x128xf32, #tpu.memory_space<vmem_shared>>) offsets(%dma_start3A_256 : memref<128xi32, #tpu.memory_space<vmem>>) semaphore(%run_scoped3A_253 : memref<!tpu.dma_semaphore, #tpu.memory_space<semaphore_mem>>) {add = true}
        %dma_wait3A_260 = arith.constant 0 : i32
        %dma_wait3A_261 = tpu.memref_slice %arg9[%run_scoped3A_252, %dma_wait3A_260] : memref<2x128xi32, #tpu.memory_space<vmem>> -> memref<1x128xi32, #tpu.memory_space<vmem>>
        %dma_wait3A_262 = tpu.memref_squeeze %dma_wait3A_261 : memref<1x128xi32, #tpu.memory_space<vmem>> -> memref<128xi32, #tpu.memory_space<vmem>>
        %dma_wait3A_263 = arith.constant 0 : i32
        %dma_wait3A_264 = arith.constant 0 : i32
        %dma_wait3A_265 = tpu.memref_slice %arg13[%dma_wait3A_263, %dma_wait3A_264] : memref<10240x128xf32, #tpu.memory_space<vmem_shared>> -> memref<10240x128xf32, #tpu.memory_space<vmem_shared>>
        tpu.wait_indirect_dma semaphore(%run_scoped3A_253 : memref<!tpu.dma_semaphore, #tpu.memory_space<semaphore_mem>>) src(%arg12 : memref<128x128xf32, #tpu.memory_space<vmem>>) dst(%dma_wait3A_265 : memref<10240x128xf32, #tpu.memory_space<vmem_shared>>)
        tpu.yield
      }) : () -> ()
    }
    %scan3A_68 = arith.constant 20 : i32
    %barrier3A_69 = arith.constant 0 : index
    tpu.barrier barrier_id(%barrier3A_69)
    "tpu.region"() ({
      %run_scoped3A = tpu.sem_alloc : memref<!tpu.dma_semaphore, #tpu.memory_space<semaphore_mem>>
      %dma_start3A_70 = arith.constant 0 : i32
      %dma_start3A_71 = arith.constant 0 : i32
      %dma_start3A_72 = tpu.memref_slice %arg7[%arg0, %dma_start3A_70, %dma_start3A_71] : memref<2x10240x128xf32, #tpu.memory_space<hbm>> -> memref<1x10240x128xf32, #tpu.memory_space<hbm>>
      %dma_start3A_73 = tpu.memref_squeeze %dma_start3A_72 : memref<1x10240x128xf32, #tpu.memory_space<hbm>> -> memref<10240x128xf32, #tpu.memory_space<hbm>>
      %dma_start3A_74 = arith.constant 0 : i32
      %dma_start3A_75 = tpu.memref_slice %dma_start3A_73[%mul3A_4, %dma_start3A_74] : memref<10240x128xf32, #tpu.memory_space<hbm>> -> memref<640x128xf32, #tpu.memory_space<hbm>>
      %dma_start3A_76 = arith.constant 0 : i32
      %dma_start3A_77 = tpu.memref_slice %arg13[%mul3A_4, %dma_start3A_76] : memref<10240x128xf32, #tpu.memory_space<vmem_shared>> -> memref<640x128xf32, #tpu.memory_space<vmem_shared>>
      tpu.enqueue_dma source(%dma_start3A_77 : memref<640x128xf32, #tpu.memory_space<vmem_shared>>) target(%dma_start3A_75 : memref<640x128xf32, #tpu.memory_space<hbm>>) target_semaphore(%run_scoped3A : memref<!tpu.dma_semaphore, #tpu.memory_space<semaphore_mem>>)
      %dma_wait3A = arith.constant 0 : i32
      %dma_wait3A_78 = arith.constant 0 : i32
      %dma_wait3A_79 = tpu.memref_slice %arg7[%arg0, %dma_wait3A, %dma_wait3A_78] : memref<2x10240x128xf32, #tpu.memory_space<hbm>> -> memref<1x10240x128xf32, #tpu.memory_space<hbm>>
      %dma_wait3A_80 = tpu.memref_squeeze %dma_wait3A_79 : memref<1x10240x128xf32, #tpu.memory_space<hbm>> -> memref<10240x128xf32, #tpu.memory_space<hbm>>
      %dma_wait3A_81 = arith.constant 0 : i32
      %dma_wait3A_82 = tpu.memref_slice %dma_wait3A_80[%mul3A_4, %dma_wait3A_81] : memref<10240x128xf32, #tpu.memory_space<hbm>> -> memref<640x128xf32, #tpu.memory_space<hbm>>
      %dma_wait3A_83 = arith.constant 0 : i32
      %dma_wait3A_84 = tpu.memref_slice %arg13[%mul3A_4, %dma_wait3A_83] : memref<10240x128xf32, #tpu.memory_space<vmem_shared>> -> memref<640x128xf32, #tpu.memory_space<vmem_shared>>
      tpu.wait_dma2 semaphore(%run_scoped3A : memref<!tpu.dma_semaphore, #tpu.memory_space<semaphore_mem>>) src(%dma_wait3A_84 : memref<640x128xf32, #tpu.memory_space<vmem_shared>>) dst(%dma_wait3A_82 : memref<640x128xf32, #tpu.memory_space<hbm>>)
      tpu.yield
    }) : () -> ()
    return
  }
}

module attributes {stable_mosaic.version = 14 : i64} {
  func.func @body(%arg0: i32, %arg1: memref<1000x256xf32, #tpu.memory_space<vmem>>, %arg2: memref<256x256xf32, #tpu.memory_space<vmem>>, %arg3: memref<1x256xf32, #tpu.memory_space<vmem>>, %arg4: memref<2x1000x128xf32, #tpu.memory_space<vmem>>) attributes {dimension_semantics = [#tpu.dimension_semantics<arbitrary>], iteration_bounds = array<i64: 10>, scalar_prefetch = 0 : i64, scratch_operands = 0 : i64, tpu.core_type = #tpu.core_type<tc>, window_params = [{transform_indices = @transform_0, window_bounds = array<i64: 1000, 256>}, {pipeline_mode = #tpu.pipeline_mode<synchronous>, transform_indices = @transform_1, window_bounds = array<i64: 256, 256>}, {pipeline_mode = #tpu.pipeline_mode<synchronous>, transform_indices = @transform_2, window_bounds = array<i64: 1, 256>}, {transform_indices = @transform_3, window_bounds = array<i64: 2, 1000, 128>}]} {
    %get3A = arith.constant 0 : index
    %get3A_0 = arith.constant 0 : index
    %get3A_1 = vector.load %arg1[%get3A, %get3A_0] : memref<1000x256xf32, #tpu.memory_space<vmem>>, vector<1000x256xf32>
    %get3A_2 = arith.constant 0 : index
    %get3A_3 = arith.constant 0 : index
    %get3A_4 = vector.load %arg2[%get3A_2, %get3A_3] : memref<256x256xf32, #tpu.memory_space<vmem>>, vector<256x256xf32>
    %dot_general3A = arith.constant dense<0.000000e+00> : vector<1000x256xf32>
    %dot_general3A_5 = tpu.matmul %get3A_1, %get3A_4, %dot_general3A {dimension_numbers = #tpu.dot_dimension_numbers<[1], [1], [0], [0], [0, 0, 1, 0], [], []>, precision = #tpu.contract_precision<fp32>, transpose_lhs_hint = false} : vector<1000x256xf32>, vector<256x256xf32>, vector<1000x256xf32> -> vector<1000x256xf32>
    %get3A_6 = arith.constant 0 : index
    %get3A_7 = arith.constant 0 : index
    %get3A_8 = vector.load %arg3[%get3A_6, %get3A_7] : memref<1x256xf32, #tpu.memory_space<vmem>>, vector<1x256xf32>
    %add3A = vector.broadcast %get3A_8 : vector<1x256xf32> to vector<1000x256xf32>
    %add3A_9 = arith.addf %dot_general3A_5, %add3A : vector<1000x256xf32>
    %slice3A = vector.extract_strided_slice %add3A_9 {offsets = [0, 0], sizes = [1000, 128], strides = [1, 1]} : vector<1000x256xf32> to vector<1000x128xf32>
    %swap3A = arith.constant 0 : index
    %swap3A_10 = arith.constant 0 : index
    %swap3A_11 = arith.constant 0 : index
    %swap3A_12 = vector.load %arg4[%swap3A, %swap3A_10, %swap3A_11] : memref<2x1000x128xf32, #tpu.memory_space<vmem>>, vector<1x1000x128xf32>
    %swap3A_13 = vector.shape_cast %swap3A_12 : vector<1x1000x128xf32> to vector<1000x128xf32>
    %swap3A_14 = vector.shape_cast %slice3A : vector<1000x128xf32> to vector<1x1000x128xf32>
    tpu.vector_store %arg4[%swap3A, %swap3A_10, %swap3A_11], %swap3A_14 {strides = array<i32>} : memref<2x1000x128xf32, #tpu.memory_space<vmem>>, vector<1x1000x128xf32>,
    %slice3A_15 = vector.extract_strided_slice %add3A_9 {offsets = [0, 128], sizes = [1000, 128], strides = [1, 1]} : vector<1000x256xf32> to vector<1000x128xf32>
    %swap3A_16 = arith.constant 1 : index
    %swap3A_17 = arith.constant 0 : index
    %swap3A_18 = arith.constant 0 : index
    %swap3A_19 = vector.load %arg4[%swap3A_16, %swap3A_17, %swap3A_18] : memref<2x1000x128xf32, #tpu.memory_space<vmem>>, vector<1x1000x128xf32>
    %swap3A_20 = vector.shape_cast %swap3A_19 : vector<1x1000x128xf32> to vector<1000x128xf32>
    %swap3A_21 = vector.shape_cast %slice3A_15 : vector<1000x128xf32> to vector<1x1000x128xf32>
    tpu.vector_store %arg4[%swap3A_16, %swap3A_17, %swap3A_18], %swap3A_21 {strides = array<i32>} : memref<2x1000x128xf32, #tpu.memory_space<vmem>>, vector<1x1000x128xf32>,
    return
  }
  func.func @transform_0(%arg0: i32) -> (i32, i32) {
    %c0_i32 = arith.constant 0 : i32
    %c0_i32_0 = arith.constant 0 : i32
    return %arg0, %c0_i32 : i32, i32
  }
  func.func @transform_1(%arg0: i32) -> (i32, i32) {
    %c0_i32 = arith.constant 0 : i32
    %c0_i32_0 = arith.constant 0 : i32
    %c0_i32_1 = arith.constant 0 : i32
    return %c0_i32, %c0_i32_0 : i32, i32
  }
  func.func @transform_2(%arg0: i32) -> (i32, i32) {
    %c0_i32 = arith.constant 0 : i32
    %c0_i32_0 = arith.constant 0 : i32
    %c0_i32_1 = arith.constant 0 : i32
    return %c0_i32, %c0_i32_0 : i32, i32
  }
  func.func @transform_3(%arg0: i32) -> (i32, i32, i32) {
    %c0_i32 = arith.constant 0 : i32
    %c0_i32_0 = arith.constant 0 : i32
    %c0_i32_1 = arith.constant 0 : i32
    return %c0_i32, %arg0, %c0_i32_0 : i32, i32, i32
  }
}

module attributes {stable_mosaic.version = 14 : i64} {
  func.func @body(%arg0: i32, %arg1: memref<1x1024x128xf32, #tpu.memory_space<vmem>>, %arg2: memref<1x1024x128xf32, #tpu.memory_space<vmem>>, %arg3: memref<64x256xf32, #tpu.memory_space<vmem>>, %arg4: memref<1x64xf32, #tpu.memory_space<vmem>>, %arg5: memref<1024x128xf32, #tpu.memory_space<vmem>>) attributes {dimension_semantics = [#tpu.dimension_semantics<arbitrary>], iteration_bounds = array<i64: 10>, scalar_prefetch = 0 : i64, scratch_operands = 0 : i64, tpu.core_type = #tpu.core_type<tc>, window_params = [{transform_indices = @transform_0, window_bounds = array<i64: 1, 1024, 128>}, {transform_indices = @transform_1, window_bounds = array<i64: 1, 1024, 128>}, {pipeline_mode = #tpu.pipeline_mode<synchronous>, transform_indices = @transform_2, window_bounds = array<i64: 64, 256>}, {pipeline_mode = #tpu.pipeline_mode<synchronous>, transform_indices = @transform_3, window_bounds = array<i64: 1, 64>}, {transform_indices = @transform_4, window_bounds = array<i64: 1024, 128>}]} {
    %get3A = arith.constant 0 : index
    %get3A_0 = arith.constant 0 : index
    %get3A_1 = arith.constant 0 : index
    %get3A_2 = vector.load %arg1[%get3A, %get3A_0, %get3A_1] : memref<1x1024x128xf32, #tpu.memory_space<vmem>>, vector<1x1024x128xf32>
    %get3A_3 = vector.shape_cast %get3A_2 : vector<1x1024x128xf32> to vector<1024x128xf32>
    %max3A = arith.constant 0.000000e+00 : f32
    %max3A_4 = vector.broadcast %max3A : f32 to vector<1024x128xf32>
    %max3A_5 = arith.maximumf %get3A_3, %max3A_4 : vector<1024x128xf32>
    %get3A_6 = arith.constant 0 : index
    %get3A_7 = arith.constant 0 : index
    %get3A_8 = arith.constant 0 : index
    %get3A_9 = vector.load %arg2[%get3A_6, %get3A_7, %get3A_8] : memref<1x1024x128xf32, #tpu.memory_space<vmem>>, vector<1x1024x128xf32>
    %get3A_10 = vector.shape_cast %get3A_9 : vector<1x1024x128xf32> to vector<1024x128xf32>
    %max3A_11 = arith.constant 0.000000e+00 : f32
    %max3A_12 = vector.broadcast %max3A_11 : f32 to vector<1024x128xf32>
    %max3A_13 = arith.maximumf %get3A_10, %max3A_12 : vector<1024x128xf32>
    %get3A_14 = arith.constant 0 : index
    %get3A_15 = arith.constant 0 : index
    %get3A_16 = vector.load %arg3[%get3A_14, %get3A_15] : memref<64x256xf32, #tpu.memory_space<vmem>>, vector<64x128xf32>
    %dot_general3A = arith.constant dense<0.000000e+00> : vector<1024x64xf32>
    %dot_general3A_17 = tpu.matmul %max3A_5, %get3A_16, %dot_general3A {dimension_numbers = #tpu.dot_dimension_numbers<[1], [1], [0], [0], [0, 0, 1, 0], [], []>, precision = #tpu.contract_precision<fp32>, transpose_lhs_hint = false} : vector<1024x128xf32>, vector<64x128xf32>, vector<1024x64xf32> -> vector<1024x64xf32>
    %get3A_18 = arith.constant 0 : index
    %get3A_19 = arith.constant 128 : index
    %get3A_20 = vector.load %arg3[%get3A_18, %get3A_19] : memref<64x256xf32, #tpu.memory_space<vmem>>, vector<64x128xf32>
    %dot_general3A_21 = arith.constant dense<0.000000e+00> : vector<1024x64xf32>
    %dot_general3A_22 = tpu.matmul %max3A_13, %get3A_20, %dot_general3A_21 {dimension_numbers = #tpu.dot_dimension_numbers<[1], [1], [0], [0], [0, 0, 1, 0], [], []>, precision = #tpu.contract_precision<fp32>, transpose_lhs_hint = false} : vector<1024x128xf32>, vector<64x128xf32>, vector<1024x64xf32> -> vector<1024x64xf32>
    %add3A = arith.addf %dot_general3A_17, %dot_general3A_22 : vector<1024x64xf32>
    %get3A_23 = arith.constant 0 : index
    %get3A_24 = arith.constant 0 : index
    %get3A_25 = vector.load %arg4[%get3A_23, %get3A_24] : memref<1x64xf32, #tpu.memory_space<vmem>>, vector<1x64xf32>
    %add3A_26 = vector.broadcast %get3A_25 : vector<1x64xf32> to vector<1024x64xf32>
    %add3A_27 = arith.addf %add3A, %add3A_26 : vector<1024x64xf32>
    %broadcast_in_dim3A = arith.constant 0.000000e+00 : f32
    %broadcast_in_dim3A_28 = vector.broadcast %broadcast_in_dim3A : f32 to vector<1024x64xf32>
    %concatenate3A = tpu.concatenate %add3A_27, %broadcast_in_dim3A_28 in 1 : vector<1024x64xf32>, vector<1024x64xf32> -> vector<1024x128xf32>
    %swap3A = arith.constant 0 : index
    %swap3A_29 = arith.constant 0 : index
    %swap3A_30 = vector.load %arg5[%swap3A, %swap3A_29] : memref<1024x128xf32, #tpu.memory_space<vmem>>, vector<1024x128xf32>
    tpu.vector_store %arg5[%swap3A, %swap3A_29], %concatenate3A {strides = array<i32>} : memref<1024x128xf32, #tpu.memory_space<vmem>>, vector<1024x128xf32>,
    return
  }
  func.func @transform_0(%arg0: i32) -> (i32, i32, i32) {
    %c0_i32 = arith.constant 0 : i32
    %c0_i32_0 = arith.constant 0 : i32
    %c0_i32_1 = arith.constant 0 : i32
    return %c0_i32, %arg0, %c0_i32_0 : i32, i32, i32
  }
  func.func @transform_1(%arg0: i32) -> (i32, i32, i32) {
    %c1_i32 = arith.constant 1 : i32
    %c0_i32 = arith.constant 0 : i32
    %c0_i32_0 = arith.constant 0 : i32
    return %c1_i32, %arg0, %c0_i32 : i32, i32, i32
  }
  func.func @transform_2(%arg0: i32) -> (i32, i32) {
    %c0_i32 = arith.constant 0 : i32
    %c0_i32_0 = arith.constant 0 : i32
    %c0_i32_1 = arith.constant 0 : i32
    return %c0_i32, %c0_i32_0 : i32, i32
  }
  func.func @transform_3(%arg0: i32) -> (i32, i32) {
    %c0_i32 = arith.constant 0 : i32
    %c0_i32_0 = arith.constant 0 : i32
    %c0_i32_1 = arith.constant 0 : i32
    return %c0_i32, %c0_i32_0 : i32, i32
  }
  func.func @transform_4(%arg0: i32) -> (i32, i32) {
    %c0_i32 = arith.constant 0 : i32
    %c0_i32_0 = arith.constant 0 : i32
    return %arg0, %c0_i32 : i32, i32
  }
}

module attributes {stable_mosaic.version = 14 : i64} {
  func.func @body(%arg0: i32, %arg1: memref<1x1024x128xf32, #tpu.memory_space<vmem>>, %arg2: memref<1x1024x128xf32, #tpu.memory_space<vmem>>, %arg3: memref<1024x64xf32, #tpu.memory_space<vmem>>) attributes {dimension_semantics = [#tpu.dimension_semantics<arbitrary>], iteration_bounds = array<i64: 10>, scalar_prefetch = 0 : i64, scratch_operands = 0 : i64, tpu.core_type = #tpu.core_type<tc>, window_params = [{transform_indices = @transform_0, window_bounds = array<i64: 1, 1024, 128>}, {transform_indices = @transform_1, window_bounds = array<i64: 1, 1024, 128>}, {transform_indices = @transform_2, window_bounds = array<i64: 1024, 64>}]} {
    %get3A = arith.constant 0 : index
    %get3A_0 = arith.constant 0 : index
    %get3A_1 = arith.constant 0 : index
    %get3A_2 = vector.load %arg1[%get3A, %get3A_0, %get3A_1] : memref<1x1024x128xf32, #tpu.memory_space<vmem>>, vector<1x1024x128xf32>
    %get3A_3 = vector.shape_cast %get3A_2 : vector<1x1024x128xf32> to vector<1024x128xf32>
    %slice3A = vector.extract_strided_slice %get3A_3 {offsets = [0, 0], sizes = [1024, 64], strides = [1, 1]} : vector<1024x128xf32> to vector<1024x64xf32>
    %get3A_4 = arith.constant 0 : index
    %get3A_5 = arith.constant 0 : index
    %get3A_6 = arith.constant 0 : index
    %get3A_7 = vector.load %arg2[%get3A_4, %get3A_5, %get3A_6] : memref<1x1024x128xf32, #tpu.memory_space<vmem>>, vector<1x1024x128xf32>
    %get3A_8 = vector.shape_cast %get3A_7 : vector<1x1024x128xf32> to vector<1024x128xf32>
    %slice3A_9 = vector.extract_strided_slice %get3A_8 {offsets = [0, 0], sizes = [1024, 64], strides = [1, 1]} : vector<1024x128xf32> to vector<1024x64xf32>
    %add3A = arith.addf %slice3A, %slice3A_9 : vector<1024x64xf32>
    %swap3A = arith.constant 0 : index
    %swap3A_10 = arith.constant 0 : index
    %swap3A_11 = vector.load %arg3[%swap3A, %swap3A_10] : memref<1024x64xf32, #tpu.memory_space<vmem>>, vector<1024x64xf32>
    tpu.vector_store %arg3[%swap3A, %swap3A_10], %add3A {strides = array<i32>} : memref<1024x64xf32, #tpu.memory_space<vmem>>, vector<1024x64xf32>,
    return
  }
  func.func @transform_0(%arg0: i32) -> (i32, i32, i32) {
    %c0_i32 = arith.constant 0 : i32
    %c0_i32_0 = arith.constant 0 : i32
    %c0_i32_1 = arith.constant 0 : i32
    return %c0_i32, %arg0, %c0_i32_0 : i32, i32, i32
  }
  func.func @transform_1(%arg0: i32) -> (i32, i32, i32) {
    %c1_i32 = arith.constant 1 : i32
    %c0_i32 = arith.constant 0 : i32
    %c0_i32_0 = arith.constant 0 : i32
    return %c1_i32, %arg0, %c0_i32 : i32, i32, i32
  }
  func.func @transform_2(%arg0: i32) -> (i32, i32) {
    %c0_i32 = arith.constant 0 : i32
    %c0_i32_0 = arith.constant 0 : i32
    return %arg0, %c0_i32 : i32, i32
  }
}

</mosaic_0001>

<sc_bundles>
// kernel: kernel.10.cloned.1.call-start
scs
__scs_entry_jumppad:
0x0: {  	(pc) =	sbr.rel $0x88, $3  }
0x1: {  	(tag) =	ssettag $0x0;
	lr =	simm.s32 $0x1  }
0x2: {  	[smem:$0x3F9A] =	sst lr;
	_ =	strace $0xD0000000  }
0x3: {  	_ = 	snop  }
0x4: {  	_ = 	snop  }
0x5: {  	_ = 	snop  }
0x6: {  	_ = 	snop  }
0x7: {  	_ = 	snop  }
__scs_overlays_trampoline_lowered:
0x8: {  	[smem:$0x3FA9] =	sst s0  }
0x9: {  	[smem:$0x3FAA] =	sst s1  }
0xa: {  	[smem:$0x3FAB] =	sst s2  }
0xb: {  	[smem:$0x3FAC] =	sst s3  }
0xc: {  	[smem:$0x3FAD] =	sst s4  }
0xd: {  	[smem:$0x3FAE] =	sst s5  }
0xe: {  	[smem:$0x3FAF] =	sst s6  }
0xf: {  	[smem:$0x3FB0] =	sst s7  }
0x10: {  	[smem:$0x3FB1] =	sst s8  }
0x11: {  	[smem:$0x3FB2] =	sst s9;
	s0 =	simm.s32 @!p0 $0x0  }
0x12: {  	s1 =	sld [smem:$0x3F98];
	s0 =	simm.s32 @p0 $0x1  }
0x13: {  	[smem:$0x3FB3] =	sst s0;
	s0 =	simm.s32 @!p1 $0x0  }
0x14: {  	s2 =	sld [smem:$0x3F97];
	s0 =	simm.s32 @p1 $0x1  }
0x15: {  	[smem:$0x3FB4] =	sst s0;
	s0 =	simm.s32 @!p2 $0x0  }
0x16: {  	s3 =	sld [smem:$0x3FDB];
	s0 =	simm.s32 @p2 $0x1  }
0x17: {  	s4 =	simm.s32 $0x1BF5;
	[smem:$0x3FB6] =	sst s0  }
0x18: {  	s0 =	sld [smem:$0x3F99];
	_ =	swait.ge [sflag:s4], $0x0  }
0x19: {  	s7 =	sld [smem:$0x3F9A]  }
0x1a: {  	s8 =	sadd.s32 $0xFFFFE003, lr  }
0x1b: {  	s9 =	sadd.s32 $0xFFFFFEF7, lr;
	s5 =	simm.s32 $0xFFFFFFFF;
	p2 =	slt.u32 s8, $0xFFFFF086  }
0x1c: {  	p1 =	slt.u32 s9, $0xF7A;
	s5 =	simm.s32 @!p2 $0x0  }
0x1d: {  	s5 =	simm.s32 @p1 $0x1;
	p0 =	seq.s32 s7, s2  }
0x1e: {  	s7 =	smul.u32 @!p0 $0xF7A, s2;
	p2 =	seq.s32 @!p0 s5, $0x0  }
0x1f: {  	s9 =	smul.u32 $0xF7A, s1;
	s8 =	simm.s32 @!p0 $0x1BF5;
	p2 =	por !p2, p0  }
0x20: {  	[sflag:s8] =	ssyncset.s32 @!p0 $0xFFFFF086;
	s6 =	sadd.s32 @!p0 s3, s7;
	s7 =	simm.s32 @!p0 $0x108  }
0x21: {  	s3 =	sadd.s32 s3, s9;
	s6 =	sadd.s32 @!p0 $0x88, s6;
	s7 =	simm.s32 @p2 $0x1082  }
0x22: {  	[simem:s7], [sflag:s8] =	dma.local @!p0 [hbm:s6], $0xF7A  }
0x23: {  	s9 =	sor.u32 $0xD0000000, s2;
	s6 =	simm.s32 $0x108;
	_ =	swait.ge @!p0 [sflag:s8], $0x0  }
0x24: {  	s3 =	sadd.s32 $0x88, s3;
	s6 =	simm.s32 @!p1 $0x1082;
	[sflag:s4] =	ssyncset.s32 $0xFFFFF086  }
0x25: {  	[simem:s6], [sflag:s4] =	dma.local [hbm:s3], $0xF7A  }
0x26: {  	[smem:$0x3F9A] =	sst s1;
	(tag) =	ssettag s2;
	_ =	strace s9  }
0x27: {  	s1 =	sld [smem:$0x3FAA]  }
0x28: {  	s2 =	sld [smem:$0x3FAB]  }
0x29: {  	s4 =	sld [smem:$0x3FAD]  }
0x2a: {  	p0 =	seq.s32 s5, $0x0;
	s5 =	sld [smem:$0x3FAE]  }
0x2b: {  	s6 =	sld [smem:$0x3FAF]  }
0x2c: {  	s7 =	sld [smem:$0x3FB0]  }
0x2d: {  	s3 =	simm.s32 $0x108;
	s8 =	sld [smem:$0x3FB1]  }
0x2e: {  	s3 =	simm.s32 @!p0 $0x1082;
	s9 =	sld [smem:$0x3FB2]  }
0x2f: {  	lr =	sadd.s32 s0, s3;
	s0 =	sld [smem:$0x3FA9]  }
0x30: {  	s3 =	sld [smem:$0x3FAC]  }
0x31: {  	[smem:$0x3FB5] =	sst s10  }
0x32: {  	s10 =	sld [smem:$0x3FB3];
	_ =	sdelay $0x3  }
0x33: {  	p0 =	seq.s32 s10, $0x1;
	s10 =	sld [smem:$0x3FB5];
	_ =	sdelay $0x3  }
0x34: {  	[smem:$0x3FB5] =	sst s10  }
0x35: {  	s10 =	sld [smem:$0x3FB4];
	_ =	sdelay $0x3  }
0x36: {  	p1 =	seq.s32 s10, $0x1;
	s10 =	sld [smem:$0x3FB5];
	_ =	sdelay $0x3  }
0x37: {  	[smem:$0x3FB5] =	sst s10  }
0x38: {  	s10 =	sld [smem:$0x3FB6]  }
0x39: {  	_ = 	snop;
	(pc) =	sbr.ind lr, $3  }
0x3a: {  	_ = 	snop  }
0x3b: {  	_ = 	snop  }
0x3c: {  	p2 =	seq.s32 s10, $0x1;
	s10 =	sld [smem:$0x3FB5]  }
0x3d: {  	_ =	shalt  }
0x3e: {  	_ =	shalt  }
0x3f: {  	_ =	shalt  }
0x40: {  	_ =	shalt  }
0x41: {  	_ =	shalt  }
0x42: {  	_ =	shalt  }
0x43: {  	_ =	shalt  }
0x44: {  	_ =	shalt  }
0x45: {  	_ =	shalt  }
0x46: {  	_ =	shalt  }
0x47: {  	_ =	shalt  }
0x48: {  	_ =	shalt  }
0x49: {  	_ =	shalt  }
0x4a: {  	_ =	shalt  }
0x4b: {  	_ =	shalt  }
0x4c: {  	_ =	shalt  }
0x4d: {  	_ =	shalt  }
0x4e: {  	_ =	shalt  }
0x4f: {  	_ =	shalt  }
0x50: {  	_ =	shalt  }
0x51: {  	_ =	shalt  }
0x52: {  	_ =	shalt  }
0x53: {  	_ =	shalt  }
0x54: {  	_ =	shalt  }
0x55: {  	_ =	shalt  }
0x56: {  	_ =	shalt  }
0x57: {  	_ =	shalt  }
0x58: {  	_ =	shalt  }
0x59: {  	_ =	shalt  }
0x5a: {  	_ =	shalt  }
0x5b: {  	_ =	shalt  }
0x5c: {  	_ =	shalt  }
0x5d: {  	_ =	shalt  }
0x5e: {  	_ =	shalt  }
0x5f: {  	_ =	shalt  }
0x60: {  	_ =	shalt  }
0x61: {  	_ =	shalt  }
0x62: {  	_ =	shalt  }
0x63: {  	_ =	shalt  }
0x64: {  	_ =	shalt  }
0x65: {  	_ =	shalt  }
0x66: {  	_ =	shalt  }
0x67: {  	_ =	shalt  }
0x68: {  	_ =	shalt  }
0x69: {  	_ =	shalt  }
0x6a: {  	_ =	shalt  }
0x6b: {  	_ =	shalt  }
0x6c: {  	_ =	shalt  }
0x6d: {  	_ =	shalt  }
0x6e: {  	_ =	shalt  }
0x6f: {  	_ =	shalt  }
0x70: {  	_ =	shalt  }
0x71: {  	_ =	shalt  }
0x72: {  	_ =	shalt  }
0x73: {  	_ =	shalt  }
0x74: {  	_ =	shalt  }
0x75: {  	_ =	shalt  }
0x76: {  	_ =	shalt  }
0x77: {  	_ =	shalt  }
0x78: {  	_ =	shalt  }
0x79: {  	_ =	shalt  }
0x7a: {  	_ =	shalt  }
0x7b: {  	_ =	shalt  }
0x7c: {  	_ =	shalt  }
0x7d: {  	_ =	shalt  }
0x7e: {  	_ =	shalt  }
0x7f: {  	_ =	shalt  }
0x80: {  	_ =	shalt  }
0x81: {  	_ =	shalt  }
0x82: {  	_ =	shalt  }
0x83: {  	_ =	shalt  }
0x84: {  	_ =	shalt  }
0x85: {  	_ =	shalt  }
0x86: {  	_ =	shalt  }
0x87: {  	_ =	shalt  }
.Lfunc_end0:
.L_simem_size_0:
called_computation.1_lowered:
.L_overlay_start_0:
0x88: {  	s2 =	sld [smem:$0x3FD9]  }
0x89: {  	s3 =	sld [smem:$0x3FFE];
	_ =	sdelay $0x1  }
0x8a: {  	s1 =	srdreg.scid  }
0x8b: {  	s0 =	sand.u32 $0x1, s1  }
0x8c: {  	s17 =	sshll.u32 s0, $0xA;
	s2 =	sadd.s32 s3, s2  }
0x8d: {  	s2 =	sadd.s32 s2, s17  }
0x8e: {  	[smem:$0x3FC1] =	sst s2  }
0x8f: {  	_ = 	snop  }
0x90: {  	s2 =	sld [smem:$0x3FD0];
	(tm) =	ssettm $0x1  }
0x91: {  	s18 =	sld [smem:$0x3FFB];
	_ =	sdelay $0x3  }
0x92: {  	_ =	strace s18  }
0x93: {  	s3 =	sld [smem:$0x3FFC];
	_ =	sdelay $0x3  }
0x94: {  	_ =	strace s3  }
0x95: {  	s3 =	sld [smem:$0x3FFD];
	_ =	sdelay $0x3  }
0x96: {  	_ =	strace s3  }
0x97: {  	_ =	strace $0x8FFFFFFF  }
0x98: {  	s19 =	sld [smem:$0x3FDB];
	_ =	sdelay $0x1  }
0x99: {  	s4 =	simm.s32 $_scs_section_size  }
0x9a: {  	s5 =	simm.s32 $_size__tile_overlayer_lowered;
	s6 =	simm.s32 $_tile_overlayer_lowered  }
0x9b: {  	s22 =	simm.s32 $0x1BFF;
	s21 =	sshll.u32 s6, $0x1;
	s3 =	sadd.s32 s4, s19  }
0x9c: {  	s7 =	simm.s32 $0x0;
	s20 =	sshll.u32 s5, $0x1;
	s5 =	sadd.s32 s21, s3  }
0x9d: {  	[timem:s7], [sflag:s22] =	dma.local [hbm:s5], s20  }
0x9e: {  	_ =	swait.ge [sflag:s22], s20  }
0x9f: {  	s4 =	ssub.s32 $0x0, s20;
	[sflag:s22] =	ssyncset.done $0x0  }
0xa0: {  	[sflag:s22] =	ssyncadd.s32 s4;
	_ =	sdelay $0x1  }
0xa1: {  	s23 =	simm.s32 $0x1B8B  }
0xa2: {  	_ =	swait.ge [sflag:s23], $0x1  }
0xa3: {  	[sflag:s23] =	ssyncset.done $0x0  }
0xa4: {  	s25 =	simm.s32 $0x1B8E;
	s24 =	sld [smem:$0x3FFE];
	[sflag:s23] =	ssyncadd.s32 $0xFFFFFFFF  }
0xa5: {  	s26 =	simm.s32 $execute0_lowered;
	[smem:$0x3FD2] =	sst s25  }
0xa6: {  	s5 =	sshll.u32 s26, $0x1;
	_ =	strace $0x80000049;
	[dreg:$0x1] =	wrdreg $0xFFFFFFFF  }
0xa7: {  	s28 =	simm.s32 $_size_execute0_lowered;
	s3 =	sadd.s32 s3, s5;
	[dreg:$0x0] =	wrdreg $0x0  }
0xa8: {  	s5 =	sshll.u32 s28, $0x1;
	[dreg:$0x2] =	wrdreg s3  }
0xa9: {  	[dreg:$0x3] =	wrdreg s5  }
0xaa: {  	[dreg:$0x4] =	wrdreg $0xC0  }
0xab: {  	_ =	task [dreg:s7], $0x5FFFF  }
0xac: {  	[dreg:$0x1] =	wrdreg $0xFFFFFFFF  }
0xad: {  	[dreg:$0x0] =	wrdreg $0x60  }
0xae: {  	[dreg:$0x2] =	wrdreg s24  }
0xaf: {  	[dreg:$0x3] =	wrdreg s2  }
0xb0: {  	[dreg:$0x4] =	wrdreg $0x96000  }
0xb1: {  	[dreg:$0x5] =	wrdreg $0x9  }
0xb2: {  	_ =	task.clear_ibuf [dreg:s7], $0x6FFFF;
	_ =	strace $0x90000049  }
0xb3: {  	s29 =	simm.s32 $0x9;
	_ =	strace $0x8000004B  }
0xb4: {  	_ =	swait.ge [sflag:s29], $0x1  }
0xb5: {  	[sflag:s29] =	ssyncadd.s32 $0xFFFFFFFF  }
0xb6: {  	_ =	strace $0x9000004B  }
0xb7: {  	_ =	sfence  }
0xb8: {  	s30 =	sld [smem:$0x0];
	_ =	sdelay $0x2  }
0xb9: {  	s31 =	sshll.u32 s1, $0xD;
	s1 =	sshrl.u32 s1, $0x2  }
0xba: {  	s3 =	sand.u32 $0x4000, s31;
	s1 =	sadd.s32 s1, s30  }
0xbb: {  	s0 =	sor.u32 s3, s0;
	s1 =	sshll.u32 s1, $0x11  }
0xbc: {  	s0 =	sor.u32 s1, s0  }
0xbd: {  	s0 =	sadd.s32 $0x8F2B, s0  }
0xbe: {  	[sflag:s0] =	ssyncadd.remote.s32 $0x1  }
0xbf: {  	_ =	sfence.sel $0xFFFF  }
0xc0: {  	[dreg:$0x0] =	wrdreg $0xFFFFFFFF;
	(pc) =	sbr.abs _section_cstart, $3  }
0xc1: {  	[dreg:$0x1] =	wrdreg $0xFFFFFFFF  }
0xc2: {  	_ =	task.clear_ibuf [dreg:s7], $0x2FFFF;
	_ =	strace $0x9FFFFFFF  }
0xc3: {  	(tm) =	ssettm $0x7FFFFFFF  }
tec
execute0_lowered:
.L_overlay_start_1:
0x0: {  	(tag) =	ssettag $0x1  }
0x1: {  	s0 =	rddreg [dreg:$0x0]  }
0x2: {  	s3 =	rddreg [dreg:$0x1]  }
0x3: {  	s1 =	rddreg [dreg:$0x2];
	s2 =	simm.s32 $0x0  }
0x4: {  	s4 =	srdreg.scid;
	s16 =	stileid.u32;
	s13 =	simm.s32 $0x7  }
0x5: {  	s14 =	simm.s32 $0x40;
	s15 =	simm.s32 $0x1600;
	s17 =	simm.s32 $0x1400  }
0x6: {  	s28 =	simm.s32 $0x5;
	s29 =	simm.s32 $0x3;
	s30 =	simm.s32 $0x80  }
0x7: {  	s31 =	simm.s32 $0x2;
	[smem:$0x7FF] =	sst s2;
	s7 =	sand.u32 $0x1, s4  }
0x8: {  	s4 =	sadd.s32 $0xB400, s0;
	s5 =	sadd.s32 $0x6400, s0;
	s12 =	smul.u32 $0x50000, s16  }
0x9: {  	s11 =	sadd.s32 $0x59600, s0;
	s25 =	smul.u32 $0x2800, s16;
	s26 =	sshll.u32 s16, $0x6  }
0xa: {  	_ =	strace $0x8000004A;
	s6 =	sshll.u32 s7, $0x4;
	s8 =	smul.u32 $0x28000, s7  }
0xb: {  	s7 =	ssub.s32 $0x2, s7;
	[dreg:$0x4] =	wrdreg s11;
	s19 =	sor.u32 $0x1C07, s26  }
0xc: {  	s26 =	simm.s32 $0x1;
	s9 =	sor.u32 s16, s6;
	s6 =	sadd.s32 $0x1400, s0  }
0xd: {  	s21 =	sshrl.u32 s7, $0x1;
	s23 =	sshrl.u32 s12, $0x2;
	s10 =	smul.u32 $0x280, s9  }
0xe: {  	s16 =	simm.s32 $0x0;
	s0 =	sadd.s32 s8, s0;
	s7 =	ssub.s32 s7, s21  }
0xf: {  	v0 =	vimm.s32 $0x0;
	s8 =	smul.u32 $0x28, s9;
	s21 =	simm.s32 $0x5600;
	s3 =	sadd.s32 s3, s10  }
0x10: {  	v1 =	vimm.s32 $0x1;
	v2 =	vimm.s32 $0x2;
	v3 =	vimm.s32 $0x3;
	s0 =	sadd.s32 $0x5BE00, s0;
	s22 =	sadd.s32 s5, s10;
	[dreg:$0x5] =	wrdreg s3  }
0x11: {  	v4 =	vimm.s32 $0x4;
	v5 =	vimm.s32 $0x5;
	v6 =	vimm.s32 $0x6;
	s12 =	smax.u32 s7, $0x1;
	s24 =	sadd.s32 s6, s10;
	[dreg:$0x6] =	wrdreg s22  }
0x12: {  	v7 =	vimm.s32 $0x7;
	v8 =	vimm.s32 $0x8;
	v9 =	vimm.s32 $0x9;
	[dreg:$0x7] =	wrdreg s24;
	s3 =	sadd.s32 s23, s1;
	s22 =	simm.s32 $0x7600  }
0x13: {  	v10 =	vimm.s32 $0xA;
	v11 =	vimm.s32 $0xB;
	v12 =	vimm.s32 $0xC;
	s23 =	simm.s32 $0x1480;
	s24 =	sadd.s32 s25, s0;
	s25 =	simm.s32 $0x1580  }
0x14: {  	v13 =	vimm.s32 $0xD;
	v14 =	vimm.s32 $0xE;
	v15 =	vimm.s32 $0xF;
	s0 =	simm.s32 $0x6;
	s20 =	sshrl.u32 s3, $0x3;
	s3 =	simm.s32 $0x4  }
.LBB2_1:
0x15: {  	s7 =	rddreg [dreg:$0x5]  }
0x16: {  	[tilespmem:s2], [sflag:$0x7] =	stream.linear.gather [hbm4b:s7+s2], $0x1400, $0x38;
	[tilespmem:$0x1D600] =	vst v63  }
0x17: {  	_ =	swait.ge [sflag:s13], $0x1400  }
0x18: {  	[sflag:s13] =	ssyncset.done $0x0  }
0x19: {  	[sflag:s13] =	ssyncadd.s32 $0xFFFFEC00  }
0x1a: {  	[tilespmem:s15], [sflag:$0x1] =	stream.indirect.gather [hbm4b:s4+s14], $0x80, s2, s14, $0xb8;
	[tilespmem:$0x1D600] =	vst v63  }
0x1b: {  	s9 =	simm.s32 $0x3600;
	s10 =	rddreg [dreg:$0x6]  }
0x1c: {  	[tilespmem:s9], [sflag:$0x5] =	stream.indirect.gather [hbm4b:s4+s14], $0x80, s14, s14, $0xb8;
	[tilespmem:$0x1D600] =	vst v63  }
0x1d: {  	s11 =	rddreg [dreg:$0x7]  }
0x1e: {  	[tilespmem:s17], [sflag:$0x3] =	stream.linear.gather [hbm4b:s10+s2], $0x80, $0x38;
	[tilespmem:$0x1D600] =	vst v63  }
0x1f: {  	s18 =	rddreg [dreg:$0x4];
	s9 =	simm.s32 $0x1500  }
0x20: {  	[tilespmem:s9], [sflag:$0x3] =	stream.linear.gather [hbm4b:s11+s2], $0x80, $0x38;
	[tilespmem:$0x1D600] =	vst v63  }
0x21: {  	[spmem:s20], [sflag:s19] =	dma.local [hbm:s18], $0x2800  }
0x22: {  	_ =	swait.ge [sflag:s13], $0x2800  }
0x23: {  	[sflag:s13] =	ssyncset.done $0x0  }
0x24: {  	[sflag:s13] =	ssyncadd.s32 $0xFFFFD800  }
0x25: {  	s18 =	simm.s32 $0x0;
	[bflag:$0x0] =	sbarrier.arrive $0xFFFF  }
.LBB2_2:
0x26: {  	s9 =	sshllo.u32 s18, $0x1  }
0x27: {  	s7 =	sshll.u32 s9, $0x7  }
0x28: {  	s10 =	sand.u32 $0x3FFFFF80, s7;
	s7 =	sshll.u32 s18, $0x1  }
0x29: {  	[tilespmem:s21], [sflag:$0x2] =	stream.indirect.gather [hbm4b:s4+s14], $0x80, s10, s14, $0xb8;
	[tilespmem:$0x1D600] =	vst v63  }
0x2a: {  	s10 =	sor.u32 $0x40, s10;
	s11 =	sadd.s32 s8, s7  }
0x2b: {  	[tilespmem:s22], [sflag:$0x6] =	stream.indirect.gather [hbm4b:s4+s14], $0x80, s10, s14, $0xb8;
	[tilespmem:$0x1D600] =	vst v63  }
0x2c: {  	s9 =	sshll.u32 s9, $0x4;
	s10 =	sshll.u32 s11, $0x4  }
0x2d: {  	s9 =	sand.u32 $0x70, s9;
	s10 =	sand.u32 $0xFFFFF80, s10  }
0x2e: {  	s10 =	sor.u32 s9, s10  }
0x2f: {  	s9 =	simm.s32 $0x0;
	s11 =	sadd.s32 s5, s10  }
0x30: {  	[tilespmem:s23], [sflag:$0x4] =	stream.linear.gather [hbm4b:s11+s9], $0x80, $0x38;
	[tilespmem:$0x1D600] =	vst v63  }
0x31: {  	s10 =	sadd.s32 s6, s10  }
0x32: {  	[tilespmem:s25], [sflag:$0x4] =	stream.linear.gather [hbm4b:s10+s9], $0x80, $0x38;
	[tilespmem:$0x1D600] =	vst v63  }
0x33: {  	_ =	swait.ge [sflag:s26], $0x2000  }
0x34: {  	[sflag:s26] =	ssyncset.done $0x0  }
0x35: {  	[sflag:s26] =	ssyncadd.s32 $0xFFFFE000  }
0x36: {  	_ =	swait.ge [sflag:s28], $0x2000  }
0x37: {  	[sflag:s28] =	ssyncset.done $0x0  }
0x38: {  	[sflag:s28] =	ssyncadd.s32 $0xFFFFE000  }
0x39: {  	_ =	swait.ge [sflag:s29], $0x80  }
0x3a: {  	[sflag:s29] =	ssyncset.done $0x0  }
0x3b: {  	[sflag:s29] =	ssyncadd.s32 $0xFFFFFF80  }
0x3c: {  	_ =	swait.ge [sflag:s29], $0x80  }
0x3d: {  	[sflag:s29] =	ssyncset.done $0x0  }
0x3e: {  	s10 =	simm.s32 $0x1A00;
	[sflag:s29] =	ssyncadd.s32 $0xFFFFFF80  }
.LBB2_3:
0x3f: {  	s11 =	sshra.s32 s9, $0x2  }
0x40: {  	v16 =	vld [tilespmem:s11+$0x1500];
	_ =	sdelay $0x1  }
0x41: {  	v17 =	vld [tilespmem:s10+$0xFFFFFC00]  }
0x42: {  	v18 =	vld [tilespmem:s10+$0xFFFFFC80]  }
0x43: {  	v21 =	vld [tilespmem:s10+$0xFFFFFD80]  }
0x44: {  	v19 =	vld [tilespmem:s10+$0xFFFFFD00];
	v20 =	vperm.xlane v16, v0  }
0x45: {  	v25 =	vld [tilespmem:s10+$0xFFFFFE80];
	v22 =	vperm.xlane v16, v1  }
0x46: {  	v23 =	vld [tilespmem:s10+$0xFFFFFE00];
	v26 =	vperm.xlane v16, v3;
	v17 =	vmul.f32 v17, v20  }
0x47: {  	v27 =	vld [tilespmem:s10+$0xFFFFFF00];
	v24 =	vperm.xlane v16, v2;
	v18 =	vmul.f32 v18, v22  }
0x48: {  	v28 =	vld [tilespmem:s10+$0xFFFFFF80];
	v62 =	vperm.xlane v16, v5;
	v61 =	vmul.f32 v21, v26;
	[tilespmem:s10+$0xFFFFFC00] =	vst v17  }
0x49: {  	v29 =	vld [tilespmem:s10+$0xFFFFFC10];
	v60 =	vperm.xlane v16, v4;
	v17 =	vmul.f32 v19, v24;
	[tilespmem:s10+$0xFFFFFC80] =	vst v18  }
0x4a: {  	v30 =	vld [tilespmem:s10+$0xFFFFFC90];
	v63 =	vperm.xlane v16, v6;
	v33 =	vmul.f32 v25, v62;
	[tilespmem:s10+$0xFFFFFD80] =	vst v61  }
0x4b: {  	v31 =	vld [tilespmem:s10+$0xFFFFFD10];
	v34 =	vperm.xlane v16, v7;
	[tilespmem:s10+$0xFFFFFD00] =	vst v17;
	v17 =	vmul.f32 v23, v60  }
0x4c: {  	v39 =	vld [tilespmem:s10+$0xFFFFFF90];
	v27 =	vmul.f32 v27, v63;
	[tilespmem:s10+$0xFFFFFE80] =	vst v33  }
0x4d: {  	v28 =	vmul.f32 v28, v34;
	[tilespmem:s10+$0xFFFFFE00] =	vst v17;
	v17 =	vld [tilespmem:s10+$0xFFFFFD90]  }
0x4e: {  	v50 =	vld [tilespmem:s10+$0xFFFFFE30];
	v29 =	vmul.f32 v29, v20;
	[tilespmem:s10+$0xFFFFFF00] =	vst v27  }
0x4f: {  	v52 =	vld [tilespmem:s10+$0xFFFFFF30];
	v30 =	vmul.f32 v30, v22;
	[tilespmem:s10+$0xFFFFFF80] =	vst v28  }
0x50: {  	v35 =	vld [tilespmem:s10+$0xFFFFFE10];
	v38 =	vmul.f32 v31, v24;
	[tilespmem:s10+$0xFFFFFC10] =	vst v29  }
0x51: {  	v36 =	vld [tilespmem:s10+$0xFFFFFE90];
	v31 =	vmul.f32 v39, v34;
	[tilespmem:s10+$0xFFFFFC90] =	vst v30  }
0x52: {  	v37 =	vld [tilespmem:s10+$0xFFFFFF10];
	[tilespmem:s10+$0xFFFFFD10] =	vst v38;
	v17 =	vmul.f32 v17, v26  }
0x53: {  	v40 =	vld [tilespmem:s10+$0xFFFFFC20];
	v55 =	vmul.f32 v50, v60;
	[tilespmem:s10+$0xFFFFFF90] =	vst v31  }
0x54: {  	v58 =	vmul.f32 v52, v63;
	[tilespmem:s10+$0xFFFFFD90] =	vst v17;
	v17 =	vld [tilespmem:s10+$0xFFFFFD20]  }
0x55: {  	v41 =	vld [tilespmem:s10+$0xFFFFFCA0];
	v18 =	vmul.f32 v35, v60;
	[tilespmem:s10+$0xFFFFFE30] =	vst v55  }
0x56: {  	v45 =	vld [tilespmem:s10+$0xFFFFFF20];
	v27 =	vmul.f32 v36, v62;
	[tilespmem:s10+$0xFFFFFF30] =	vst v58  }
0x57: {  	v47 =	vld [tilespmem:s10+$0xFFFFFC30];
	v28 =	vmul.f32 v37, v63;
	[tilespmem:s10+$0xFFFFFE10] =	vst v18  }
0x58: {  	v42 =	vld [tilespmem:s10+$0xFFFFFDA0];
	v30 =	vmul.f32 v40, v20;
	[tilespmem:s10+$0xFFFFFE90] =	vst v27  }
0x59: {  	v43 =	vld [tilespmem:s10+$0xFFFFFE20];
	[tilespmem:s10+$0xFFFFFF10] =	vst v28;
	v17 =	vmul.f32 v17, v24  }
0x5a: {  	v44 =	vld [tilespmem:s10+$0xFFFFFEA0];
	v29 =	vmul.f32 v41, v22;
	[tilespmem:s10+$0xFFFFFC20] =	vst v30  }
0x5b: {  	v31 =	vmul.f32 v45, v63;
	[tilespmem:s10+$0xFFFFFD20] =	vst v17;
	v17 =	vld [tilespmem:s10+$0xFFFFFCB0]  }
0x5c: {  	v46 =	vld [tilespmem:s10+$0xFFFFFFA0];
	v20 =	vmul.f32 v47, v20;
	[tilespmem:s10+$0xFFFFFCA0] =	vst v29  }
0x5d: {  	v49 =	vld [tilespmem:s10+$0xFFFFFDB0];
	v18 =	vmul.f32 v42, v26;
	[tilespmem:s10+$0xFFFFFF20] =	vst v31  }
0x5e: {  	v48 =	vld [tilespmem:s10+$0xFFFFFD30];
	v27 =	vmul.f32 v43, v60;
	[tilespmem:s10+$0xFFFFFC30] =	vst v20  }
0x5f: {  	v51 =	vld [tilespmem:s10+$0xFFFFFEB0];
	v28 =	vmul.f32 v44, v62;
	[tilespmem:s10+$0xFFFFFDA0] =	vst v18  }
0x60: {  	v40 =	vld [tilespmem:s10+$0x90];
	[tilespmem:s10+$0xFFFFFE20] =	vst v27;
	v17 =	vmul.f32 v17, v22  }
0x61: {  	v53 =	vld [tilespmem:s10+$0xFFFFFFB0];
	v30 =	vmul.f32 v46, v34;
	[tilespmem:s10+$0xFFFFFEA0] =	vst v28  }
0x62: {  	v60 =	vld [tilespmem:s10+$0x200];
	[tilespmem:s10+$0xFFFFFCB0] =	vst v17;
	v17 =	vmul.f32 v49, v26  }
0x63: {  	v56 =	vld [tilespmem:s10+$0x80];
	v20 =	vperm.xlane v16, v9;
	[tilespmem:s10+$0xFFFFFFA0] =	vst v30;
	v18 =	vmul.f32 v48, v24  }
0x64: {  	v43 =	vld [tilespmem:s10+$0x190];
	[tilespmem:s10+$0xFFFFFDB0] =	vst v17;
	v17 =	vmul.f32 v51, v62  }
0x65: {  	v59 =	vld [tilespmem:s10+$0x180];
	v36 =	vperm.xlane v16, v12;
	v30 =	vmul.f32 v40, v20;
	[tilespmem:s10+$0xFFFFFD30] =	vst v18  }
0x66: {  	v54 =	vld [tilespmem:s10+$0x0];
	[tilespmem:s10+$0xFFFFFEB0] =	vst v17;
	v17 =	vmul.f32 v53, v34  }
0x67: {  	v63 =	vld [tilespmem:s10+$0x280];
	v33 =	vperm.xlane v16, v11;
	v41 =	vmul.f32 v60, v36;
	[tilespmem:s10+$0x90] =	vst v30  }
0x68: {  	v38 =	vld [tilespmem:s10+$0x10];
	[tilespmem:s10+$0xFFFFFFB0] =	vst v17;
	v17 =	vmul.f32 v56, v20  }
0x69: {  	v48 =	vld [tilespmem:s10+$0x20];
	v18 =	vmul.f32 v43, v33;
	[tilespmem:s10+$0x200] =	vst v41;
	v22 =	vperm.xlane v16, v8  }
0x6a: {  	v39 =	vperm.xlane v16, v13;
	v44 =	vld [tilespmem:s10+$0x210];
	[tilespmem:s10+$0x80] =	vst v17;
	v17 =	vmul.f32 v59, v33  }
0x6b: {  	v57 =	vld [tilespmem:s10+$0x100];
	[tilespmem:s10+$0x190] =	vst v18;
	v61 =	vmul.f32 v54, v22  }
0x6c: {  	v26 =	vmul.f32 v63, v39;
	[tilespmem:s10+$0x180] =	vst v17;
	v17 =	vld [tilespmem:s10+$0x110]  }
0x6d: {  	v37 =	vld [tilespmem:s10+$0x380];
	v29 =	vmul.f32 v38, v22;
	[tilespmem:s10+$0x0] =	vst v61  }
0x6e: {  	v47 =	vld [tilespmem:s10+$0x390];
	v30 =	vmul.f32 v48, v22;
	v62 =	vperm.xlane v16, v10;
	[tilespmem:s10+$0x280] =	vst v26  }
0x6f: {  	v50 =	vld [tilespmem:s10+$0x1A0];
	v42 =	vperm.xlane v16, v14;
	[tilespmem:s10+$0x10] =	vst v29;
	v26 =	vmul.f32 v44, v36  }
0x70: {  	v49 =	vld [tilespmem:s10+$0x120];
	v16 =	vperm.xlane v16, v15;
	[tilespmem:s10+$0x20] =	vst v30;
	v35 =	vmul.f32 v57, v62  }
0x71: {  	v54 =	vld [tilespmem:s10+$0x3A0];
	[tilespmem:s10+$0x210] =	vst v26;
	v17 =	vmul.f32 v17, v62  }
0x72: {  	v46 =	vld [tilespmem:s10+$0x310];
	v28 =	vmul.f32 v37, v16;
	[tilespmem:s10+$0x100] =	vst v35  }
0x73: {  	v29 =	vmul.f32 v47, v16;
	[tilespmem:s10+$0x110] =	vst v17;
	v17 =	vld [tilespmem:s10+$0xA0]  }
0x74: {  	v55 =	vld [tilespmem:s10+$0xB0];
	v26 =	vmul.f32 v50, v33;
	[tilespmem:s10+$0x380] =	vst v28  }
0x75: {  	v61 =	vld [tilespmem:s10+$0x3B0];
	v18 =	vmul.f32 v49, v62;
	[tilespmem:s10+$0x390] =	vst v29  }
0x76: {  	v52 =	vld [tilespmem:s10+$0x2A0];
	v30 =	vmul.f32 v54, v16;
	[tilespmem:s10+$0x1A0] =	vst v26  }
0x77: {  	v34 =	vld [tilespmem:s10+$0x300];
	v28 =	vmul.f32 v46, v42;
	[tilespmem:s10+$0x120] =	vst v18  }
0x78: {  	v53 =	vld [tilespmem:s10+$0x320];
	[tilespmem:s10+$0x3A0] =	vst v30;
	v17 =	vmul.f32 v17, v20  }
0x79: {  	v45 =	vld [tilespmem:s10+$0x290];
	v18 =	vmul.f32 v55, v20;
	[tilespmem:s10+$0x310] =	vst v28  }
0x7a: {  	v16 =	vmul.f32 v61, v16;
	[tilespmem:s10+$0xA0] =	vst v17;
	v17 =	vld [tilespmem:s10+$0x30]  }
0x7b: {  	v51 =	vld [tilespmem:s10+$0x220];
	v28 =	vmul.f32 v52, v39;
	[tilespmem:s10+$0xB0] =	vst v18  }
0x7c: {  	v56 =	vld [tilespmem:s10+$0x130];
	v27 =	vmul.f32 v34, v42;
	[tilespmem:s10+$0x3B0] =	vst v16  }
0x7d: {  	v59 =	vld [tilespmem:s10+$0x2B0];
	v29 =	vmul.f32 v53, v42;
	[tilespmem:s10+$0x2A0] =	vst v28  }
0x7e: {  	v58 =	vld [tilespmem:s10+$0x230];
	[tilespmem:s10+$0x300] =	vst v27;
	v27 =	vmul.f32 v45, v39  }
0x7f: {  	v57 =	vld [tilespmem:s10+$0x1B0];
	[tilespmem:s10+$0x320] =	vst v29;
	v17 =	vmul.f32 v17, v22  }
0x80: {  	v60 =	vld [tilespmem:s10+$0x330];
	[tilespmem:s10+$0x290] =	vst v27;
	v27 =	vmul.f32 v51, v36  }
0x81: {  	[tilespmem:s10+$0x30] =	vst v17;
	v17 =	vmul.f32 v56, v62  }
0x82: {  	p0 =	sne.s32 s9, $0x1C0;
	v63 =	vmul.f32 v59, v39;
	[tilespmem:s10+$0x220] =	vst v27  }
.Ltmp0:
0x83: {  	[tilespmem:s10+$0x130] =	vst v17;
	v17 =	vmul.f32 v58, v36;
	(pc) =	sbr.rel @p0 .LBB2_3-.Ltmp0, $4  }
0x84: {  	[tilespmem:s10+$0x2B0] =	vst v63;
	v62 =	vmul.f32 v57, v33  }
0x85: {  	[tilespmem:s10+$0x230] =	vst v17;
	v17 =	vmul.f32 v60, v42  }
0x86: {  	[tilespmem:s10+$0x1B0] =	vst v62  }
0x87: {  	s9 =	sadd.s32 $0x40, s9;
	[tilespmem:s10+$0x330] =	vst v17;
	s10 =	sadd.s32 $0x800, s10  }
0x88: {  	[spmem:s1] =	stream.indirect.scatter.add.f32 [tilespmem:s15], [sflag:$0x7], $0x80, s17, s30, $0xb8;
	[tilespmem:$0x1D600] =	vst v63  }
0x89: {  	p0 =	seq.s32 s18, $0x13  }
0x8a: {  	_ =	swait.ge [sflag:s13], $0x4000;
	s7 =	sadd.s32 @!p0 $0x2, s7  }
0x8b: {  	s10 =	simm.s32 @!p0 $0x40;
	[sflag:s13] =	ssyncset.done $0x0;
	s9 =	sshll.u32 @!p0 s7, $0x7  }
0x8c: {  	s11 =	simm.s32 @!p0 $0x1600;
	[sflag:s13] =	ssyncadd.s32 $0xFFFFC000;
	s9 =	sand.u32 @!p0 $0x3FFFFF80, s9  }
0x8d: {  	[tilespmem:s11], [sflag:$0x1] =	stream.indirect.gather @!p0 [hbm4b:s4+s10], $0x80, s9, s10, $0xb8;
	[tilespmem:$0x1D600] =	vst v63  }
0x8e: {  	s9 =	sor.u32 @!p0 $0x40, s9;
	s11 =	simm.s32 @!p0 $0x3600  }
0x8f: {  	[tilespmem:s11], [sflag:$0x5] =	stream.indirect.gather @!p0 [hbm4b:s4+s10], $0x80, s9, s10, $0xb8;
	[tilespmem:$0x1D600] =	vst v63  }
0x90: {  	s9 =	sadd.s32 @!p0 s8, s7  }
0x91: {  	s7 =	sshll.u32 @!p0 s7, $0x4;
	s9 =	sshll.u32 @!p0 s9, $0x4  }
0x92: {  	s7 =	sand.u32 @!p0 $0x60, s7;
	s9 =	sand.u32 @!p0 $0xFFFFF80, s9  }
0x93: {  	s7 =	sor.u32 @!p0 s7, s9  }
0x94: {  	s10 =	simm.s32 @!p0 $0x0;
	s11 =	simm.s32 @!p0 $0x1400;
	s9 =	sadd.s32 @!p0 s5, s7  }
0x95: {  	[tilespmem:s11], [sflag:$0x3] =	stream.linear.gather @!p0 [hbm4b:s9+s10], $0x80, $0x38;
	[tilespmem:$0x1D600] =	vst v63  }
0x96: {  	s7 =	sadd.s32 @!p0 s6, s7;
	s9 =	simm.s32 @!p0 $0x1500  }
0x97: {  	[tilespmem:s9], [sflag:$0x3] =	stream.linear.gather @!p0 [hbm4b:s7+s10], $0x80, $0x38;
	[tilespmem:$0x1D600] =	vst v63  }
0x98: {  	_ =	swait.ge [sflag:s31], $0x2000  }
0x99: {  	[sflag:s31] =	ssyncset.done $0x0  }
0x9a: {  	[sflag:s31] =	ssyncadd.s32 $0xFFFFE000  }
0x9b: {  	_ =	swait.ge [sflag:s0], $0x2000  }
0x9c: {  	[sflag:s0] =	ssyncset.done $0x0  }
0x9d: {  	[sflag:s0] =	ssyncadd.s32 $0xFFFFE000  }
0x9e: {  	_ =	swait.ge [sflag:s3], $0x80  }
0x9f: {  	[sflag:s3] =	ssyncset.done $0x0  }
0xa0: {  	[sflag:s3] =	ssyncadd.s32 $0xFFFFFF80  }
0xa1: {  	_ =	swait.ge [sflag:s3], $0x80  }
0xa2: {  	[sflag:s3] =	ssyncset.done $0x0  }
0xa3: {  	s7 =	simm.s32 $0x0;
	s9 =	simm.s32 $0x5A00;
	[sflag:s3] =	ssyncadd.s32 $0xFFFFFF80  }
.LBB2_5:
0xa4: {  	s10 =	sshra.s32 s7, $0x2  }
0xa5: {  	v16 =	vld [tilespmem:s10+$0x1580];
	_ =	sdelay $0x1  }
0xa6: {  	v17 =	vld [tilespmem:s9+$0xFFFFFC00]  }
0xa7: {  	v18 =	vld [tilespmem:s9+$0xFFFFFC80]  }
0xa8: {  	v21 =	vld [tilespmem:s9+$0xFFFFFD80]  }
0xa9: {  	v19 =	vld [tilespmem:s9+$0xFFFFFD00];
	v20 =	vperm.xlane v16, v0  }
0xaa: {  	v25 =	vld [tilespmem:s9+$0xFFFFFE80];
	v22 =	vperm.xlane v16, v1  }
0xab: {  	v23 =	vld [tilespmem:s9+$0xFFFFFE00];
	v26 =	vperm.xlane v16, v3;
	v17 =	vmul.f32 v17, v20  }
0xac: {  	v27 =	vld [tilespmem:s9+$0xFFFFFF00];
	v24 =	vperm.xlane v16, v2;
	v18 =	vmul.f32 v18, v22  }
0xad: {  	v28 =	vld [tilespmem:s9+$0xFFFFFF80];
	v62 =	vperm.xlane v16, v5;
	v61 =	vmul.f32 v21, v26;
	[tilespmem:s9+$0xFFFFFC00] =	vst v17  }
0xae: {  	v29 =	vld [tilespmem:s9+$0xFFFFFC10];
	v60 =	vperm.xlane v16, v4;
	v17 =	vmul.f32 v19, v24;
	[tilespmem:s9+$0xFFFFFC80] =	vst v18  }
0xaf: {  	v30 =	vld [tilespmem:s9+$0xFFFFFC90];
	v63 =	vperm.xlane v16, v6;
	v33 =	vmul.f32 v25, v62;
	[tilespmem:s9+$0xFFFFFD80] =	vst v61  }
0xb0: {  	v31 =	vld [tilespmem:s9+$0xFFFFFD10];
	v34 =	vperm.xlane v16, v7;
	[tilespmem:s9+$0xFFFFFD00] =	vst v17;
	v17 =	vmul.f32 v23, v60  }
0xb1: {  	v39 =	vld [tilespmem:s9+$0xFFFFFF90];
	v27 =	vmul.f32 v27, v63;
	[tilespmem:s9+$0xFFFFFE80] =	vst v33  }
0xb2: {  	v28 =	vmul.f32 v28, v34;
	[tilespmem:s9+$0xFFFFFE00] =	vst v17;
	v17 =	vld [tilespmem:s9+$0xFFFFFD90]  }
0xb3: {  	v50 =	vld [tilespmem:s9+$0xFFFFFE30];
	v29 =	vmul.f32 v29, v20;
	[tilespmem:s9+$0xFFFFFF00] =	vst v27  }
0xb4: {  	v52 =	vld [tilespmem:s9+$0xFFFFFF30];
	v30 =	vmul.f32 v30, v22;
	[tilespmem:s9+$0xFFFFFF80] =	vst v28  }
0xb5: {  	v35 =	vld [tilespmem:s9+$0xFFFFFE10];
	v38 =	vmul.f32 v31, v24;
	[tilespmem:s9+$0xFFFFFC10] =	vst v29  }
0xb6: {  	v36 =	vld [tilespmem:s9+$0xFFFFFE90];
	v31 =	vmul.f32 v39, v34;
	[tilespmem:s9+$0xFFFFFC90] =	vst v30  }
0xb7: {  	v37 =	vld [tilespmem:s9+$0xFFFFFF10];
	[tilespmem:s9+$0xFFFFFD10] =	vst v38;
	v17 =	vmul.f32 v17, v26  }
0xb8: {  	v40 =	vld [tilespmem:s9+$0xFFFFFC20];
	v55 =	vmul.f32 v50, v60;
	[tilespmem:s9+$0xFFFFFF90] =	vst v31  }
0xb9: {  	v58 =	vmul.f32 v52, v63;
	[tilespmem:s9+$0xFFFFFD90] =	vst v17;
	v17 =	vld [tilespmem:s9+$0xFFFFFD20]  }
0xba: {  	v41 =	vld [tilespmem:s9+$0xFFFFFCA0];
	v18 =	vmul.f32 v35, v60;
	[tilespmem:s9+$0xFFFFFE30] =	vst v55  }
0xbb: {  	v45 =	vld [tilespmem:s9+$0xFFFFFF20];
	v27 =	vmul.f32 v36, v62;
	[tilespmem:s9+$0xFFFFFF30] =	vst v58  }
0xbc: {  	v47 =	vld [tilespmem:s9+$0xFFFFFC30];
	v28 =	vmul.f32 v37, v63;
	[tilespmem:s9+$0xFFFFFE10] =	vst v18  }
0xbd: {  	v42 =	vld [tilespmem:s9+$0xFFFFFDA0];
	v30 =	vmul.f32 v40, v20;
	[tilespmem:s9+$0xFFFFFE90] =	vst v27  }
0xbe: {  	v43 =	vld [tilespmem:s9+$0xFFFFFE20];
	[tilespmem:s9+$0xFFFFFF10] =	vst v28;
	v17 =	vmul.f32 v17, v24  }
0xbf: {  	v44 =	vld [tilespmem:s9+$0xFFFFFEA0];
	v29 =	vmul.f32 v41, v22;
	[tilespmem:s9+$0xFFFFFC20] =	vst v30  }
0xc0: {  	v31 =	vmul.f32 v45, v63;
	[tilespmem:s9+$0xFFFFFD20] =	vst v17;
	v17 =	vld [tilespmem:s9+$0xFFFFFCB0]  }
0xc1: {  	v46 =	vld [tilespmem:s9+$0xFFFFFFA0];
	v20 =	vmul.f32 v47, v20;
	[tilespmem:s9+$0xFFFFFCA0] =	vst v29  }
0xc2: {  	v49 =	vld [tilespmem:s9+$0xFFFFFDB0];
	v18 =	vmul.f32 v42, v26;
	[tilespmem:s9+$0xFFFFFF20] =	vst v31  }
0xc3: {  	v48 =	vld [tilespmem:s9+$0xFFFFFD30];
	v27 =	vmul.f32 v43, v60;
	[tilespmem:s9+$0xFFFFFC30] =	vst v20  }
0xc4: {  	v51 =	vld [tilespmem:s9+$0xFFFFFEB0];
	v28 =	vmul.f32 v44, v62;
	[tilespmem:s9+$0xFFFFFDA0] =	vst v18  }
0xc5: {  	v40 =	vld [tilespmem:s9+$0x90];
	[tilespmem:s9+$0xFFFFFE20] =	vst v27;
	v17 =	vmul.f32 v17, v22  }
0xc6: {  	v53 =	vld [tilespmem:s9+$0xFFFFFFB0];
	v30 =	vmul.f32 v46, v34;
	[tilespmem:s9+$0xFFFFFEA0] =	vst v28  }
0xc7: {  	v60 =	vld [tilespmem:s9+$0x200];
	[tilespmem:s9+$0xFFFFFCB0] =	vst v17;
	v17 =	vmul.f32 v49, v26  }
0xc8: {  	v56 =	vld [tilespmem:s9+$0x80];
	v20 =	vperm.xlane v16, v9;
	[tilespmem:s9+$0xFFFFFFA0] =	vst v30;
	v18 =	vmul.f32 v48, v24  }
0xc9: {  	v43 =	vld [tilespmem:s9+$0x190];
	[tilespmem:s9+$0xFFFFFDB0] =	vst v17;
	v17 =	vmul.f32 v51, v62  }
0xca: {  	v59 =	vld [tilespmem:s9+$0x180];
	v36 =	vperm.xlane v16, v12;
	v30 =	vmul.f32 v40, v20;
	[tilespmem:s9+$0xFFFFFD30] =	vst v18  }
0xcb: {  	v54 =	vld [tilespmem:s9+$0x0];
	[tilespmem:s9+$0xFFFFFEB0] =	vst v17;
	v17 =	vmul.f32 v53, v34  }
0xcc: {  	v63 =	vld [tilespmem:s9+$0x280];
	v33 =	vperm.xlane v16, v11;
	v41 =	vmul.f32 v60, v36;
	[tilespmem:s9+$0x90] =	vst v30  }
0xcd: {  	v38 =	vld [tilespmem:s9+$0x10];
	[tilespmem:s9+$0xFFFFFFB0] =	vst v17;
	v17 =	vmul.f32 v56, v20  }
0xce: {  	v48 =	vld [tilespmem:s9+$0x20];
	v18 =	vmul.f32 v43, v33;
	[tilespmem:s9+$0x200] =	vst v41;
	v22 =	vperm.xlane v16, v8  }
0xcf: {  	v39 =	vperm.xlane v16, v13;
	v44 =	vld [tilespmem:s9+$0x210];
	[tilespmem:s9+$0x80] =	vst v17;
	v17 =	vmul.f32 v59, v33  }
0xd0: {  	v57 =	vld [tilespmem:s9+$0x100];
	[tilespmem:s9+$0x190] =	vst v18;
	v61 =	vmul.f32 v54, v22  }
0xd1: {  	v26 =	vmul.f32 v63, v39;
	[tilespmem:s9+$0x180] =	vst v17;
	v17 =	vld [tilespmem:s9+$0x110]  }
0xd2: {  	v37 =	vld [tilespmem:s9+$0x380];
	v29 =	vmul.f32 v38, v22;
	[tilespmem:s9+$0x0] =	vst v61  }
0xd3: {  	v47 =	vld [tilespmem:s9+$0x390];
	v30 =	vmul.f32 v48, v22;
	v62 =	vperm.xlane v16, v10;
	[tilespmem:s9+$0x280] =	vst v26  }
0xd4: {  	v50 =	vld [tilespmem:s9+$0x1A0];
	v42 =	vperm.xlane v16, v14;
	[tilespmem:s9+$0x10] =	vst v29;
	v26 =	vmul.f32 v44, v36  }
0xd5: {  	v49 =	vld [tilespmem:s9+$0x120];
	v16 =	vperm.xlane v16, v15;
	[tilespmem:s9+$0x20] =	vst v30;
	v35 =	vmul.f32 v57, v62  }
0xd6: {  	v54 =	vld [tilespmem:s9+$0x3A0];
	[tilespmem:s9+$0x210] =	vst v26;
	v17 =	vmul.f32 v17, v62  }
0xd7: {  	v46 =	vld [tilespmem:s9+$0x310];
	v28 =	vmul.f32 v37, v16;
	[tilespmem:s9+$0x100] =	vst v35  }
0xd8: {  	v29 =	vmul.f32 v47, v16;
	[tilespmem:s9+$0x110] =	vst v17;
	v17 =	vld [tilespmem:s9+$0xA0]  }
0xd9: {  	v55 =	vld [tilespmem:s9+$0xB0];
	v26 =	vmul.f32 v50, v33;
	[tilespmem:s9+$0x380] =	vst v28  }
0xda: {  	v61 =	vld [tilespmem:s9+$0x3B0];
	v18 =	vmul.f32 v49, v62;
	[tilespmem:s9+$0x390] =	vst v29  }
0xdb: {  	v52 =	vld [tilespmem:s9+$0x2A0];
	v30 =	vmul.f32 v54, v16;
	[tilespmem:s9+$0x1A0] =	vst v26  }
0xdc: {  	v34 =	vld [tilespmem:s9+$0x300];
	v28 =	vmul.f32 v46, v42;
	[tilespmem:s9+$0x120] =	vst v18  }
0xdd: {  	v53 =	vld [tilespmem:s9+$0x320];
	[tilespmem:s9+$0x3A0] =	vst v30;
	v17 =	vmul.f32 v17, v20  }
0xde: {  	v45 =	vld [tilespmem:s9+$0x290];
	v18 =	vmul.f32 v55, v20;
	[tilespmem:s9+$0x310] =	vst v28  }
0xdf: {  	v16 =	vmul.f32 v61, v16;
	[tilespmem:s9+$0xA0] =	vst v17;
	v17 =	vld [tilespmem:s9+$0x30]  }
0xe0: {  	v51 =	vld [tilespmem:s9+$0x220];
	v28 =	vmul.f32 v52, v39;
	[tilespmem:s9+$0xB0] =	vst v18  }
0xe1: {  	v56 =	vld [tilespmem:s9+$0x130];
	v27 =	vmul.f32 v34, v42;
	[tilespmem:s9+$0x3B0] =	vst v16  }
0xe2: {  	v59 =	vld [tilespmem:s9+$0x2B0];
	v29 =	vmul.f32 v53, v42;
	[tilespmem:s9+$0x2A0] =	vst v28  }
0xe3: {  	v58 =	vld [tilespmem:s9+$0x230];
	[tilespmem:s9+$0x300] =	vst v27;
	v27 =	vmul.f32 v45, v39  }
0xe4: {  	v57 =	vld [tilespmem:s9+$0x1B0];
	[tilespmem:s9+$0x320] =	vst v29;
	v17 =	vmul.f32 v17, v22  }
0xe5: {  	v60 =	vld [tilespmem:s9+$0x330];
	[tilespmem:s9+$0x290] =	vst v27;
	v27 =	vmul.f32 v51, v36  }
0xe6: {  	[tilespmem:s9+$0x30] =	vst v17;
	v17 =	vmul.f32 v56, v62  }
0xe7: {  	p0 =	sne.s32 s7, $0x1C0;
	v63 =	vmul.f32 v59, v39;
	[tilespmem:s9+$0x220] =	vst v27  }
.Ltmp1:
0xe8: {  	[tilespmem:s9+$0x130] =	vst v17;
	v17 =	vmul.f32 v58, v36;
	(pc) =	sbr.rel @p0 .LBB2_5-.Ltmp1, $4  }
0xe9: {  	[tilespmem:s9+$0x2B0] =	vst v63;
	v62 =	vmul.f32 v57, v33  }
0xea: {  	[tilespmem:s9+$0x230] =	vst v17;
	v17 =	vmul.f32 v60, v42  }
0xeb: {  	[tilespmem:s9+$0x1B0] =	vst v62  }
0xec: {  	s7 =	sadd.s32 $0x40, s7;
	[tilespmem:s9+$0x330] =	vst v17;
	s9 =	sadd.s32 $0x800, s9  }
0xed: {  	s18 =	sadd.s32 $0x1, s18  }
0xee: {  	p0 =	sne.s32 s18, $0x14  }
.Ltmp2:
0xef: {  	_ = 	snop;
	(pc) =	sbr.rel @p0 .LBB2_2-.Ltmp2, $4  }
0xf0: {  	[spmem:s1] =	stream.indirect.scatter.add.f32 [tilespmem:s21], [sflag:$0x7], $0x80, s23, s30, $0xb8;
	[tilespmem:$0x1D600] =	vst v63  }
0xf1: {  	_ =	swait.ge [sflag:s13], $0x4000  }
0xf2: {  	[sflag:s13] =	ssyncset.done $0x0  }
0xf3: {  	[sflag:s13] =	ssyncadd.s32 $0xFFFFC000  }
0xf4: {  	s16 =	sadd.s32 $0x1, s16  }
0xf5: {  	p0 =	sne.s32 s16, s12  }
.Ltmp3:
0xf6: {  	[bflag:$0x0] =	sbarrier.arrive $0xFFFF;
	(pc) =	sbr.rel @p0 .LBB2_1-.Ltmp3, $4  }
0xf7: {  	[hbm:s24], [sflag:s19] =	dma.local [spmem:s20], $0x2800  }
0xf8: {  	_ =	swait.ge [sflag:s13], $0x2800  }
0xf9: {  	[sflag:s13] =	ssyncset.done $0x0  }
0xfa: {  	[sflag:s13] =	ssyncadd.s32 $0xFFFFD800  }
0xfb: {  	_ =	sfence.sel $0x180000  }
0xfc: {  	[bflag:$0x0] =	sbarrier.arrive $0xFFFF  }
0xfd: {  	_ =	strace $0x9000004A  }
0xfe: {  	s0 =	stileid.u32;
	[bflag:$0x2] =	sbarrier.arrive $0xFFFF  }
0xff: {  	p0 =	sne.s32 s0, $0x0;
	s0 =	rddreg [dreg:$0x3]  }
0x100: {  	s0 =	sadd.s32 @!p0 $0x100000, s0  }
0x101: {  	[sflag:s0] =	ssyncadd.tile.s32 @!p0 $0x1;
	_ =	shalt  }
.Lfunc_end2:
_tile_overlayer_lowered:
.L_overlay_start_2:
0x102: {  	(tag) =	ssettag $0x2  }
0x103: {  	s0 =	rddreg [dreg:$0x0];
	s2 =	stileid.u32  }
0x104: {  	s1 =	rddreg [dreg:$0x1];
	p0 =	sne.s32 s2, $0x0  }
0x105: {  	s3 =	rddreg [dreg:$0x2];
	[bflag:$0x3] =	sbarrier.arrive $0xFFFF;
	s2 =	simm.s32 @!p0 $0x1C07  }
0x106: {  	[timem:s3], [sflag:s2] =	dma.local @!p0 [hbm:s0], s1  }
0x107: {  	s0 =	simm.s32 @!p0 $0x7  }
0x108: {  	_ =	swait.ge @!p0 [sflag:s0], s1  }
0x109: {  	s1 =	ssub.s32 @!p0 $0x0, s1;
	[sflag:s0] =	ssyncset.done @!p0 $0x0  }
0x10a: {  	[sflag:s0] =	ssyncadd.s32 @!p0 s1  }
0x10b: {  	[bflag:$0x3] =	sbarrier.arrive $0xFFFF  }
0x10c: {  	_ =	shalt  }

// kernel: kernel.7.cloned.1.call-start
scs
__scs_entry_jumppad:
0x0: {  	(pc) =	sbr.rel $0x88, $3  }
0x1: {  	(tag) =	ssettag $0x0;
	lr =	simm.s32 $0x1  }
0x2: {  	[smem:$0x3F9A] =	sst lr;
	_ =	strace $0xD0000000  }
0x3: {  	_ = 	snop  }
0x4: {  	_ = 	snop  }
0x5: {  	_ = 	snop  }
0x6: {  	_ = 	snop  }
0x7: {  	_ = 	snop  }
__scs_overlays_trampoline_lowered:
0x8: {  	[smem:$0x3FA9] =	sst s0  }
0x9: {  	[smem:$0x3FAA] =	sst s1  }
0xa: {  	[smem:$0x3FAB] =	sst s2  }
0xb: {  	[smem:$0x3FAC] =	sst s3  }
0xc: {  	[smem:$0x3FAD] =	sst s4  }
0xd: {  	[smem:$0x3FAE] =	sst s5  }
0xe: {  	[smem:$0x3FAF] =	sst s6  }
0xf: {  	[smem:$0x3FB0] =	sst s7  }
0x10: {  	[smem:$0x3FB1] =	sst s8  }
0x11: {  	[smem:$0x3FB2] =	sst s9;
	s0 =	simm.s32 @!p0 $0x0  }
0x12: {  	s1 =	sld [smem:$0x3F98];
	s0 =	simm.s32 @p0 $0x1  }
0x13: {  	[smem:$0x3FB3] =	sst s0;
	s0 =	simm.s32 @!p1 $0x0  }
0x14: {  	s2 =	sld [smem:$0x3F97];
	s0 =	simm.s32 @p1 $0x1  }
0x15: {  	[smem:$0x3FB4] =	sst s0;
	s0 =	simm.s32 @!p2 $0x0  }
0x16: {  	s3 =	sld [smem:$0x3FDB];
	s0 =	simm.s32 @p2 $0x1  }
0x17: {  	s4 =	simm.s32 $0x1BF5;
	[smem:$0x3FB6] =	sst s0  }
0x18: {  	s0 =	sld [smem:$0x3F99];
	_ =	swait.ge [sflag:s4], $0x0  }
0x19: {  	s7 =	sld [smem:$0x3F9A]  }
0x1a: {  	s8 =	sadd.s32 $0xFFFFE003, lr  }
0x1b: {  	s9 =	sadd.s32 $0xFFFFFEF7, lr;
	s5 =	simm.s32 $0xFFFFFFFF;
	p2 =	slt.u32 s8, $0xFFFFF086  }
0x1c: {  	p1 =	slt.u32 s9, $0xF7A;
	s5 =	simm.s32 @!p2 $0x0  }
0x1d: {  	s5 =	simm.s32 @p1 $0x1;
	p0 =	seq.s32 s7, s2  }
0x1e: {  	s7 =	smul.u32 @!p0 $0xF7A, s2;
	p2 =	seq.s32 @!p0 s5, $0x0  }
0x1f: {  	s9 =	smul.u32 $0xF7A, s1;
	s8 =	simm.s32 @!p0 $0x1BF5;
	p2 =	por !p2, p0  }
0x20: {  	[sflag:s8] =	ssyncset.s32 @!p0 $0xFFFFF086;
	s6 =	sadd.s32 @!p0 s3, s7;
	s7 =	simm.s32 @!p0 $0x108  }
0x21: {  	s3 =	sadd.s32 s3, s9;
	s6 =	sadd.s32 @!p0 $0x88, s6;
	s7 =	simm.s32 @p2 $0x1082  }
0x22: {  	[simem:s7], [sflag:s8] =	dma.local @!p0 [hbm:s6], $0xF7A  }
0x23: {  	s9 =	sor.u32 $0xD0000000, s2;
	s6 =	simm.s32 $0x108;
	_ =	swait.ge @!p0 [sflag:s8], $0x0  }
0x24: {  	s3 =	sadd.s32 $0x88, s3;
	s6 =	simm.s32 @!p1 $0x1082;
	[sflag:s4] =	ssyncset.s32 $0xFFFFF086  }
0x25: {  	[simem:s6], [sflag:s4] =	dma.local [hbm:s3], $0xF7A  }
0x26: {  	[smem:$0x3F9A] =	sst s1;
	(tag) =	ssettag s2;
	_ =	strace s9  }
0x27: {  	s1 =	sld [smem:$0x3FAA]  }
0x28: {  	s2 =	sld [smem:$0x3FAB]  }
0x29: {  	s4 =	sld [smem:$0x3FAD]  }
0x2a: {  	p0 =	seq.s32 s5, $0x0;
	s5 =	sld [smem:$0x3FAE]  }
0x2b: {  	s6 =	sld [smem:$0x3FAF]  }
0x2c: {  	s7 =	sld [smem:$0x3FB0]  }
0x2d: {  	s3 =	simm.s32 $0x108;
	s8 =	sld [smem:$0x3FB1]  }
0x2e: {  	s3 =	simm.s32 @!p0 $0x1082;
	s9 =	sld [smem:$0x3FB2]  }
0x2f: {  	lr =	sadd.s32 s0, s3;
	s0 =	sld [smem:$0x3FA9]  }
0x30: {  	s3 =	sld [smem:$0x3FAC]  }
0x31: {  	[smem:$0x3FB5] =	sst s10  }
0x32: {  	s10 =	sld [smem:$0x3FB3];
	_ =	sdelay $0x3  }
0x33: {  	p0 =	seq.s32 s10, $0x1;
	s10 =	sld [smem:$0x3FB5];
	_ =	sdelay $0x3  }
0x34: {  	[smem:$0x3FB5] =	sst s10  }
0x35: {  	s10 =	sld [smem:$0x3FB4];
	_ =	sdelay $0x3  }
0x36: {  	p1 =	seq.s32 s10, $0x1;
	s10 =	sld [smem:$0x3FB5];
	_ =	sdelay $0x3  }
0x37: {  	[smem:$0x3FB5] =	sst s10  }
0x38: {  	s10 =	sld [smem:$0x3FB6]  }
0x39: {  	_ = 	snop;
	(pc) =	sbr.ind lr, $3  }
0x3a: {  	_ = 	snop  }
0x3b: {  	_ = 	snop  }
0x3c: {  	p2 =	seq.s32 s10, $0x1;
	s10 =	sld [smem:$0x3FB5]  }
0x3d: {  	_ =	shalt  }
0x3e: {  	_ =	shalt  }
0x3f: {  	_ =	shalt  }
0x40: {  	_ =	shalt  }
0x41: {  	_ =	shalt  }
0x42: {  	_ =	shalt  }
0x43: {  	_ =	shalt  }
0x44: {  	_ =	shalt  }
0x45: {  	_ =	shalt  }
0x46: {  	_ =	shalt  }
0x47: {  	_ =	shalt  }
0x48: {  	_ =	shalt  }
0x49: {  	_ =	shalt  }
0x4a: {  	_ =	shalt  }
0x4b: {  	_ =	shalt  }
0x4c: {  	_ =	shalt  }
0x4d: {  	_ =	shalt  }
0x4e: {  	_ =	shalt  }
0x4f: {  	_ =	shalt  }
0x50: {  	_ =	shalt  }
0x51: {  	_ =	shalt  }
0x52: {  	_ =	shalt  }
0x53: {  	_ =	shalt  }
0x54: {  	_ =	shalt  }
0x55: {  	_ =	shalt  }
0x56: {  	_ =	shalt  }
0x57: {  	_ =	shalt  }
0x58: {  	_ =	shalt  }
0x59: {  	_ =	shalt  }
0x5a: {  	_ =	shalt  }
0x5b: {  	_ =	shalt  }
0x5c: {  	_ =	shalt  }
0x5d: {  	_ =	shalt  }
0x5e: {  	_ =	shalt  }
0x5f: {  	_ =	shalt  }
0x60: {  	_ =	shalt  }
0x61: {  	_ =	shalt  }
0x62: {  	_ =	shalt  }
0x63: {  	_ =	shalt  }
0x64: {  	_ =	shalt  }
0x65: {  	_ =	shalt  }
0x66: {  	_ =	shalt  }
0x67: {  	_ =	shalt  }
0x68: {  	_ =	shalt  }
0x69: {  	_ =	shalt  }
0x6a: {  	_ =	shalt  }
0x6b: {  	_ =	shalt  }
0x6c: {  	_ =	shalt  }
0x6d: {  	_ =	shalt  }
0x6e: {  	_ =	shalt  }
0x6f: {  	_ =	shalt  }
0x70: {  	_ =	shalt  }
0x71: {  	_ =	shalt  }
0x72: {  	_ =	shalt  }
0x73: {  	_ =	shalt  }
0x74: {  	_ =	shalt  }
0x75: {  	_ =	shalt  }
0x76: {  	_ =	shalt  }
0x77: {  	_ =	shalt  }
0x78: {  	_ =	shalt  }
0x79: {  	_ =	shalt  }
0x7a: {  	_ =	shalt  }
0x7b: {  	_ =	shalt  }
0x7c: {  	_ =	shalt  }
0x7d: {  	_ =	shalt  }
0x7e: {  	_ =	shalt  }
0x7f: {  	_ =	shalt  }
0x80: {  	_ =	shalt  }
0x81: {  	_ =	shalt  }
0x82: {  	_ =	shalt  }
0x83: {  	_ =	shalt  }
0x84: {  	_ =	shalt  }
0x85: {  	_ =	shalt  }
0x86: {  	_ =	shalt  }
0x87: {  	_ =	shalt  }
.Lfunc_end0:
.L_simem_size_0:
called_computation_lowered:
.L_overlay_start_0:
0x88: {  	s2 =	sld [smem:$0x3FD9]  }
0x89: {  	s3 =	sld [smem:$0x3FFE];
	_ =	sdelay $0x1  }
0x8a: {  	s1 =	srdreg.scid  }
0x8b: {  	s0 =	sand.u32 $0x1, s1  }
0x8c: {  	s17 =	sshll.u32 s0, $0xA;
	s2 =	sadd.s32 s3, s2  }
0x8d: {  	s2 =	sadd.s32 s2, s17  }
0x8e: {  	[smem:$0x3FC1] =	sst s2  }
0x8f: {  	_ = 	snop  }
0x90: {  	s2 =	sld [smem:$0x3FD0];
	(tm) =	ssettm $0x1  }
0x91: {  	s18 =	sld [smem:$0x3FFB];
	_ =	sdelay $0x3  }
0x92: {  	_ =	strace s18  }
0x93: {  	s3 =	sld [smem:$0x3FFC];
	_ =	sdelay $0x3  }
0x94: {  	_ =	strace s3  }
0x95: {  	s3 =	sld [smem:$0x3FFD];
	_ =	sdelay $0x3  }
0x96: {  	_ =	strace s3  }
0x97: {  	_ =	strace $0x8FFFFFFF  }
0x98: {  	s19 =	sld [smem:$0x3FDB];
	_ =	sdelay $0x1  }
0x99: {  	s4 =	simm.s32 $_scs_section_size  }
0x9a: {  	s5 =	simm.s32 $_size__tile_overlayer_lowered;
	s6 =	simm.s32 $_tile_overlayer_lowered  }
0x9b: {  	s22 =	simm.s32 $0x1BFF;
	s21 =	sshll.u32 s6, $0x1;
	s3 =	sadd.s32 s4, s19  }
0x9c: {  	s7 =	simm.s32 $0x0;
	s20 =	sshll.u32 s5, $0x1;
	s5 =	sadd.s32 s21, s3  }
0x9d: {  	[timem:s7], [sflag:s22] =	dma.local [hbm:s5], s20  }
0x9e: {  	_ =	swait.ge [sflag:s22], s20  }
0x9f: {  	s4 =	ssub.s32 $0x0, s20;
	[sflag:s22] =	ssyncset.done $0x0  }
0xa0: {  	[sflag:s22] =	ssyncadd.s32 s4;
	_ =	sdelay $0x1  }
0xa1: {  	s23 =	simm.s32 $0x1B8B  }
0xa2: {  	_ =	swait.ge [sflag:s23], $0x1  }
0xa3: {  	[sflag:s23] =	ssyncset.done $0x0  }
0xa4: {  	s25 =	simm.s32 $0x1B8E;
	s24 =	sld [smem:$0x3FFE];
	[sflag:s23] =	ssyncadd.s32 $0xFFFFFFFF  }
0xa5: {  	s26 =	simm.s32 $execute0_lowered;
	[smem:$0x3FD2] =	sst s25  }
0xa6: {  	s5 =	sshll.u32 s26, $0x1;
	_ =	strace $0x80000046;
	[dreg:$0x1] =	wrdreg $0xFFFFFFFF  }
0xa7: {  	s28 =	simm.s32 $_size_execute0_lowered;
	s3 =	sadd.s32 s3, s5;
	[dreg:$0x0] =	wrdreg $0x0  }
0xa8: {  	s5 =	sshll.u32 s28, $0x1;
	[dreg:$0x2] =	wrdreg s3  }
0xa9: {  	[dreg:$0x3] =	wrdreg s5  }
0xaa: {  	[dreg:$0x4] =	wrdreg $0xC0  }
0xab: {  	_ =	task [dreg:s7], $0x5FFFF  }
0xac: {  	[dreg:$0x1] =	wrdreg $0xFFFFFFFF  }
0xad: {  	[dreg:$0x0] =	wrdreg $0x60  }
0xae: {  	[dreg:$0x2] =	wrdreg s24  }
0xaf: {  	[dreg:$0x3] =	wrdreg s2  }
0xb0: {  	[dreg:$0x4] =	wrdreg $0xAA000  }
0xb1: {  	[dreg:$0x5] =	wrdreg $0x9  }
0xb2: {  	_ =	task.clear_ibuf [dreg:s7], $0x6FFFF;
	_ =	strace $0x90000046  }
0xb3: {  	s29 =	simm.s32 $0x9;
	_ =	strace $0x80000048  }
0xb4: {  	_ =	swait.ge [sflag:s29], $0x1  }
0xb5: {  	[sflag:s29] =	ssyncadd.s32 $0xFFFFFFFF  }
0xb6: {  	_ =	strace $0x90000048  }
0xb7: {  	_ =	sfence  }
0xb8: {  	s30 =	sld [smem:$0x0];
	_ =	sdelay $0x2  }
0xb9: {  	s31 =	sshll.u32 s1, $0xD;
	s1 =	sshrl.u32 s1, $0x2  }
0xba: {  	s3 =	sand.u32 $0x4000, s31;
	s1 =	sadd.s32 s1, s30  }
0xbb: {  	s0 =	sor.u32 s3, s0;
	s1 =	sshll.u32 s1, $0x11  }
0xbc: {  	s0 =	sor.u32 s1, s0  }
0xbd: {  	s0 =	sadd.s32 $0x8F2B, s0  }
0xbe: {  	[sflag:s0] =	ssyncadd.remote.s32 $0x1  }
0xbf: {  	_ =	sfence.sel $0xFFFF  }
0xc0: {  	[dreg:$0x0] =	wrdreg $0xFFFFFFFF;
	(pc) =	sbr.abs _section_cstart, $3  }
0xc1: {  	[dreg:$0x1] =	wrdreg $0xFFFFFFFF  }
0xc2: {  	_ =	task.clear_ibuf [dreg:s7], $0x2FFFF;
	_ =	strace $0x9FFFFFFF  }
0xc3: {  	(tm) =	ssettm $0x7FFFFFFF  }
tec
execute0_lowered:
.L_overlay_start_1:
0x0: {  	(tag) =	ssettag $0x1  }
0x1: {  	s0 =	rddreg [dreg:$0x0]  }
0x2: {  	s3 =	rddreg [dreg:$0x1]  }
0x3: {  	s2 =	srdreg.scid;
	s1 =	rddreg [dreg:$0x2]  }
0x4: {  	s16 =	stileid.u32;
	s13 =	simm.s32 $0x7;
	s14 =	simm.s32 $0x40  }
0x5: {  	s15 =	simm.s32 $0x2A00;
	s17 =	simm.s32 $0x2800;
	s28 =	simm.s32 $0x5  }
0x6: {  	s29 =	simm.s32 $0x3;
	s30 =	simm.s32 $0x80;
	s10 =	smul.u32 $0x500, s16  }
0x7: {  	s31 =	simm.s32 $0x2;
	s6 =	sand.u32 $0x1, s2;
	s11 =	smul.u32 $0x50000, s16  }
0x8: {  	s2 =	simm.s32 $0x0;
	s5 =	sadd.s32 $0x1400, s0;
	s25 =	smul.u32 $0x2800, s16  }
0x9: {  	s9 =	sadd.s32 $0x59600, s0;
	s26 =	sshll.u32 s16, $0x6;
	s4 =	smul.u32 $0x27100, s6  }
0xa: {  	[smem:$0x7FF] =	sst s2;
	s7 =	smul.u32 $0x28000, s6;
	s6 =	ssub.s32 $0x2, s6  }
0xb: {  	s19 =	sor.u32 $0x1C07, s26;
	s26 =	simm.s32 $0x1;
	_ =	strace $0x80000047  }
0xc: {  	[dreg:$0x4] =	wrdreg s9;
	s21 =	sshrl.u32 s6, $0x1;
	s3 =	sadd.s32 s3, s10  }
0xd: {  	s23 =	sshrl.u32 s11, $0x2;
	s24 =	sadd.s32 s5, s10;
	s8 =	sadd.s32 s4, s0  }
0xe: {  	s4 =	sadd.s32 $0x6400, s0;
	s0 =	sadd.s32 s7, s0;
	[dreg:$0x5] =	wrdreg s3  }
0xf: {  	v0 =	vimm.s32 $0x0;
	s6 =	ssub.s32 s6, s21;
	s7 =	smul.u32 $0x50, s16;
	[dreg:$0x7] =	wrdreg s24  }
0x10: {  	v1 =	vimm.s32 $0x1;
	v2 =	vimm.s32 $0x2;
	v3 =	vimm.s32 $0x3;
	s3 =	sadd.s32 s23, s1;
	s21 =	simm.s32 $0x6A00;
	s23 =	simm.s32 $0x2880  }
0x11: {  	v4 =	vimm.s32 $0x4;
	v5 =	vimm.s32 $0x5;
	v6 =	vimm.s32 $0x6;
	s16 =	simm.s32 $0x0;
	s9 =	sadd.s32 $0xB400, s8;
	s22 =	sadd.s32 s4, s10  }
0x12: {  	v7 =	vimm.s32 $0x7;
	v8 =	vimm.s32 $0x8;
	v9 =	vimm.s32 $0x9;
	s0 =	sadd.s32 $0x5BE00, s0;
	s12 =	smax.u32 s6, $0x1;
	s20 =	sshrl.u32 s3, $0x3  }
0x13: {  	v10 =	vimm.s32 $0xA;
	v11 =	vimm.s32 $0xB;
	v12 =	vimm.s32 $0xC;
	s3 =	simm.s32 $0x4;
	[dreg:$0x6] =	wrdreg s22;
	s22 =	simm.s32 $0x8A00  }
0x14: {  	v13 =	vimm.s32 $0xD;
	v14 =	vimm.s32 $0xE;
	v15 =	vimm.s32 $0xF;
	s24 =	sadd.s32 s25, s0;
	s25 =	simm.s32 $0x2980;
	s0 =	simm.s32 $0x6  }
.LBB2_1:
0x15: {  	s6 =	rddreg [dreg:$0x5]  }
0x16: {  	[tilespmem:s2], [sflag:$0x7] =	stream.linear.gather [hbm4b:s6+s2], $0x2800, $0x38;
	[tilespmem:$0x1EA00] =	vst v63  }
0x17: {  	_ =	swait.ge [sflag:s13], $0x2800  }
0x18: {  	[sflag:s13] =	ssyncset.done $0x0  }
0x19: {  	[sflag:s13] =	ssyncadd.s32 $0xFFFFD800  }
0x1a: {  	[tilespmem:s15], [sflag:$0x1] =	stream.indirect.gather [hbm4b:s9+s14], $0x80, s2, s14, $0xb8;
	[tilespmem:$0x1EA00] =	vst v63  }
0x1b: {  	s8 =	simm.s32 $0x4A00;
	s10 =	rddreg [dreg:$0x6]  }
0x1c: {  	[tilespmem:s8], [sflag:$0x5] =	stream.indirect.gather [hbm4b:s9+s14], $0x80, s14, s14, $0xb8;
	[tilespmem:$0x1EA00] =	vst v63  }
0x1d: {  	s11 =	rddreg [dreg:$0x7]  }
0x1e: {  	[tilespmem:s17], [sflag:$0x3] =	stream.linear.gather [hbm4b:s10+s2], $0x80, $0x38;
	[tilespmem:$0x1EA00] =	vst v63  }
0x1f: {  	s18 =	rddreg [dreg:$0x4];
	s8 =	simm.s32 $0x2900  }
0x20: {  	[tilespmem:s8], [sflag:$0x3] =	stream.linear.gather [hbm4b:s11+s2], $0x80, $0x38;
	[tilespmem:$0x1EA00] =	vst v63  }
0x21: {  	[spmem:s20], [sflag:s19] =	dma.local [hbm:s18], $0x2800  }
0x22: {  	_ =	swait.ge [sflag:s13], $0x2800  }
0x23: {  	[sflag:s13] =	ssyncset.done $0x0  }
0x24: {  	[sflag:s13] =	ssyncadd.s32 $0xFFFFD800  }
0x25: {  	s18 =	simm.s32 $0x0;
	[bflag:$0x0] =	sbarrier.arrive $0xFFFF  }
.LBB2_2:
0x26: {  	s8 =	sshllo.u32 s18, $0x1  }
0x27: {  	s6 =	sshll.u32 s8, $0x7  }
0x28: {  	s10 =	sand.u32 $0x3FFFFF80, s6;
	s6 =	sshll.u32 s18, $0x1  }
0x29: {  	[tilespmem:s21], [sflag:$0x2] =	stream.indirect.gather [hbm4b:s9+s14], $0x80, s10, s14, $0xb8;
	[tilespmem:$0x1EA00] =	vst v63  }
0x2a: {  	s10 =	sor.u32 $0x40, s10;
	s11 =	sadd.s32 s7, s6  }
0x2b: {  	[tilespmem:s22], [sflag:$0x6] =	stream.indirect.gather [hbm4b:s9+s14], $0x80, s10, s14, $0xb8;
	[tilespmem:$0x1EA00] =	vst v63  }
0x2c: {  	s8 =	sshll.u32 s8, $0x4;
	s10 =	sshll.u32 s11, $0x4  }
0x2d: {  	s8 =	sand.u32 $0x70, s8;
	s10 =	sand.u32 $0xFF80, s10  }
0x2e: {  	s10 =	sor.u32 s8, s10  }
0x2f: {  	s8 =	simm.s32 $0x0;
	s11 =	sadd.s32 s4, s10  }
0x30: {  	[tilespmem:s23], [sflag:$0x4] =	stream.linear.gather [hbm4b:s11+s8], $0x80, $0x38;
	[tilespmem:$0x1EA00] =	vst v63  }
0x31: {  	s10 =	sadd.s32 s5, s10  }
0x32: {  	[tilespmem:s25], [sflag:$0x4] =	stream.linear.gather [hbm4b:s10+s8], $0x80, $0x38;
	[tilespmem:$0x1EA00] =	vst v63  }
0x33: {  	_ =	swait.ge [sflag:s26], $0x2000  }
0x34: {  	[sflag:s26] =	ssyncset.done $0x0  }
0x35: {  	[sflag:s26] =	ssyncadd.s32 $0xFFFFE000  }
0x36: {  	_ =	swait.ge [sflag:s28], $0x2000  }
0x37: {  	[sflag:s28] =	ssyncset.done $0x0  }
0x38: {  	[sflag:s28] =	ssyncadd.s32 $0xFFFFE000  }
0x39: {  	_ =	swait.ge [sflag:s29], $0x80  }
0x3a: {  	[sflag:s29] =	ssyncset.done $0x0  }
0x3b: {  	[sflag:s29] =	ssyncadd.s32 $0xFFFFFF80  }
0x3c: {  	_ =	swait.ge [sflag:s29], $0x80  }
0x3d: {  	[sflag:s29] =	ssyncset.done $0x0  }
0x3e: {  	[sflag:s29] =	ssyncadd.s32 $0xFFFFFF80  }
.LBB2_3:
0x3f: {  	s10 =	sshll.u32 s8, $0x4  }
0x40: {  	s10 =	sand.u32 $0x3FFFFFF0, s10  }
0x41: {  	s11 =	sshll.u32 s8, $0xB;
	v16 =	vld [tilespmem:s10+$0x2900]  }
0x42: {  	s10 =	sand.u32 $0x3FFFF800, s11  }
0x43: {  	v17 =	vld [tilespmem:s10+$0x2A00]  }
0x44: {  	v18 =	vld [tilespmem:s10+$0x2A10]  }
0x45: {  	v19 =	vld [tilespmem:s10+$0x2A20]  }
0x46: {  	v21 =	vld [tilespmem:s10+$0x2A30];
	v20 =	vperm.xlane v16, v0  }
0x47: {  	v22 =	vld [tilespmem:s10+$0x2A40]  }
0x48: {  	v23 =	vld [tilespmem:s10+$0x2A50];
	v17 =	vmul.f32 v17, v20  }
0x49: {  	v24 =	vld [tilespmem:s10+$0x2A60];
	v18 =	vmul.f32 v18, v20  }
0x4a: {  	v48 =	vld [tilespmem:s10+$0x2A70];
	[tilespmem:s10+$0x2A00] =	vst v17;
	v17 =	vmul.f32 v19, v20  }
0x4b: {  	v50 =	vld [tilespmem:s10+$0x2A80];
	v49 =	vmul.f32 v21, v20;
	[tilespmem:s10+$0x2A10] =	vst v18  }
0x4c: {  	v51 =	vld [tilespmem:s10+$0x2A90];
	[tilespmem:s10+$0x2A20] =	vst v17;
	v17 =	vmul.f32 v22, v20  }
0x4d: {  	v53 =	vld [tilespmem:s10+$0x2AA0];
	v52 =	vmul.f32 v23, v20;
	[tilespmem:s10+$0x2A30] =	vst v49  }
0x4e: {  	v25 =	vld [tilespmem:s10+$0x2AB0];
	v54 =	vperm.xlane v16, v1;
	[tilespmem:s10+$0x2A40] =	vst v17;
	v17 =	vmul.f32 v24, v20  }
0x4f: {  	v56 =	vld [tilespmem:s10+$0x2AC0];
	v55 =	vmul.f32 v48, v20;
	[tilespmem:s10+$0x2A50] =	vst v52  }
0x50: {  	v57 =	vld [tilespmem:s10+$0x2AD0];
	[tilespmem:s10+$0x2A60] =	vst v17;
	v17 =	vmul.f32 v50, v54  }
0x51: {  	v59 =	vld [tilespmem:s10+$0x2AE0];
	v58 =	vmul.f32 v51, v54;
	[tilespmem:s10+$0x2A70] =	vst v55  }
0x52: {  	v60 =	vld [tilespmem:s10+$0x2AF0];
	[tilespmem:s10+$0x2A80] =	vst v17;
	v17 =	vmul.f32 v53, v54  }
0x53: {  	v62 =	vld [tilespmem:s10+$0x2B00];
	v61 =	vmul.f32 v25, v54;
	[tilespmem:s10+$0x2A90] =	vst v58  }
0x54: {  	v63 =	vld [tilespmem:s10+$0x2B10];
	[tilespmem:s10+$0x2AA0] =	vst v17;
	v17 =	vmul.f32 v56, v54  }
0x55: {  	v29 =	vld [tilespmem:s10+$0x2B20];
	v28 =	vmul.f32 v57, v54;
	[tilespmem:s10+$0x2AB0] =	vst v61  }
0x56: {  	v31 =	vld [tilespmem:s10+$0x2B30];
	v30 =	vperm.xlane v16, v2;
	[tilespmem:s10+$0x2AC0] =	vst v17;
	v17 =	vmul.f32 v59, v54  }
0x57: {  	v33 =	vld [tilespmem:s10+$0x2B40];
	v32 =	vmul.f32 v60, v54;
	[tilespmem:s10+$0x2AD0] =	vst v28  }
0x58: {  	v34 =	vld [tilespmem:s10+$0x2B50];
	[tilespmem:s10+$0x2AE0] =	vst v17;
	v17 =	vmul.f32 v62, v30  }
0x59: {  	v36 =	vld [tilespmem:s10+$0x2B60];
	v35 =	vmul.f32 v63, v30;
	[tilespmem:s10+$0x2AF0] =	vst v32  }
0x5a: {  	v37 =	vld [tilespmem:s10+$0x2B70];
	[tilespmem:s10+$0x2B00] =	vst v17;
	v17 =	vmul.f32 v29, v30  }
0x5b: {  	v39 =	vld [tilespmem:s10+$0x2B80];
	v38 =	vmul.f32 v31, v30;
	[tilespmem:s10+$0x2B10] =	vst v35  }
0x5c: {  	v40 =	vld [tilespmem:s10+$0x2B90];
	[tilespmem:s10+$0x2B20] =	vst v17;
	v17 =	vmul.f32 v33, v30  }
0x5d: {  	v42 =	vld [tilespmem:s10+$0x2BA0];
	v41 =	vmul.f32 v34, v30;
	[tilespmem:s10+$0x2B30] =	vst v38  }
0x5e: {  	v44 =	vld [tilespmem:s10+$0x2BB0];
	v43 =	vperm.xlane v16, v3;
	[tilespmem:s10+$0x2B40] =	vst v17;
	v17 =	vmul.f32 v36, v30  }
0x5f: {  	v46 =	vld [tilespmem:s10+$0x2BC0];
	v45 =	vmul.f32 v37, v30;
	[tilespmem:s10+$0x2B50] =	vst v41  }
0x60: {  	v50 =	vld [tilespmem:s10+$0x2BF0];
	[tilespmem:s10+$0x2B60] =	vst v17;
	v17 =	vmul.f32 v39, v43  }
0x61: {  	v48 =	vmul.f32 v40, v43;
	[tilespmem:s10+$0x2B70] =	vst v45;
	v49 =	vld [tilespmem:s10+$0x2BE0]  }
0x62: {  	v47 =	vld [tilespmem:s10+$0x2BD0];
	[tilespmem:s10+$0x2B80] =	vst v17;
	v17 =	vmul.f32 v42, v43  }
0x63: {  	v51 =	vmul.f32 v44, v43;
	[tilespmem:s10+$0x2B90] =	vst v48;
	v52 =	vld [tilespmem:s10+$0x2C00]  }
0x64: {  	v57 =	vld [tilespmem:s10+$0x2C30];
	[tilespmem:s10+$0x2BA0] =	vst v17;
	v17 =	vmul.f32 v46, v43  }
0x65: {  	[tilespmem:s10+$0x2BB0] =	vst v51;
	v55 =	vld [tilespmem:s10+$0x2C20];
	v58 =	vmul.f32 v50, v43  }
0x66: {  	v60 =	vld [tilespmem:s10+$0x2C50];
	v56 =	vperm.xlane v16, v4;
	[tilespmem:s10+$0x2BC0] =	vst v17;
	v17 =	vmul.f32 v49, v43  }
0x67: {  	v54 =	vmul.f32 v47, v43;
	v59 =	vld [tilespmem:s10+$0x2C40];
	[tilespmem:s10+$0x2BF0] =	vst v58  }
0x68: {  	v63 =	vld [tilespmem:s10+$0x2C70];
	[tilespmem:s10+$0x2BE0] =	vst v17;
	v17 =	vmul.f32 v52, v56  }
0x69: {  	v28 =	vmul.f32 v57, v56;
	[tilespmem:s10+$0x2BD0] =	vst v54;
	v62 =	vld [tilespmem:s10+$0x2C60]  }
0x6a: {  	v53 =	vld [tilespmem:s10+$0x2C10];
	[tilespmem:s10+$0x2C00] =	vst v17;
	v17 =	vmul.f32 v55, v56  }
0x6b: {  	v31 =	vmul.f32 v60, v56;
	[tilespmem:s10+$0x2C30] =	vst v28;
	v29 =	vld [tilespmem:s10+$0x2C80]  }
0x6c: {  	v34 =	vld [tilespmem:s10+$0x2CB0];
	[tilespmem:s10+$0x2C20] =	vst v17;
	v17 =	vmul.f32 v59, v56  }
0x6d: {  	v32 =	vld [tilespmem:s10+$0x2CA0];
	v35 =	vmul.f32 v63, v56;
	[tilespmem:s10+$0x2C50] =	vst v31  }
0x6e: {  	v37 =	vld [tilespmem:s10+$0x2CD0];
	v33 =	vperm.xlane v16, v5;
	[tilespmem:s10+$0x2C40] =	vst v17;
	v17 =	vmul.f32 v62, v56  }
0x6f: {  	v61 =	vmul.f32 v53, v56;
	[tilespmem:s10+$0x2C70] =	vst v35;
	v36 =	vld [tilespmem:s10+$0x2CC0]  }
0x70: {  	v40 =	vld [tilespmem:s10+$0x2CF0];
	[tilespmem:s10+$0x2C60] =	vst v17;
	v17 =	vmul.f32 v29, v33  }
0x71: {  	[tilespmem:s10+$0x2C10] =	vst v61;
	v41 =	vmul.f32 v34, v33;
	v39 =	vld [tilespmem:s10+$0x2CE0]  }
0x72: {  	v30 =	vld [tilespmem:s10+$0x2C90];
	[tilespmem:s10+$0x2C80] =	vst v17;
	v17 =	vmul.f32 v32, v33  }
0x73: {  	v44 =	vmul.f32 v37, v33;
	[tilespmem:s10+$0x2CB0] =	vst v41;
	v42 =	vld [tilespmem:s10+$0x2D00]  }
0x74: {  	v47 =	vld [tilespmem:s10+$0x2D30];
	[tilespmem:s10+$0x2CA0] =	vst v17;
	v17 =	vmul.f32 v36, v33  }
0x75: {  	v45 =	vld [tilespmem:s10+$0x2D20];
	v48 =	vmul.f32 v40, v33;
	[tilespmem:s10+$0x2CD0] =	vst v44  }
0x76: {  	v50 =	vld [tilespmem:s10+$0x2D50];
	v46 =	vperm.xlane v16, v6;
	[tilespmem:s10+$0x2CC0] =	vst v17;
	v17 =	vmul.f32 v39, v33  }
0x77: {  	[tilespmem:s10+$0x2CF0] =	vst v48;
	v38 =	vmul.f32 v30, v33;
	v49 =	vld [tilespmem:s10+$0x2D40]  }
0x78: {  	v53 =	vld [tilespmem:s10+$0x2D70];
	[tilespmem:s10+$0x2CE0] =	vst v17;
	v17 =	vmul.f32 v42, v46  }
0x79: {  	[tilespmem:s10+$0x2C90] =	vst v38;
	v54 =	vmul.f32 v47, v46;
	v52 =	vld [tilespmem:s10+$0x2D60]  }
0x7a: {  	v43 =	vld [tilespmem:s10+$0x2D10];
	[tilespmem:s10+$0x2D00] =	vst v17;
	v17 =	vmul.f32 v45, v46  }
0x7b: {  	v57 =	vmul.f32 v50, v46;
	[tilespmem:s10+$0x2D30] =	vst v54;
	v55 =	vld [tilespmem:s10+$0x2D80]  }
0x7c: {  	v60 =	vld [tilespmem:s10+$0x2DB0];
	[tilespmem:s10+$0x2D20] =	vst v17;
	v17 =	vmul.f32 v49, v46  }
0x7d: {  	v58 =	vld [tilespmem:s10+$0x2DA0];
	v61 =	vmul.f32 v53, v46;
	[tilespmem:s10+$0x2D50] =	vst v57  }
0x7e: {  	v63 =	vld [tilespmem:s10+$0x2DD0];
	v59 =	vperm.xlane v16, v7;
	[tilespmem:s10+$0x2D40] =	vst v17;
	v17 =	vmul.f32 v52, v46  }
0x7f: {  	[tilespmem:s10+$0x2D70] =	vst v61;
	v51 =	vmul.f32 v43, v46;
	v62 =	vld [tilespmem:s10+$0x2DC0]  }
0x80: {  	v30 =	vld [tilespmem:s10+$0x2DF0];
	[tilespmem:s10+$0x2D60] =	vst v17;
	v17 =	vmul.f32 v55, v59  }
0x81: {  	[tilespmem:s10+$0x2D10] =	vst v51;
	v31 =	vmul.f32 v60, v59;
	v29 =	vld [tilespmem:s10+$0x2DE0]  }
0x82: {  	v56 =	vld [tilespmem:s10+$0x2D90];
	[tilespmem:s10+$0x2D80] =	vst v17;
	v17 =	vmul.f32 v58, v59  }
0x83: {  	v34 =	vmul.f32 v63, v59;
	[tilespmem:s10+$0x2DB0] =	vst v31;
	v32 =	vld [tilespmem:s10+$0x2E00]  }
0x84: {  	v37 =	vld [tilespmem:s10+$0x2E30];
	[tilespmem:s10+$0x2DA0] =	vst v17;
	v17 =	vmul.f32 v62, v59  }
0x85: {  	v35 =	vld [tilespmem:s10+$0x2E20];
	v38 =	vmul.f32 v30, v59;
	[tilespmem:s10+$0x2DD0] =	vst v34  }
0x86: {  	v40 =	vld [tilespmem:s10+$0x2E50];
	v36 =	vperm.xlane v16, v8;
	[tilespmem:s10+$0x2DC0] =	vst v17;
	v17 =	vmul.f32 v29, v59  }
0x87: {  	[tilespmem:s10+$0x2DF0] =	vst v38;
	v28 =	vmul.f32 v56, v59;
	v39 =	vld [tilespmem:s10+$0x2E40]  }
0x88: {  	v43 =	vld [tilespmem:s10+$0x2E70];
	[tilespmem:s10+$0x2DE0] =	vst v17;
	v17 =	vmul.f32 v32, v36  }
0x89: {  	[tilespmem:s10+$0x2D90] =	vst v28;
	v44 =	vmul.f32 v37, v36;
	v42 =	vld [tilespmem:s10+$0x2E60]  }
0x8a: {  	v33 =	vld [tilespmem:s10+$0x2E10];
	[tilespmem:s10+$0x2E00] =	vst v17;
	v17 =	vmul.f32 v35, v36  }
0x8b: {  	v47 =	vmul.f32 v40, v36;
	[tilespmem:s10+$0x2E30] =	vst v44;
	v45 =	vld [tilespmem:s10+$0x2E80]  }
0x8c: {  	v50 =	vld [tilespmem:s10+$0x2EB0];
	[tilespmem:s10+$0x2E20] =	vst v17;
	v17 =	vmul.f32 v39, v36  }
0x8d: {  	v48 =	vld [tilespmem:s10+$0x2EA0];
	v51 =	vmul.f32 v43, v36;
	[tilespmem:s10+$0x2E50] =	vst v47  }
0x8e: {  	v53 =	vld [tilespmem:s10+$0x2ED0];
	v49 =	vperm.xlane v16, v9;
	[tilespmem:s10+$0x2E40] =	vst v17;
	v17 =	vmul.f32 v42, v36  }
0x8f: {  	[tilespmem:s10+$0x2E70] =	vst v51;
	v41 =	vmul.f32 v33, v36;
	v52 =	vld [tilespmem:s10+$0x2EC0]  }
0x90: {  	v56 =	vld [tilespmem:s10+$0x2EF0];
	[tilespmem:s10+$0x2E60] =	vst v17;
	v17 =	vmul.f32 v45, v49  }
0x91: {  	[tilespmem:s10+$0x2E10] =	vst v41;
	v57 =	vmul.f32 v50, v49;
	v55 =	vld [tilespmem:s10+$0x2EE0]  }
0x92: {  	v46 =	vld [tilespmem:s10+$0x2E90];
	[tilespmem:s10+$0x2E80] =	vst v17;
	v17 =	vmul.f32 v48, v49  }
0x93: {  	v60 =	vmul.f32 v53, v49;
	[tilespmem:s10+$0x2EB0] =	vst v57;
	v58 =	vld [tilespmem:s10+$0x2F00]  }
0x94: {  	v63 =	vld [tilespmem:s10+$0x2F30];
	[tilespmem:s10+$0x2EA0] =	vst v17;
	v17 =	vmul.f32 v52, v49  }
0x95: {  	v61 =	vld [tilespmem:s10+$0x2F20];
	v28 =	vmul.f32 v56, v49;
	[tilespmem:s10+$0x2ED0] =	vst v60  }
0x96: {  	v30 =	vld [tilespmem:s10+$0x2F50];
	v62 =	vperm.xlane v16, v10;
	[tilespmem:s10+$0x2EC0] =	vst v17;
	v17 =	vmul.f32 v55, v49  }
0x97: {  	[tilespmem:s10+$0x2EF0] =	vst v28;
	v54 =	vmul.f32 v46, v49;
	v29 =	vld [tilespmem:s10+$0x2F40]  }
0x98: {  	v33 =	vld [tilespmem:s10+$0x2F70];
	[tilespmem:s10+$0x2EE0] =	vst v17;
	v17 =	vmul.f32 v58, v62  }
0x99: {  	[tilespmem:s10+$0x2E90] =	vst v54;
	v34 =	vmul.f32 v63, v62;
	v32 =	vld [tilespmem:s10+$0x2F60]  }
0x9a: {  	v59 =	vld [tilespmem:s10+$0x2F10];
	[tilespmem:s10+$0x2F00] =	vst v17;
	v17 =	vmul.f32 v61, v62  }
0x9b: {  	v37 =	vmul.f32 v30, v62;
	[tilespmem:s10+$0x2F30] =	vst v34;
	v35 =	vld [tilespmem:s10+$0x2F80]  }
0x9c: {  	v40 =	vld [tilespmem:s10+$0x2FB0];
	[tilespmem:s10+$0x2F20] =	vst v17;
	v17 =	vmul.f32 v29, v62  }
0x9d: {  	v38 =	vld [tilespmem:s10+$0x2FA0];
	v41 =	vmul.f32 v33, v62;
	[tilespmem:s10+$0x2F50] =	vst v37  }
0x9e: {  	v43 =	vld [tilespmem:s10+$0x2FD0];
	v39 =	vperm.xlane v16, v11;
	[tilespmem:s10+$0x2F40] =	vst v17;
	v17 =	vmul.f32 v32, v62  }
0x9f: {  	[tilespmem:s10+$0x2F70] =	vst v41;
	v31 =	vmul.f32 v59, v62;
	v42 =	vld [tilespmem:s10+$0x2FC0]  }
0xa0: {  	v46 =	vld [tilespmem:s10+$0x2FF0];
	[tilespmem:s10+$0x2F60] =	vst v17;
	v17 =	vmul.f32 v35, v39  }
0xa1: {  	[tilespmem:s10+$0x2F10] =	vst v31;
	v47 =	vmul.f32 v40, v39;
	v45 =	vld [tilespmem:s10+$0x2FE0]  }
0xa2: {  	v36 =	vld [tilespmem:s10+$0x2F90];
	[tilespmem:s10+$0x2F80] =	vst v17;
	v17 =	vmul.f32 v38, v39  }
0xa3: {  	v50 =	vmul.f32 v43, v39;
	[tilespmem:s10+$0x2FB0] =	vst v47;
	v48 =	vld [tilespmem:s10+$0x3000]  }
0xa4: {  	v53 =	vld [tilespmem:s10+$0x3030];
	[tilespmem:s10+$0x2FA0] =	vst v17;
	v17 =	vmul.f32 v42, v39  }
0xa5: {  	v51 =	vld [tilespmem:s10+$0x3020];
	v54 =	vmul.f32 v46, v39;
	[tilespmem:s10+$0x2FD0] =	vst v50  }
0xa6: {  	v56 =	vld [tilespmem:s10+$0x3050];
	v52 =	vperm.xlane v16, v12;
	[tilespmem:s10+$0x2FC0] =	vst v17;
	v17 =	vmul.f32 v45, v39  }
0xa7: {  	[tilespmem:s10+$0x2FF0] =	vst v54;
	v44 =	vmul.f32 v36, v39;
	v55 =	vld [tilespmem:s10+$0x3040]  }
0xa8: {  	v59 =	vld [tilespmem:s10+$0x3070];
	[tilespmem:s10+$0x2FE0] =	vst v17;
	v17 =	vmul.f32 v48, v52  }
0xa9: {  	[tilespmem:s10+$0x2F90] =	vst v44;
	v60 =	vmul.f32 v53, v52;
	v58 =	vld [tilespmem:s10+$0x3060]  }
0xaa: {  	v49 =	vld [tilespmem:s10+$0x3010];
	[tilespmem:s10+$0x3000] =	vst v17;
	v17 =	vmul.f32 v51, v52  }
0xab: {  	v63 =	vmul.f32 v56, v52;
	[tilespmem:s10+$0x3030] =	vst v60;
	v61 =	vld [tilespmem:s10+$0x3080]  }
0xac: {  	v30 =	vld [tilespmem:s10+$0x30B0];
	[tilespmem:s10+$0x3020] =	vst v17;
	v17 =	vmul.f32 v55, v52  }
0xad: {  	v28 =	vld [tilespmem:s10+$0x30A0];
	v31 =	vmul.f32 v59, v52;
	[tilespmem:s10+$0x3050] =	vst v63  }
0xae: {  	v33 =	vld [tilespmem:s10+$0x30D0];
	v29 =	vperm.xlane v16, v13;
	[tilespmem:s10+$0x3040] =	vst v17;
	v17 =	vmul.f32 v58, v52  }
0xaf: {  	[tilespmem:s10+$0x3070] =	vst v31;
	v57 =	vmul.f32 v49, v52;
	v32 =	vld [tilespmem:s10+$0x30C0]  }
0xb0: {  	v36 =	vld [tilespmem:s10+$0x30F0];
	[tilespmem:s10+$0x3060] =	vst v17;
	v17 =	vmul.f32 v61, v29  }
0xb1: {  	[tilespmem:s10+$0x3010] =	vst v57;
	v37 =	vmul.f32 v30, v29;
	v35 =	vld [tilespmem:s10+$0x30E0]  }
0xb2: {  	v62 =	vld [tilespmem:s10+$0x3090];
	[tilespmem:s10+$0x3080] =	vst v17;
	v17 =	vmul.f32 v28, v29  }
0xb3: {  	v40 =	vmul.f32 v33, v29;
	[tilespmem:s10+$0x30B0] =	vst v37;
	v38 =	vld [tilespmem:s10+$0x3100]  }
0xb4: {  	v43 =	vld [tilespmem:s10+$0x3130];
	[tilespmem:s10+$0x30A0] =	vst v17;
	v17 =	vmul.f32 v32, v29  }
0xb5: {  	v41 =	vld [tilespmem:s10+$0x3120];
	v44 =	vmul.f32 v36, v29;
	[tilespmem:s10+$0x30D0] =	vst v40  }
0xb6: {  	v46 =	vld [tilespmem:s10+$0x3150];
	v42 =	vperm.xlane v16, v14;
	[tilespmem:s10+$0x30C0] =	vst v17;
	v17 =	vmul.f32 v35, v29  }
0xb7: {  	[tilespmem:s10+$0x30F0] =	vst v44;
	v34 =	vmul.f32 v62, v29;
	v45 =	vld [tilespmem:s10+$0x3140]  }
0xb8: {  	v49 =	vld [tilespmem:s10+$0x3170];
	[tilespmem:s10+$0x30E0] =	vst v17;
	v17 =	vmul.f32 v38, v42  }
0xb9: {  	[tilespmem:s10+$0x3090] =	vst v34;
	v50 =	vmul.f32 v43, v42;
	v48 =	vld [tilespmem:s10+$0x3160]  }
0xba: {  	v39 =	vld [tilespmem:s10+$0x3110];
	[tilespmem:s10+$0x3100] =	vst v17;
	v17 =	vmul.f32 v41, v42  }
0xbb: {  	v53 =	vmul.f32 v46, v42;
	[tilespmem:s10+$0x3130] =	vst v50;
	v51 =	vld [tilespmem:s10+$0x3180]  }
0xbc: {  	v55 =	vld [tilespmem:s10+$0x31B0];
	[tilespmem:s10+$0x3120] =	vst v17;
	v17 =	vmul.f32 v45, v42  }
0xbd: {  	v54 =	vld [tilespmem:s10+$0x31A0];
	v56 =	vmul.f32 v49, v42;
	[tilespmem:s10+$0x3150] =	vst v53  }
0xbe: {  	v16 =	vperm.xlane v16, v15;
	v52 =	vld [tilespmem:s10+$0x3190];
	[tilespmem:s10+$0x3140] =	vst v17;
	v17 =	vmul.f32 v48, v42  }
0xbf: {  	v57 =	vld [tilespmem:s10+$0x31C0];
	[tilespmem:s10+$0x3170] =	vst v56;
	v47 =	vmul.f32 v39, v42  }
0xc0: {  	v58 =	vld [tilespmem:s10+$0x31D0];
	[tilespmem:s10+$0x3160] =	vst v17;
	v17 =	vmul.f32 v51, v16  }
0xc1: {  	v60 =	vld [tilespmem:s10+$0x31E0];
	[tilespmem:s10+$0x3110] =	vst v47;
	v62 =	vmul.f32 v55, v16  }
0xc2: {  	v61 =	vld [tilespmem:s10+$0x31F0];
	[tilespmem:s10+$0x3180] =	vst v17;
	v17 =	vmul.f32 v54, v16  }
0xc3: {  	v59 =	vmul.f32 v52, v16;
	[tilespmem:s10+$0x31B0] =	vst v62  }
0xc4: {  	p0 =	sne.s32 s8, $0x7;
	[tilespmem:s10+$0x31A0] =	vst v17;
	v17 =	vmul.f32 v57, v16  }
.Ltmp0:
0xc5: {  	v63 =	vmul.f32 v58, v16;
	[tilespmem:s10+$0x3190] =	vst v59;
	(pc) =	sbr.rel @p0 .LBB2_3-.Ltmp0, $4  }
0xc6: {  	[tilespmem:s10+$0x31C0] =	vst v17;
	v17 =	vmul.f32 v60, v16  }
0xc7: {  	[tilespmem:s10+$0x31D0] =	vst v63;
	v16 =	vmul.f32 v61, v16  }
0xc8: {  	[tilespmem:s10+$0x31E0] =	vst v17  }
0xc9: {  	s8 =	sadd.s32 $0x1, s8;
	[tilespmem:s10+$0x31F0] =	vst v16  }
0xca: {  	[spmem:s1] =	stream.indirect.scatter.add.f32 [tilespmem:s15], [sflag:$0x7], $0x80, s17, s30, $0xb8;
	[tilespmem:$0x1EA00] =	vst v63  }
0xcb: {  	p0 =	seq.s32 s18, $0x27  }
0xcc: {  	_ =	swait.ge [sflag:s13], $0x4000;
	s6 =	sadd.s32 @!p0 $0x2, s6  }
0xcd: {  	s10 =	simm.s32 @!p0 $0x40;
	[sflag:s13] =	ssyncset.done $0x0;
	s8 =	sshll.u32 @!p0 s6, $0x7  }
0xce: {  	s11 =	simm.s32 @!p0 $0x2A00;
	[sflag:s13] =	ssyncadd.s32 $0xFFFFC000;
	s8 =	sand.u32 @!p0 $0x3FFFFF80, s8  }
0xcf: {  	[tilespmem:s11], [sflag:$0x1] =	stream.indirect.gather @!p0 [hbm4b:s9+s10], $0x80, s8, s10, $0xb8;
	[tilespmem:$0x1EA00] =	vst v63  }
0xd0: {  	s8 =	sor.u32 @!p0 $0x40, s8;
	s11 =	simm.s32 @!p0 $0x4A00  }
0xd1: {  	[tilespmem:s11], [sflag:$0x5] =	stream.indirect.gather @!p0 [hbm4b:s9+s10], $0x80, s8, s10, $0xb8;
	[tilespmem:$0x1EA00] =	vst v63  }
0xd2: {  	s8 =	sadd.s32 @!p0 s7, s6  }
0xd3: {  	s6 =	sshll.u32 @!p0 s6, $0x4;
	s8 =	sshll.u32 @!p0 s8, $0x4  }
0xd4: {  	s6 =	sand.u32 @!p0 $0x60, s6;
	s8 =	sand.u32 @!p0 $0xFF80, s8  }
0xd5: {  	s6 =	sor.u32 @!p0 s6, s8  }
0xd6: {  	s10 =	simm.s32 @!p0 $0x0;
	s11 =	simm.s32 @!p0 $0x2800;
	s8 =	sadd.s32 @!p0 s4, s6  }
0xd7: {  	[tilespmem:s11], [sflag:$0x3] =	stream.linear.gather @!p0 [hbm4b:s8+s10], $0x80, $0x38;
	[tilespmem:$0x1EA00] =	vst v63  }
0xd8: {  	s6 =	sadd.s32 @!p0 s5, s6;
	s8 =	simm.s32 @!p0 $0x2900  }
0xd9: {  	[tilespmem:s8], [sflag:$0x3] =	stream.linear.gather @!p0 [hbm4b:s6+s10], $0x80, $0x38;
	[tilespmem:$0x1EA00] =	vst v63  }
0xda: {  	_ =	swait.ge [sflag:s31], $0x2000  }
0xdb: {  	[sflag:s31] =	ssyncset.done $0x0  }
0xdc: {  	[sflag:s31] =	ssyncadd.s32 $0xFFFFE000  }
0xdd: {  	_ =	swait.ge [sflag:s0], $0x2000  }
0xde: {  	[sflag:s0] =	ssyncset.done $0x0  }
0xdf: {  	[sflag:s0] =	ssyncadd.s32 $0xFFFFE000  }
0xe0: {  	_ =	swait.ge [sflag:s3], $0x80  }
0xe1: {  	[sflag:s3] =	ssyncset.done $0x0  }
0xe2: {  	[sflag:s3] =	ssyncadd.s32 $0xFFFFFF80  }
0xe3: {  	_ =	swait.ge [sflag:s3], $0x80  }
0xe4: {  	[sflag:s3] =	ssyncset.done $0x0  }
0xe5: {  	s6 =	simm.s32 $0x0;
	[sflag:s3] =	ssyncadd.s32 $0xFFFFFF80  }
.LBB2_5:
0xe6: {  	s8 =	sshll.u32 s6, $0x4  }
0xe7: {  	s8 =	sand.u32 $0x3FFFFFF0, s8  }
0xe8: {  	s11 =	sshll.u32 s6, $0xB;
	v16 =	vld [tilespmem:s8+$0x2980]  }
0xe9: {  	s8 =	sand.u32 $0x3FFFF800, s11  }
0xea: {  	v17 =	vld [tilespmem:s8+$0x6A00]  }
0xeb: {  	v18 =	vld [tilespmem:s8+$0x6A10]  }
0xec: {  	v19 =	vld [tilespmem:s8+$0x6A20]  }
0xed: {  	v21 =	vld [tilespmem:s8+$0x6A30];
	v20 =	vperm.xlane v16, v0  }
0xee: {  	v22 =	vld [tilespmem:s8+$0x6A40]  }
0xef: {  	v23 =	vld [tilespmem:s8+$0x6A50];
	v17 =	vmul.f32 v17, v20  }
0xf0: {  	v24 =	vld [tilespmem:s8+$0x6A60];
	v18 =	vmul.f32 v18, v20  }
0xf1: {  	v48 =	vld [tilespmem:s8+$0x6A70];
	[tilespmem:s8+$0x6A00] =	vst v17;
	v17 =	vmul.f32 v19, v20  }
0xf2: {  	v50 =	vld [tilespmem:s8+$0x6A80];
	v49 =	vmul.f32 v21, v20;
	[tilespmem:s8+$0x6A10] =	vst v18  }
0xf3: {  	v51 =	vld [tilespmem:s8+$0x6A90];
	[tilespmem:s8+$0x6A20] =	vst v17;
	v17 =	vmul.f32 v22, v20  }
0xf4: {  	v53 =	vld [tilespmem:s8+$0x6AA0];
	v52 =	vmul.f32 v23, v20;
	[tilespmem:s8+$0x6A30] =	vst v49  }
0xf5: {  	v25 =	vld [tilespmem:s8+$0x6AB0];
	v54 =	vperm.xlane v16, v1;
	[tilespmem:s8+$0x6A40] =	vst v17;
	v17 =	vmul.f32 v24, v20  }
0xf6: {  	v56 =	vld [tilespmem:s8+$0x6AC0];
	v55 =	vmul.f32 v48, v20;
	[tilespmem:s8+$0x6A50] =	vst v52  }
0xf7: {  	v57 =	vld [tilespmem:s8+$0x6AD0];
	[tilespmem:s8+$0x6A60] =	vst v17;
	v17 =	vmul.f32 v50, v54  }
0xf8: {  	v59 =	vld [tilespmem:s8+$0x6AE0];
	v58 =	vmul.f32 v51, v54;
	[tilespmem:s8+$0x6A70] =	vst v55  }
0xf9: {  	v60 =	vld [tilespmem:s8+$0x6AF0];
	[tilespmem:s8+$0x6A80] =	vst v17;
	v17 =	vmul.f32 v53, v54  }
0xfa: {  	v62 =	vld [tilespmem:s8+$0x6B00];
	v61 =	vmul.f32 v25, v54;
	[tilespmem:s8+$0x6A90] =	vst v58  }
0xfb: {  	v63 =	vld [tilespmem:s8+$0x6B10];
	[tilespmem:s8+$0x6AA0] =	vst v17;
	v17 =	vmul.f32 v56, v54  }
0xfc: {  	v29 =	vld [tilespmem:s8+$0x6B20];
	v28 =	vmul.f32 v57, v54;
	[tilespmem:s8+$0x6AB0] =	vst v61  }
0xfd: {  	v31 =	vld [tilespmem:s8+$0x6B30];
	v30 =	vperm.xlane v16, v2;
	[tilespmem:s8+$0x6AC0] =	vst v17;
	v17 =	vmul.f32 v59, v54  }
0xfe: {  	v33 =	vld [tilespmem:s8+$0x6B40];
	v32 =	vmul.f32 v60, v54;
	[tilespmem:s8+$0x6AD0] =	vst v28  }
0xff: {  	v34 =	vld [tilespmem:s8+$0x6B50];
	[tilespmem:s8+$0x6AE0] =	vst v17;
	v17 =	vmul.f32 v62, v30  }
0x100: {  	v36 =	vld [tilespmem:s8+$0x6B60];
	v35 =	vmul.f32 v63, v30;
	[tilespmem:s8+$0x6AF0] =	vst v32  }
0x101: {  	v37 =	vld [tilespmem:s8+$0x6B70];
	[tilespmem:s8+$0x6B00] =	vst v17;
	v17 =	vmul.f32 v29, v30  }
0x102: {  	v39 =	vld [tilespmem:s8+$0x6B80];
	v38 =	vmul.f32 v31, v30;
	[tilespmem:s8+$0x6B10] =	vst v35  }
0x103: {  	v40 =	vld [tilespmem:s8+$0x6B90];
	[tilespmem:s8+$0x6B20] =	vst v17;
	v17 =	vmul.f32 v33, v30  }
0x104: {  	v42 =	vld [tilespmem:s8+$0x6BA0];
	v41 =	vmul.f32 v34, v30;
	[tilespmem:s8+$0x6B30] =	vst v38  }
0x105: {  	v44 =	vld [tilespmem:s8+$0x6BB0];
	v43 =	vperm.xlane v16, v3;
	[tilespmem:s8+$0x6B40] =	vst v17;
	v17 =	vmul.f32 v36, v30  }
0x106: {  	v46 =	vld [tilespmem:s8+$0x6BC0];
	v45 =	vmul.f32 v37, v30;
	[tilespmem:s8+$0x6B50] =	vst v41  }
0x107: {  	v50 =	vld [tilespmem:s8+$0x6BF0];
	[tilespmem:s8+$0x6B60] =	vst v17;
	v17 =	vmul.f32 v39, v43  }
0x108: {  	v48 =	vmul.f32 v40, v43;
	[tilespmem:s8+$0x6B70] =	vst v45;
	v49 =	vld [tilespmem:s8+$0x6BE0]  }
0x109: {  	v47 =	vld [tilespmem:s8+$0x6BD0];
	[tilespmem:s8+$0x6B80] =	vst v17;
	v17 =	vmul.f32 v42, v43  }
0x10a: {  	v51 =	vmul.f32 v44, v43;
	[tilespmem:s8+$0x6B90] =	vst v48;
	v52 =	vld [tilespmem:s8+$0x6C00]  }
0x10b: {  	v57 =	vld [tilespmem:s8+$0x6C30];
	[tilespmem:s8+$0x6BA0] =	vst v17;
	v17 =	vmul.f32 v46, v43  }
0x10c: {  	[tilespmem:s8+$0x6BB0] =	vst v51;
	v55 =	vld [tilespmem:s8+$0x6C20];
	v58 =	vmul.f32 v50, v43  }
0x10d: {  	v60 =	vld [tilespmem:s8+$0x6C50];
	v56 =	vperm.xlane v16, v4;
	[tilespmem:s8+$0x6BC0] =	vst v17;
	v17 =	vmul.f32 v49, v43  }
0x10e: {  	v54 =	vmul.f32 v47, v43;
	v59 =	vld [tilespmem:s8+$0x6C40];
	[tilespmem:s8+$0x6BF0] =	vst v58  }
0x10f: {  	v63 =	vld [tilespmem:s8+$0x6C70];
	[tilespmem:s8+$0x6BE0] =	vst v17;
	v17 =	vmul.f32 v52, v56  }
0x110: {  	v28 =	vmul.f32 v57, v56;
	[tilespmem:s8+$0x6BD0] =	vst v54;
	v62 =	vld [tilespmem:s8+$0x6C60]  }
0x111: {  	v53 =	vld [tilespmem:s8+$0x6C10];
	[tilespmem:s8+$0x6C00] =	vst v17;
	v17 =	vmul.f32 v55, v56  }
0x112: {  	v31 =	vmul.f32 v60, v56;
	[tilespmem:s8+$0x6C30] =	vst v28;
	v29 =	vld [tilespmem:s8+$0x6C80]  }
0x113: {  	v34 =	vld [tilespmem:s8+$0x6CB0];
	[tilespmem:s8+$0x6C20] =	vst v17;
	v17 =	vmul.f32 v59, v56  }
0x114: {  	v32 =	vld [tilespmem:s8+$0x6CA0];
	v35 =	vmul.f32 v63, v56;
	[tilespmem:s8+$0x6C50] =	vst v31  }
0x115: {  	v37 =	vld [tilespmem:s8+$0x6CD0];
	v33 =	vperm.xlane v16, v5;
	[tilespmem:s8+$0x6C40] =	vst v17;
	v17 =	vmul.f32 v62, v56  }
0x116: {  	v61 =	vmul.f32 v53, v56;
	[tilespmem:s8+$0x6C70] =	vst v35;
	v36 =	vld [tilespmem:s8+$0x6CC0]  }
0x117: {  	v40 =	vld [tilespmem:s8+$0x6CF0];
	[tilespmem:s8+$0x6C60] =	vst v17;
	v17 =	vmul.f32 v29, v33  }
0x118: {  	[tilespmem:s8+$0x6C10] =	vst v61;
	v41 =	vmul.f32 v34, v33;
	v39 =	vld [tilespmem:s8+$0x6CE0]  }
0x119: {  	v30 =	vld [tilespmem:s8+$0x6C90];
	[tilespmem:s8+$0x6C80] =	vst v17;
	v17 =	vmul.f32 v32, v33  }
0x11a: {  	v44 =	vmul.f32 v37, v33;
	[tilespmem:s8+$0x6CB0] =	vst v41;
	v42 =	vld [tilespmem:s8+$0x6D00]  }
0x11b: {  	v47 =	vld [tilespmem:s8+$0x6D30];
	[tilespmem:s8+$0x6CA0] =	vst v17;
	v17 =	vmul.f32 v36, v33  }
0x11c: {  	v45 =	vld [tilespmem:s8+$0x6D20];
	v48 =	vmul.f32 v40, v33;
	[tilespmem:s8+$0x6CD0] =	vst v44  }
0x11d: {  	v50 =	vld [tilespmem:s8+$0x6D50];
	v46 =	vperm.xlane v16, v6;
	[tilespmem:s8+$0x6CC0] =	vst v17;
	v17 =	vmul.f32 v39, v33  }
0x11e: {  	[tilespmem:s8+$0x6CF0] =	vst v48;
	v38 =	vmul.f32 v30, v33;
	v49 =	vld [tilespmem:s8+$0x6D40]  }
0x11f: {  	v53 =	vld [tilespmem:s8+$0x6D70];
	[tilespmem:s8+$0x6CE0] =	vst v17;
	v17 =	vmul.f32 v42, v46  }
0x120: {  	[tilespmem:s8+$0x6C90] =	vst v38;
	v54 =	vmul.f32 v47, v46;
	v52 =	vld [tilespmem:s8+$0x6D60]  }
0x121: {  	v43 =	vld [tilespmem:s8+$0x6D10];
	[tilespmem:s8+$0x6D00] =	vst v17;
	v17 =	vmul.f32 v45, v46  }
0x122: {  	v57 =	vmul.f32 v50, v46;
	[tilespmem:s8+$0x6D30] =	vst v54;
	v55 =	vld [tilespmem:s8+$0x6D80]  }
0x123: {  	v60 =	vld [tilespmem:s8+$0x6DB0];
	[tilespmem:s8+$0x6D20] =	vst v17;
	v17 =	vmul.f32 v49, v46  }
0x124: {  	v58 =	vld [tilespmem:s8+$0x6DA0];
	v61 =	vmul.f32 v53, v46;
	[tilespmem:s8+$0x6D50] =	vst v57  }
0x125: {  	v63 =	vld [tilespmem:s8+$0x6DD0];
	v59 =	vperm.xlane v16, v7;
	[tilespmem:s8+$0x6D40] =	vst v17;
	v17 =	vmul.f32 v52, v46  }
0x126: {  	[tilespmem:s8+$0x6D70] =	vst v61;
	v51 =	vmul.f32 v43, v46;
	v62 =	vld [tilespmem:s8+$0x6DC0]  }
0x127: {  	v30 =	vld [tilespmem:s8+$0x6DF0];
	[tilespmem:s8+$0x6D60] =	vst v17;
	v17 =	vmul.f32 v55, v59  }
0x128: {  	[tilespmem:s8+$0x6D10] =	vst v51;
	v31 =	vmul.f32 v60, v59;
	v29 =	vld [tilespmem:s8+$0x6DE0]  }
0x129: {  	v56 =	vld [tilespmem:s8+$0x6D90];
	[tilespmem:s8+$0x6D80] =	vst v17;
	v17 =	vmul.f32 v58, v59  }
0x12a: {  	v34 =	vmul.f32 v63, v59;
	[tilespmem:s8+$0x6DB0] =	vst v31;
	v32 =	vld [tilespmem:s8+$0x6E00]  }
0x12b: {  	v37 =	vld [tilespmem:s8+$0x6E30];
	[tilespmem:s8+$0x6DA0] =	vst v17;
	v17 =	vmul.f32 v62, v59  }
0x12c: {  	v35 =	vld [tilespmem:s8+$0x6E20];
	v38 =	vmul.f32 v30, v59;
	[tilespmem:s8+$0x6DD0] =	vst v34  }
0x12d: {  	v40 =	vld [tilespmem:s8+$0x6E50];
	v36 =	vperm.xlane v16, v8;
	[tilespmem:s8+$0x6DC0] =	vst v17;
	v17 =	vmul.f32 v29, v59  }
0x12e: {  	[tilespmem:s8+$0x6DF0] =	vst v38;
	v28 =	vmul.f32 v56, v59;
	v39 =	vld [tilespmem:s8+$0x6E40]  }
0x12f: {  	v43 =	vld [tilespmem:s8+$0x6E70];
	[tilespmem:s8+$0x6DE0] =	vst v17;
	v17 =	vmul.f32 v32, v36  }
0x130: {  	[tilespmem:s8+$0x6D90] =	vst v28;
	v44 =	vmul.f32 v37, v36;
	v42 =	vld [tilespmem:s8+$0x6E60]  }
0x131: {  	v33 =	vld [tilespmem:s8+$0x6E10];
	[tilespmem:s8+$0x6E00] =	vst v17;
	v17 =	vmul.f32 v35, v36  }
0x132: {  	v47 =	vmul.f32 v40, v36;
	[tilespmem:s8+$0x6E30] =	vst v44;
	v45 =	vld [tilespmem:s8+$0x6E80]  }
0x133: {  	v50 =	vld [tilespmem:s8+$0x6EB0];
	[tilespmem:s8+$0x6E20] =	vst v17;
	v17 =	vmul.f32 v39, v36  }
0x134: {  	v48 =	vld [tilespmem:s8+$0x6EA0];
	v51 =	vmul.f32 v43, v36;
	[tilespmem:s8+$0x6E50] =	vst v47  }
0x135: {  	v53 =	vld [tilespmem:s8+$0x6ED0];
	v49 =	vperm.xlane v16, v9;
	[tilespmem:s8+$0x6E40] =	vst v17;
	v17 =	vmul.f32 v42, v36  }
0x136: {  	[tilespmem:s8+$0x6E70] =	vst v51;
	v41 =	vmul.f32 v33, v36;
	v52 =	vld [tilespmem:s8+$0x6EC0]  }
0x137: {  	v56 =	vld [tilespmem:s8+$0x6EF0];
	[tilespmem:s8+$0x6E60] =	vst v17;
	v17 =	vmul.f32 v45, v49  }
0x138: {  	[tilespmem:s8+$0x6E10] =	vst v41;
	v57 =	vmul.f32 v50, v49;
	v55 =	vld [tilespmem:s8+$0x6EE0]  }
0x139: {  	v46 =	vld [tilespmem:s8+$0x6E90];
	[tilespmem:s8+$0x6E80] =	vst v17;
	v17 =	vmul.f32 v48, v49  }
0x13a: {  	v60 =	vmul.f32 v53, v49;
	[tilespmem:s8+$0x6EB0] =	vst v57;
	v58 =	vld [tilespmem:s8+$0x6F00]  }
0x13b: {  	v63 =	vld [tilespmem:s8+$0x6F30];
	[tilespmem:s8+$0x6EA0] =	vst v17;
	v17 =	vmul.f32 v52, v49  }
0x13c: {  	v61 =	vld [tilespmem:s8+$0x6F20];
	v28 =	vmul.f32 v56, v49;
	[tilespmem:s8+$0x6ED0] =	vst v60  }
0x13d: {  	v30 =	vld [tilespmem:s8+$0x6F50];
	v62 =	vperm.xlane v16, v10;
	[tilespmem:s8+$0x6EC0] =	vst v17;
	v17 =	vmul.f32 v55, v49  }
0x13e: {  	[tilespmem:s8+$0x6EF0] =	vst v28;
	v54 =	vmul.f32 v46, v49;
	v29 =	vld [tilespmem:s8+$0x6F40]  }
0x13f: {  	v33 =	vld [tilespmem:s8+$0x6F70];
	[tilespmem:s8+$0x6EE0] =	vst v17;
	v17 =	vmul.f32 v58, v62  }
0x140: {  	[tilespmem:s8+$0x6E90] =	vst v54;
	v34 =	vmul.f32 v63, v62;
	v32 =	vld [tilespmem:s8+$0x6F60]  }
0x141: {  	v59 =	vld [tilespmem:s8+$0x6F10];
	[tilespmem:s8+$0x6F00] =	vst v17;
	v17 =	vmul.f32 v61, v62  }
0x142: {  	v37 =	vmul.f32 v30, v62;
	[tilespmem:s8+$0x6F30] =	vst v34;
	v35 =	vld [tilespmem:s8+$0x6F80]  }
0x143: {  	v40 =	vld [tilespmem:s8+$0x6FB0];
	[tilespmem:s8+$0x6F20] =	vst v17;
	v17 =	vmul.f32 v29, v62  }
0x144: {  	v38 =	vld [tilespmem:s8+$0x6FA0];
	v41 =	vmul.f32 v33, v62;
	[tilespmem:s8+$0x6F50] =	vst v37  }
0x145: {  	v43 =	vld [tilespmem:s8+$0x6FD0];
	v39 =	vperm.xlane v16, v11;
	[tilespmem:s8+$0x6F40] =	vst v17;
	v17 =	vmul.f32 v32, v62  }
0x146: {  	[tilespmem:s8+$0x6F70] =	vst v41;
	v31 =	vmul.f32 v59, v62;
	v42 =	vld [tilespmem:s8+$0x6FC0]  }
0x147: {  	v46 =	vld [tilespmem:s8+$0x6FF0];
	[tilespmem:s8+$0x6F60] =	vst v17;
	v17 =	vmul.f32 v35, v39  }
0x148: {  	[tilespmem:s8+$0x6F10] =	vst v31;
	v47 =	vmul.f32 v40, v39;
	v45 =	vld [tilespmem:s8+$0x6FE0]  }
0x149: {  	v36 =	vld [tilespmem:s8+$0x6F90];
	[tilespmem:s8+$0x6F80] =	vst v17;
	v17 =	vmul.f32 v38, v39  }
0x14a: {  	v50 =	vmul.f32 v43, v39;
	[tilespmem:s8+$0x6FB0] =	vst v47;
	v48 =	vld [tilespmem:s8+$0x7000]  }
0x14b: {  	v53 =	vld [tilespmem:s8+$0x7030];
	[tilespmem:s8+$0x6FA0] =	vst v17;
	v17 =	vmul.f32 v42, v39  }
0x14c: {  	v51 =	vld [tilespmem:s8+$0x7020];
	v54 =	vmul.f32 v46, v39;
	[tilespmem:s8+$0x6FD0] =	vst v50  }
0x14d: {  	v56 =	vld [tilespmem:s8+$0x7050];
	v52 =	vperm.xlane v16, v12;
	[tilespmem:s8+$0x6FC0] =	vst v17;
	v17 =	vmul.f32 v45, v39  }
0x14e: {  	[tilespmem:s8+$0x6FF0] =	vst v54;
	v44 =	vmul.f32 v36, v39;
	v55 =	vld [tilespmem:s8+$0x7040]  }
0x14f: {  	v59 =	vld [tilespmem:s8+$0x7070];
	[tilespmem:s8+$0x6FE0] =	vst v17;
	v17 =	vmul.f32 v48, v52  }
0x150: {  	[tilespmem:s8+$0x6F90] =	vst v44;
	v60 =	vmul.f32 v53, v52;
	v58 =	vld [tilespmem:s8+$0x7060]  }
0x151: {  	v49 =	vld [tilespmem:s8+$0x7010];
	[tilespmem:s8+$0x7000] =	vst v17;
	v17 =	vmul.f32 v51, v52  }
0x152: {  	v63 =	vmul.f32 v56, v52;
	[tilespmem:s8+$0x7030] =	vst v60;
	v61 =	vld [tilespmem:s8+$0x7080]  }
0x153: {  	v30 =	vld [tilespmem:s8+$0x70B0];
	[tilespmem:s8+$0x7020] =	vst v17;
	v17 =	vmul.f32 v55, v52  }
0x154: {  	v28 =	vld [tilespmem:s8+$0x70A0];
	v31 =	vmul.f32 v59, v52;
	[tilespmem:s8+$0x7050] =	vst v63  }
0x155: {  	v33 =	vld [tilespmem:s8+$0x70D0];
	v29 =	vperm.xlane v16, v13;
	[tilespmem:s8+$0x7040] =	vst v17;
	v17 =	vmul.f32 v58, v52  }
0x156: {  	[tilespmem:s8+$0x7070] =	vst v31;
	v57 =	vmul.f32 v49, v52;
	v32 =	vld [tilespmem:s8+$0x70C0]  }
0x157: {  	v36 =	vld [tilespmem:s8+$0x70F0];
	[tilespmem:s8+$0x7060] =	vst v17;
	v17 =	vmul.f32 v61, v29  }
0x158: {  	[tilespmem:s8+$0x7010] =	vst v57;
	v37 =	vmul.f32 v30, v29;
	v35 =	vld [tilespmem:s8+$0x70E0]  }
0x159: {  	v62 =	vld [tilespmem:s8+$0x7090];
	[tilespmem:s8+$0x7080] =	vst v17;
	v17 =	vmul.f32 v28, v29  }
0x15a: {  	v40 =	vmul.f32 v33, v29;
	[tilespmem:s8+$0x70B0] =	vst v37;
	v38 =	vld [tilespmem:s8+$0x7100]  }
0x15b: {  	v43 =	vld [tilespmem:s8+$0x7130];
	[tilespmem:s8+$0x70A0] =	vst v17;
	v17 =	vmul.f32 v32, v29  }
0x15c: {  	v41 =	vld [tilespmem:s8+$0x7120];
	v44 =	vmul.f32 v36, v29;
	[tilespmem:s8+$0x70D0] =	vst v40  }
0x15d: {  	v46 =	vld [tilespmem:s8+$0x7150];
	v42 =	vperm.xlane v16, v14;
	[tilespmem:s8+$0x70C0] =	vst v17;
	v17 =	vmul.f32 v35, v29  }
0x15e: {  	[tilespmem:s8+$0x70F0] =	vst v44;
	v34 =	vmul.f32 v62, v29;
	v45 =	vld [tilespmem:s8+$0x7140]  }
0x15f: {  	v49 =	vld [tilespmem:s8+$0x7170];
	[tilespmem:s8+$0x70E0] =	vst v17;
	v17 =	vmul.f32 v38, v42  }
0x160: {  	[tilespmem:s8+$0x7090] =	vst v34;
	v50 =	vmul.f32 v43, v42;
	v48 =	vld [tilespmem:s8+$0x7160]  }
0x161: {  	v39 =	vld [tilespmem:s8+$0x7110];
	[tilespmem:s8+$0x7100] =	vst v17;
	v17 =	vmul.f32 v41, v42  }
0x162: {  	v53 =	vmul.f32 v46, v42;
	[tilespmem:s8+$0x7130] =	vst v50;
	v51 =	vld [tilespmem:s8+$0x7180]  }
0x163: {  	v55 =	vld [tilespmem:s8+$0x71B0];
	[tilespmem:s8+$0x7120] =	vst v17;
	v17 =	vmul.f32 v45, v42  }
0x164: {  	v54 =	vld [tilespmem:s8+$0x71A0];
	v56 =	vmul.f32 v49, v42;
	[tilespmem:s8+$0x7150] =	vst v53  }
0x165: {  	v16 =	vperm.xlane v16, v15;
	v52 =	vld [tilespmem:s8+$0x7190];
	[tilespmem:s8+$0x7140] =	vst v17;
	v17 =	vmul.f32 v48, v42  }
0x166: {  	v57 =	vld [tilespmem:s8+$0x71C0];
	[tilespmem:s8+$0x7170] =	vst v56;
	v47 =	vmul.f32 v39, v42  }
0x167: {  	v58 =	vld [tilespmem:s8+$0x71D0];
	[tilespmem:s8+$0x7160] =	vst v17;
	v17 =	vmul.f32 v51, v16  }
0x168: {  	v60 =	vld [tilespmem:s8+$0x71E0];
	[tilespmem:s8+$0x7110] =	vst v47;
	v62 =	vmul.f32 v55, v16  }
0x169: {  	v61 =	vld [tilespmem:s8+$0x71F0];
	[tilespmem:s8+$0x7180] =	vst v17;
	v17 =	vmul.f32 v54, v16  }
0x16a: {  	v59 =	vmul.f32 v52, v16;
	[tilespmem:s8+$0x71B0] =	vst v62  }
0x16b: {  	p0 =	sne.s32 s6, $0x7;
	[tilespmem:s8+$0x71A0] =	vst v17;
	v17 =	vmul.f32 v57, v16  }
.Ltmp1:
0x16c: {  	v63 =	vmul.f32 v58, v16;
	[tilespmem:s8+$0x7190] =	vst v59;
	(pc) =	sbr.rel @p0 .LBB2_5-.Ltmp1, $4  }
0x16d: {  	[tilespmem:s8+$0x71C0] =	vst v17;
	v17 =	vmul.f32 v60, v16  }
0x16e: {  	[tilespmem:s8+$0x71D0] =	vst v63;
	v16 =	vmul.f32 v61, v16  }
0x16f: {  	[tilespmem:s8+$0x71E0] =	vst v17  }
0x170: {  	s6 =	sadd.s32 $0x1, s6;
	[tilespmem:s8+$0x71F0] =	vst v16  }
0x171: {  	s18 =	sadd.s32 $0x1, s18  }
0x172: {  	p0 =	sne.s32 s18, $0x28  }
.Ltmp2:
0x173: {  	_ = 	snop;
	(pc) =	sbr.rel @p0 .LBB2_2-.Ltmp2, $4  }
0x174: {  	[spmem:s1] =	stream.indirect.scatter.add.f32 [tilespmem:s21], [sflag:$0x7], $0x80, s23, s30, $0xb8;
	[tilespmem:$0x1EA00] =	vst v63  }
0x175: {  	_ =	swait.ge [sflag:s13], $0x4000  }
0x176: {  	[sflag:s13] =	ssyncset.done $0x0  }
0x177: {  	[sflag:s13] =	ssyncadd.s32 $0xFFFFC000  }
0x178: {  	s16 =	sadd.s32 $0x1, s16  }
0x179: {  	p0 =	sne.s32 s16, s12  }
.Ltmp3:
0x17a: {  	[bflag:$0x0] =	sbarrier.arrive $0xFFFF;
	(pc) =	sbr.rel @p0 .LBB2_1-.Ltmp3, $4  }
0x17b: {  	[hbm:s24], [sflag:s19] =	dma.local [spmem:s20], $0x2800  }
0x17c: {  	_ =	swait.ge [sflag:s13], $0x2800  }
0x17d: {  	[sflag:s13] =	ssyncset.done $0x0  }
0x17e: {  	[sflag:s13] =	ssyncadd.s32 $0xFFFFD800  }
0x17f: {  	_ =	sfence.sel $0x180000  }
0x180: {  	[bflag:$0x0] =	sbarrier.arrive $0xFFFF  }
0x181: {  	_ =	strace $0x90000047  }
0x182: {  	s0 =	stileid.u32;
	[bflag:$0x2] =	sbarrier.arrive $0xFFFF  }
0x183: {  	p0 =	sne.s32 s0, $0x0;
	s0 =	rddreg [dreg:$0x3]  }
0x184: {  	s0 =	sadd.s32 @!p0 $0x100000, s0  }
0x185: {  	[sflag:s0] =	ssyncadd.tile.s32 @!p0 $0x1;
	_ =	shalt  }
.Lfunc_end2:
_tile_overlayer_lowered:
.L_overlay_start_2:
0x186: {  	(tag) =	ssettag $0x2  }
0x187: {  	s0 =	rddreg [dreg:$0x0];
	s2 =	stileid.u32  }
0x188: {  	s1 =	rddreg [dreg:$0x1];
	p0 =	sne.s32 s2, $0x0  }
0x189: {  	s3 =	rddreg [dreg:$0x2];
	[bflag:$0x3] =	sbarrier.arrive $0xFFFF;
	s2 =	simm.s32 @!p0 $0x1C07  }
0x18a: {  	[timem:s3], [sflag:s2] =	dma.local @!p0 [hbm:s0], s1  }
0x18b: {  	s0 =	simm.s32 @!p0 $0x7  }
0x18c: {  	_ =	swait.ge @!p0 [sflag:s0], s1  }
0x18d: {  	s1 =	ssub.s32 @!p0 $0x0, s1;
	[sflag:s0] =	ssyncset.done @!p0 $0x0  }
0x18e: {  	[sflag:s0] =	ssyncadd.s32 @!p0 s1  }
0x18f: {  	[bflag:$0x3] =	sbarrier.arrive $0xFFFF  }
0x190: {  	_ =	shalt  }

</sc_bundles>
